<compile_context>
chip_gen: v7x
topology: tpu7x:2x2x1
jax: 0.10.2.dev20260603
libtpu: 0.0.44.dev20260713+nightly
codegen_flags: <defaults>
</compile_context>

<pallas_src>
import functools

import jax
import jax.numpy as jnp
from jax import lax
from jax.experimental import pallas as pl
from jax.experimental.pallas import tpu as pltpu
from jax.experimental.pallas import tpu_sc as plsc

_B = 4096
_D = 32
_V = 1000000

_info = plsc.get_sparse_core_info()
_NC, _NS = _info.num_cores, _info.num_subcores
_NW = _NC * _NS
_G = 16
_HALF = _B // 2


def _make_gather(counts):
    n_str = len(counts)
    per = [c // _NW for c in counts]
    mesh = plsc.VectorSubcoreMesh(core_axis_name="c", subcore_axis_name="s")

    @functools.partial(
        pl.kernel,
        mesh=mesh,
        compiler_params=pltpu.CompilerParams(
            use_tc_tiling_on_sc=True, needs_layout_passes=False),
        out_type=tuple(
            jax.ShapeDtypeStruct((c, _D), jnp.float32) for c in counts),
        scratch_types=(
            [pltpu.VMEM((p,), jnp.int32) for p in per]
            + [pltpu.VMEM((p, _D), jnp.float32) for p in per]
            + [
                pltpu.VMEM((_G, _D, 128), jnp.float32),
                pltpu.SemaphoreType.DMA,
                pltpu.SemaphoreType.DMA,
            ]
        ),
    )
    def gather_k(*refs):
        idx_hbm = refs[:n_str]
        tab_hbm = refs[n_str:2 * n_str]
        outs = refs[2 * n_str:3 * n_str]
        idx_v = refs[3 * n_str:4 * n_str]
        col_v = refs[4 * n_str:5 * n_str]
        slab, sem_a, sem_b = refs[5 * n_str:]

        wid = lax.axis_index("s") * _NC + lax.axis_index("c")
        row_lo = lax.iota(jnp.int32, 16)
        row_hi = row_lo + 16

        def phase(idx_ref, src_ref, dst_ref, bpw):
            n_groups = bpw // _G

            def issue(vb, slot, sem):
                l128 = pl.multiple_of((vb >> 7) * 128, 128)
                pltpu.async_copy(
                    src_ref.at[:, pl.ds(l128, 128)], slab.at[slot], sem)

            def extract(vb, j, slot):
                col = jnp.full((16,), vb & 127, jnp.int32)
                jv = jnp.full((16,), j, jnp.int32)
                lo = plsc.load_gather(slab.at[slot], [row_lo, col])
                hi = plsc.load_gather(slab.at[slot], [row_hi, col])
                plsc.store_scatter(dst_ref, [jv, row_lo], lo)
                plsc.store_scatter(dst_ref, [jv, row_hi], hi)

            vv0 = idx_ref[pl.ds(0, _G)]
            for b in range(8):
                issue(vv0[b], b, sem_a)
            for b in range(8, 16):
                issue(vv0[b], b, sem_b)

            def group(g, vcur):
                nxt = jnp.minimum((g + 1) * _G, bpw - _G)
                vnxt = idx_ref[pl.ds(nxt, _G)]
                not_last = g < n_groups - 1
                for half, sem in ((0, sem_a), (1, sem_b)):
                    for b in range(half * 8, half * 8 + 8):
                        pltpu.make_async_copy(
                            src_ref.at[:, pl.ds(0, 128)], slab.at[b], sem).wait()
                    for b in range(half * 8, half * 8 + 8):
                        extract(vcur[b], g * _G + b, b)

                    @pl.when(not_last)
                    def _():
                        for b in range(half * 8, half * 8 + 8):
                            issue(vnxt[b], b, sem)
                return vnxt

            lax.fori_loop(0, n_groups, group, vv0)

        for s in range(n_str):
            base = pl.multiple_of(wid * per[s], _G)
            pltpu.sync_copy(idx_hbm[s].at[pl.ds(base, per[s])], idx_v[s])
            phase(idx_v[s], tab_hbm[s], col_v[s], per[s])
            pltpu.sync_copy(col_v[s], outs[s].at[pl.ds(base, per[s]), :])

    return gather_k


_gather_bc = _make_gather((_B, _HALF))
_gather_ah = _make_gather((_HALF,))

_BM = 512
_HSTEPS = _HALF // _BM


def _mm(a_ref, b_ref, o_ref):
    o_ref[...] = lax.dot_general(
        a_ref[...], b_ref[...],
        (((1,), (1,)), ((), ())),
        preferred_element_type=jnp.float32,
    )


def _mm_prev(prev_ref, a_ref, b_ref, o_ref):
    del prev_ref
    _mm(a_ref, b_ref, o_ref)


@functools.cache
def _make_mm(block0, nblocks, first):
    ab_specs = [
        pl.BlockSpec((_BM, _D), lambda i: (i, 0)),
        pl.BlockSpec((_B, _D), lambda i: (0, 0)),
    ]
    out_spec = pl.BlockSpec((_BM, _B), lambda i: (block0 + i, 0))
    out_shape = jax.ShapeDtypeStruct((_B, _B), jnp.float32)
    if first:
        return pl.pallas_call(
            _mm,
            grid=(nblocks,),
            in_specs=ab_specs,
            out_specs=out_spec,
            out_shape=out_shape,
        )
    return pl.pallas_call(
        _mm_prev,
        grid=(nblocks,),
        in_specs=[pl.BlockSpec(memory_space=pl.ANY)] + ab_specs,
        out_specs=out_spec,
        out_shape=out_shape,
        input_output_aliases={0: 0},
    )


def kernel(target, context, in_embed, out_embed):
    tgt = target.astype(jnp.int32)
    ctx = context.astype(jnp.int32)
    inT = in_embed.T
    outT = out_embed.T
    b_g, a1_g = _gather_bc(ctx, tgt[:_HALF], outT, inT)
    (a2_g,) = _gather_ah(tgt[_HALF:], inT)
    scores = _make_mm(0, _HSTEPS, True)(a1_g, b_g)
    scores = _make_mm(_HSTEPS, _HSTEPS, False)(scores, a2_g, b_g)
    return scores

# --- scband reference (transcript-rebuilt; emitter-appended) ---
"""Pipeline reference for scband-skip-gram-model-91018946937662 (READ-ONLY COPY).

The authoritative reference and input builder live on the scoring server;
editing this copy changes nothing except your own understanding.
"""

import jax, jax.numpy as jnp
import numpy as np

VOCAB = 1000000
EMBED_DIM = 32
BATCH = 4096

def setup_inputs(seed: int = 0) -> dict:
    key = jax.random.key(seed)
    k1, k2, k3, k4 = jax.random.split(key, 4)
    target = jax.random.randint(k1, (BATCH,), 0, VOCAB, dtype=jnp.int64 if jax.config.jax_enable_x64 else jnp.int32)
    context = jax.random.randint(k2, (BATCH,), 0, VOCAB, dtype=jnp.int64 if jax.config.jax_enable_x64 else jnp.int32)
    in_embed = jax.random.normal(k3, (VOCAB, EMBED_DIM), dtype=jnp.float32)
    out_embed = jax.random.normal(k4, (VOCAB, EMBED_DIM), dtype=jnp.float32)
    return {"target": target, "context": context, "in_embed": in_embed, "out_embed": out_embed}

def reference(target, context, in_embed, out_embed):
    # in_embeds = self.in_embed(target)
    in_embeds = jnp.take(in_embed, target, axis=0)      # [B, D]
    # out_embeds = self.out_embed(context)
    out_embeds = jnp.take(out_embed, context, axis=0)    # [C, D]
    # scores = torch.matmul(in_embeds, out_embeds.t())
    scores = jnp.matmul(in_embeds, out_embeds.T)          # [B, C]
    return scores

if __name__ == "__main__":
    import jax
    _d = setup_inputs()
    print(jax.jit(kernel)(*tuple(_d.values())))

</pallas_src>

<mosaic_0001>
#map = affine_map<(d0, d1) -> (0)>
#map1 = affine_map<(d0, d1) -> (0, 0)>
module attributes {stable_mosaic.version = 14 : i64} {
  func.func @gather_k(%arg0: i32, %arg1: i32, %arg2: memref<4096xi32, #tpu.memory_space<hbm>>, %arg3: memref<2048xi32, #tpu.memory_space<hbm>>, %arg4: memref<32x1000000xf32, #tpu.memory_space<hbm>>, %arg5: memref<32x1000000xf32, #tpu.memory_space<hbm>>, %arg6: memref<4096x32xf32, #tpu.memory_space<hbm>>, %arg7: memref<2048x32xf32, #tpu.memory_space<hbm>>, %arg8: memref<128xi32, #tpu.memory_space<vmem>>, %arg9: memref<64xi32, #tpu.memory_space<vmem>>, %arg10: memref<128x32xf32, #tpu.memory_space<vmem>>, %arg11: memref<64x32xf32, #tpu.memory_space<vmem>>, %arg12: memref<16x32x128xf32, #tpu.memory_space<vmem>>, %arg13: memref<!tpu.dma_semaphore, #tpu.memory_space<semaphore_mem>>, %arg14: memref<!tpu.dma_semaphore, #tpu.memory_space<semaphore_mem>>) attributes {dimension_semantics = [#tpu.dimension_semantics<core_parallel>, #tpu.dimension_semantics<subcore_parallel>], iteration_bounds = array<i64: 2, 16>, scalar_prefetch = 0 : i64, scratch_operands = 7 : i64, tpu.core_type = #tpu.core_type<sc_vector_subcore>, window_params = [{transform_indices = #map}, {transform_indices = #map}, {transform_indices = #map1}, {transform_indices = #map1}, {transform_indices = #map1}, {transform_indices = #map1}]} {
    %mul3A = arith.constant 2 : i32
    %mul3A_0 = arith.muli %arg1, %mul3A : i32
    %add3A = arith.addi %mul3A_0, %arg0 : i32
    %iota3A = tpu.iota {dimensions = array<i32: 0>} : vector<16xi32>
    %add3A_1 = arith.constant 16 : i32
    %add3A_2 = vector.broadcast %add3A_1 : i32 to vector<16xi32>
    %add3A_3 = arith.addi %iota3A, %add3A_2 : vector<16xi32>
    %mul3A_4 = arith.constant 128 : i32
    %mul3A_5 = arith.muli %add3A, %mul3A_4 : i32
    %multiple_of3A = tpu.assume_multiple %mul3A_5, 16 : i32
    "tpu.region"() ({
      %run_scoped3A = tpu.sem_alloc : memref<!tpu.dma_semaphore, #tpu.memory_space<semaphore_mem>>
      %dma_start3A_659 = tpu.memref_slice %arg2[%multiple_of3A] : memref<4096xi32, #tpu.memory_space<hbm>> -> memref<128xi32, #tpu.memory_space<hbm>>
      %dma_start3A_660 = tpu.memref_slice %arg2[%multiple_of3A] : memref<4096xi32, #tpu.memory_space<hbm>> -> memref<128xi32, #tpu.memory_space<hbm>>
      tpu.enqueue_dma source(%dma_start3A_660 : memref<128xi32, #tpu.memory_space<hbm>>) target(%arg8 : memref<128xi32, #tpu.memory_space<vmem>>) target_semaphore(%run_scoped3A : memref<!tpu.dma_semaphore, #tpu.memory_space<semaphore_mem>>)
      %dma_wait3A = tpu.memref_slice %arg2[%multiple_of3A] : memref<4096xi32, #tpu.memory_space<hbm>> -> memref<128xi32, #tpu.memory_space<hbm>>
      %dma_wait3A_661 = tpu.memref_slice %arg2[%multiple_of3A] : memref<4096xi32, #tpu.memory_space<hbm>> -> memref<128xi32, #tpu.memory_space<hbm>>
      tpu.wait_dma2 semaphore(%run_scoped3A : memref<!tpu.dma_semaphore, #tpu.memory_space<semaphore_mem>>) src(%dma_wait3A_661 : memref<128xi32, #tpu.memory_space<hbm>>) dst(%arg8 : memref<128xi32, #tpu.memory_space<vmem>>)
      tpu.yield
    }) : () -> ()
    %get3A = arith.constant 0 : index
    %get3A_6 = tpu.vector_load %arg8[%get3A] {strides = array<i32>} : memref<128xi32, #tpu.memory_space<vmem>>, vector<16xi32>,
    %slice3A = vector.extract_strided_slice %get3A_6 {offsets = [0], sizes = [1], strides = [1]} : vector<16xi32> to vector<1xi32>
    %squeeze3A = vector.extract %slice3A[0] : i32 from vector<1xi32>
    %shift_right_arithmetic3A = arith.constant 7 : i32
    %shift_right_arithmetic3A_7 = arith.shrsi %squeeze3A, %shift_right_arithmetic3A : i32
    %mul3A_8 = arith.constant 128 : i32
    %mul3A_9 = arith.muli %shift_right_arithmetic3A_7, %mul3A_8 : i32
    %multiple_of3A_10 = tpu.assume_multiple %mul3A_9, 128 : i32
    %dma_start3A = arith.constant 0 : i32
    %dma_start3A_11 = arith.constant 0 : i32
    %dma_start3A_12 = arith.constant 0 : i32
    %dma_start3A_13 = tpu.memref_slice %arg12[%dma_start3A, %dma_start3A_11, %dma_start3A_12] : memref<16x32x128xf32, #tpu.memory_space<vmem>> -> memref<1x32x128xf32, #tpu.memory_space<vmem>>
    %dma_start3A_14 = tpu.memref_squeeze %dma_start3A_13 : memref<1x32x128xf32, #tpu.memory_space<vmem>> -> memref<32x128xf32, #tpu.memory_space<vmem>>
    %dma_start3A_15 = arith.constant 0 : i32
    %dma_start3A_16 = tpu.memref_slice %arg4[%dma_start3A_15, %multiple_of3A_10] : memref<32x1000000xf32, #tpu.memory_space<hbm>> -> memref<32x128xf32, #tpu.memory_space<hbm>>
    %dma_start3A_17 = arith.constant 0 : i32
    %dma_start3A_18 = arith.constant 0 : i32
    %dma_start3A_19 = tpu.memref_slice %arg12[%dma_start3A, %dma_start3A_17, %dma_start3A_18] : memref<16x32x128xf32, #tpu.memory_space<vmem>> -> memref<1x32x128xf32, #tpu.memory_space<vmem>>
    %dma_start3A_20 = tpu.memref_squeeze %dma_start3A_19 : memref<1x32x128xf32, #tpu.memory_space<vmem>> -> memref<32x128xf32, #tpu.memory_space<vmem>>
    %dma_start3A_21 = arith.constant 0 : i32
    %dma_start3A_22 = tpu.memref_slice %arg4[%dma_start3A_21, %multiple_of3A_10] : memref<32x1000000xf32, #tpu.memory_space<hbm>> -> memref<32x128xf32, #tpu.memory_space<hbm>>
    tpu.enqueue_dma source(%dma_start3A_22 : memref<32x128xf32, #tpu.memory_space<hbm>>) target(%dma_start3A_20 : memref<32x128xf32, #tpu.memory_space<vmem>>) target_semaphore(%arg13 : memref<!tpu.dma_semaphore, #tpu.memory_space<semaphore_mem>>)
    %slice3A_23 = vector.extract_strided_slice %get3A_6 {offsets = [1], sizes = [1], strides = [1]} : vector<16xi32> to vector<1xi32>
    %squeeze3A_24 = vector.extract %slice3A_23[0] : i32 from vector<1xi32>
    %shift_right_arithmetic3A_25 = arith.constant 7 : i32
    %shift_right_arithmetic3A_26 = arith.shrsi %squeeze3A_24, %shift_right_arithmetic3A_25 : i32
    %mul3A_27 = arith.constant 128 : i32
    %mul3A_28 = arith.muli %shift_right_arithmetic3A_26, %mul3A_27 : i32
    %multiple_of3A_29 = tpu.assume_multiple %mul3A_28, 128 : i32
    %dma_start3A_30 = arith.constant 1 : i32
    %dma_start3A_31 = arith.constant 0 : i32
    %dma_start3A_32 = arith.constant 0 : i32
    %dma_start3A_33 = tpu.memref_slice %arg12[%dma_start3A_30, %dma_start3A_31, %dma_start3A_32] : memref<16x32x128xf32, #tpu.memory_space<vmem>> -> memref<1x32x128xf32, #tpu.memory_space<vmem>>
    %dma_start3A_34 = tpu.memref_squeeze %dma_start3A_33 : memref<1x32x128xf32, #tpu.memory_space<vmem>> -> memref<32x128xf32, #tpu.memory_space<vmem>>
    %dma_start3A_35 = arith.constant 0 : i32
    %dma_start3A_36 = tpu.memref_slice %arg4[%dma_start3A_35, %multiple_of3A_29] : memref<32x1000000xf32, #tpu.memory_space<hbm>> -> memref<32x128xf32, #tpu.memory_space<hbm>>
    %dma_start3A_37 = arith.constant 0 : i32
    %dma_start3A_38 = arith.constant 0 : i32
    %dma_start3A_39 = tpu.memref_slice %arg12[%dma_start3A_30, %dma_start3A_37, %dma_start3A_38] : memref<16x32x128xf32, #tpu.memory_space<vmem>> -> memref<1x32x128xf32, #tpu.memory_space<vmem>>
    %dma_start3A_40 = tpu.memref_squeeze %dma_start3A_39 : memref<1x32x128xf32, #tpu.memory_space<vmem>> -> memref<32x128xf32, #tpu.memory_space<vmem>>
    %dma_start3A_41 = arith.constant 0 : i32
    %dma_start3A_42 = tpu.memref_slice %arg4[%dma_start3A_41, %multiple_of3A_29] : memref<32x1000000xf32, #tpu.memory_space<hbm>> -> memref<32x128xf32, #tpu.memory_space<hbm>>
    tpu.enqueue_dma source(%dma_start3A_42 : memref<32x128xf32, #tpu.memory_space<hbm>>) target(%dma_start3A_40 : memref<32x128xf32, #tpu.memory_space<vmem>>) target_semaphore(%arg13 : memref<!tpu.dma_semaphore, #tpu.memory_space<semaphore_mem>>)
    %slice3A_43 = vector.extract_strided_slice %get3A_6 {offsets = [2], sizes = [1], strides = [1]} : vector<16xi32> to vector<1xi32>
    %squeeze3A_44 = vector.extract %slice3A_43[0] : i32 from vector<1xi32>
    %shift_right_arithmetic3A_45 = arith.constant 7 : i32
    %shift_right_arithmetic3A_46 = arith.shrsi %squeeze3A_44, %shift_right_arithmetic3A_45 : i32
    %mul3A_47 = arith.constant 128 : i32
    %mul3A_48 = arith.muli %shift_right_arithmetic3A_46, %mul3A_47 : i32
    %multiple_of3A_49 = tpu.assume_multiple %mul3A_48, 128 : i32
    %dma_start3A_50 = arith.constant 2 : i32
    %dma_start3A_51 = arith.constant 0 : i32
    %dma_start3A_52 = arith.constant 0 : i32
    %dma_start3A_53 = tpu.memref_slice %arg12[%dma_start3A_50, %dma_start3A_51, %dma_start3A_52] : memref<16x32x128xf32, #tpu.memory_space<vmem>> -> memref<1x32x128xf32, #tpu.memory_space<vmem>>
    %dma_start3A_54 = tpu.memref_squeeze %dma_start3A_53 : memref<1x32x128xf32, #tpu.memory_space<vmem>> -> memref<32x128xf32, #tpu.memory_space<vmem>>
    %dma_start3A_55 = arith.constant 0 : i32
    %dma_start3A_56 = tpu.memref_slice %arg4[%dma_start3A_55, %multiple_of3A_49] : memref<32x1000000xf32, #tpu.memory_space<hbm>> -> memref<32x128xf32, #tpu.memory_space<hbm>>
    %dma_start3A_57 = arith.constant 0 : i32
    %dma_start3A_58 = arith.constant 0 : i32
    %dma_start3A_59 = tpu.memref_slice %arg12[%dma_start3A_50, %dma_start3A_57, %dma_start3A_58] : memref<16x32x128xf32, #tpu.memory_space<vmem>> -> memref<1x32x128xf32, #tpu.memory_space<vmem>>
    %dma_start3A_60 = tpu.memref_squeeze %dma_start3A_59 : memref<1x32x128xf32, #tpu.memory_space<vmem>> -> memref<32x128xf32, #tpu.memory_space<vmem>>
    %dma_start3A_61 = arith.constant 0 : i32
    %dma_start3A_62 = tpu.memref_slice %arg4[%dma_start3A_61, %multiple_of3A_49] : memref<32x1000000xf32, #tpu.memory_space<hbm>> -> memref<32x128xf32, #tpu.memory_space<hbm>>
    tpu.enqueue_dma source(%dma_start3A_62 : memref<32x128xf32, #tpu.memory_space<hbm>>) target(%dma_start3A_60 : memref<32x128xf32, #tpu.memory_space<vmem>>) target_semaphore(%arg13 : memref<!tpu.dma_semaphore, #tpu.memory_space<semaphore_mem>>)
    %slice3A_63 = vector.extract_strided_slice %get3A_6 {offsets = [3], sizes = [1], strides = [1]} : vector<16xi32> to vector<1xi32>
    %squeeze3A_64 = vector.extract %slice3A_63[0] : i32 from vector<1xi32>
    %shift_right_arithmetic3A_65 = arith.constant 7 : i32
    %shift_right_arithmetic3A_66 = arith.shrsi %squeeze3A_64, %shift_right_arithmetic3A_65 : i32
    %mul3A_67 = arith.constant 128 : i32
    %mul3A_68 = arith.muli %shift_right_arithmetic3A_66, %mul3A_67 : i32
    %multiple_of3A_69 = tpu.assume_multiple %mul3A_68, 128 : i32
    %dma_start3A_70 = arith.constant 3 : i32
    %dma_start3A_71 = arith.constant 0 : i32
    %dma_start3A_72 = arith.constant 0 : i32
    %dma_start3A_73 = tpu.memref_slice %arg12[%dma_start3A_70, %dma_start3A_71, %dma_start3A_72] : memref<16x32x128xf32, #tpu.memory_space<vmem>> -> memref<1x32x128xf32, #tpu.memory_space<vmem>>
    %dma_start3A_74 = tpu.memref_squeeze %dma_start3A_73 : memref<1x32x128xf32, #tpu.memory_space<vmem>> -> memref<32x128xf32, #tpu.memory_space<vmem>>
    %dma_start3A_75 = arith.constant 0 : i32
    %dma_start3A_76 = tpu.memref_slice %arg4[%dma_start3A_75, %multiple_of3A_69] : memref<32x1000000xf32, #tpu.memory_space<hbm>> -> memref<32x128xf32, #tpu.memory_space<hbm>>
    %dma_start3A_77 = arith.constant 0 : i32
    %dma_start3A_78 = arith.constant 0 : i32
    %dma_start3A_79 = tpu.memref_slice %arg12[%dma_start3A_70, %dma_start3A_77, %dma_start3A_78] : memref<16x32x128xf32, #tpu.memory_space<vmem>> -> memref<1x32x128xf32, #tpu.memory_space<vmem>>
    %dma_start3A_80 = tpu.memref_squeeze %dma_start3A_79 : memref<1x32x128xf32, #tpu.memory_space<vmem>> -> memref<32x128xf32, #tpu.memory_space<vmem>>
    %dma_start3A_81 = arith.constant 0 : i32
    %dma_start3A_82 = tpu.memref_slice %arg4[%dma_start3A_81, %multiple_of3A_69] : memref<32x1000000xf32, #tpu.memory_space<hbm>> -> memref<32x128xf32, #tpu.memory_space<hbm>>
    tpu.enqueue_dma source(%dma_start3A_82 : memref<32x128xf32, #tpu.memory_space<hbm>>) target(%dma_start3A_80 : memref<32x128xf32, #tpu.memory_space<vmem>>) target_semaphore(%arg13 : memref<!tpu.dma_semaphore, #tpu.memory_space<semaphore_mem>>)
    %slice3A_83 = vector.extract_strided_slice %get3A_6 {offsets = [4], sizes = [1], strides = [1]} : vector<16xi32> to vector<1xi32>
    %squeeze3A_84 = vector.extract %slice3A_83[0] : i32 from vector<1xi32>
    %shift_right_arithmetic3A_85 = arith.constant 7 : i32
    %shift_right_arithmetic3A_86 = arith.shrsi %squeeze3A_84, %shift_right_arithmetic3A_85 : i32
    %mul3A_87 = arith.constant 128 : i32
    %mul3A_88 = arith.muli %shift_right_arithmetic3A_86, %mul3A_87 : i32
    %multiple_of3A_89 = tpu.assume_multiple %mul3A_88, 128 : i32
    %dma_start3A_90 = arith.constant 4 : i32
    %dma_start3A_91 = arith.constant 0 : i32
    %dma_start3A_92 = arith.constant 0 : i32
    %dma_start3A_93 = tpu.memref_slice %arg12[%dma_start3A_90, %dma_start3A_91, %dma_start3A_92] : memref<16x32x128xf32, #tpu.memory_space<vmem>> -> memref<1x32x128xf32, #tpu.memory_space<vmem>>
    %dma_start3A_94 = tpu.memref_squeeze %dma_start3A_93 : memref<1x32x128xf32, #tpu.memory_space<vmem>> -> memref<32x128xf32, #tpu.memory_space<vmem>>
    %dma_start3A_95 = arith.constant 0 : i32
    %dma_start3A_96 = tpu.memref_slice %arg4[%dma_start3A_95, %multiple_of3A_89] : memref<32x1000000xf32, #tpu.memory_space<hbm>> -> memref<32x128xf32, #tpu.memory_space<hbm>>
    %dma_start3A_97 = arith.constant 0 : i32
    %dma_start3A_98 = arith.constant 0 : i32
    %dma_start3A_99 = tpu.memref_slice %arg12[%dma_start3A_90, %dma_start3A_97, %dma_start3A_98] : memref<16x32x128xf32, #tpu.memory_space<vmem>> -> memref<1x32x128xf32, #tpu.memory_space<vmem>>
    %dma_start3A_100 = tpu.memref_squeeze %dma_start3A_99 : memref<1x32x128xf32, #tpu.memory_space<vmem>> -> memref<32x128xf32, #tpu.memory_space<vmem>>
    %dma_start3A_101 = arith.constant 0 : i32
    %dma_start3A_102 = tpu.memref_slice %arg4[%dma_start3A_101, %multiple_of3A_89] : memref<32x1000000xf32, #tpu.memory_space<hbm>> -> memref<32x128xf32, #tpu.memory_space<hbm>>
    tpu.enqueue_dma source(%dma_start3A_102 : memref<32x128xf32, #tpu.memory_space<hbm>>) target(%dma_start3A_100 : memref<32x128xf32, #tpu.memory_space<vmem>>) target_semaphore(%arg13 : memref<!tpu.dma_semaphore, #tpu.memory_space<semaphore_mem>>)
    %slice3A_103 = vector.extract_strided_slice %get3A_6 {offsets = [5], sizes = [1], strides = [1]} : vector<16xi32> to vector<1xi32>
    %squeeze3A_104 = vector.extract %slice3A_103[0] : i32 from vector<1xi32>
    %shift_right_arithmetic3A_105 = arith.constant 7 : i32
    %shift_right_arithmetic3A_106 = arith.shrsi %squeeze3A_104, %shift_right_arithmetic3A_105 : i32
    %mul3A_107 = arith.constant 128 : i32
    %mul3A_108 = arith.muli %shift_right_arithmetic3A_106, %mul3A_107 : i32
    %multiple_of3A_109 = tpu.assume_multiple %mul3A_108, 128 : i32
    %dma_start3A_110 = arith.constant 5 : i32
    %dma_start3A_111 = arith.constant 0 : i32
    %dma_start3A_112 = arith.constant 0 : i32
    %dma_start3A_113 = tpu.memref_slice %arg12[%dma_start3A_110, %dma_start3A_111, %dma_start3A_112] : memref<16x32x128xf32, #tpu.memory_space<vmem>> -> memref<1x32x128xf32, #tpu.memory_space<vmem>>
    %dma_start3A_114 = tpu.memref_squeeze %dma_start3A_113 : memref<1x32x128xf32, #tpu.memory_space<vmem>> -> memref<32x128xf32, #tpu.memory_space<vmem>>
    %dma_start3A_115 = arith.constant 0 : i32
    %dma_start3A_116 = tpu.memref_slice %arg4[%dma_start3A_115, %multiple_of3A_109] : memref<32x1000000xf32, #tpu.memory_space<hbm>> -> memref<32x128xf32, #tpu.memory_space<hbm>>
    %dma_start3A_117 = arith.constant 0 : i32
    %dma_start3A_118 = arith.constant 0 : i32
    %dma_start3A_119 = tpu.memref_slice %arg12[%dma_start3A_110, %dma_start3A_117, %dma_start3A_118] : memref<16x32x128xf32, #tpu.memory_space<vmem>> -> memref<1x32x128xf32, #tpu.memory_space<vmem>>
    %dma_start3A_120 = tpu.memref_squeeze %dma_start3A_119 : memref<1x32x128xf32, #tpu.memory_space<vmem>> -> memref<32x128xf32, #tpu.memory_space<vmem>>
    %dma_start3A_121 = arith.constant 0 : i32
    %dma_start3A_122 = tpu.memref_slice %arg4[%dma_start3A_121, %multiple_of3A_109] : memref<32x1000000xf32, #tpu.memory_space<hbm>> -> memref<32x128xf32, #tpu.memory_space<hbm>>
    tpu.enqueue_dma source(%dma_start3A_122 : memref<32x128xf32, #tpu.memory_space<hbm>>) target(%dma_start3A_120 : memref<32x128xf32, #tpu.memory_space<vmem>>) target_semaphore(%arg13 : memref<!tpu.dma_semaphore, #tpu.memory_space<semaphore_mem>>)
    %slice3A_123 = vector.extract_strided_slice %get3A_6 {offsets = [6], sizes = [1], strides = [1]} : vector<16xi32> to vector<1xi32>
    %squeeze3A_124 = vector.extract %slice3A_123[0] : i32 from vector<1xi32>
    %shift_right_arithmetic3A_125 = arith.constant 7 : i32
    %shift_right_arithmetic3A_126 = arith.shrsi %squeeze3A_124, %shift_right_arithmetic3A_125 : i32
    %mul3A_127 = arith.constant 128 : i32
    %mul3A_128 = arith.muli %shift_right_arithmetic3A_126, %mul3A_127 : i32
    %multiple_of3A_129 = tpu.assume_multiple %mul3A_128, 128 : i32
    %dma_start3A_130 = arith.constant 6 : i32
    %dma_start3A_131 = arith.constant 0 : i32
    %dma_start3A_132 = arith.constant 0 : i32
    %dma_start3A_133 = tpu.memref_slice %arg12[%dma_start3A_130, %dma_start3A_131, %dma_start3A_132] : memref<16x32x128xf32, #tpu.memory_space<vmem>> -> memref<1x32x128xf32, #tpu.memory_space<vmem>>
    %dma_start3A_134 = tpu.memref_squeeze %dma_start3A_133 : memref<1x32x128xf32, #tpu.memory_space<vmem>> -> memref<32x128xf32, #tpu.memory_space<vmem>>
    %dma_start3A_135 = arith.constant 0 : i32
    %dma_start3A_136 = tpu.memref_slice %arg4[%dma_start3A_135, %multiple_of3A_129] : memref<32x1000000xf32, #tpu.memory_space<hbm>> -> memref<32x128xf32, #tpu.memory_space<hbm>>
    %dma_start3A_137 = arith.constant 0 : i32
    %dma_start3A_138 = arith.constant 0 : i32
    %dma_start3A_139 = tpu.memref_slice %arg12[%dma_start3A_130, %dma_start3A_137, %dma_start3A_138] : memref<16x32x128xf32, #tpu.memory_space<vmem>> -> memref<1x32x128xf32, #tpu.memory_space<vmem>>
    %dma_start3A_140 = tpu.memref_squeeze %dma_start3A_139 : memref<1x32x128xf32, #tpu.memory_space<vmem>> -> memref<32x128xf32, #tpu.memory_space<vmem>>
    %dma_start3A_141 = arith.constant 0 : i32
    %dma_start3A_142 = tpu.memref_slice %arg4[%dma_start3A_141, %multiple_of3A_129] : memref<32x1000000xf32, #tpu.memory_space<hbm>> -> memref<32x128xf32, #tpu.memory_space<hbm>>
    tpu.enqueue_dma source(%dma_start3A_142 : memref<32x128xf32, #tpu.memory_space<hbm>>) target(%dma_start3A_140 : memref<32x128xf32, #tpu.memory_space<vmem>>) target_semaphore(%arg13 : memref<!tpu.dma_semaphore, #tpu.memory_space<semaphore_mem>>)
    %slice3A_143 = vector.extract_strided_slice %get3A_6 {offsets = [7], sizes = [1], strides = [1]} : vector<16xi32> to vector<1xi32>
    %squeeze3A_144 = vector.extract %slice3A_143[0] : i32 from vector<1xi32>
    %shift_right_arithmetic3A_145 = arith.constant 7 : i32
    %shift_right_arithmetic3A_146 = arith.shrsi %squeeze3A_144, %shift_right_arithmetic3A_145 : i32
    %mul3A_147 = arith.constant 128 : i32
    %mul3A_148 = arith.muli %shift_right_arithmetic3A_146, %mul3A_147 : i32
    %multiple_of3A_149 = tpu.assume_multiple %mul3A_148, 128 : i32
    %dma_start3A_150 = arith.constant 7 : i32
    %dma_start3A_151 = arith.constant 0 : i32
    %dma_start3A_152 = arith.constant 0 : i32
    %dma_start3A_153 = tpu.memref_slice %arg12[%dma_start3A_150, %dma_start3A_151, %dma_start3A_152] : memref<16x32x128xf32, #tpu.memory_space<vmem>> -> memref<1x32x128xf32, #tpu.memory_space<vmem>>
    %dma_start3A_154 = tpu.memref_squeeze %dma_start3A_153 : memref<1x32x128xf32, #tpu.memory_space<vmem>> -> memref<32x128xf32, #tpu.memory_space<vmem>>
    %dma_start3A_155 = arith.constant 0 : i32
    %dma_start3A_156 = tpu.memref_slice %arg4[%dma_start3A_155, %multiple_of3A_149] : memref<32x1000000xf32, #tpu.memory_space<hbm>> -> memref<32x128xf32, #tpu.memory_space<hbm>>
    %dma_start3A_157 = arith.constant 0 : i32
    %dma_start3A_158 = arith.constant 0 : i32
    %dma_start3A_159 = tpu.memref_slice %arg12[%dma_start3A_150, %dma_start3A_157, %dma_start3A_158] : memref<16x32x128xf32, #tpu.memory_space<vmem>> -> memref<1x32x128xf32, #tpu.memory_space<vmem>>
    %dma_start3A_160 = tpu.memref_squeeze %dma_start3A_159 : memref<1x32x128xf32, #tpu.memory_space<vmem>> -> memref<32x128xf32, #tpu.memory_space<vmem>>
    %dma_start3A_161 = arith.constant 0 : i32
    %dma_start3A_162 = tpu.memref_slice %arg4[%dma_start3A_161, %multiple_of3A_149] : memref<32x1000000xf32, #tpu.memory_space<hbm>> -> memref<32x128xf32, #tpu.memory_space<hbm>>
    tpu.enqueue_dma source(%dma_start3A_162 : memref<32x128xf32, #tpu.memory_space<hbm>>) target(%dma_start3A_160 : memref<32x128xf32, #tpu.memory_space<vmem>>) target_semaphore(%arg13 : memref<!tpu.dma_semaphore, #tpu.memory_space<semaphore_mem>>)
    %slice3A_163 = vector.extract_strided_slice %get3A_6 {offsets = [8], sizes = [1], strides = [1]} : vector<16xi32> to vector<1xi32>
    %squeeze3A_164 = vector.extract %slice3A_163[0] : i32 from vector<1xi32>
    %shift_right_arithmetic3A_165 = arith.constant 7 : i32
    %shift_right_arithmetic3A_166 = arith.shrsi %squeeze3A_164, %shift_right_arithmetic3A_165 : i32
    %mul3A_167 = arith.constant 128 : i32
    %mul3A_168 = arith.muli %shift_right_arithmetic3A_166, %mul3A_167 : i32
    %multiple_of3A_169 = tpu.assume_multiple %mul3A_168, 128 : i32
    %dma_start3A_170 = arith.constant 8 : i32
    %dma_start3A_171 = arith.constant 0 : i32
    %dma_start3A_172 = arith.constant 0 : i32
    %dma_start3A_173 = tpu.memref_slice %arg12[%dma_start3A_170, %dma_start3A_171, %dma_start3A_172] : memref<16x32x128xf32, #tpu.memory_space<vmem>> -> memref<1x32x128xf32, #tpu.memory_space<vmem>>
    %dma_start3A_174 = tpu.memref_squeeze %dma_start3A_173 : memref<1x32x128xf32, #tpu.memory_space<vmem>> -> memref<32x128xf32, #tpu.memory_space<vmem>>
    %dma_start3A_175 = arith.constant 0 : i32
    %dma_start3A_176 = tpu.memref_slice %arg4[%dma_start3A_175, %multiple_of3A_169] : memref<32x1000000xf32, #tpu.memory_space<hbm>> -> memref<32x128xf32, #tpu.memory_space<hbm>>
    %dma_start3A_177 = arith.constant 0 : i32
    %dma_start3A_178 = arith.constant 0 : i32
    %dma_start3A_179 = tpu.memref_slice %arg12[%dma_start3A_170, %dma_start3A_177, %dma_start3A_178] : memref<16x32x128xf32, #tpu.memory_space<vmem>> -> memref<1x32x128xf32, #tpu.memory_space<vmem>>
    %dma_start3A_180 = tpu.memref_squeeze %dma_start3A_179 : memref<1x32x128xf32, #tpu.memory_space<vmem>> -> memref<32x128xf32, #tpu.memory_space<vmem>>
    %dma_start3A_181 = arith.constant 0 : i32
    %dma_start3A_182 = tpu.memref_slice %arg4[%dma_start3A_181, %multiple_of3A_169] : memref<32x1000000xf32, #tpu.memory_space<hbm>> -> memref<32x128xf32, #tpu.memory_space<hbm>>
    tpu.enqueue_dma source(%dma_start3A_182 : memref<32x128xf32, #tpu.memory_space<hbm>>) target(%dma_start3A_180 : memref<32x128xf32, #tpu.memory_space<vmem>>) target_semaphore(%arg14 : memref<!tpu.dma_semaphore, #tpu.memory_space<semaphore_mem>>)
    %slice3A_183 = vector.extract_strided_slice %get3A_6 {offsets = [9], sizes = [1], strides = [1]} : vector<16xi32> to vector<1xi32>
    %squeeze3A_184 = vector.extract %slice3A_183[0] : i32 from vector<1xi32>
    %shift_right_arithmetic3A_185 = arith.constant 7 : i32
    %shift_right_arithmetic3A_186 = arith.shrsi %squeeze3A_184, %shift_right_arithmetic3A_185 : i32
    %mul3A_187 = arith.constant 128 : i32
    %mul3A_188 = arith.muli %shift_right_arithmetic3A_186, %mul3A_187 : i32
    %multiple_of3A_189 = tpu.assume_multiple %mul3A_188, 128 : i32
    %dma_start3A_190 = arith.constant 9 : i32
    %dma_start3A_191 = arith.constant 0 : i32
    %dma_start3A_192 = arith.constant 0 : i32
    %dma_start3A_193 = tpu.memref_slice %arg12[%dma_start3A_190, %dma_start3A_191, %dma_start3A_192] : memref<16x32x128xf32, #tpu.memory_space<vmem>> -> memref<1x32x128xf32, #tpu.memory_space<vmem>>
    %dma_start3A_194 = tpu.memref_squeeze %dma_start3A_193 : memref<1x32x128xf32, #tpu.memory_space<vmem>> -> memref<32x128xf32, #tpu.memory_space<vmem>>
    %dma_start3A_195 = arith.constant 0 : i32
    %dma_start3A_196 = tpu.memref_slice %arg4[%dma_start3A_195, %multiple_of3A_189] : memref<32x1000000xf32, #tpu.memory_space<hbm>> -> memref<32x128xf32, #tpu.memory_space<hbm>>
    %dma_start3A_197 = arith.constant 0 : i32
    %dma_start3A_198 = arith.constant 0 : i32
    %dma_start3A_199 = tpu.memref_slice %arg12[%dma_start3A_190, %dma_start3A_197, %dma_start3A_198] : memref<16x32x128xf32, #tpu.memory_space<vmem>> -> memref<1x32x128xf32, #tpu.memory_space<vmem>>
    %dma_start3A_200 = tpu.memref_squeeze %dma_start3A_199 : memref<1x32x128xf32, #tpu.memory_space<vmem>> -> memref<32x128xf32, #tpu.memory_space<vmem>>
    %dma_start3A_201 = arith.constant 0 : i32
    %dma_start3A_202 = tpu.memref_slice %arg4[%dma_start3A_201, %multiple_of3A_189] : memref<32x1000000xf32, #tpu.memory_space<hbm>> -> memref<32x128xf32, #tpu.memory_space<hbm>>
    tpu.enqueue_dma source(%dma_start3A_202 : memref<32x128xf32, #tpu.memory_space<hbm>>) target(%dma_start3A_200 : memref<32x128xf32, #tpu.memory_space<vmem>>) target_semaphore(%arg14 : memref<!tpu.dma_semaphore, #tpu.memory_space<semaphore_mem>>)
    %slice3A_203 = vector.extract_strided_slice %get3A_6 {offsets = [10], sizes = [1], strides = [1]} : vector<16xi32> to vector<1xi32>
    %squeeze3A_204 = vector.extract %slice3A_203[0] : i32 from vector<1xi32>
    %shift_right_arithmetic3A_205 = arith.constant 7 : i32
    %shift_right_arithmetic3A_206 = arith.shrsi %squeeze3A_204, %shift_right_arithmetic3A_205 : i32
    %mul3A_207 = arith.constant 128 : i32
    %mul3A_208 = arith.muli %shift_right_arithmetic3A_206, %mul3A_207 : i32
    %multiple_of3A_209 = tpu.assume_multiple %mul3A_208, 128 : i32
    %dma_start3A_210 = arith.constant 10 : i32
    %dma_start3A_211 = arith.constant 0 : i32
    %dma_start3A_212 = arith.constant 0 : i32
    %dma_start3A_213 = tpu.memref_slice %arg12[%dma_start3A_210, %dma_start3A_211, %dma_start3A_212] : memref<16x32x128xf32, #tpu.memory_space<vmem>> -> memref<1x32x128xf32, #tpu.memory_space<vmem>>
    %dma_start3A_214 = tpu.memref_squeeze %dma_start3A_213 : memref<1x32x128xf32, #tpu.memory_space<vmem>> -> memref<32x128xf32, #tpu.memory_space<vmem>>
    %dma_start3A_215 = arith.constant 0 : i32
    %dma_start3A_216 = tpu.memref_slice %arg4[%dma_start3A_215, %multiple_of3A_209] : memref<32x1000000xf32, #tpu.memory_space<hbm>> -> memref<32x128xf32, #tpu.memory_space<hbm>>
    %dma_start3A_217 = arith.constant 0 : i32
    %dma_start3A_218 = arith.constant 0 : i32
    %dma_start3A_219 = tpu.memref_slice %arg12[%dma_start3A_210, %dma_start3A_217, %dma_start3A_218] : memref<16x32x128xf32, #tpu.memory_space<vmem>> -> memref<1x32x128xf32, #tpu.memory_space<vmem>>
    %dma_start3A_220 = tpu.memref_squeeze %dma_start3A_219 : memref<1x32x128xf32, #tpu.memory_space<vmem>> -> memref<32x128xf32, #tpu.memory_space<vmem>>
    %dma_start3A_221 = arith.constant 0 : i32
    %dma_start3A_222 = tpu.memref_slice %arg4[%dma_start3A_221, %multiple_of3A_209] : memref<32x1000000xf32, #tpu.memory_space<hbm>> -> memref<32x128xf32, #tpu.memory_space<hbm>>
    tpu.enqueue_dma source(%dma_start3A_222 : memref<32x128xf32, #tpu.memory_space<hbm>>) target(%dma_start3A_220 : memref<32x128xf32, #tpu.memory_space<vmem>>) target_semaphore(%arg14 : memref<!tpu.dma_semaphore, #tpu.memory_space<semaphore_mem>>)
    %slice3A_223 = vector.extract_strided_slice %get3A_6 {offsets = [11], sizes = [1], strides = [1]} : vector<16xi32> to vector<1xi32>
    %squeeze3A_224 = vector.extract %slice3A_223[0] : i32 from vector<1xi32>
    %shift_right_arithmetic3A_225 = arith.constant 7 : i32
    %shift_right_arithmetic3A_226 = arith.shrsi %squeeze3A_224, %shift_right_arithmetic3A_225 : i32
    %mul3A_227 = arith.constant 128 : i32
    %mul3A_228 = arith.muli %shift_right_arithmetic3A_226, %mul3A_227 : i32
    %multiple_of3A_229 = tpu.assume_multiple %mul3A_228, 128 : i32
    %dma_start3A_230 = arith.constant 11 : i32
    %dma_start3A_231 = arith.constant 0 : i32
    %dma_start3A_232 = arith.constant 0 : i32
    %dma_start3A_233 = tpu.memref_slice %arg12[%dma_start3A_230, %dma_start3A_231, %dma_start3A_232] : memref<16x32x128xf32, #tpu.memory_space<vmem>> -> memref<1x32x128xf32, #tpu.memory_space<vmem>>
    %dma_start3A_234 = tpu.memref_squeeze %dma_start3A_233 : memref<1x32x128xf32, #tpu.memory_space<vmem>> -> memref<32x128xf32, #tpu.memory_space<vmem>>
    %dma_start3A_235 = arith.constant 0 : i32
    %dma_start3A_236 = tpu.memref_slice %arg4[%dma_start3A_235, %multiple_of3A_229] : memref<32x1000000xf32, #tpu.memory_space<hbm>> -> memref<32x128xf32, #tpu.memory_space<hbm>>
    %dma_start3A_237 = arith.constant 0 : i32
    %dma_start3A_238 = arith.constant 0 : i32
    %dma_start3A_239 = tpu.memref_slice %arg12[%dma_start3A_230, %dma_start3A_237, %dma_start3A_238] : memref<16x32x128xf32, #tpu.memory_space<vmem>> -> memref<1x32x128xf32, #tpu.memory_space<vmem>>
    %dma_start3A_240 = tpu.memref_squeeze %dma_start3A_239 : memref<1x32x128xf32, #tpu.memory_space<vmem>> -> memref<32x128xf32, #tpu.memory_space<vmem>>
    %dma_start3A_241 = arith.constant 0 : i32
    %dma_start3A_242 = tpu.memref_slice %arg4[%dma_start3A_241, %multiple_of3A_229] : memref<32x1000000xf32, #tpu.memory_space<hbm>> -> memref<32x128xf32, #tpu.memory_space<hbm>>
    tpu.enqueue_dma source(%dma_start3A_242 : memref<32x128xf32, #tpu.memory_space<hbm>>) target(%dma_start3A_240 : memref<32x128xf32, #tpu.memory_space<vmem>>) target_semaphore(%arg14 : memref<!tpu.dma_semaphore, #tpu.memory_space<semaphore_mem>>)
    %slice3A_243 = vector.extract_strided_slice %get3A_6 {offsets = [12], sizes = [1], strides = [1]} : vector<16xi32> to vector<1xi32>
    %squeeze3A_244 = vector.extract %slice3A_243[0] : i32 from vector<1xi32>
    %shift_right_arithmetic3A_245 = arith.constant 7 : i32
    %shift_right_arithmetic3A_246 = arith.shrsi %squeeze3A_244, %shift_right_arithmetic3A_245 : i32
    %mul3A_247 = arith.constant 128 : i32
    %mul3A_248 = arith.muli %shift_right_arithmetic3A_246, %mul3A_247 : i32
    %multiple_of3A_249 = tpu.assume_multiple %mul3A_248, 128 : i32
    %dma_start3A_250 = arith.constant 12 : i32
    %dma_start3A_251 = arith.constant 0 : i32
    %dma_start3A_252 = arith.constant 0 : i32
    %dma_start3A_253 = tpu.memref_slice %arg12[%dma_start3A_250, %dma_start3A_251, %dma_start3A_252] : memref<16x32x128xf32, #tpu.memory_space<vmem>> -> memref<1x32x128xf32, #tpu.memory_space<vmem>>
    %dma_start3A_254 = tpu.memref_squeeze %dma_start3A_253 : memref<1x32x128xf32, #tpu.memory_space<vmem>> -> memref<32x128xf32, #tpu.memory_space<vmem>>
    %dma_start3A_255 = arith.constant 0 : i32
    %dma_start3A_256 = tpu.memref_slice %arg4[%dma_start3A_255, %multiple_of3A_249] : memref<32x1000000xf32, #tpu.memory_space<hbm>> -> memref<32x128xf32, #tpu.memory_space<hbm>>
    %dma_start3A_257 = arith.constant 0 : i32
    %dma_start3A_258 = arith.constant 0 : i32
    %dma_start3A_259 = tpu.memref_slice %arg12[%dma_start3A_250, %dma_start3A_257, %dma_start3A_258] : memref<16x32x128xf32, #tpu.memory_space<vmem>> -> memref<1x32x128xf32, #tpu.memory_space<vmem>>
    %dma_start3A_260 = tpu.memref_squeeze %dma_start3A_259 : memref<1x32x128xf32, #tpu.memory_space<vmem>> -> memref<32x128xf32, #tpu.memory_space<vmem>>
    %dma_start3A_261 = arith.constant 0 : i32
    %dma_start3A_262 = tpu.memref_slice %arg4[%dma_start3A_261, %multiple_of3A_249] : memref<32x1000000xf32, #tpu.memory_space<hbm>> -> memref<32x128xf32, #tpu.memory_space<hbm>>
    tpu.enqueue_dma source(%dma_start3A_262 : memref<32x128xf32, #tpu.memory_space<hbm>>) target(%dma_start3A_260 : memref<32x128xf32, #tpu.memory_space<vmem>>) target_semaphore(%arg14 : memref<!tpu.dma_semaphore, #tpu.memory_space<semaphore_mem>>)
    %slice3A_263 = vector.extract_strided_slice %get3A_6 {offsets = [13], sizes = [1], strides = [1]} : vector<16xi32> to vector<1xi32>
    %squeeze3A_264 = vector.extract %slice3A_263[0] : i32 from vector<1xi32>
    %shift_right_arithmetic3A_265 = arith.constant 7 : i32
    %shift_right_arithmetic3A_266 = arith.shrsi %squeeze3A_264, %shift_right_arithmetic3A_265 : i32
    %mul3A_267 = arith.constant 128 : i32
    %mul3A_268 = arith.muli %shift_right_arithmetic3A_266, %mul3A_267 : i32
    %multiple_of3A_269 = tpu.assume_multiple %mul3A_268, 128 : i32
    %dma_start3A_270 = arith.constant 13 : i32
    %dma_start3A_271 = arith.constant 0 : i32
    %dma_start3A_272 = arith.constant 0 : i32
    %dma_start3A_273 = tpu.memref_slice %arg12[%dma_start3A_270, %dma_start3A_271, %dma_start3A_272] : memref<16x32x128xf32, #tpu.memory_space<vmem>> -> memref<1x32x128xf32, #tpu.memory_space<vmem>>
    %dma_start3A_274 = tpu.memref_squeeze %dma_start3A_273 : memref<1x32x128xf32, #tpu.memory_space<vmem>> -> memref<32x128xf32, #tpu.memory_space<vmem>>
    %dma_start3A_275 = arith.constant 0 : i32
    %dma_start3A_276 = tpu.memref_slice %arg4[%dma_start3A_275, %multiple_of3A_269] : memref<32x1000000xf32, #tpu.memory_space<hbm>> -> memref<32x128xf32, #tpu.memory_space<hbm>>
    %dma_start3A_277 = arith.constant 0 : i32
    %dma_start3A_278 = arith.constant 0 : i32
    %dma_start3A_279 = tpu.memref_slice %arg12[%dma_start3A_270, %dma_start3A_277, %dma_start3A_278] : memref<16x32x128xf32, #tpu.memory_space<vmem>> -> memref<1x32x128xf32, #tpu.memory_space<vmem>>
    %dma_start3A_280 = tpu.memref_squeeze %dma_start3A_279 : memref<1x32x128xf32, #tpu.memory_space<vmem>> -> memref<32x128xf32, #tpu.memory_space<vmem>>
    %dma_start3A_281 = arith.constant 0 : i32
    %dma_start3A_282 = tpu.memref_slice %arg4[%dma_start3A_281, %multiple_of3A_269] : memref<32x1000000xf32, #tpu.memory_space<hbm>> -> memref<32x128xf32, #tpu.memory_space<hbm>>
    tpu.enqueue_dma source(%dma_start3A_282 : memref<32x128xf32, #tpu.memory_space<hbm>>) target(%dma_start3A_280 : memref<32x128xf32, #tpu.memory_space<vmem>>) target_semaphore(%arg14 : memref<!tpu.dma_semaphore, #tpu.memory_space<semaphore_mem>>)
    %slice3A_283 = vector.extract_strided_slice %get3A_6 {offsets = [14], sizes = [1], strides = [1]} : vector<16xi32> to vector<1xi32>
    %squeeze3A_284 = vector.extract %slice3A_283[0] : i32 from vector<1xi32>
    %shift_right_arithmetic3A_285 = arith.constant 7 : i32
    %shift_right_arithmetic3A_286 = arith.shrsi %squeeze3A_284, %shift_right_arithmetic3A_285 : i32
    %mul3A_287 = arith.constant 128 : i32
    %mul3A_288 = arith.muli %shift_right_arithmetic3A_286, %mul3A_287 : i32
    %multiple_of3A_289 = tpu.assume_multiple %mul3A_288, 128 : i32
    %dma_start3A_290 = arith.constant 14 : i32
    %dma_start3A_291 = arith.constant 0 : i32
    %dma_start3A_292 = arith.constant 0 : i32
    %dma_start3A_293 = tpu.memref_slice %arg12[%dma_start3A_290, %dma_start3A_291, %dma_start3A_292] : memref<16x32x128xf32, #tpu.memory_space<vmem>> -> memref<1x32x128xf32, #tpu.memory_space<vmem>>
    %dma_start3A_294 = tpu.memref_squeeze %dma_start3A_293 : memref<1x32x128xf32, #tpu.memory_space<vmem>> -> memref<32x128xf32, #tpu.memory_space<vmem>>
    %dma_start3A_295 = arith.constant 0 : i32
    %dma_start3A_296 = tpu.memref_slice %arg4[%dma_start3A_295, %multiple_of3A_289] : memref<32x1000000xf32, #tpu.memory_space<hbm>> -> memref<32x128xf32, #tpu.memory_space<hbm>>
    %dma_start3A_297 = arith.constant 0 : i32
    %dma_start3A_298 = arith.constant 0 : i32
    %dma_start3A_299 = tpu.memref_slice %arg12[%dma_start3A_290, %dma_start3A_297, %dma_start3A_298] : memref<16x32x128xf32, #tpu.memory_space<vmem>> -> memref<1x32x128xf32, #tpu.memory_space<vmem>>
    %dma_start3A_300 = tpu.memref_squeeze %dma_start3A_299 : memref<1x32x128xf32, #tpu.memory_space<vmem>> -> memref<32x128xf32, #tpu.memory_space<vmem>>
    %dma_start3A_301 = arith.constant 0 : i32
    %dma_start3A_302 = tpu.memref_slice %arg4[%dma_start3A_301, %multiple_of3A_289] : memref<32x1000000xf32, #tpu.memory_space<hbm>> -> memref<32x128xf32, #tpu.memory_space<hbm>>
    tpu.enqueue_dma source(%dma_start3A_302 : memref<32x128xf32, #tpu.memory_space<hbm>>) target(%dma_start3A_300 : memref<32x128xf32, #tpu.memory_space<vmem>>) target_semaphore(%arg14 : memref<!tpu.dma_semaphore, #tpu.memory_space<semaphore_mem>>)
    %slice3A_303 = vector.extract_strided_slice %get3A_6 {offsets = [15], sizes = [1], strides = [1]} : vector<16xi32> to vector<1xi32>
    %squeeze3A_304 = vector.extract %slice3A_303[0] : i32 from vector<1xi32>
    %shift_right_arithmetic3A_305 = arith.constant 7 : i32
    %shift_right_arithmetic3A_306 = arith.shrsi %squeeze3A_304, %shift_right_arithmetic3A_305 : i32
    %mul3A_307 = arith.constant 128 : i32
    %mul3A_308 = arith.muli %shift_right_arithmetic3A_306, %mul3A_307 : i32
    %multiple_of3A_309 = tpu.assume_multiple %mul3A_308, 128 : i32
    %dma_start3A_310 = arith.constant 15 : i32
    %dma_start3A_311 = arith.constant 0 : i32
    %dma_start3A_312 = arith.constant 0 : i32
    %dma_start3A_313 = tpu.memref_slice %arg12[%dma_start3A_310, %dma_start3A_311, %dma_start3A_312] : memref<16x32x128xf32, #tpu.memory_space<vmem>> -> memref<1x32x128xf32, #tpu.memory_space<vmem>>
    %dma_start3A_314 = tpu.memref_squeeze %dma_start3A_313 : memref<1x32x128xf32, #tpu.memory_space<vmem>> -> memref<32x128xf32, #tpu.memory_space<vmem>>
    %dma_start3A_315 = arith.constant 0 : i32
    %dma_start3A_316 = tpu.memref_slice %arg4[%dma_start3A_315, %multiple_of3A_309] : memref<32x1000000xf32, #tpu.memory_space<hbm>> -> memref<32x128xf32, #tpu.memory_space<hbm>>
    %dma_start3A_317 = arith.constant 0 : i32
    %dma_start3A_318 = arith.constant 0 : i32
    %dma_start3A_319 = tpu.memref_slice %arg12[%dma_start3A_310, %dma_start3A_317, %dma_start3A_318] : memref<16x32x128xf32, #tpu.memory_space<vmem>> -> memref<1x32x128xf32, #tpu.memory_space<vmem>>
    %dma_start3A_320 = tpu.memref_squeeze %dma_start3A_319 : memref<1x32x128xf32, #tpu.memory_space<vmem>> -> memref<32x128xf32, #tpu.memory_space<vmem>>
    %dma_start3A_321 = arith.constant 0 : i32
    %dma_start3A_322 = tpu.memref_slice %arg4[%dma_start3A_321, %multiple_of3A_309] : memref<32x1000000xf32, #tpu.memory_space<hbm>> -> memref<32x128xf32, #tpu.memory_space<hbm>>
    tpu.enqueue_dma source(%dma_start3A_322 : memref<32x128xf32, #tpu.memory_space<hbm>>) target(%dma_start3A_320 : memref<32x128xf32, #tpu.memory_space<vmem>>) target_semaphore(%arg14 : memref<!tpu.dma_semaphore, #tpu.memory_space<semaphore_mem>>)
    %scan3A = arith.constant 0 : i32
    %scan3A_323 = arith.constant 8 : i32
    %scan3A_324 = arith.addi %scan3A, %scan3A_323 : i32
    %scan3A_325 = arith.constant 1 : i32
    %scan3A_326 = scf.for %scan3A_659 = %scan3A to %scan3A_324 step %scan3A_325 iter_args(%scan3A_660 = %get3A_6) -> (vector<16xi32>)  : i32 {
      %add3A_661 = arith.constant 1 : i32
      %add3A_662 = arith.addi %scan3A_659, %add3A_661 : i32
      %mul3A_663 = arith.constant 16 : i32
      %mul3A_664 = arith.muli %add3A_662, %mul3A_663 : i32
      %min3A = arith.constant 112 : i32
      %min3A_665 = arith.minsi %mul3A_664, %min3A : i32
      %get3A_666 = arith.index_cast %min3A_665 : i32 to index
      %get3A_667 = tpu.vector_load %arg8[%get3A_666] {strides = array<i32>} : memref<128xi32, #tpu.memory_space<vmem>>, vector<16xi32>,
      %lt3A = arith.constant 7 : i32
      %lt3A_668 = arith.cmpi slt, %scan3A_659, %lt3A : i32
      %dma_wait3A = arith.constant 0 : i32
      %dma_wait3A_669 = arith.constant 0 : i32
      %dma_wait3A_670 = arith.constant 0 : i32
      %dma_wait3A_671 = tpu.memref_slice %arg12[%dma_wait3A, %dma_wait3A_669, %dma_wait3A_670] : memref<16x32x128xf32, #tpu.memory_space<vmem>> -> memref<1x32x128xf32, #tpu.memory_space<vmem>>
      %dma_wait3A_672 = tpu.memref_squeeze %dma_wait3A_671 : memref<1x32x128xf32, #tpu.memory_space<vmem>> -> memref<32x128xf32, #tpu.memory_space<vmem>>
      %dma_wait3A_673 = arith.constant 0 : i32
      %dma_wait3A_674 = arith.constant 0 : i32
      %dma_wait3A_675 = tpu.memref_slice %arg4[%dma_wait3A_673, %dma_wait3A_674] : memref<32x1000000xf32, #tpu.memory_space<hbm>> -> memref<32x128xf32, #tpu.memory_space<hbm>>
      %dma_wait3A_676 = arith.constant 0 : i32
      %dma_wait3A_677 = arith.constant 0 : i32
      %dma_wait3A_678 = tpu.memref_slice %arg12[%dma_wait3A, %dma_wait3A_676, %dma_wait3A_677] : memref<16x32x128xf32, #tpu.memory_space<vmem>> -> memref<1x32x128xf32, #tpu.memory_space<vmem>>
      %dma_wait3A_679 = tpu.memref_squeeze %dma_wait3A_678 : memref<1x32x128xf32, #tpu.memory_space<vmem>> -> memref<32x128xf32, #tpu.memory_space<vmem>>
      %dma_wait3A_680 = arith.constant 0 : i32
      %dma_wait3A_681 = arith.constant 0 : i32
      %dma_wait3A_682 = tpu.memref_slice %arg4[%dma_wait3A_680, %dma_wait3A_681] : memref<32x1000000xf32, #tpu.memory_space<hbm>> -> memref<32x128xf32, #tpu.memory_space<hbm>>
      tpu.wait_dma2 semaphore(%arg13 : memref<!tpu.dma_semaphore, #tpu.memory_space<semaphore_mem>>) src(%dma_wait3A_682 : memref<32x128xf32, #tpu.memory_space<hbm>>) dst(%dma_wait3A_679 : memref<32x128xf32, #tpu.memory_space<vmem>>)
      %dma_wait3A_683 = arith.constant 1 : i32
      %dma_wait3A_684 = arith.constant 0 : i32
      %dma_wait3A_685 = arith.constant 0 : i32
      %dma_wait3A_686 = tpu.memref_slice %arg12[%dma_wait3A_683, %dma_wait3A_684, %dma_wait3A_685] : memref<16x32x128xf32, #tpu.memory_space<vmem>> -> memref<1x32x128xf32, #tpu.memory_space<vmem>>
      %dma_wait3A_687 = tpu.memref_squeeze %dma_wait3A_686 : memref<1x32x128xf32, #tpu.memory_space<vmem>> -> memref<32x128xf32, #tpu.memory_space<vmem>>
      %dma_wait3A_688 = arith.constant 0 : i32
      %dma_wait3A_689 = arith.constant 0 : i32
      %dma_wait3A_690 = tpu.memref_slice %arg4[%dma_wait3A_688, %dma_wait3A_689] : memref<32x1000000xf32, #tpu.memory_space<hbm>> -> memref<32x128xf32, #tpu.memory_space<hbm>>
      %dma_wait3A_691 = arith.constant 0 : i32
      %dma_wait3A_692 = arith.constant 0 : i32
      %dma_wait3A_693 = tpu.memref_slice %arg12[%dma_wait3A_683, %dma_wait3A_691, %dma_wait3A_692] : memref<16x32x128xf32, #tpu.memory_space<vmem>> -> memref<1x32x128xf32, #tpu.memory_space<vmem>>
      %dma_wait3A_694 = tpu.memref_squeeze %dma_wait3A_693 : memref<1x32x128xf32, #tpu.memory_space<vmem>> -> memref<32x128xf32, #tpu.memory_space<vmem>>
      %dma_wait3A_695 = arith.constant 0 : i32
      %dma_wait3A_696 = arith.constant 0 : i32
      %dma_wait3A_697 = tpu.memref_slice %arg4[%dma_wait3A_695, %dma_wait3A_696] : memref<32x1000000xf32, #tpu.memory_space<hbm>> -> memref<32x128xf32, #tpu.memory_space<hbm>>
      tpu.wait_dma2 semaphore(%arg13 : memref<!tpu.dma_semaphore, #tpu.memory_space<semaphore_mem>>) src(%dma_wait3A_697 : memref<32x128xf32, #tpu.memory_space<hbm>>) dst(%dma_wait3A_694 : memref<32x128xf32, #tpu.memory_space<vmem>>)
      %dma_wait3A_698 = arith.constant 2 : i32
      %dma_wait3A_699 = arith.constant 0 : i32
      %dma_wait3A_700 = arith.constant 0 : i32
      %dma_wait3A_701 = tpu.memref_slice %arg12[%dma_wait3A_698, %dma_wait3A_699, %dma_wait3A_700] : memref<16x32x128xf32, #tpu.memory_space<vmem>> -> memref<1x32x128xf32, #tpu.memory_space<vmem>>
      %dma_wait3A_702 = tpu.memref_squeeze %dma_wait3A_701 : memref<1x32x128xf32, #tpu.memory_space<vmem>> -> memref<32x128xf32, #tpu.memory_space<vmem>>
      %dma_wait3A_703 = arith.constant 0 : i32
      %dma_wait3A_704 = arith.constant 0 : i32
      %dma_wait3A_705 = tpu.memref_slice %arg4[%dma_wait3A_703, %dma_wait3A_704] : memref<32x1000000xf32, #tpu.memory_space<hbm>> -> memref<32x128xf32, #tpu.memory_space<hbm>>
      %dma_wait3A_706 = arith.constant 0 : i32
      %dma_wait3A_707 = arith.constant 0 : i32
      %dma_wait3A_708 = tpu.memref_slice %arg12[%dma_wait3A_698, %dma_wait3A_706, %dma_wait3A_707] : memref<16x32x128xf32, #tpu.memory_space<vmem>> -> memref<1x32x128xf32, #tpu.memory_space<vmem>>
      %dma_wait3A_709 = tpu.memref_squeeze %dma_wait3A_708 : memref<1x32x128xf32, #tpu.memory_space<vmem>> -> memref<32x128xf32, #tpu.memory_space<vmem>>
      %dma_wait3A_710 = arith.constant 0 : i32
      %dma_wait3A_711 = arith.constant 0 : i32
      %dma_wait3A_712 = tpu.memref_slice %arg4[%dma_wait3A_710, %dma_wait3A_711] : memref<32x1000000xf32, #tpu.memory_space<hbm>> -> memref<32x128xf32, #tpu.memory_space<hbm>>
      tpu.wait_dma2 semaphore(%arg13 : memref<!tpu.dma_semaphore, #tpu.memory_space<semaphore_mem>>) src(%dma_wait3A_712 : memref<32x128xf32, #tpu.memory_space<hbm>>) dst(%dma_wait3A_709 : memref<32x128xf32, #tpu.memory_space<vmem>>)
      %dma_wait3A_713 = arith.constant 3 : i32
      %dma_wait3A_714 = arith.constant 0 : i32
      %dma_wait3A_715 = arith.constant 0 : i32
      %dma_wait3A_716 = tpu.memref_slice %arg12[%dma_wait3A_713, %dma_wait3A_714, %dma_wait3A_715] : memref<16x32x128xf32, #tpu.memory_space<vmem>> -> memref<1x32x128xf32, #tpu.memory_space<vmem>>
      %dma_wait3A_717 = tpu.memref_squeeze %dma_wait3A_716 : memref<1x32x128xf32, #tpu.memory_space<vmem>> -> memref<32x128xf32, #tpu.memory_space<vmem>>
      %dma_wait3A_718 = arith.constant 0 : i32
      %dma_wait3A_719 = arith.constant 0 : i32
      %dma_wait3A_720 = tpu.memref_slice %arg4[%dma_wait3A_718, %dma_wait3A_719] : memref<32x1000000xf32, #tpu.memory_space<hbm>> -> memref<32x128xf32, #tpu.memory_space<hbm>>
      %dma_wait3A_721 = arith.constant 0 : i32
      %dma_wait3A_722 = arith.constant 0 : i32
      %dma_wait3A_723 = tpu.memref_slice %arg12[%dma_wait3A_713, %dma_wait3A_721, %dma_wait3A_722] : memref<16x32x128xf32, #tpu.memory_space<vmem>> -> memref<1x32x128xf32, #tpu.memory_space<vmem>>
      %dma_wait3A_724 = tpu.memref_squeeze %dma_wait3A_723 : memref<1x32x128xf32, #tpu.memory_space<vmem>> -> memref<32x128xf32, #tpu.memory_space<vmem>>
      %dma_wait3A_725 = arith.constant 0 : i32
      %dma_wait3A_726 = arith.constant 0 : i32
      %dma_wait3A_727 = tpu.memref_slice %arg4[%dma_wait3A_725, %dma_wait3A_726] : memref<32x1000000xf32, #tpu.memory_space<hbm>> -> memref<32x128xf32, #tpu.memory_space<hbm>>
      tpu.wait_dma2 semaphore(%arg13 : memref<!tpu.dma_semaphore, #tpu.memory_space<semaphore_mem>>) src(%dma_wait3A_727 : memref<32x128xf32, #tpu.memory_space<hbm>>) dst(%dma_wait3A_724 : memref<32x128xf32, #tpu.memory_space<vmem>>)
      %dma_wait3A_728 = arith.constant 4 : i32
      %dma_wait3A_729 = arith.constant 0 : i32
      %dma_wait3A_730 = arith.constant 0 : i32
      %dma_wait3A_731 = tpu.memref_slice %arg12[%dma_wait3A_728, %dma_wait3A_729, %dma_wait3A_730] : memref<16x32x128xf32, #tpu.memory_space<vmem>> -> memref<1x32x128xf32, #tpu.memory_space<vmem>>
      %dma_wait3A_732 = tpu.memref_squeeze %dma_wait3A_731 : memref<1x32x128xf32, #tpu.memory_space<vmem>> -> memref<32x128xf32, #tpu.memory_space<vmem>>
      %dma_wait3A_733 = arith.constant 0 : i32
      %dma_wait3A_734 = arith.constant 0 : i32
      %dma_wait3A_735 = tpu.memref_slice %arg4[%dma_wait3A_733, %dma_wait3A_734] : memref<32x1000000xf32, #tpu.memory_space<hbm>> -> memref<32x128xf32, #tpu.memory_space<hbm>>
      %dma_wait3A_736 = arith.constant 0 : i32
      %dma_wait3A_737 = arith.constant 0 : i32
      %dma_wait3A_738 = tpu.memref_slice %arg12[%dma_wait3A_728, %dma_wait3A_736, %dma_wait3A_737] : memref<16x32x128xf32, #tpu.memory_space<vmem>> -> memref<1x32x128xf32, #tpu.memory_space<vmem>>
      %dma_wait3A_739 = tpu.memref_squeeze %dma_wait3A_738 : memref<1x32x128xf32, #tpu.memory_space<vmem>> -> memref<32x128xf32, #tpu.memory_space<vmem>>
      %dma_wait3A_740 = arith.constant 0 : i32
      %dma_wait3A_741 = arith.constant 0 : i32
      %dma_wait3A_742 = tpu.memref_slice %arg4[%dma_wait3A_740, %dma_wait3A_741] : memref<32x1000000xf32, #tpu.memory_space<hbm>> -> memref<32x128xf32, #tpu.memory_space<hbm>>
      tpu.wait_dma2 semaphore(%arg13 : memref<!tpu.dma_semaphore, #tpu.memory_space<semaphore_mem>>) src(%dma_wait3A_742 : memref<32x128xf32, #tpu.memory_space<hbm>>) dst(%dma_wait3A_739 : memref<32x128xf32, #tpu.memory_space<vmem>>)
      %dma_wait3A_743 = arith.constant 5 : i32
      %dma_wait3A_744 = arith.constant 0 : i32
      %dma_wait3A_745 = arith.constant 0 : i32
      %dma_wait3A_746 = tpu.memref_slice %arg12[%dma_wait3A_743, %dma_wait3A_744, %dma_wait3A_745] : memref<16x32x128xf32, #tpu.memory_space<vmem>> -> memref<1x32x128xf32, #tpu.memory_space<vmem>>
      %dma_wait3A_747 = tpu.memref_squeeze %dma_wait3A_746 : memref<1x32x128xf32, #tpu.memory_space<vmem>> -> memref<32x128xf32, #tpu.memory_space<vmem>>
      %dma_wait3A_748 = arith.constant 0 : i32
      %dma_wait3A_749 = arith.constant 0 : i32
      %dma_wait3A_750 = tpu.memref_slice %arg4[%dma_wait3A_748, %dma_wait3A_749] : memref<32x1000000xf32, #tpu.memory_space<hbm>> -> memref<32x128xf32, #tpu.memory_space<hbm>>
      %dma_wait3A_751 = arith.constant 0 : i32
      %dma_wait3A_752 = arith.constant 0 : i32
      %dma_wait3A_753 = tpu.memref_slice %arg12[%dma_wait3A_743, %dma_wait3A_751, %dma_wait3A_752] : memref<16x32x128xf32, #tpu.memory_space<vmem>> -> memref<1x32x128xf32, #tpu.memory_space<vmem>>
      %dma_wait3A_754 = tpu.memref_squeeze %dma_wait3A_753 : memref<1x32x128xf32, #tpu.memory_space<vmem>> -> memref<32x128xf32, #tpu.memory_space<vmem>>
      %dma_wait3A_755 = arith.constant 0 : i32
      %dma_wait3A_756 = arith.constant 0 : i32
      %dma_wait3A_757 = tpu.memref_slice %arg4[%dma_wait3A_755, %dma_wait3A_756] : memref<32x1000000xf32, #tpu.memory_space<hbm>> -> memref<32x128xf32, #tpu.memory_space<hbm>>
      tpu.wait_dma2 semaphore(%arg13 : memref<!tpu.dma_semaphore, #tpu.memory_space<semaphore_mem>>) src(%dma_wait3A_757 : memref<32x128xf32, #tpu.memory_space<hbm>>) dst(%dma_wait3A_754 : memref<32x128xf32, #tpu.memory_space<vmem>>)
      %dma_wait3A_758 = arith.constant 6 : i32
      %dma_wait3A_759 = arith.constant 0 : i32
      %dma_wait3A_760 = arith.constant 0 : i32
      %dma_wait3A_761 = tpu.memref_slice %arg12[%dma_wait3A_758, %dma_wait3A_759, %dma_wait3A_760] : memref<16x32x128xf32, #tpu.memory_space<vmem>> -> memref<1x32x128xf32, #tpu.memory_space<vmem>>
      %dma_wait3A_762 = tpu.memref_squeeze %dma_wait3A_761 : memref<1x32x128xf32, #tpu.memory_space<vmem>> -> memref<32x128xf32, #tpu.memory_space<vmem>>
      %dma_wait3A_763 = arith.constant 0 : i32
      %dma_wait3A_764 = arith.constant 0 : i32
      %dma_wait3A_765 = tpu.memref_slice %arg4[%dma_wait3A_763, %dma_wait3A_764] : memref<32x1000000xf32, #tpu.memory_space<hbm>> -> memref<32x128xf32, #tpu.memory_space<hbm>>
      %dma_wait3A_766 = arith.constant 0 : i32
      %dma_wait3A_767 = arith.constant 0 : i32
      %dma_wait3A_768 = tpu.memref_slice %arg12[%dma_wait3A_758, %dma_wait3A_766, %dma_wait3A_767] : memref<16x32x128xf32, #tpu.memory_space<vmem>> -> memref<1x32x128xf32, #tpu.memory_space<vmem>>
      %dma_wait3A_769 = tpu.memref_squeeze %dma_wait3A_768 : memref<1x32x128xf32, #tpu.memory_space<vmem>> -> memref<32x128xf32, #tpu.memory_space<vmem>>
      %dma_wait3A_770 = arith.constant 0 : i32
      %dma_wait3A_771 = arith.constant 0 : i32
      %dma_wait3A_772 = tpu.memref_slice %arg4[%dma_wait3A_770, %dma_wait3A_771] : memref<32x1000000xf32, #tpu.memory_space<hbm>> -> memref<32x128xf32, #tpu.memory_space<hbm>>
      tpu.wait_dma2 semaphore(%arg13 : memref<!tpu.dma_semaphore, #tpu.memory_space<semaphore_mem>>) src(%dma_wait3A_772 : memref<32x128xf32, #tpu.memory_space<hbm>>) dst(%dma_wait3A_769 : memref<32x128xf32, #tpu.memory_space<vmem>>)
      %dma_wait3A_773 = arith.constant 7 : i32
      %dma_wait3A_774 = arith.constant 0 : i32
      %dma_wait3A_775 = arith.constant 0 : i32
      %dma_wait3A_776 = tpu.memref_slice %arg12[%dma_wait3A_773, %dma_wait3A_774, %dma_wait3A_775] : memref<16x32x128xf32, #tpu.memory_space<vmem>> -> memref<1x32x128xf32, #tpu.memory_space<vmem>>
      %dma_wait3A_777 = tpu.memref_squeeze %dma_wait3A_776 : memref<1x32x128xf32, #tpu.memory_space<vmem>> -> memref<32x128xf32, #tpu.memory_space<vmem>>
      %dma_wait3A_778 = arith.constant 0 : i32
      %dma_wait3A_779 = arith.constant 0 : i32
      %dma_wait3A_780 = tpu.memref_slice %arg4[%dma_wait3A_778, %dma_wait3A_779] : memref<32x1000000xf32, #tpu.memory_space<hbm>> -> memref<32x128xf32, #tpu.memory_space<hbm>>
      %dma_wait3A_781 = arith.constant 0 : i32
      %dma_wait3A_782 = arith.constant 0 : i32
      %dma_wait3A_783 = tpu.memref_slice %arg12[%dma_wait3A_773, %dma_wait3A_781, %dma_wait3A_782] : memref<16x32x128xf32, #tpu.memory_space<vmem>> -> memref<1x32x128xf32, #tpu.memory_space<vmem>>
      %dma_wait3A_784 = tpu.memref_squeeze %dma_wait3A_783 : memref<1x32x128xf32, #tpu.memory_space<vmem>> -> memref<32x128xf32, #tpu.memory_space<vmem>>
      %dma_wait3A_785 = arith.constant 0 : i32
      %dma_wait3A_786 = arith.constant 0 : i32
      %dma_wait3A_787 = tpu.memref_slice %arg4[%dma_wait3A_785, %dma_wait3A_786] : memref<32x1000000xf32, #tpu.memory_space<hbm>> -> memref<32x128xf32, #tpu.memory_space<hbm>>
      tpu.wait_dma2 semaphore(%arg13 : memref<!tpu.dma_semaphore, #tpu.memory_space<semaphore_mem>>) src(%dma_wait3A_787 : memref<32x128xf32, #tpu.memory_space<hbm>>) dst(%dma_wait3A_784 : memref<32x128xf32, #tpu.memory_space<vmem>>)
      %slice3A_788 = vector.extract_strided_slice %scan3A_660 {offsets = [0], sizes = [1], strides = [1]} : vector<16xi32> to vector<1xi32>
      %squeeze3A_789 = vector.extract %slice3A_788[0] : i32 from vector<1xi32>
      %mul3A_790 = arith.constant 16 : i32
      %mul3A_791 = arith.muli %scan3A_659, %mul3A_790 : i32
      %add3A_792 = arith.constant 0 : i32
      %add3A_793 = arith.addi %mul3A_791, %add3A_792 : i32
      %and3A = arith.constant 127 : i32
      %and3A_794 = arith.andi %squeeze3A_789, %and3A : i32
      %broadcast_in_dim3A = vector.broadcast %and3A_794 : i32 to vector<16xi32>
      %broadcast_in_dim3A_795 = vector.broadcast %add3A_793 : i32 to vector<16xi32>
      %gather3A = arith.constant 0 : i32
      %gather3A_796 = arith.constant 0 : i32
      %gather3A_797 = arith.constant 0 : i32
      %gather3A_798 = tpu.memref_slice %arg12[%gather3A, %gather3A_796, %gather3A_797] : memref<16x32x128xf32, #tpu.memory_space<vmem>> -> memref<1x32x128xf32, #tpu.memory_space<vmem>>
      %gather3A_799 = tpu.memref_squeeze %gather3A_798 : memref<1x32x128xf32, #tpu.memory_space<vmem>> -> memref<32x128xf32, #tpu.memory_space<vmem>>
      %gather3A_800 = tpu.vector_load_idx %gather3A_799[%iota3A, %broadcast_in_dim3A] : memref<32x128xf32, #tpu.memory_space<vmem>>[vector<16xi32>, vector<16xi32>], vector<16xf32>,
      %gather3A_801 = arith.constant 0 : i32
      %gather3A_802 = arith.constant 0 : i32
      %gather3A_803 = arith.constant 0 : i32
      %gather3A_804 = tpu.memref_slice %arg12[%gather3A_801, %gather3A_802, %gather3A_803] : memref<16x32x128xf32, #tpu.memory_space<vmem>> -> memref<1x32x128xf32, #tpu.memory_space<vmem>>
      %gather3A_805 = tpu.memref_squeeze %gather3A_804 : memref<1x32x128xf32, #tpu.memory_space<vmem>> -> memref<32x128xf32, #tpu.memory_space<vmem>>
      %gather3A_806 = tpu.vector_load_idx %gather3A_805[%add3A_3, %broadcast_in_dim3A] : memref<32x128xf32, #tpu.memory_space<vmem>>[vector<16xi32>, vector<16xi32>], vector<16xf32>,
      tpu.vector_store_idx %arg10[%broadcast_in_dim3A_795, %iota3A], %gather3A_800 : memref<128x32xf32, #tpu.memory_space<vmem>>[vector<16xi32>, vector<16xi32>], vector<16xf32>,
      tpu.vector_store_idx %arg10[%broadcast_in_dim3A_795, %add3A_3], %gather3A_806 : memref<128x32xf32, #tpu.memory_space<vmem>>[vector<16xi32>, vector<16xi32>], vector<16xf32>,
      %slice3A_807 = vector.extract_strided_slice %scan3A_660 {offsets = [1], sizes = [1], strides = [1]} : vector<16xi32> to vector<1xi32>
      %squeeze3A_808 = vector.extract %slice3A_807[0] : i32 from vector<1xi32>
      %mul3A_809 = arith.constant 16 : i32
      %mul3A_810 = arith.muli %scan3A_659, %mul3A_809 : i32
      %add3A_811 = arith.constant 1 : i32
      %add3A_812 = arith.addi %mul3A_810, %add3A_811 : i32
      %and3A_813 = arith.constant 127 : i32
      %and3A_814 = arith.andi %squeeze3A_808, %and3A_813 : i32
      %broadcast_in_dim3A_815 = vector.broadcast %and3A_814 : i32 to vector<16xi32>
      %broadcast_in_dim3A_816 = vector.broadcast %add3A_812 : i32 to vector<16xi32>
      %gather3A_817 = arith.constant 1 : i32
      %gather3A_818 = arith.constant 0 : i32
      %gather3A_819 = arith.constant 0 : i32
      %gather3A_820 = tpu.memref_slice %arg12[%gather3A_817, %gather3A_818, %gather3A_819] : memref<16x32x128xf32, #tpu.memory_space<vmem>> -> memref<1x32x128xf32, #tpu.memory_space<vmem>>
      %gather3A_821 = tpu.memref_squeeze %gather3A_820 : memref<1x32x128xf32, #tpu.memory_space<vmem>> -> memref<32x128xf32, #tpu.memory_space<vmem>>
      %gather3A_822 = tpu.vector_load_idx %gather3A_821[%iota3A, %broadcast_in_dim3A_815] : memref<32x128xf32, #tpu.memory_space<vmem>>[vector<16xi32>, vector<16xi32>], vector<16xf32>,
      %gather3A_823 = arith.constant 1 : i32
      %gather3A_824 = arith.constant 0 : i32
      %gather3A_825 = arith.constant 0 : i32
      %gather3A_826 = tpu.memref_slice %arg12[%gather3A_823, %gather3A_824, %gather3A_825] : memref<16x32x128xf32, #tpu.memory_space<vmem>> -> memref<1x32x128xf32, #tpu.memory_space<vmem>>
      %gather3A_827 = tpu.memref_squeeze %gather3A_826 : memref<1x32x128xf32, #tpu.memory_space<vmem>> -> memref<32x128xf32, #tpu.memory_space<vmem>>
      %gather3A_828 = tpu.vector_load_idx %gather3A_827[%add3A_3, %broadcast_in_dim3A_815] : memref<32x128xf32, #tpu.memory_space<vmem>>[vector<16xi32>, vector<16xi32>], vector<16xf32>,
      tpu.vector_store_idx %arg10[%broadcast_in_dim3A_816, %iota3A], %gather3A_822 : memref<128x32xf32, #tpu.memory_space<vmem>>[vector<16xi32>, vector<16xi32>], vector<16xf32>,
      tpu.vector_store_idx %arg10[%broadcast_in_dim3A_816, %add3A_3], %gather3A_828 : memref<128x32xf32, #tpu.memory_space<vmem>>[vector<16xi32>, vector<16xi32>], vector<16xf32>,
      %slice3A_829 = vector.extract_strided_slice %scan3A_660 {offsets = [2], sizes = [1], strides = [1]} : vector<16xi32> to vector<1xi32>
      %squeeze3A_830 = vector.extract %slice3A_829[0] : i32 from vector<1xi32>
      %mul3A_831 = arith.constant 16 : i32
      %mul3A_832 = arith.muli %scan3A_659, %mul3A_831 : i32
      %add3A_833 = arith.constant 2 : i32
      %add3A_834 = arith.addi %mul3A_832, %add3A_833 : i32
      %and3A_835 = arith.constant 127 : i32
      %and3A_836 = arith.andi %squeeze3A_830, %and3A_835 : i32
      %broadcast_in_dim3A_837 = vector.broadcast %and3A_836 : i32 to vector<16xi32>
      %broadcast_in_dim3A_838 = vector.broadcast %add3A_834 : i32 to vector<16xi32>
      %gather3A_839 = arith.constant 2 : i32
      %gather3A_840 = arith.constant 0 : i32
      %gather3A_841 = arith.constant 0 : i32
      %gather3A_842 = tpu.memref_slice %arg12[%gather3A_839, %gather3A_840, %gather3A_841] : memref<16x32x128xf32, #tpu.memory_space<vmem>> -> memref<1x32x128xf32, #tpu.memory_space<vmem>>
      %gather3A_843 = tpu.memref_squeeze %gather3A_842 : memref<1x32x128xf32, #tpu.memory_space<vmem>> -> memref<32x128xf32, #tpu.memory_space<vmem>>
      %gather3A_844 = tpu.vector_load_idx %gather3A_843[%iota3A, %broadcast_in_dim3A_837] : memref<32x128xf32, #tpu.memory_space<vmem>>[vector<16xi32>, vector<16xi32>], vector<16xf32>,
      %gather3A_845 = arith.constant 2 : i32
      %gather3A_846 = arith.constant 0 : i32
      %gather3A_847 = arith.constant 0 : i32
      %gather3A_848 = tpu.memref_slice %arg12[%gather3A_845, %gather3A_846, %gather3A_847] : memref<16x32x128xf32, #tpu.memory_space<vmem>> -> memref<1x32x128xf32, #tpu.memory_space<vmem>>
      %gather3A_849 = tpu.memref_squeeze %gather3A_848 : memref<1x32x128xf32, #tpu.memory_space<vmem>> -> memref<32x128xf32, #tpu.memory_space<vmem>>
      %gather3A_850 = tpu.vector_load_idx %gather3A_849[%add3A_3, %broadcast_in_dim3A_837] : memref<32x128xf32, #tpu.memory_space<vmem>>[vector<16xi32>, vector<16xi32>], vector<16xf32>,
      tpu.vector_store_idx %arg10[%broadcast_in_dim3A_838, %iota3A], %gather3A_844 : memref<128x32xf32, #tpu.memory_space<vmem>>[vector<16xi32>, vector<16xi32>], vector<16xf32>,
      tpu.vector_store_idx %arg10[%broadcast_in_dim3A_838, %add3A_3], %gather3A_850 : memref<128x32xf32, #tpu.memory_space<vmem>>[vector<16xi32>, vector<16xi32>], vector<16xf32>,
      %slice3A_851 = vector.extract_strided_slice %scan3A_660 {offsets = [3], sizes = [1], strides = [1]} : vector<16xi32> to vector<1xi32>
      %squeeze3A_852 = vector.extract %slice3A_851[0] : i32 from vector<1xi32>
      %mul3A_853 = arith.constant 16 : i32
      %mul3A_854 = arith.muli %scan3A_659, %mul3A_853 : i32
      %add3A_855 = arith.constant 3 : i32
      %add3A_856 = arith.addi %mul3A_854, %add3A_855 : i32
      %and3A_857 = arith.constant 127 : i32
      %and3A_858 = arith.andi %squeeze3A_852, %and3A_857 : i32
      %broadcast_in_dim3A_859 = vector.broadcast %and3A_858 : i32 to vector<16xi32>
      %broadcast_in_dim3A_860 = vector.broadcast %add3A_856 : i32 to vector<16xi32>
      %gather3A_861 = arith.constant 3 : i32
      %gather3A_862 = arith.constant 0 : i32
      %gather3A_863 = arith.constant 0 : i32
      %gather3A_864 = tpu.memref_slice %arg12[%gather3A_861, %gather3A_862, %gather3A_863] : memref<16x32x128xf32, #tpu.memory_space<vmem>> -> memref<1x32x128xf32, #tpu.memory_space<vmem>>
      %gather3A_865 = tpu.memref_squeeze %gather3A_864 : memref<1x32x128xf32, #tpu.memory_space<vmem>> -> memref<32x128xf32, #tpu.memory_space<vmem>>
      %gather3A_866 = tpu.vector_load_idx %gather3A_865[%iota3A, %broadcast_in_dim3A_859] : memref<32x128xf32, #tpu.memory_space<vmem>>[vector<16xi32>, vector<16xi32>], vector<16xf32>,
      %gather3A_867 = arith.constant 3 : i32
      %gather3A_868 = arith.constant 0 : i32
      %gather3A_869 = arith.constant 0 : i32
      %gather3A_870 = tpu.memref_slice %arg12[%gather3A_867, %gather3A_868, %gather3A_869] : memref<16x32x128xf32, #tpu.memory_space<vmem>> -> memref<1x32x128xf32, #tpu.memory_space<vmem>>
      %gather3A_871 = tpu.memref_squeeze %gather3A_870 : memref<1x32x128xf32, #tpu.memory_space<vmem>> -> memref<32x128xf32, #tpu.memory_space<vmem>>
      %gather3A_872 = tpu.vector_load_idx %gather3A_871[%add3A_3, %broadcast_in_dim3A_859] : memref<32x128xf32, #tpu.memory_space<vmem>>[vector<16xi32>, vector<16xi32>], vector<16xf32>,
      tpu.vector_store_idx %arg10[%broadcast_in_dim3A_860, %iota3A], %gather3A_866 : memref<128x32xf32, #tpu.memory_space<vmem>>[vector<16xi32>, vector<16xi32>], vector<16xf32>,
      tpu.vector_store_idx %arg10[%broadcast_in_dim3A_860, %add3A_3], %gather3A_872 : memref<128x32xf32, #tpu.memory_space<vmem>>[vector<16xi32>, vector<16xi32>], vector<16xf32>,
      %slice3A_873 = vector.extract_strided_slice %scan3A_660 {offsets = [4], sizes = [1], strides = [1]} : vector<16xi32> to vector<1xi32>
      %squeeze3A_874 = vector.extract %slice3A_873[0] : i32 from vector<1xi32>
      %mul3A_875 = arith.constant 16 : i32
      %mul3A_876 = arith.muli %scan3A_659, %mul3A_875 : i32
      %add3A_877 = arith.constant 4 : i32
      %add3A_878 = arith.addi %mul3A_876, %add3A_877 : i32
      %and3A_879 = arith.constant 127 : i32
      %and3A_880 = arith.andi %squeeze3A_874, %and3A_879 : i32
      %broadcast_in_dim3A_881 = vector.broadcast %and3A_880 : i32 to vector<16xi32>
      %broadcast_in_dim3A_882 = vector.broadcast %add3A_878 : i32 to vector<16xi32>
      %gather3A_883 = arith.constant 4 : i32
      %gather3A_884 = arith.constant 0 : i32
      %gather3A_885 = arith.constant 0 : i32
      %gather3A_886 = tpu.memref_slice %arg12[%gather3A_883, %gather3A_884, %gather3A_885] : memref<16x32x128xf32, #tpu.memory_space<vmem>> -> memref<1x32x128xf32, #tpu.memory_space<vmem>>
      %gather3A_887 = tpu.memref_squeeze %gather3A_886 : memref<1x32x128xf32, #tpu.memory_space<vmem>> -> memref<32x128xf32, #tpu.memory_space<vmem>>
      %gather3A_888 = tpu.vector_load_idx %gather3A_887[%iota3A, %broadcast_in_dim3A_881] : memref<32x128xf32, #tpu.memory_space<vmem>>[vector<16xi32>, vector<16xi32>], vector<16xf32>,
      %gather3A_889 = arith.constant 4 : i32
      %gather3A_890 = arith.constant 0 : i32
      %gather3A_891 = arith.constant 0 : i32
      %gather3A_892 = tpu.memref_slice %arg12[%gather3A_889, %gather3A_890, %gather3A_891] : memref<16x32x128xf32, #tpu.memory_space<vmem>> -> memref<1x32x128xf32, #tpu.memory_space<vmem>>
      %gather3A_893 = tpu.memref_squeeze %gather3A_892 : memref<1x32x128xf32, #tpu.memory_space<vmem>> -> memref<32x128xf32, #tpu.memory_space<vmem>>
      %gather3A_894 = tpu.vector_load_idx %gather3A_893[%add3A_3, %broadcast_in_dim3A_881] : memref<32x128xf32, #tpu.memory_space<vmem>>[vector<16xi32>, vector<16xi32>], vector<16xf32>,
      tpu.vector_store_idx %arg10[%broadcast_in_dim3A_882, %iota3A], %gather3A_888 : memref<128x32xf32, #tpu.memory_space<vmem>>[vector<16xi32>, vector<16xi32>], vector<16xf32>,
      tpu.vector_store_idx %arg10[%broadcast_in_dim3A_882, %add3A_3], %gather3A_894 : memref<128x32xf32, #tpu.memory_space<vmem>>[vector<16xi32>, vector<16xi32>], vector<16xf32>,
      %slice3A_895 = vector.extract_strided_slice %scan3A_660 {offsets = [5], sizes = [1], strides = [1]} : vector<16xi32> to vector<1xi32>
      %squeeze3A_896 = vector.extract %slice3A_895[0] : i32 from vector<1xi32>
      %mul3A_897 = arith.constant 16 : i32
      %mul3A_898 = arith.muli %scan3A_659, %mul3A_897 : i32
      %add3A_899 = arith.constant 5 : i32
      %add3A_900 = arith.addi %mul3A_898, %add3A_899 : i32
      %and3A_901 = arith.constant 127 : i32
      %and3A_902 = arith.andi %squeeze3A_896, %and3A_901 : i32
      %broadcast_in_dim3A_903 = vector.broadcast %and3A_902 : i32 to vector<16xi32>
      %broadcast_in_dim3A_904 = vector.broadcast %add3A_900 : i32 to vector<16xi32>
      %gather3A_905 = arith.constant 5 : i32
      %gather3A_906 = arith.constant 0 : i32
      %gather3A_907 = arith.constant 0 : i32
      %gather3A_908 = tpu.memref_slice %arg12[%gather3A_905, %gather3A_906, %gather3A_907] : memref<16x32x128xf32, #tpu.memory_space<vmem>> -> memref<1x32x128xf32, #tpu.memory_space<vmem>>
      %gather3A_909 = tpu.memref_squeeze %gather3A_908 : memref<1x32x128xf32, #tpu.memory_space<vmem>> -> memref<32x128xf32, #tpu.memory_space<vmem>>
      %gather3A_910 = tpu.vector_load_idx %gather3A_909[%iota3A, %broadcast_in_dim3A_903] : memref<32x128xf32, #tpu.memory_space<vmem>>[vector<16xi32>, vector<16xi32>], vector<16xf32>,
      %gather3A_911 = arith.constant 5 : i32
      %gather3A_912 = arith.constant 0 : i32
      %gather3A_913 = arith.constant 0 : i32
      %gather3A_914 = tpu.memref_slice %arg12[%gather3A_911, %gather3A_912, %gather3A_913] : memref<16x32x128xf32, #tpu.memory_space<vmem>> -> memref<1x32x128xf32, #tpu.memory_space<vmem>>
      %gather3A_915 = tpu.memref_squeeze %gather3A_914 : memref<1x32x128xf32, #tpu.memory_space<vmem>> -> memref<32x128xf32, #tpu.memory_space<vmem>>
      %gather3A_916 = tpu.vector_load_idx %gather3A_915[%add3A_3, %broadcast_in_dim3A_903] : memref<32x128xf32, #tpu.memory_space<vmem>>[vector<16xi32>, vector<16xi32>], vector<16xf32>,
      tpu.vector_store_idx %arg10[%broadcast_in_dim3A_904, %iota3A], %gather3A_910 : memref<128x32xf32, #tpu.memory_space<vmem>>[vector<16xi32>, vector<16xi32>], vector<16xf32>,
      tpu.vector_store_idx %arg10[%broadcast_in_dim3A_904, %add3A_3], %gather3A_916 : memref<128x32xf32, #tpu.memory_space<vmem>>[vector<16xi32>, vector<16xi32>], vector<16xf32>,
      %slice3A_917 = vector.extract_strided_slice %scan3A_660 {offsets = [6], sizes = [1], strides = [1]} : vector<16xi32> to vector<1xi32>
      %squeeze3A_918 = vector.extract %slice3A_917[0] : i32 from vector<1xi32>
      %mul3A_919 = arith.constant 16 : i32
      %mul3A_920 = arith.muli %scan3A_659, %mul3A_919 : i32
      %add3A_921 = arith.constant 6 : i32
      %add3A_922 = arith.addi %mul3A_920, %add3A_921 : i32
      %and3A_923 = arith.constant 127 : i32
      %and3A_924 = arith.andi %squeeze3A_918, %and3A_923 : i32
      %broadcast_in_dim3A_925 = vector.broadcast %and3A_924 : i32 to vector<16xi32>
      %broadcast_in_dim3A_926 = vector.broadcast %add3A_922 : i32 to vector<16xi32>
      %gather3A_927 = arith.constant 6 : i32
      %gather3A_928 = arith.constant 0 : i32
      %gather3A_929 = arith.constant 0 : i32
      %gather3A_930 = tpu.memref_slice %arg12[%gather3A_927, %gather3A_928, %gather3A_929] : memref<16x32x128xf32, #tpu.memory_space<vmem>> -> memref<1x32x128xf32, #tpu.memory_space<vmem>>
      %gather3A_931 = tpu.memref_squeeze %gather3A_930 : memref<1x32x128xf32, #tpu.memory_space<vmem>> -> memref<32x128xf32, #tpu.memory_space<vmem>>
      %gather3A_932 = tpu.vector_load_idx %gather3A_931[%iota3A, %broadcast_in_dim3A_925] : memref<32x128xf32, #tpu.memory_space<vmem>>[vector<16xi32>, vector<16xi32>], vector<16xf32>,
      %gather3A_933 = arith.constant 6 : i32
      %gather3A_934 = arith.constant 0 : i32
      %gather3A_935 = arith.constant 0 : i32
      %gather3A_936 = tpu.memref_slice %arg12[%gather3A_933, %gather3A_934, %gather3A_935] : memref<16x32x128xf32, #tpu.memory_space<vmem>> -> memref<1x32x128xf32, #tpu.memory_space<vmem>>
      %gather3A_937 = tpu.memref_squeeze %gather3A_936 : memref<1x32x128xf32, #tpu.memory_space<vmem>> -> memref<32x128xf32, #tpu.memory_space<vmem>>
      %gather3A_938 = tpu.vector_load_idx %gather3A_937[%add3A_3, %broadcast_in_dim3A_925] : memref<32x128xf32, #tpu.memory_space<vmem>>[vector<16xi32>, vector<16xi32>], vector<16xf32>,
      tpu.vector_store_idx %arg10[%broadcast_in_dim3A_926, %iota3A], %gather3A_932 : memref<128x32xf32, #tpu.memory_space<vmem>>[vector<16xi32>, vector<16xi32>], vector<16xf32>,
      tpu.vector_store_idx %arg10[%broadcast_in_dim3A_926, %add3A_3], %gather3A_938 : memref<128x32xf32, #tpu.memory_space<vmem>>[vector<16xi32>, vector<16xi32>], vector<16xf32>,
      %slice3A_939 = vector.extract_strided_slice %scan3A_660 {offsets = [7], sizes = [1], strides = [1]} : vector<16xi32> to vector<1xi32>
      %squeeze3A_940 = vector.extract %slice3A_939[0] : i32 from vector<1xi32>
      %mul3A_941 = arith.constant 16 : i32
      %mul3A_942 = arith.muli %scan3A_659, %mul3A_941 : i32
      %add3A_943 = arith.constant 7 : i32
      %add3A_944 = arith.addi %mul3A_942, %add3A_943 : i32
      %and3A_945 = arith.constant 127 : i32
      %and3A_946 = arith.andi %squeeze3A_940, %and3A_945 : i32
      %broadcast_in_dim3A_947 = vector.broadcast %and3A_946 : i32 to vector<16xi32>
      %broadcast_in_dim3A_948 = vector.broadcast %add3A_944 : i32 to vector<16xi32>
      %gather3A_949 = arith.constant 7 : i32
      %gather3A_950 = arith.constant 0 : i32
      %gather3A_951 = arith.constant 0 : i32
      %gather3A_952 = tpu.memref_slice %arg12[%gather3A_949, %gather3A_950, %gather3A_951] : memref<16x32x128xf32, #tpu.memory_space<vmem>> -> memref<1x32x128xf32, #tpu.memory_space<vmem>>
      %gather3A_953 = tpu.memref_squeeze %gather3A_952 : memref<1x32x128xf32, #tpu.memory_space<vmem>> -> memref<32x128xf32, #tpu.memory_space<vmem>>
      %gather3A_954 = tpu.vector_load_idx %gather3A_953[%iota3A, %broadcast_in_dim3A_947] : memref<32x128xf32, #tpu.memory_space<vmem>>[vector<16xi32>, vector<16xi32>], vector<16xf32>,
      %gather3A_955 = arith.constant 7 : i32
      %gather3A_956 = arith.constant 0 : i32
      %gather3A_957 = arith.constant 0 : i32
      %gather3A_958 = tpu.memref_slice %arg12[%gather3A_955, %gather3A_956, %gather3A_957] : memref<16x32x128xf32, #tpu.memory_space<vmem>> -> memref<1x32x128xf32, #tpu.memory_space<vmem>>
      %gather3A_959 = tpu.memref_squeeze %gather3A_958 : memref<1x32x128xf32, #tpu.memory_space<vmem>> -> memref<32x128xf32, #tpu.memory_space<vmem>>
      %gather3A_960 = tpu.vector_load_idx %gather3A_959[%add3A_3, %broadcast_in_dim3A_947] : memref<32x128xf32, #tpu.memory_space<vmem>>[vector<16xi32>, vector<16xi32>], vector<16xf32>,
      tpu.vector_store_idx %arg10[%broadcast_in_dim3A_948, %iota3A], %gather3A_954 : memref<128x32xf32, #tpu.memory_space<vmem>>[vector<16xi32>, vector<16xi32>], vector<16xf32>,
      tpu.vector_store_idx %arg10[%broadcast_in_dim3A_948, %add3A_3], %gather3A_960 : memref<128x32xf32, #tpu.memory_space<vmem>>[vector<16xi32>, vector<16xi32>], vector<16xf32>,
      %convert_element_type3A = arith.extui %lt3A_668 : i1 to i32
      %cond3A = arith.constant 0 : i32
      %cond3A_961 = arith.cmpi ne, %convert_element_type3A, %cond3A : i32
      scf.if %cond3A_961 {
        %slice3A_1261 = vector.extract_strided_slice %get3A_667 {offsets = [0], sizes = [1], strides = [1]} : vector<16xi32> to vector<1xi32>
        %squeeze3A_1262 = vector.extract %slice3A_1261[0] : i32 from vector<1xi32>
        %shift_right_arithmetic3A_1263 = arith.constant 7 : i32
        %shift_right_arithmetic3A_1264 = arith.shrsi %squeeze3A_1262, %shift_right_arithmetic3A_1263 : i32
        %mul3A_1265 = arith.constant 128 : i32
        %mul3A_1266 = arith.muli %shift_right_arithmetic3A_1264, %mul3A_1265 : i32
        %multiple_of3A_1267 = tpu.assume_multiple %mul3A_1266, 128 : i32
        %dma_start3A_1268 = arith.constant 0 : i32
        %dma_start3A_1269 = arith.constant 0 : i32
        %dma_start3A_1270 = arith.constant 0 : i32
        %dma_start3A_1271 = tpu.memref_slice %arg12[%dma_start3A_1268, %dma_start3A_1269, %dma_start3A_1270] : memref<16x32x128xf32, #tpu.memory_space<vmem>> -> memref<1x32x128xf32, #tpu.memory_space<vmem>>
        %dma_start3A_1272 = tpu.memref_squeeze %dma_start3A_1271 : memref<1x32x128xf32, #tpu.memory_space<vmem>> -> memref<32x128xf32, #tpu.memory_space<vmem>>
        %dma_start3A_1273 = arith.constant 0 : i32
        %dma_start3A_1274 = tpu.memref_slice %arg4[%dma_start3A_1273, %multiple_of3A_1267] : memref<32x1000000xf32, #tpu.memory_space<hbm>> -> memref<32x128xf32, #tpu.memory_space<hbm>>
        %dma_start3A_1275 = arith.constant 0 : i32
        %dma_start3A_1276 = arith.constant 0 : i32
        %dma_start3A_1277 = tpu.memref_slice %arg12[%dma_start3A_1268, %dma_start3A_1275, %dma_start3A_1276] : memref<16x32x128xf32, #tpu.memory_space<vmem>> -> memref<1x32x128xf32, #tpu.memory_space<vmem>>
        %dma_start3A_1278 = tpu.memref_squeeze %dma_start3A_1277 : memref<1x32x128xf32, #tpu.memory_space<vmem>> -> memref<32x128xf32, #tpu.memory_space<vmem>>
        %dma_start3A_1279 = arith.constant 0 : i32
        %dma_start3A_1280 = tpu.memref_slice %arg4[%dma_start3A_1279, %multiple_of3A_1267] : memref<32x1000000xf32, #tpu.memory_space<hbm>> -> memref<32x128xf32, #tpu.memory_space<hbm>>
        tpu.enqueue_dma source(%dma_start3A_1280 : memref<32x128xf32, #tpu.memory_space<hbm>>) target(%dma_start3A_1278 : memref<32x128xf32, #tpu.memory_space<vmem>>) target_semaphore(%arg13 : memref<!tpu.dma_semaphore, #tpu.memory_space<semaphore_mem>>)
        %slice3A_1281 = vector.extract_strided_slice %get3A_667 {offsets = [1], sizes = [1], strides = [1]} : vector<16xi32> to vector<1xi32>
        %squeeze3A_1282 = vector.extract %slice3A_1281[0] : i32 from vector<1xi32>
        %shift_right_arithmetic3A_1283 = arith.constant 7 : i32
        %shift_right_arithmetic3A_1284 = arith.shrsi %squeeze3A_1282, %shift_right_arithmetic3A_1283 : i32
        %mul3A_1285 = arith.constant 128 : i32
        %mul3A_1286 = arith.muli %shift_right_arithmetic3A_1284, %mul3A_1285 : i32
        %multiple_of3A_1287 = tpu.assume_multiple %mul3A_1286, 128 : i32
        %dma_start3A_1288 = arith.constant 1 : i32
        %dma_start3A_1289 = arith.constant 0 : i32
        %dma_start3A_1290 = arith.constant 0 : i32
        %dma_start3A_1291 = tpu.memref_slice %arg12[%dma_start3A_1288, %dma_start3A_1289, %dma_start3A_1290] : memref<16x32x128xf32, #tpu.memory_space<vmem>> -> memref<1x32x128xf32, #tpu.memory_space<vmem>>
        %dma_start3A_1292 = tpu.memref_squeeze %dma_start3A_1291 : memref<1x32x128xf32, #tpu.memory_space<vmem>> -> memref<32x128xf32, #tpu.memory_space<vmem>>
        %dma_start3A_1293 = arith.constant 0 : i32
        %dma_start3A_1294 = tpu.memref_slice %arg4[%dma_start3A_1293, %multiple_of3A_1287] : memref<32x1000000xf32, #tpu.memory_space<hbm>> -> memref<32x128xf32, #tpu.memory_space<hbm>>
        %dma_start3A_1295 = arith.constant 0 : i32
        %dma_start3A_1296 = arith.constant 0 : i32
        %dma_start3A_1297 = tpu.memref_slice %arg12[%dma_start3A_1288, %dma_start3A_1295, %dma_start3A_1296] : memref<16x32x128xf32, #tpu.memory_space<vmem>> -> memref<1x32x128xf32, #tpu.memory_space<vmem>>
        %dma_start3A_1298 = tpu.memref_squeeze %dma_start3A_1297 : memref<1x32x128xf32, #tpu.memory_space<vmem>> -> memref<32x128xf32, #tpu.memory_space<vmem>>
        %dma_start3A_1299 = arith.constant 0 : i32
        %dma_start3A_1300 = tpu.memref_slice %arg4[%dma_start3A_1299, %multiple_of3A_1287] : memref<32x1000000xf32, #tpu.memory_space<hbm>> -> memref<32x128xf32, #tpu.memory_space<hbm>>
        tpu.enqueue_dma source(%dma_start3A_1300 : memref<32x128xf32, #tpu.memory_space<hbm>>) target(%dma_start3A_1298 : memref<32x128xf32, #tpu.memory_space<vmem>>) target_semaphore(%arg13 : memref<!tpu.dma_semaphore, #tpu.memory_space<semaphore_mem>>)
        %slice3A_1301 = vector.extract_strided_slice %get3A_667 {offsets = [2], sizes = [1], strides = [1]} : vector<16xi32> to vector<1xi32>
        %squeeze3A_1302 = vector.extract %slice3A_1301[0] : i32 from vector<1xi32>
        %shift_right_arithmetic3A_1303 = arith.constant 7 : i32
        %shift_right_arithmetic3A_1304 = arith.shrsi %squeeze3A_1302, %shift_right_arithmetic3A_1303 : i32
        %mul3A_1305 = arith.constant 128 : i32
        %mul3A_1306 = arith.muli %shift_right_arithmetic3A_1304, %mul3A_1305 : i32
        %multiple_of3A_1307 = tpu.assume_multiple %mul3A_1306, 128 : i32
        %dma_start3A_1308 = arith.constant 2 : i32
        %dma_start3A_1309 = arith.constant 0 : i32
        %dma_start3A_1310 = arith.constant 0 : i32
        %dma_start3A_1311 = tpu.memref_slice %arg12[%dma_start3A_1308, %dma_start3A_1309, %dma_start3A_1310] : memref<16x32x128xf32, #tpu.memory_space<vmem>> -> memref<1x32x128xf32, #tpu.memory_space<vmem>>
        %dma_start3A_1312 = tpu.memref_squeeze %dma_start3A_1311 : memref<1x32x128xf32, #tpu.memory_space<vmem>> -> memref<32x128xf32, #tpu.memory_space<vmem>>
        %dma_start3A_1313 = arith.constant 0 : i32
        %dma_start3A_1314 = tpu.memref_slice %arg4[%dma_start3A_1313, %multiple_of3A_1307] : memref<32x1000000xf32, #tpu.memory_space<hbm>> -> memref<32x128xf32, #tpu.memory_space<hbm>>
        %dma_start3A_1315 = arith.constant 0 : i32
        %dma_start3A_1316 = arith.constant 0 : i32
        %dma_start3A_1317 = tpu.memref_slice %arg12[%dma_start3A_1308, %dma_start3A_1315, %dma_start3A_1316] : memref<16x32x128xf32, #tpu.memory_space<vmem>> -> memref<1x32x128xf32, #tpu.memory_space<vmem>>
        %dma_start3A_1318 = tpu.memref_squeeze %dma_start3A_1317 : memref<1x32x128xf32, #tpu.memory_space<vmem>> -> memref<32x128xf32, #tpu.memory_space<vmem>>
        %dma_start3A_1319 = arith.constant 0 : i32
        %dma_start3A_1320 = tpu.memref_slice %arg4[%dma_start3A_1319, %multiple_of3A_1307] : memref<32x1000000xf32, #tpu.memory_space<hbm>> -> memref<32x128xf32, #tpu.memory_space<hbm>>
        tpu.enqueue_dma source(%dma_start3A_1320 : memref<32x128xf32, #tpu.memory_space<hbm>>) target(%dma_start3A_1318 : memref<32x128xf32, #tpu.memory_space<vmem>>) target_semaphore(%arg13 : memref<!tpu.dma_semaphore, #tpu.memory_space<semaphore_mem>>)
        %slice3A_1321 = vector.extract_strided_slice %get3A_667 {offsets = [3], sizes = [1], strides = [1]} : vector<16xi32> to vector<1xi32>
        %squeeze3A_1322 = vector.extract %slice3A_1321[0] : i32 from vector<1xi32>
        %shift_right_arithmetic3A_1323 = arith.constant 7 : i32
        %shift_right_arithmetic3A_1324 = arith.shrsi %squeeze3A_1322, %shift_right_arithmetic3A_1323 : i32
        %mul3A_1325 = arith.constant 128 : i32
        %mul3A_1326 = arith.muli %shift_right_arithmetic3A_1324, %mul3A_1325 : i32
        %multiple_of3A_1327 = tpu.assume_multiple %mul3A_1326, 128 : i32
        %dma_start3A_1328 = arith.constant 3 : i32
        %dma_start3A_1329 = arith.constant 0 : i32
        %dma_start3A_1330 = arith.constant 0 : i32
        %dma_start3A_1331 = tpu.memref_slice %arg12[%dma_start3A_1328, %dma_start3A_1329, %dma_start3A_1330] : memref<16x32x128xf32, #tpu.memory_space<vmem>> -> memref<1x32x128xf32, #tpu.memory_space<vmem>>
        %dma_start3A_1332 = tpu.memref_squeeze %dma_start3A_1331 : memref<1x32x128xf32, #tpu.memory_space<vmem>> -> memref<32x128xf32, #tpu.memory_space<vmem>>
        %dma_start3A_1333 = arith.constant 0 : i32
        %dma_start3A_1334 = tpu.memref_slice %arg4[%dma_start3A_1333, %multiple_of3A_1327] : memref<32x1000000xf32, #tpu.memory_space<hbm>> -> memref<32x128xf32, #tpu.memory_space<hbm>>
        %dma_start3A_1335 = arith.constant 0 : i32
        %dma_start3A_1336 = arith.constant 0 : i32
        %dma_start3A_1337 = tpu.memref_slice %arg12[%dma_start3A_1328, %dma_start3A_1335, %dma_start3A_1336] : memref<16x32x128xf32, #tpu.memory_space<vmem>> -> memref<1x32x128xf32, #tpu.memory_space<vmem>>
        %dma_start3A_1338 = tpu.memref_squeeze %dma_start3A_1337 : memref<1x32x128xf32, #tpu.memory_space<vmem>> -> memref<32x128xf32, #tpu.memory_space<vmem>>
        %dma_start3A_1339 = arith.constant 0 : i32
        %dma_start3A_1340 = tpu.memref_slice %arg4[%dma_start3A_1339, %multiple_of3A_1327] : memref<32x1000000xf32, #tpu.memory_space<hbm>> -> memref<32x128xf32, #tpu.memory_space<hbm>>
        tpu.enqueue_dma source(%dma_start3A_1340 : memref<32x128xf32, #tpu.memory_space<hbm>>) target(%dma_start3A_1338 : memref<32x128xf32, #tpu.memory_space<vmem>>) target_semaphore(%arg13 : memref<!tpu.dma_semaphore, #tpu.memory_space<semaphore_mem>>)
        %slice3A_1341 = vector.extract_strided_slice %get3A_667 {offsets = [4], sizes = [1], strides = [1]} : vector<16xi32> to vector<1xi32>
        %squeeze3A_1342 = vector.extract %slice3A_1341[0] : i32 from vector<1xi32>
        %shift_right_arithmetic3A_1343 = arith.constant 7 : i32
        %shift_right_arithmetic3A_1344 = arith.shrsi %squeeze3A_1342, %shift_right_arithmetic3A_1343 : i32
        %mul3A_1345 = arith.constant 128 : i32
        %mul3A_1346 = arith.muli %shift_right_arithmetic3A_1344, %mul3A_1345 : i32
        %multiple_of3A_1347 = tpu.assume_multiple %mul3A_1346, 128 : i32
        %dma_start3A_1348 = arith.constant 4 : i32
        %dma_start3A_1349 = arith.constant 0 : i32
        %dma_start3A_1350 = arith.constant 0 : i32
        %dma_start3A_1351 = tpu.memref_slice %arg12[%dma_start3A_1348, %dma_start3A_1349, %dma_start3A_1350] : memref<16x32x128xf32, #tpu.memory_space<vmem>> -> memref<1x32x128xf32, #tpu.memory_space<vmem>>
        %dma_start3A_1352 = tpu.memref_squeeze %dma_start3A_1351 : memref<1x32x128xf32, #tpu.memory_space<vmem>> -> memref<32x128xf32, #tpu.memory_space<vmem>>
        %dma_start3A_1353 = arith.constant 0 : i32
        %dma_start3A_1354 = tpu.memref_slice %arg4[%dma_start3A_1353, %multiple_of3A_1347] : memref<32x1000000xf32, #tpu.memory_space<hbm>> -> memref<32x128xf32, #tpu.memory_space<hbm>>
        %dma_start3A_1355 = arith.constant 0 : i32
        %dma_start3A_1356 = arith.constant 0 : i32
        %dma_start3A_1357 = tpu.memref_slice %arg12[%dma_start3A_1348, %dma_start3A_1355, %dma_start3A_1356] : memref<16x32x128xf32, #tpu.memory_space<vmem>> -> memref<1x32x128xf32, #tpu.memory_space<vmem>>
        %dma_start3A_1358 = tpu.memref_squeeze %dma_start3A_1357 : memref<1x32x128xf32, #tpu.memory_space<vmem>> -> memref<32x128xf32, #tpu.memory_space<vmem>>
        %dma_start3A_1359 = arith.constant 0 : i32
        %dma_start3A_1360 = tpu.memref_slice %arg4[%dma_start3A_1359, %multiple_of3A_1347] : memref<32x1000000xf32, #tpu.memory_space<hbm>> -> memref<32x128xf32, #tpu.memory_space<hbm>>
        tpu.enqueue_dma source(%dma_start3A_1360 : memref<32x128xf32, #tpu.memory_space<hbm>>) target(%dma_start3A_1358 : memref<32x128xf32, #tpu.memory_space<vmem>>) target_semaphore(%arg13 : memref<!tpu.dma_semaphore, #tpu.memory_space<semaphore_mem>>)
        %slice3A_1361 = vector.extract_strided_slice %get3A_667 {offsets = [5], sizes = [1], strides = [1]} : vector<16xi32> to vector<1xi32>
        %squeeze3A_1362 = vector.extract %slice3A_1361[0] : i32 from vector<1xi32>
        %shift_right_arithmetic3A_1363 = arith.constant 7 : i32
        %shift_right_arithmetic3A_1364 = arith.shrsi %squeeze3A_1362, %shift_right_arithmetic3A_1363 : i32
        %mul3A_1365 = arith.constant 128 : i32
        %mul3A_1366 = arith.muli %shift_right_arithmetic3A_1364, %mul3A_1365 : i32
        %multiple_of3A_1367 = tpu.assume_multiple %mul3A_1366, 128 : i32
        %dma_start3A_1368 = arith.constant 5 : i32
        %dma_start3A_1369 = arith.constant 0 : i32
        %dma_start3A_1370 = arith.constant 0 : i32
        %dma_start3A_1371 = tpu.memref_slice %arg12[%dma_start3A_1368, %dma_start3A_1369, %dma_start3A_1370] : memref<16x32x128xf32, #tpu.memory_space<vmem>> -> memref<1x32x128xf32, #tpu.memory_space<vmem>>
        %dma_start3A_1372 = tpu.memref_squeeze %dma_start3A_1371 : memref<1x32x128xf32, #tpu.memory_space<vmem>> -> memref<32x128xf32, #tpu.memory_space<vmem>>
        %dma_start3A_1373 = arith.constant 0 : i32
        %dma_start3A_1374 = tpu.memref_slice %arg4[%dma_start3A_1373, %multiple_of3A_1367] : memref<32x1000000xf32, #tpu.memory_space<hbm>> -> memref<32x128xf32, #tpu.memory_space<hbm>>
        %dma_start3A_1375 = arith.constant 0 : i32
        %dma_start3A_1376 = arith.constant 0 : i32
        %dma_start3A_1377 = tpu.memref_slice %arg12[%dma_start3A_1368, %dma_start3A_1375, %dma_start3A_1376] : memref<16x32x128xf32, #tpu.memory_space<vmem>> -> memref<1x32x128xf32, #tpu.memory_space<vmem>>
        %dma_start3A_1378 = tpu.memref_squeeze %dma_start3A_1377 : memref<1x32x128xf32, #tpu.memory_space<vmem>> -> memref<32x128xf32, #tpu.memory_space<vmem>>
        %dma_start3A_1379 = arith.constant 0 : i32
        %dma_start3A_1380 = tpu.memref_slice %arg4[%dma_start3A_1379, %multiple_of3A_1367] : memref<32x1000000xf32, #tpu.memory_space<hbm>> -> memref<32x128xf32, #tpu.memory_space<hbm>>
        tpu.enqueue_dma source(%dma_start3A_1380 : memref<32x128xf32, #tpu.memory_space<hbm>>) target(%dma_start3A_1378 : memref<32x128xf32, #tpu.memory_space<vmem>>) target_semaphore(%arg13 : memref<!tpu.dma_semaphore, #tpu.memory_space<semaphore_mem>>)
        %slice3A_1381 = vector.extract_strided_slice %get3A_667 {offsets = [6], sizes = [1], strides = [1]} : vector<16xi32> to vector<1xi32>
        %squeeze3A_1382 = vector.extract %slice3A_1381[0] : i32 from vector<1xi32>
        %shift_right_arithmetic3A_1383 = arith.constant 7 : i32
        %shift_right_arithmetic3A_1384 = arith.shrsi %squeeze3A_1382, %shift_right_arithmetic3A_1383 : i32
        %mul3A_1385 = arith.constant 128 : i32
        %mul3A_1386 = arith.muli %shift_right_arithmetic3A_1384, %mul3A_1385 : i32
        %multiple_of3A_1387 = tpu.assume_multiple %mul3A_1386, 128 : i32
        %dma_start3A_1388 = arith.constant 6 : i32
        %dma_start3A_1389 = arith.constant 0 : i32
        %dma_start3A_1390 = arith.constant 0 : i32
        %dma_start3A_1391 = tpu.memref_slice %arg12[%dma_start3A_1388, %dma_start3A_1389, %dma_start3A_1390] : memref<16x32x128xf32, #tpu.memory_space<vmem>> -> memref<1x32x128xf32, #tpu.memory_space<vmem>>
        %dma_start3A_1392 = tpu.memref_squeeze %dma_start3A_1391 : memref<1x32x128xf32, #tpu.memory_space<vmem>> -> memref<32x128xf32, #tpu.memory_space<vmem>>
        %dma_start3A_1393 = arith.constant 0 : i32
        %dma_start3A_1394 = tpu.memref_slice %arg4[%dma_start3A_1393, %multiple_of3A_1387] : memref<32x1000000xf32, #tpu.memory_space<hbm>> -> memref<32x128xf32, #tpu.memory_space<hbm>>
        %dma_start3A_1395 = arith.constant 0 : i32
        %dma_start3A_1396 = arith.constant 0 : i32
        %dma_start3A_1397 = tpu.memref_slice %arg12[%dma_start3A_1388, %dma_start3A_1395, %dma_start3A_1396] : memref<16x32x128xf32, #tpu.memory_space<vmem>> -> memref<1x32x128xf32, #tpu.memory_space<vmem>>
        %dma_start3A_1398 = tpu.memref_squeeze %dma_start3A_1397 : memref<1x32x128xf32, #tpu.memory_space<vmem>> -> memref<32x128xf32, #tpu.memory_space<vmem>>
        %dma_start3A_1399 = arith.constant 0 : i32
        %dma_start3A_1400 = tpu.memref_slice %arg4[%dma_start3A_1399, %multiple_of3A_1387] : memref<32x1000000xf32, #tpu.memory_space<hbm>> -> memref<32x128xf32, #tpu.memory_space<hbm>>
        tpu.enqueue_dma source(%dma_start3A_1400 : memref<32x128xf32, #tpu.memory_space<hbm>>) target(%dma_start3A_1398 : memref<32x128xf32, #tpu.memory_space<vmem>>) target_semaphore(%arg13 : memref<!tpu.dma_semaphore, #tpu.memory_space<semaphore_mem>>)
        %slice3A_1401 = vector.extract_strided_slice %get3A_667 {offsets = [7], sizes = [1], strides = [1]} : vector<16xi32> to vector<1xi32>
        %squeeze3A_1402 = vector.extract %slice3A_1401[0] : i32 from vector<1xi32>
        %shift_right_arithmetic3A_1403 = arith.constant 7 : i32
        %shift_right_arithmetic3A_1404 = arith.shrsi %squeeze3A_1402, %shift_right_arithmetic3A_1403 : i32
        %mul3A_1405 = arith.constant 128 : i32
        %mul3A_1406 = arith.muli %shift_right_arithmetic3A_1404, %mul3A_1405 : i32
        %multiple_of3A_1407 = tpu.assume_multiple %mul3A_1406, 128 : i32
        %dma_start3A_1408 = arith.constant 7 : i32
        %dma_start3A_1409 = arith.constant 0 : i32
        %dma_start3A_1410 = arith.constant 0 : i32
        %dma_start3A_1411 = tpu.memref_slice %arg12[%dma_start3A_1408, %dma_start3A_1409, %dma_start3A_1410] : memref<16x32x128xf32, #tpu.memory_space<vmem>> -> memref<1x32x128xf32, #tpu.memory_space<vmem>>
        %dma_start3A_1412 = tpu.memref_squeeze %dma_start3A_1411 : memref<1x32x128xf32, #tpu.memory_space<vmem>> -> memref<32x128xf32, #tpu.memory_space<vmem>>
        %dma_start3A_1413 = arith.constant 0 : i32
        %dma_start3A_1414 = tpu.memref_slice %arg4[%dma_start3A_1413, %multiple_of3A_1407] : memref<32x1000000xf32, #tpu.memory_space<hbm>> -> memref<32x128xf32, #tpu.memory_space<hbm>>
        %dma_start3A_1415 = arith.constant 0 : i32
        %dma_start3A_1416 = arith.constant 0 : i32
        %dma_start3A_1417 = tpu.memref_slice %arg12[%dma_start3A_1408, %dma_start3A_1415, %dma_start3A_1416] : memref<16x32x128xf32, #tpu.memory_space<vmem>> -> memref<1x32x128xf32, #tpu.memory_space<vmem>>
        %dma_start3A_1418 = tpu.memref_squeeze %dma_start3A_1417 : memref<1x32x128xf32, #tpu.memory_space<vmem>> -> memref<32x128xf32, #tpu.memory_space<vmem>>
        %dma_start3A_1419 = arith.constant 0 : i32
        %dma_start3A_1420 = tpu.memref_slice %arg4[%dma_start3A_1419, %multiple_of3A_1407] : memref<32x1000000xf32, #tpu.memory_space<hbm>> -> memref<32x128xf32, #tpu.memory_space<hbm>>
        tpu.enqueue_dma source(%dma_start3A_1420 : memref<32x128xf32, #tpu.memory_space<hbm>>) target(%dma_start3A_1418 : memref<32x128xf32, #tpu.memory_space<vmem>>) target_semaphore(%arg13 : memref<!tpu.dma_semaphore, #tpu.memory_space<semaphore_mem>>)
      } else {
      }
      %dma_wait3A_962 = arith.constant 8 : i32
      %dma_wait3A_963 = arith.constant 0 : i32
      %dma_wait3A_964 = arith.constant 0 : i32
      %dma_wait3A_965 = tpu.memref_slice %arg12[%dma_wait3A_962, %dma_wait3A_963, %dma_wait3A_964] : memref<16x32x128xf32, #tpu.memory_space<vmem>> -> memref<1x32x128xf32, #tpu.memory_space<vmem>>
      %dma_wait3A_966 = tpu.memref_squeeze %dma_wait3A_965 : memref<1x32x128xf32, #tpu.memory_space<vmem>> -> memref<32x128xf32, #tpu.memory_space<vmem>>
      %dma_wait3A_967 = arith.constant 0 : i32
      %dma_wait3A_968 = arith.constant 0 : i32
      %dma_wait3A_969 = tpu.memref_slice %arg4[%dma_wait3A_967, %dma_wait3A_968] : memref<32x1000000xf32, #tpu.memory_space<hbm>> -> memref<32x128xf32, #tpu.memory_space<hbm>>
      %dma_wait3A_970 = arith.constant 0 : i32
      %dma_wait3A_971 = arith.constant 0 : i32
      %dma_wait3A_972 = tpu.memref_slice %arg12[%dma_wait3A_962, %dma_wait3A_970, %dma_wait3A_971] : memref<16x32x128xf32, #tpu.memory_space<vmem>> -> memref<1x32x128xf32, #tpu.memory_space<vmem>>
      %dma_wait3A_973 = tpu.memref_squeeze %dma_wait3A_972 : memref<1x32x128xf32, #tpu.memory_space<vmem>> -> memref<32x128xf32, #tpu.memory_space<vmem>>
      %dma_wait3A_974 = arith.constant 0 : i32
      %dma_wait3A_975 = arith.constant 0 : i32
      %dma_wait3A_976 = tpu.memref_slice %arg4[%dma_wait3A_974, %dma_wait3A_975] : memref<32x1000000xf32, #tpu.memory_space<hbm>> -> memref<32x128xf32, #tpu.memory_space<hbm>>
      tpu.wait_dma2 semaphore(%arg14 : memref<!tpu.dma_semaphore, #tpu.memory_space<semaphore_mem>>) src(%dma_wait3A_976 : memref<32x128xf32, #tpu.memory_space<hbm>>) dst(%dma_wait3A_973 : memref<32x128xf32, #tpu.memory_space<vmem>>)
      %dma_wait3A_977 = arith.constant 9 : i32
      %dma_wait3A_978 = arith.constant 0 : i32
      %dma_wait3A_979 = arith.constant 0 : i32
      %dma_wait3A_980 = tpu.memref_slice %arg12[%dma_wait3A_977, %dma_wait3A_978, %dma_wait3A_979] : memref<16x32x128xf32, #tpu.memory_space<vmem>> -> memref<1x32x128xf32, #tpu.memory_space<vmem>>
      %dma_wait3A_981 = tpu.memref_squeeze %dma_wait3A_980 : memref<1x32x128xf32, #tpu.memory_space<vmem>> -> memref<32x128xf32, #tpu.memory_space<vmem>>
      %dma_wait3A_982 = arith.constant 0 : i32
      %dma_wait3A_983 = arith.constant 0 : i32
      %dma_wait3A_984 = tpu.memref_slice %arg4[%dma_wait3A_982, %dma_wait3A_983] : memref<32x1000000xf32, #tpu.memory_space<hbm>> -> memref<32x128xf32, #tpu.memory_space<hbm>>
      %dma_wait3A_985 = arith.constant 0 : i32
      %dma_wait3A_986 = arith.constant 0 : i32
      %dma_wait3A_987 = tpu.memref_slice %arg12[%dma_wait3A_977, %dma_wait3A_985, %dma_wait3A_986] : memref<16x32x128xf32, #tpu.memory_space<vmem>> -> memref<1x32x128xf32, #tpu.memory_space<vmem>>
      %dma_wait3A_988 = tpu.memref_squeeze %dma_wait3A_987 : memref<1x32x128xf32, #tpu.memory_space<vmem>> -> memref<32x128xf32, #tpu.memory_space<vmem>>
      %dma_wait3A_989 = arith.constant 0 : i32
      %dma_wait3A_990 = arith.constant 0 : i32
      %dma_wait3A_991 = tpu.memref_slice %arg4[%dma_wait3A_989, %dma_wait3A_990] : memref<32x1000000xf32, #tpu.memory_space<hbm>> -> memref<32x128xf32, #tpu.memory_space<hbm>>
      tpu.wait_dma2 semaphore(%arg14 : memref<!tpu.dma_semaphore, #tpu.memory_space<semaphore_mem>>) src(%dma_wait3A_991 : memref<32x128xf32, #tpu.memory_space<hbm>>) dst(%dma_wait3A_988 : memref<32x128xf32, #tpu.memory_space<vmem>>)
      %dma_wait3A_992 = arith.constant 10 : i32
      %dma_wait3A_993 = arith.constant 0 : i32
      %dma_wait3A_994 = arith.constant 0 : i32
      %dma_wait3A_995 = tpu.memref_slice %arg12[%dma_wait3A_992, %dma_wait3A_993, %dma_wait3A_994] : memref<16x32x128xf32, #tpu.memory_space<vmem>> -> memref<1x32x128xf32, #tpu.memory_space<vmem>>
      %dma_wait3A_996 = tpu.memref_squeeze %dma_wait3A_995 : memref<1x32x128xf32, #tpu.memory_space<vmem>> -> memref<32x128xf32, #tpu.memory_space<vmem>>
      %dma_wait3A_997 = arith.constant 0 : i32
      %dma_wait3A_998 = arith.constant 0 : i32
      %dma_wait3A_999 = tpu.memref_slice %arg4[%dma_wait3A_997, %dma_wait3A_998] : memref<32x1000000xf32, #tpu.memory_space<hbm>> -> memref<32x128xf32, #tpu.memory_space<hbm>>
      %dma_wait3A_1000 = arith.constant 0 : i32
      %dma_wait3A_1001 = arith.constant 0 : i32
      %dma_wait3A_1002 = tpu.memref_slice %arg12[%dma_wait3A_992, %dma_wait3A_1000, %dma_wait3A_1001] : memref<16x32x128xf32, #tpu.memory_space<vmem>> -> memref<1x32x128xf32, #tpu.memory_space<vmem>>
      %dma_wait3A_1003 = tpu.memref_squeeze %dma_wait3A_1002 : memref<1x32x128xf32, #tpu.memory_space<vmem>> -> memref<32x128xf32, #tpu.memory_space<vmem>>
      %dma_wait3A_1004 = arith.constant 0 : i32
      %dma_wait3A_1005 = arith.constant 0 : i32
      %dma_wait3A_1006 = tpu.memref_slice %arg4[%dma_wait3A_1004, %dma_wait3A_1005] : memref<32x1000000xf32, #tpu.memory_space<hbm>> -> memref<32x128xf32, #tpu.memory_space<hbm>>
      tpu.wait_dma2 semaphore(%arg14 : memref<!tpu.dma_semaphore, #tpu.memory_space<semaphore_mem>>) src(%dma_wait3A_1006 : memref<32x128xf32, #tpu.memory_space<hbm>>) dst(%dma_wait3A_1003 : memref<32x128xf32, #tpu.memory_space<vmem>>)
      %dma_wait3A_1007 = arith.constant 11 : i32
      %dma_wait3A_1008 = arith.constant 0 : i32
      %dma_wait3A_1009 = arith.constant 0 : i32
      %dma_wait3A_1010 = tpu.memref_slice %arg12[%dma_wait3A_1007, %dma_wait3A_1008, %dma_wait3A_1009] : memref<16x32x128xf32, #tpu.memory_space<vmem>> -> memref<1x32x128xf32, #tpu.memory_space<vmem>>
      %dma_wait3A_1011 = tpu.memref_squeeze %dma_wait3A_1010 : memref<1x32x128xf32, #tpu.memory_space<vmem>> -> memref<32x128xf32, #tpu.memory_space<vmem>>
      %dma_wait3A_1012 = arith.constant 0 : i32
      %dma_wait3A_1013 = arith.constant 0 : i32
      %dma_wait3A_1014 = tpu.memref_slice %arg4[%dma_wait3A_1012, %dma_wait3A_1013] : memref<32x1000000xf32, #tpu.memory_space<hbm>> -> memref<32x128xf32, #tpu.memory_space<hbm>>
      %dma_wait3A_1015 = arith.constant 0 : i32
      %dma_wait3A_1016 = arith.constant 0 : i32
      %dma_wait3A_1017 = tpu.memref_slice %arg12[%dma_wait3A_1007, %dma_wait3A_1015, %dma_wait3A_1016] : memref<16x32x128xf32, #tpu.memory_space<vmem>> -> memref<1x32x128xf32, #tpu.memory_space<vmem>>
      %dma_wait3A_1018 = tpu.memref_squeeze %dma_wait3A_1017 : memref<1x32x128xf32, #tpu.memory_space<vmem>> -> memref<32x128xf32, #tpu.memory_space<vmem>>
      %dma_wait3A_1019 = arith.constant 0 : i32
      %dma_wait3A_1020 = arith.constant 0 : i32
      %dma_wait3A_1021 = tpu.memref_slice %arg4[%dma_wait3A_1019, %dma_wait3A_1020] : memref<32x1000000xf32, #tpu.memory_space<hbm>> -> memref<32x128xf32, #tpu.memory_space<hbm>>
      tpu.wait_dma2 semaphore(%arg14 : memref<!tpu.dma_semaphore, #tpu.memory_space<semaphore_mem>>) src(%dma_wait3A_1021 : memref<32x128xf32, #tpu.memory_space<hbm>>) dst(%dma_wait3A_1018 : memref<32x128xf32, #tpu.memory_space<vmem>>)
      %dma_wait3A_1022 = arith.constant 12 : i32
      %dma_wait3A_1023 = arith.constant 0 : i32
      %dma_wait3A_1024 = arith.constant 0 : i32
      %dma_wait3A_1025 = tpu.memref_slice %arg12[%dma_wait3A_1022, %dma_wait3A_1023, %dma_wait3A_1024] : memref<16x32x128xf32, #tpu.memory_space<vmem>> -> memref<1x32x128xf32, #tpu.memory_space<vmem>>
      %dma_wait3A_1026 = tpu.memref_squeeze %dma_wait3A_1025 : memref<1x32x128xf32, #tpu.memory_space<vmem>> -> memref<32x128xf32, #tpu.memory_space<vmem>>
      %dma_wait3A_1027 = arith.constant 0 : i32
      %dma_wait3A_1028 = arith.constant 0 : i32
      %dma_wait3A_1029 = tpu.memref_slice %arg4[%dma_wait3A_1027, %dma_wait3A_1028] : memref<32x1000000xf32, #tpu.memory_space<hbm>> -> memref<32x128xf32, #tpu.memory_space<hbm>>
      %dma_wait3A_1030 = arith.constant 0 : i32
      %dma_wait3A_1031 = arith.constant 0 : i32
      %dma_wait3A_1032 = tpu.memref_slice %arg12[%dma_wait3A_1022, %dma_wait3A_1030, %dma_wait3A_1031] : memref<16x32x128xf32, #tpu.memory_space<vmem>> -> memref<1x32x128xf32, #tpu.memory_space<vmem>>
      %dma_wait3A_1033 = tpu.memref_squeeze %dma_wait3A_1032 : memref<1x32x128xf32, #tpu.memory_space<vmem>> -> memref<32x128xf32, #tpu.memory_space<vmem>>
      %dma_wait3A_1034 = arith.constant 0 : i32
      %dma_wait3A_1035 = arith.constant 0 : i32
      %dma_wait3A_1036 = tpu.memref_slice %arg4[%dma_wait3A_1034, %dma_wait3A_1035] : memref<32x1000000xf32, #tpu.memory_space<hbm>> -> memref<32x128xf32, #tpu.memory_space<hbm>>
      tpu.wait_dma2 semaphore(%arg14 : memref<!tpu.dma_semaphore, #tpu.memory_space<semaphore_mem>>) src(%dma_wait3A_1036 : memref<32x128xf32, #tpu.memory_space<hbm>>) dst(%dma_wait3A_1033 : memref<32x128xf32, #tpu.memory_space<vmem>>)
      %dma_wait3A_1037 = arith.constant 13 : i32
      %dma_wait3A_1038 = arith.constant 0 : i32
      %dma_wait3A_1039 = arith.constant 0 : i32
      %dma_wait3A_1040 = tpu.memref_slice %arg12[%dma_wait3A_1037, %dma_wait3A_1038, %dma_wait3A_1039] : memref<16x32x128xf32, #tpu.memory_space<vmem>> -> memref<1x32x128xf32, #tpu.memory_space<vmem>>
      %dma_wait3A_1041 = tpu.memref_squeeze %dma_wait3A_1040 : memref<1x32x128xf32, #tpu.memory_space<vmem>> -> memref<32x128xf32, #tpu.memory_space<vmem>>
      %dma_wait3A_1042 = arith.constant 0 : i32
      %dma_wait3A_1043 = arith.constant 0 : i32
      %dma_wait3A_1044 = tpu.memref_slice %arg4[%dma_wait3A_1042, %dma_wait3A_1043] : memref<32x1000000xf32, #tpu.memory_space<hbm>> -> memref<32x128xf32, #tpu.memory_space<hbm>>
      %dma_wait3A_1045 = arith.constant 0 : i32
      %dma_wait3A_1046 = arith.constant 0 : i32
      %dma_wait3A_1047 = tpu.memref_slice %arg12[%dma_wait3A_1037, %dma_wait3A_1045, %dma_wait3A_1046] : memref<16x32x128xf32, #tpu.memory_space<vmem>> -> memref<1x32x128xf32, #tpu.memory_space<vmem>>
      %dma_wait3A_1048 = tpu.memref_squeeze %dma_wait3A_1047 : memref<1x32x128xf32, #tpu.memory_space<vmem>> -> memref<32x128xf32, #tpu.memory_space<vmem>>
      %dma_wait3A_1049 = arith.constant 0 : i32
      %dma_wait3A_1050 = arith.constant 0 : i32
      %dma_wait3A_1051 = tpu.memref_slice %arg4[%dma_wait3A_1049, %dma_wait3A_1050] : memref<32x1000000xf32, #tpu.memory_space<hbm>> -> memref<32x128xf32, #tpu.memory_space<hbm>>
      tpu.wait_dma2 semaphore(%arg14 : memref<!tpu.dma_semaphore, #tpu.memory_space<semaphore_mem>>) src(%dma_wait3A_1051 : memref<32x128xf32, #tpu.memory_space<hbm>>) dst(%dma_wait3A_1048 : memref<32x128xf32, #tpu.memory_space<vmem>>)
      %dma_wait3A_1052 = arith.constant 14 : i32
      %dma_wait3A_1053 = arith.constant 0 : i32
      %dma_wait3A_1054 = arith.constant 0 : i32
      %dma_wait3A_1055 = tpu.memref_slice %arg12[%dma_wait3A_1052, %dma_wait3A_1053, %dma_wait3A_1054] : memref<16x32x128xf32, #tpu.memory_space<vmem>> -> memref<1x32x128xf32, #tpu.memory_space<vmem>>
      %dma_wait3A_1056 = tpu.memref_squeeze %dma_wait3A_1055 : memref<1x32x128xf32, #tpu.memory_space<vmem>> -> memref<32x128xf32, #tpu.memory_space<vmem>>
      %dma_wait3A_1057 = arith.constant 0 : i32
      %dma_wait3A_1058 = arith.constant 0 : i32
      %dma_wait3A_1059 = tpu.memref_slice %arg4[%dma_wait3A_1057, %dma_wait3A_1058] : memref<32x1000000xf32, #tpu.memory_space<hbm>> -> memref<32x128xf32, #tpu.memory_space<hbm>>
      %dma_wait3A_1060 = arith.constant 0 : i32
      %dma_wait3A_1061 = arith.constant 0 : i32
      %dma_wait3A_1062 = tpu.memref_slice %arg12[%dma_wait3A_1052, %dma_wait3A_1060, %dma_wait3A_1061] : memref<16x32x128xf32, #tpu.memory_space<vmem>> -> memref<1x32x128xf32, #tpu.memory_space<vmem>>
      %dma_wait3A_1063 = tpu.memref_squeeze %dma_wait3A_1062 : memref<1x32x128xf32, #tpu.memory_space<vmem>> -> memref<32x128xf32, #tpu.memory_space<vmem>>
      %dma_wait3A_1064 = arith.constant 0 : i32
      %dma_wait3A_1065 = arith.constant 0 : i32
      %dma_wait3A_1066 = tpu.memref_slice %arg4[%dma_wait3A_1064, %dma_wait3A_1065] : memref<32x1000000xf32, #tpu.memory_space<hbm>> -> memref<32x128xf32, #tpu.memory_space<hbm>>
      tpu.wait_dma2 semaphore(%arg14 : memref<!tpu.dma_semaphore, #tpu.memory_space<semaphore_mem>>) src(%dma_wait3A_1066 : memref<32x128xf32, #tpu.memory_space<hbm>>) dst(%dma_wait3A_1063 : memref<32x128xf32, #tpu.memory_space<vmem>>)
      %dma_wait3A_1067 = arith.constant 15 : i32
      %dma_wait3A_1068 = arith.constant 0 : i32
      %dma_wait3A_1069 = arith.constant 0 : i32
      %dma_wait3A_1070 = tpu.memref_slice %arg12[%dma_wait3A_1067, %dma_wait3A_1068, %dma_wait3A_1069] : memref<16x32x128xf32, #tpu.memory_space<vmem>> -> memref<1x32x128xf32, #tpu.memory_space<vmem>>
      %dma_wait3A_1071 = tpu.memref_squeeze %dma_wait3A_1070 : memref<1x32x128xf32, #tpu.memory_space<vmem>> -> memref<32x128xf32, #tpu.memory_space<vmem>>
      %dma_wait3A_1072 = arith.constant 0 : i32
      %dma_wait3A_1073 = arith.constant 0 : i32
      %dma_wait3A_1074 = tpu.memref_slice %arg4[%dma_wait3A_1072, %dma_wait3A_1073] : memref<32x1000000xf32, #tpu.memory_space<hbm>> -> memref<32x128xf32, #tpu.memory_space<hbm>>
      %dma_wait3A_1075 = arith.constant 0 : i32
      %dma_wait3A_1076 = arith.constant 0 : i32
      %dma_wait3A_1077 = tpu.memref_slice %arg12[%dma_wait3A_1067, %dma_wait3A_1075, %dma_wait3A_1076] : memref<16x32x128xf32, #tpu.memory_space<vmem>> -> memref<1x32x128xf32, #tpu.memory_space<vmem>>
      %dma_wait3A_1078 = tpu.memref_squeeze %dma_wait3A_1077 : memref<1x32x128xf32, #tpu.memory_space<vmem>> -> memref<32x128xf32, #tpu.memory_space<vmem>>
      %dma_wait3A_1079 = arith.constant 0 : i32
      %dma_wait3A_1080 = arith.constant 0 : i32
      %dma_wait3A_1081 = tpu.memref_slice %arg4[%dma_wait3A_1079, %dma_wait3A_1080] : memref<32x1000000xf32, #tpu.memory_space<hbm>> -> memref<32x128xf32, #tpu.memory_space<hbm>>
      tpu.wait_dma2 semaphore(%arg14 : memref<!tpu.dma_semaphore, #tpu.memory_space<semaphore_mem>>) src(%dma_wait3A_1081 : memref<32x128xf32, #tpu.memory_space<hbm>>) dst(%dma_wait3A_1078 : memref<32x128xf32, #tpu.memory_space<vmem>>)
      %slice3A_1082 = vector.extract_strided_slice %scan3A_660 {offsets = [8], sizes = [1], strides = [1]} : vector<16xi32> to vector<1xi32>
      %squeeze3A_1083 = vector.extract %slice3A_1082[0] : i32 from vector<1xi32>
      %mul3A_1084 = arith.constant 16 : i32
      %mul3A_1085 = arith.muli %scan3A_659, %mul3A_1084 : i32
      %add3A_1086 = arith.constant 8 : i32
      %add3A_1087 = arith.addi %mul3A_1085, %add3A_1086 : i32
      %and3A_1088 = arith.constant 127 : i32
      %and3A_1089 = arith.andi %squeeze3A_1083, %and3A_1088 : i32
      %broadcast_in_dim3A_1090 = vector.broadcast %and3A_1089 : i32 to vector<16xi32>
      %broadcast_in_dim3A_1091 = vector.broadcast %add3A_1087 : i32 to vector<16xi32>
      %gather3A_1092 = arith.constant 8 : i32
      %gather3A_1093 = arith.constant 0 : i32
      %gather3A_1094 = arith.constant 0 : i32
      %gather3A_1095 = tpu.memref_slice %arg12[%gather3A_1092, %gather3A_1093, %gather3A_1094] : memref<16x32x128xf32, #tpu.memory_space<vmem>> -> memref<1x32x128xf32, #tpu.memory_space<vmem>>
      %gather3A_1096 = tpu.memref_squeeze %gather3A_1095 : memref<1x32x128xf32, #tpu.memory_space<vmem>> -> memref<32x128xf32, #tpu.memory_space<vmem>>
      %gather3A_1097 = tpu.vector_load_idx %gather3A_1096[%iota3A, %broadcast_in_dim3A_1090] : memref<32x128xf32, #tpu.memory_space<vmem>>[vector<16xi32>, vector<16xi32>], vector<16xf32>,
      %gather3A_1098 = arith.constant 8 : i32
      %gather3A_1099 = arith.constant 0 : i32
      %gather3A_1100 = arith.constant 0 : i32
      %gather3A_1101 = tpu.memref_slice %arg12[%gather3A_1098, %gather3A_1099, %gather3A_1100] : memref<16x32x128xf32, #tpu.memory_space<vmem>> -> memref<1x32x128xf32, #tpu.memory_space<vmem>>
      %gather3A_1102 = tpu.memref_squeeze %gather3A_1101 : memref<1x32x128xf32, #tpu.memory_space<vmem>> -> memref<32x128xf32, #tpu.memory_space<vmem>>
      %gather3A_1103 = tpu.vector_load_idx %gather3A_1102[%add3A_3, %broadcast_in_dim3A_1090] : memref<32x128xf32, #tpu.memory_space<vmem>>[vector<16xi32>, vector<16xi32>], vector<16xf32>,
      tpu.vector_store_idx %arg10[%broadcast_in_dim3A_1091, %iota3A], %gather3A_1097 : memref<128x32xf32, #tpu.memory_space<vmem>>[vector<16xi32>, vector<16xi32>], vector<16xf32>,
      tpu.vector_store_idx %arg10[%broadcast_in_dim3A_1091, %add3A_3], %gather3A_1103 : memref<128x32xf32, #tpu.memory_space<vmem>>[vector<16xi32>, vector<16xi32>], vector<16xf32>,
      %slice3A_1104 = vector.extract_strided_slice %scan3A_660 {offsets = [9], sizes = [1], strides = [1]} : vector<16xi32> to vector<1xi32>
      %squeeze3A_1105 = vector.extract %slice3A_1104[0] : i32 from vector<1xi32>
      %mul3A_1106 = arith.constant 16 : i32
      %mul3A_1107 = arith.muli %scan3A_659, %mul3A_1106 : i32
      %add3A_1108 = arith.constant 9 : i32
      %add3A_1109 = arith.addi %mul3A_1107, %add3A_1108 : i32
      %and3A_1110 = arith.constant 127 : i32
      %and3A_1111 = arith.andi %squeeze3A_1105, %and3A_1110 : i32
      %broadcast_in_dim3A_1112 = vector.broadcast %and3A_1111 : i32 to vector<16xi32>
      %broadcast_in_dim3A_1113 = vector.broadcast %add3A_1109 : i32 to vector<16xi32>
      %gather3A_1114 = arith.constant 9 : i32
      %gather3A_1115 = arith.constant 0 : i32
      %gather3A_1116 = arith.constant 0 : i32
      %gather3A_1117 = tpu.memref_slice %arg12[%gather3A_1114, %gather3A_1115, %gather3A_1116] : memref<16x32x128xf32, #tpu.memory_space<vmem>> -> memref<1x32x128xf32, #tpu.memory_space<vmem>>
      %gather3A_1118 = tpu.memref_squeeze %gather3A_1117 : memref<1x32x128xf32, #tpu.memory_space<vmem>> -> memref<32x128xf32, #tpu.memory_space<vmem>>
      %gather3A_1119 = tpu.vector_load_idx %gather3A_1118[%iota3A, %broadcast_in_dim3A_1112] : memref<32x128xf32, #tpu.memory_space<vmem>>[vector<16xi32>, vector<16xi32>], vector<16xf32>,
      %gather3A_1120 = arith.constant 9 : i32
      %gather3A_1121 = arith.constant 0 : i32
      %gather3A_1122 = arith.constant 0 : i32
      %gather3A_1123 = tpu.memref_slice %arg12[%gather3A_1120, %gather3A_1121, %gather3A_1122] : memref<16x32x128xf32, #tpu.memory_space<vmem>> -> memref<1x32x128xf32, #tpu.memory_space<vmem>>
      %gather3A_1124 = tpu.memref_squeeze %gather3A_1123 : memref<1x32x128xf32, #tpu.memory_space<vmem>> -> memref<32x128xf32, #tpu.memory_space<vmem>>
      %gather3A_1125 = tpu.vector_load_idx %gather3A_1124[%add3A_3, %broadcast_in_dim3A_1112] : memref<32x128xf32, #tpu.memory_space<vmem>>[vector<16xi32>, vector<16xi32>], vector<16xf32>,
      tpu.vector_store_idx %arg10[%broadcast_in_dim3A_1113, %iota3A], %gather3A_1119 : memref<128x32xf32, #tpu.memory_space<vmem>>[vector<16xi32>, vector<16xi32>], vector<16xf32>,
      tpu.vector_store_idx %arg10[%broadcast_in_dim3A_1113, %add3A_3], %gather3A_1125 : memref<128x32xf32, #tpu.memory_space<vmem>>[vector<16xi32>, vector<16xi32>], vector<16xf32>,
      %slice3A_1126 = vector.extract_strided_slice %scan3A_660 {offsets = [10], sizes = [1], strides = [1]} : vector<16xi32> to vector<1xi32>
      %squeeze3A_1127 = vector.extract %slice3A_1126[0] : i32 from vector<1xi32>
      %mul3A_1128 = arith.constant 16 : i32
      %mul3A_1129 = arith.muli %scan3A_659, %mul3A_1128 : i32
      %add3A_1130 = arith.constant 10 : i32
      %add3A_1131 = arith.addi %mul3A_1129, %add3A_1130 : i32
      %and3A_1132 = arith.constant 127 : i32
      %and3A_1133 = arith.andi %squeeze3A_1127, %and3A_1132 : i32
      %broadcast_in_dim3A_1134 = vector.broadcast %and3A_1133 : i32 to vector<16xi32>
      %broadcast_in_dim3A_1135 = vector.broadcast %add3A_1131 : i32 to vector<16xi32>
      %gather3A_1136 = arith.constant 10 : i32
      %gather3A_1137 = arith.constant 0 : i32
      %gather3A_1138 = arith.constant 0 : i32
      %gather3A_1139 = tpu.memref_slice %arg12[%gather3A_1136, %gather3A_1137, %gather3A_1138] : memref<16x32x128xf32, #tpu.memory_space<vmem>> -> memref<1x32x128xf32, #tpu.memory_space<vmem>>
      %gather3A_1140 = tpu.memref_squeeze %gather3A_1139 : memref<1x32x128xf32, #tpu.memory_space<vmem>> -> memref<32x128xf32, #tpu.memory_space<vmem>>
      %gather3A_1141 = tpu.vector_load_idx %gather3A_1140[%iota3A, %broadcast_in_dim3A_1134] : memref<32x128xf32, #tpu.memory_space<vmem>>[vector<16xi32>, vector<16xi32>], vector<16xf32>,
      %gather3A_1142 = arith.constant 10 : i32
      %gather3A_1143 = arith.constant 0 : i32
      %gather3A_1144 = arith.constant 0 : i32
      %gather3A_1145 = tpu.memref_slice %arg12[%gather3A_1142, %gather3A_1143, %gather3A_1144] : memref<16x32x128xf32, #tpu.memory_space<vmem>> -> memref<1x32x128xf32, #tpu.memory_space<vmem>>
      %gather3A_1146 = tpu.memref_squeeze %gather3A_1145 : memref<1x32x128xf32, #tpu.memory_space<vmem>> -> memref<32x128xf32, #tpu.memory_space<vmem>>
      %gather3A_1147 = tpu.vector_load_idx %gather3A_1146[%add3A_3, %broadcast_in_dim3A_1134] : memref<32x128xf32, #tpu.memory_space<vmem>>[vector<16xi32>, vector<16xi32>], vector<16xf32>,
      tpu.vector_store_idx %arg10[%broadcast_in_dim3A_1135, %iota3A], %gather3A_1141 : memref<128x32xf32, #tpu.memory_space<vmem>>[vector<16xi32>, vector<16xi32>], vector<16xf32>,
      tpu.vector_store_idx %arg10[%broadcast_in_dim3A_1135, %add3A_3], %gather3A_1147 : memref<128x32xf32, #tpu.memory_space<vmem>>[vector<16xi32>, vector<16xi32>], vector<16xf32>,
      %slice3A_1148 = vector.extract_strided_slice %scan3A_660 {offsets = [11], sizes = [1], strides = [1]} : vector<16xi32> to vector<1xi32>
      %squeeze3A_1149 = vector.extract %slice3A_1148[0] : i32 from vector<1xi32>
      %mul3A_1150 = arith.constant 16 : i32
      %mul3A_1151 = arith.muli %scan3A_659, %mul3A_1150 : i32
      %add3A_1152 = arith.constant 11 : i32
      %add3A_1153 = arith.addi %mul3A_1151, %add3A_1152 : i32
      %and3A_1154 = arith.constant 127 : i32
      %and3A_1155 = arith.andi %squeeze3A_1149, %and3A_1154 : i32
      %broadcast_in_dim3A_1156 = vector.broadcast %and3A_1155 : i32 to vector<16xi32>
      %broadcast_in_dim3A_1157 = vector.broadcast %add3A_1153 : i32 to vector<16xi32>
      %gather3A_1158 = arith.constant 11 : i32
      %gather3A_1159 = arith.constant 0 : i32
      %gather3A_1160 = arith.constant 0 : i32
      %gather3A_1161 = tpu.memref_slice %arg12[%gather3A_1158, %gather3A_1159, %gather3A_1160] : memref<16x32x128xf32, #tpu.memory_space<vmem>> -> memref<1x32x128xf32, #tpu.memory_space<vmem>>
      %gather3A_1162 = tpu.memref_squeeze %gather3A_1161 : memref<1x32x128xf32, #tpu.memory_space<vmem>> -> memref<32x128xf32, #tpu.memory_space<vmem>>
      %gather3A_1163 = tpu.vector_load_idx %gather3A_1162[%iota3A, %broadcast_in_dim3A_1156] : memref<32x128xf32, #tpu.memory_space<vmem>>[vector<16xi32>, vector<16xi32>], vector<16xf32>,
      %gather3A_1164 = arith.constant 11 : i32
      %gather3A_1165 = arith.constant 0 : i32
      %gather3A_1166 = arith.constant 0 : i32
      %gather3A_1167 = tpu.memref_slice %arg12[%gather3A_1164, %gather3A_1165, %gather3A_1166] : memref<16x32x128xf32, #tpu.memory_space<vmem>> -> memref<1x32x128xf32, #tpu.memory_space<vmem>>
      %gather3A_1168 = tpu.memref_squeeze %gather3A_1167 : memref<1x32x128xf32, #tpu.memory_space<vmem>> -> memref<32x128xf32, #tpu.memory_space<vmem>>
      %gather3A_1169 = tpu.vector_load_idx %gather3A_1168[%add3A_3, %broadcast_in_dim3A_1156] : memref<32x128xf32, #tpu.memory_space<vmem>>[vector<16xi32>, vector<16xi32>], vector<16xf32>,
      tpu.vector_store_idx %arg10[%broadcast_in_dim3A_1157, %iota3A], %gather3A_1163 : memref<128x32xf32, #tpu.memory_space<vmem>>[vector<16xi32>, vector<16xi32>], vector<16xf32>,
      tpu.vector_store_idx %arg10[%broadcast_in_dim3A_1157, %add3A_3], %gather3A_1169 : memref<128x32xf32, #tpu.memory_space<vmem>>[vector<16xi32>, vector<16xi32>], vector<16xf32>,
      %slice3A_1170 = vector.extract_strided_slice %scan3A_660 {offsets = [12], sizes = [1], strides = [1]} : vector<16xi32> to vector<1xi32>
      %squeeze3A_1171 = vector.extract %slice3A_1170[0] : i32 from vector<1xi32>
      %mul3A_1172 = arith.constant 16 : i32
      %mul3A_1173 = arith.muli %scan3A_659, %mul3A_1172 : i32
      %add3A_1174 = arith.constant 12 : i32
      %add3A_1175 = arith.addi %mul3A_1173, %add3A_1174 : i32
      %and3A_1176 = arith.constant 127 : i32
      %and3A_1177 = arith.andi %squeeze3A_1171, %and3A_1176 : i32
      %broadcast_in_dim3A_1178 = vector.broadcast %and3A_1177 : i32 to vector<16xi32>
      %broadcast_in_dim3A_1179 = vector.broadcast %add3A_1175 : i32 to vector<16xi32>
      %gather3A_1180 = arith.constant 12 : i32
      %gather3A_1181 = arith.constant 0 : i32
      %gather3A_1182 = arith.constant 0 : i32
      %gather3A_1183 = tpu.memref_slice %arg12[%gather3A_1180, %gather3A_1181, %gather3A_1182] : memref<16x32x128xf32, #tpu.memory_space<vmem>> -> memref<1x32x128xf32, #tpu.memory_space<vmem>>
      %gather3A_1184 = tpu.memref_squeeze %gather3A_1183 : memref<1x32x128xf32, #tpu.memory_space<vmem>> -> memref<32x128xf32, #tpu.memory_space<vmem>>
      %gather3A_1185 = tpu.vector_load_idx %gather3A_1184[%iota3A, %broadcast_in_dim3A_1178] : memref<32x128xf32, #tpu.memory_space<vmem>>[vector<16xi32>, vector<16xi32>], vector<16xf32>,
      %gather3A_1186 = arith.constant 12 : i32
      %gather3A_1187 = arith.constant 0 : i32
      %gather3A_1188 = arith.constant 0 : i32
      %gather3A_1189 = tpu.memref_slice %arg12[%gather3A_1186, %gather3A_1187, %gather3A_1188] : memref<16x32x128xf32, #tpu.memory_space<vmem>> -> memref<1x32x128xf32, #tpu.memory_space<vmem>>
      %gather3A_1190 = tpu.memref_squeeze %gather3A_1189 : memref<1x32x128xf32, #tpu.memory_space<vmem>> -> memref<32x128xf32, #tpu.memory_space<vmem>>
      %gather3A_1191 = tpu.vector_load_idx %gather3A_1190[%add3A_3, %broadcast_in_dim3A_1178] : memref<32x128xf32, #tpu.memory_space<vmem>>[vector<16xi32>, vector<16xi32>], vector<16xf32>,
      tpu.vector_store_idx %arg10[%broadcast_in_dim3A_1179, %iota3A], %gather3A_1185 : memref<128x32xf32, #tpu.memory_space<vmem>>[vector<16xi32>, vector<16xi32>], vector<16xf32>,
      tpu.vector_store_idx %arg10[%broadcast_in_dim3A_1179, %add3A_3], %gather3A_1191 : memref<128x32xf32, #tpu.memory_space<vmem>>[vector<16xi32>, vector<16xi32>], vector<16xf32>,
      %slice3A_1192 = vector.extract_strided_slice %scan3A_660 {offsets = [13], sizes = [1], strides = [1]} : vector<16xi32> to vector<1xi32>
      %squeeze3A_1193 = vector.extract %slice3A_1192[0] : i32 from vector<1xi32>
      %mul3A_1194 = arith.constant 16 : i32
      %mul3A_1195 = arith.muli %scan3A_659, %mul3A_1194 : i32
      %add3A_1196 = arith.constant 13 : i32
      %add3A_1197 = arith.addi %mul3A_1195, %add3A_1196 : i32
      %and3A_1198 = arith.constant 127 : i32
      %and3A_1199 = arith.andi %squeeze3A_1193, %and3A_1198 : i32
      %broadcast_in_dim3A_1200 = vector.broadcast %and3A_1199 : i32 to vector<16xi32>
      %broadcast_in_dim3A_1201 = vector.broadcast %add3A_1197 : i32 to vector<16xi32>
      %gather3A_1202 = arith.constant 13 : i32
      %gather3A_1203 = arith.constant 0 : i32
      %gather3A_1204 = arith.constant 0 : i32
      %gather3A_1205 = tpu.memref_slice %arg12[%gather3A_1202, %gather3A_1203, %gather3A_1204] : memref<16x32x128xf32, #tpu.memory_space<vmem>> -> memref<1x32x128xf32, #tpu.memory_space<vmem>>
      %gather3A_1206 = tpu.memref_squeeze %gather3A_1205 : memref<1x32x128xf32, #tpu.memory_space<vmem>> -> memref<32x128xf32, #tpu.memory_space<vmem>>
      %gather3A_1207 = tpu.vector_load_idx %gather3A_1206[%iota3A, %broadcast_in_dim3A_1200] : memref<32x128xf32, #tpu.memory_space<vmem>>[vector<16xi32>, vector<16xi32>], vector<16xf32>,
      %gather3A_1208 = arith.constant 13 : i32
      %gather3A_1209 = arith.constant 0 : i32
      %gather3A_1210 = arith.constant 0 : i32
      %gather3A_1211 = tpu.memref_slice %arg12[%gather3A_1208, %gather3A_1209, %gather3A_1210] : memref<16x32x128xf32, #tpu.memory_space<vmem>> -> memref<1x32x128xf32, #tpu.memory_space<vmem>>
      %gather3A_1212 = tpu.memref_squeeze %gather3A_1211 : memref<1x32x128xf32, #tpu.memory_space<vmem>> -> memref<32x128xf32, #tpu.memory_space<vmem>>
      %gather3A_1213 = tpu.vector_load_idx %gather3A_1212[%add3A_3, %broadcast_in_dim3A_1200] : memref<32x128xf32, #tpu.memory_space<vmem>>[vector<16xi32>, vector<16xi32>], vector<16xf32>,
      tpu.vector_store_idx %arg10[%broadcast_in_dim3A_1201, %iota3A], %gather3A_1207 : memref<128x32xf32, #tpu.memory_space<vmem>>[vector<16xi32>, vector<16xi32>], vector<16xf32>,
      tpu.vector_store_idx %arg10[%broadcast_in_dim3A_1201, %add3A_3], %gather3A_1213 : memref<128x32xf32, #tpu.memory_space<vmem>>[vector<16xi32>, vector<16xi32>], vector<16xf32>,
      %slice3A_1214 = vector.extract_strided_slice %scan3A_660 {offsets = [14], sizes = [1], strides = [1]} : vector<16xi32> to vector<1xi32>
      %squeeze3A_1215 = vector.extract %slice3A_1214[0] : i32 from vector<1xi32>
      %mul3A_1216 = arith.constant 16 : i32
      %mul3A_1217 = arith.muli %scan3A_659, %mul3A_1216 : i32
      %add3A_1218 = arith.constant 14 : i32
      %add3A_1219 = arith.addi %mul3A_1217, %add3A_1218 : i32
      %and3A_1220 = arith.constant 127 : i32
      %and3A_1221 = arith.andi %squeeze3A_1215, %and3A_1220 : i32
      %broadcast_in_dim3A_1222 = vector.broadcast %and3A_1221 : i32 to vector<16xi32>
      %broadcast_in_dim3A_1223 = vector.broadcast %add3A_1219 : i32 to vector<16xi32>
      %gather3A_1224 = arith.constant 14 : i32
      %gather3A_1225 = arith.constant 0 : i32
      %gather3A_1226 = arith.constant 0 : i32
      %gather3A_1227 = tpu.memref_slice %arg12[%gather3A_1224, %gather3A_1225, %gather3A_1226] : memref<16x32x128xf32, #tpu.memory_space<vmem>> -> memref<1x32x128xf32, #tpu.memory_space<vmem>>
      %gather3A_1228 = tpu.memref_squeeze %gather3A_1227 : memref<1x32x128xf32, #tpu.memory_space<vmem>> -> memref<32x128xf32, #tpu.memory_space<vmem>>
      %gather3A_1229 = tpu.vector_load_idx %gather3A_1228[%iota3A, %broadcast_in_dim3A_1222] : memref<32x128xf32, #tpu.memory_space<vmem>>[vector<16xi32>, vector<16xi32>], vector<16xf32>,
      %gather3A_1230 = arith.constant 14 : i32
      %gather3A_1231 = arith.constant 0 : i32
      %gather3A_1232 = arith.constant 0 : i32
      %gather3A_1233 = tpu.memref_slice %arg12[%gather3A_1230, %gather3A_1231, %gather3A_1232] : memref<16x32x128xf32, #tpu.memory_space<vmem>> -> memref<1x32x128xf32, #tpu.memory_space<vmem>>
      %gather3A_1234 = tpu.memref_squeeze %gather3A_1233 : memref<1x32x128xf32, #tpu.memory_space<vmem>> -> memref<32x128xf32, #tpu.memory_space<vmem>>
      %gather3A_1235 = tpu.vector_load_idx %gather3A_1234[%add3A_3, %broadcast_in_dim3A_1222] : memref<32x128xf32, #tpu.memory_space<vmem>>[vector<16xi32>, vector<16xi32>], vector<16xf32>,
      tpu.vector_store_idx %arg10[%broadcast_in_dim3A_1223, %iota3A], %gather3A_1229 : memref<128x32xf32, #tpu.memory_space<vmem>>[vector<16xi32>, vector<16xi32>], vector<16xf32>,
      tpu.vector_store_idx %arg10[%broadcast_in_dim3A_1223, %add3A_3], %gather3A_1235 : memref<128x32xf32, #tpu.memory_space<vmem>>[vector<16xi32>, vector<16xi32>], vector<16xf32>,
      %slice3A_1236 = vector.extract_strided_slice %scan3A_660 {offsets = [15], sizes = [1], strides = [1]} : vector<16xi32> to vector<1xi32>
      %squeeze3A_1237 = vector.extract %slice3A_1236[0] : i32 from vector<1xi32>
      %mul3A_1238 = arith.constant 16 : i32
      %mul3A_1239 = arith.muli %scan3A_659, %mul3A_1238 : i32
      %add3A_1240 = arith.constant 15 : i32
      %add3A_1241 = arith.addi %mul3A_1239, %add3A_1240 : i32
      %and3A_1242 = arith.constant 127 : i32
      %and3A_1243 = arith.andi %squeeze3A_1237, %and3A_1242 : i32
      %broadcast_in_dim3A_1244 = vector.broadcast %and3A_1243 : i32 to vector<16xi32>
      %broadcast_in_dim3A_1245 = vector.broadcast %add3A_1241 : i32 to vector<16xi32>
      %gather3A_1246 = arith.constant 15 : i32
      %gather3A_1247 = arith.constant 0 : i32
      %gather3A_1248 = arith.constant 0 : i32
      %gather3A_1249 = tpu.memref_slice %arg12[%gather3A_1246, %gather3A_1247, %gather3A_1248] : memref<16x32x128xf32, #tpu.memory_space<vmem>> -> memref<1x32x128xf32, #tpu.memory_space<vmem>>
      %gather3A_1250 = tpu.memref_squeeze %gather3A_1249 : memref<1x32x128xf32, #tpu.memory_space<vmem>> -> memref<32x128xf32, #tpu.memory_space<vmem>>
      %gather3A_1251 = tpu.vector_load_idx %gather3A_1250[%iota3A, %broadcast_in_dim3A_1244] : memref<32x128xf32, #tpu.memory_space<vmem>>[vector<16xi32>, vector<16xi32>], vector<16xf32>,
      %gather3A_1252 = arith.constant 15 : i32
      %gather3A_1253 = arith.constant 0 : i32
      %gather3A_1254 = arith.constant 0 : i32
      %gather3A_1255 = tpu.memref_slice %arg12[%gather3A_1252, %gather3A_1253, %gather3A_1254] : memref<16x32x128xf32, #tpu.memory_space<vmem>> -> memref<1x32x128xf32, #tpu.memory_space<vmem>>
      %gather3A_1256 = tpu.memref_squeeze %gather3A_1255 : memref<1x32x128xf32, #tpu.memory_space<vmem>> -> memref<32x128xf32, #tpu.memory_space<vmem>>
      %gather3A_1257 = tpu.vector_load_idx %gather3A_1256[%add3A_3, %broadcast_in_dim3A_1244] : memref<32x128xf32, #tpu.memory_space<vmem>>[vector<16xi32>, vector<16xi32>], vector<16xf32>,
      tpu.vector_store_idx %arg10[%broadcast_in_dim3A_1245, %iota3A], %gather3A_1251 : memref<128x32xf32, #tpu.memory_space<vmem>>[vector<16xi32>, vector<16xi32>], vector<16xf32>,
      tpu.vector_store_idx %arg10[%broadcast_in_dim3A_1245, %add3A_3], %gather3A_1257 : memref<128x32xf32, #tpu.memory_space<vmem>>[vector<16xi32>, vector<16xi32>], vector<16xf32>,
      %convert_element_type3A_1258 = arith.extui %lt3A_668 : i1 to i32
      %cond3A_1259 = arith.constant 0 : i32
      %cond3A_1260 = arith.cmpi ne, %convert_element_type3A_1258, %cond3A_1259 : i32
      scf.if %cond3A_1260 {
        %slice3A_1261 = vector.extract_strided_slice %get3A_667 {offsets = [8], sizes = [1], strides = [1]} : vector<16xi32> to vector<1xi32>
        %squeeze3A_1262 = vector.extract %slice3A_1261[0] : i32 from vector<1xi32>
        %shift_right_arithmetic3A_1263 = arith.constant 7 : i32
        %shift_right_arithmetic3A_1264 = arith.shrsi %squeeze3A_1262, %shift_right_arithmetic3A_1263 : i32
        %mul3A_1265 = arith.constant 128 : i32
        %mul3A_1266 = arith.muli %shift_right_arithmetic3A_1264, %mul3A_1265 : i32
        %multiple_of3A_1267 = tpu.assume_multiple %mul3A_1266, 128 : i32
        %dma_start3A_1268 = arith.constant 8 : i32
        %dma_start3A_1269 = arith.constant 0 : i32
        %dma_start3A_1270 = arith.constant 0 : i32
        %dma_start3A_1271 = tpu.memref_slice %arg12[%dma_start3A_1268, %dma_start3A_1269, %dma_start3A_1270] : memref<16x32x128xf32, #tpu.memory_space<vmem>> -> memref<1x32x128xf32, #tpu.memory_space<vmem>>
        %dma_start3A_1272 = tpu.memref_squeeze %dma_start3A_1271 : memref<1x32x128xf32, #tpu.memory_space<vmem>> -> memref<32x128xf32, #tpu.memory_space<vmem>>
        %dma_start3A_1273 = arith.constant 0 : i32
        %dma_start3A_1274 = tpu.memref_slice %arg4[%dma_start3A_1273, %multiple_of3A_1267] : memref<32x1000000xf32, #tpu.memory_space<hbm>> -> memref<32x128xf32, #tpu.memory_space<hbm>>
        %dma_start3A_1275 = arith.constant 0 : i32
        %dma_start3A_1276 = arith.constant 0 : i32
        %dma_start3A_1277 = tpu.memref_slice %arg12[%dma_start3A_1268, %dma_start3A_1275, %dma_start3A_1276] : memref<16x32x128xf32, #tpu.memory_space<vmem>> -> memref<1x32x128xf32, #tpu.memory_space<vmem>>
        %dma_start3A_1278 = tpu.memref_squeeze %dma_start3A_1277 : memref<1x32x128xf32, #tpu.memory_space<vmem>> -> memref<32x128xf32, #tpu.memory_space<vmem>>
        %dma_start3A_1279 = arith.constant 0 : i32
        %dma_start3A_1280 = tpu.memref_slice %arg4[%dma_start3A_1279, %multiple_of3A_1267] : memref<32x1000000xf32, #tpu.memory_space<hbm>> -> memref<32x128xf32, #tpu.memory_space<hbm>>
        tpu.enqueue_dma source(%dma_start3A_1280 : memref<32x128xf32, #tpu.memory_space<hbm>>) target(%dma_start3A_1278 : memref<32x128xf32, #tpu.memory_space<vmem>>) target_semaphore(%arg14 : memref<!tpu.dma_semaphore, #tpu.memory_space<semaphore_mem>>)
        %slice3A_1281 = vector.extract_strided_slice %get3A_667 {offsets = [9], sizes = [1], strides = [1]} : vector<16xi32> to vector<1xi32>
        %squeeze3A_1282 = vector.extract %slice3A_1281[0] : i32 from vector<1xi32>
        %shift_right_arithmetic3A_1283 = arith.constant 7 : i32
        %shift_right_arithmetic3A_1284 = arith.shrsi %squeeze3A_1282, %shift_right_arithmetic3A_1283 : i32
        %mul3A_1285 = arith.constant 128 : i32
        %mul3A_1286 = arith.muli %shift_right_arithmetic3A_1284, %mul3A_1285 : i32
        %multiple_of3A_1287 = tpu.assume_multiple %mul3A_1286, 128 : i32
        %dma_start3A_1288 = arith.constant 9 : i32
        %dma_start3A_1289 = arith.constant 0 : i32
        %dma_start3A_1290 = arith.constant 0 : i32
        %dma_start3A_1291 = tpu.memref_slice %arg12[%dma_start3A_1288, %dma_start3A_1289, %dma_start3A_1290] : memref<16x32x128xf32, #tpu.memory_space<vmem>> -> memref<1x32x128xf32, #tpu.memory_space<vmem>>
        %dma_start3A_1292 = tpu.memref_squeeze %dma_start3A_1291 : memref<1x32x128xf32, #tpu.memory_space<vmem>> -> memref<32x128xf32, #tpu.memory_space<vmem>>
        %dma_start3A_1293 = arith.constant 0 : i32
        %dma_start3A_1294 = tpu.memref_slice %arg4[%dma_start3A_1293, %multiple_of3A_1287] : memref<32x1000000xf32, #tpu.memory_space<hbm>> -> memref<32x128xf32, #tpu.memory_space<hbm>>
        %dma_start3A_1295 = arith.constant 0 : i32
        %dma_start3A_1296 = arith.constant 0 : i32
        %dma_start3A_1297 = tpu.memref_slice %arg12[%dma_start3A_1288, %dma_start3A_1295, %dma_start3A_1296] : memref<16x32x128xf32, #tpu.memory_space<vmem>> -> memref<1x32x128xf32, #tpu.memory_space<vmem>>
        %dma_start3A_1298 = tpu.memref_squeeze %dma_start3A_1297 : memref<1x32x128xf32, #tpu.memory_space<vmem>> -> memref<32x128xf32, #tpu.memory_space<vmem>>
        %dma_start3A_1299 = arith.constant 0 : i32
        %dma_start3A_1300 = tpu.memref_slice %arg4[%dma_start3A_1299, %multiple_of3A_1287] : memref<32x1000000xf32, #tpu.memory_space<hbm>> -> memref<32x128xf32, #tpu.memory_space<hbm>>
        tpu.enqueue_dma source(%dma_start3A_1300 : memref<32x128xf32, #tpu.memory_space<hbm>>) target(%dma_start3A_1298 : memref<32x128xf32, #tpu.memory_space<vmem>>) target_semaphore(%arg14 : memref<!tpu.dma_semaphore, #tpu.memory_space<semaphore_mem>>)
        %slice3A_1301 = vector.extract_strided_slice %get3A_667 {offsets = [10], sizes = [1], strides = [1]} : vector<16xi32> to vector<1xi32>
        %squeeze3A_1302 = vector.extract %slice3A_1301[0] : i32 from vector<1xi32>
        %shift_right_arithmetic3A_1303 = arith.constant 7 : i32
        %shift_right_arithmetic3A_1304 = arith.shrsi %squeeze3A_1302, %shift_right_arithmetic3A_1303 : i32
        %mul3A_1305 = arith.constant 128 : i32
        %mul3A_1306 = arith.muli %shift_right_arithmetic3A_1304, %mul3A_1305 : i32
        %multiple_of3A_1307 = tpu.assume_multiple %mul3A_1306, 128 : i32
        %dma_start3A_1308 = arith.constant 10 : i32
        %dma_start3A_1309 = arith.constant 0 : i32
        %dma_start3A_1310 = arith.constant 0 : i32
        %dma_start3A_1311 = tpu.memref_slice %arg12[%dma_start3A_1308, %dma_start3A_1309, %dma_start3A_1310] : memref<16x32x128xf32, #tpu.memory_space<vmem>> -> memref<1x32x128xf32, #tpu.memory_space<vmem>>
        %dma_start3A_1312 = tpu.memref_squeeze %dma_start3A_1311 : memref<1x32x128xf32, #tpu.memory_space<vmem>> -> memref<32x128xf32, #tpu.memory_space<vmem>>
        %dma_start3A_1313 = arith.constant 0 : i32
        %dma_start3A_1314 = tpu.memref_slice %arg4[%dma_start3A_1313, %multiple_of3A_1307] : memref<32x1000000xf32, #tpu.memory_space<hbm>> -> memref<32x128xf32, #tpu.memory_space<hbm>>
        %dma_start3A_1315 = arith.constant 0 : i32
        %dma_start3A_1316 = arith.constant 0 : i32
        %dma_start3A_1317 = tpu.memref_slice %arg12[%dma_start3A_1308, %dma_start3A_1315, %dma_start3A_1316] : memref<16x32x128xf32, #tpu.memory_space<vmem>> -> memref<1x32x128xf32, #tpu.memory_space<vmem>>
        %dma_start3A_1318 = tpu.memref_squeeze %dma_start3A_1317 : memref<1x32x128xf32, #tpu.memory_space<vmem>> -> memref<32x128xf32, #tpu.memory_space<vmem>>
        %dma_start3A_1319 = arith.constant 0 : i32
        %dma_start3A_1320 = tpu.memref_slice %arg4[%dma_start3A_1319, %multiple_of3A_1307] : memref<32x1000000xf32, #tpu.memory_space<hbm>> -> memref<32x128xf32, #tpu.memory_space<hbm>>
        tpu.enqueue_dma source(%dma_start3A_1320 : memref<32x128xf32, #tpu.memory_space<hbm>>) target(%dma_start3A_1318 : memref<32x128xf32, #tpu.memory_space<vmem>>) target_semaphore(%arg14 : memref<!tpu.dma_semaphore, #tpu.memory_space<semaphore_mem>>)
        %slice3A_1321 = vector.extract_strided_slice %get3A_667 {offsets = [11], sizes = [1], strides = [1]} : vector<16xi32> to vector<1xi32>
        %squeeze3A_1322 = vector.extract %slice3A_1321[0] : i32 from vector<1xi32>
        %shift_right_arithmetic3A_1323 = arith.constant 7 : i32
        %shift_right_arithmetic3A_1324 = arith.shrsi %squeeze3A_1322, %shift_right_arithmetic3A_1323 : i32
        %mul3A_1325 = arith.constant 128 : i32
        %mul3A_1326 = arith.muli %shift_right_arithmetic3A_1324, %mul3A_1325 : i32
        %multiple_of3A_1327 = tpu.assume_multiple %mul3A_1326, 128 : i32
        %dma_start3A_1328 = arith.constant 11 : i32
        %dma_start3A_1329 = arith.constant 0 : i32
        %dma_start3A_1330 = arith.constant 0 : i32
        %dma_start3A_1331 = tpu.memref_slice %arg12[%dma_start3A_1328, %dma_start3A_1329, %dma_start3A_1330] : memref<16x32x128xf32, #tpu.memory_space<vmem>> -> memref<1x32x128xf32, #tpu.memory_space<vmem>>
        %dma_start3A_1332 = tpu.memref_squeeze %dma_start3A_1331 : memref<1x32x128xf32, #tpu.memory_space<vmem>> -> memref<32x128xf32, #tpu.memory_space<vmem>>
        %dma_start3A_1333 = arith.constant 0 : i32
        %dma_start3A_1334 = tpu.memref_slice %arg4[%dma_start3A_1333, %multiple_of3A_1327] : memref<32x1000000xf32, #tpu.memory_space<hbm>> -> memref<32x128xf32, #tpu.memory_space<hbm>>
        %dma_start3A_1335 = arith.constant 0 : i32
        %dma_start3A_1336 = arith.constant 0 : i32
        %dma_start3A_1337 = tpu.memref_slice %arg12[%dma_start3A_1328, %dma_start3A_1335, %dma_start3A_1336] : memref<16x32x128xf32, #tpu.memory_space<vmem>> -> memref<1x32x128xf32, #tpu.memory_space<vmem>>
        %dma_start3A_1338 = tpu.memref_squeeze %dma_start3A_1337 : memref<1x32x128xf32, #tpu.memory_space<vmem>> -> memref<32x128xf32, #tpu.memory_space<vmem>>
        %dma_start3A_1339 = arith.constant 0 : i32
        %dma_start3A_1340 = tpu.memref_slice %arg4[%dma_start3A_1339, %multiple_of3A_1327] : memref<32x1000000xf32, #tpu.memory_space<hbm>> -> memref<32x128xf32, #tpu.memory_space<hbm>>
        tpu.enqueue_dma source(%dma_start3A_1340 : memref<32x128xf32, #tpu.memory_space<hbm>>) target(%dma_start3A_1338 : memref<32x128xf32, #tpu.memory_space<vmem>>) target_semaphore(%arg14 : memref<!tpu.dma_semaphore, #tpu.memory_space<semaphore_mem>>)
        %slice3A_1341 = vector.extract_strided_slice %get3A_667 {offsets = [12], sizes = [1], strides = [1]} : vector<16xi32> to vector<1xi32>
        %squeeze3A_1342 = vector.extract %slice3A_1341[0] : i32 from vector<1xi32>
        %shift_right_arithmetic3A_1343 = arith.constant 7 : i32
        %shift_right_arithmetic3A_1344 = arith.shrsi %squeeze3A_1342, %shift_right_arithmetic3A_1343 : i32
        %mul3A_1345 = arith.constant 128 : i32
        %mul3A_1346 = arith.muli %shift_right_arithmetic3A_1344, %mul3A_1345 : i32
        %multiple_of3A_1347 = tpu.assume_multiple %mul3A_1346, 128 : i32
        %dma_start3A_1348 = arith.constant 12 : i32
        %dma_start3A_1349 = arith.constant 0 : i32
        %dma_start3A_1350 = arith.constant 0 : i32
        %dma_start3A_1351 = tpu.memref_slice %arg12[%dma_start3A_1348, %dma_start3A_1349, %dma_start3A_1350] : memref<16x32x128xf32, #tpu.memory_space<vmem>> -> memref<1x32x128xf32, #tpu.memory_space<vmem>>
        %dma_start3A_1352 = tpu.memref_squeeze %dma_start3A_1351 : memref<1x32x128xf32, #tpu.memory_space<vmem>> -> memref<32x128xf32, #tpu.memory_space<vmem>>
        %dma_start3A_1353 = arith.constant 0 : i32
        %dma_start3A_1354 = tpu.memref_slice %arg4[%dma_start3A_1353, %multiple_of3A_1347] : memref<32x1000000xf32, #tpu.memory_space<hbm>> -> memref<32x128xf32, #tpu.memory_space<hbm>>
        %dma_start3A_1355 = arith.constant 0 : i32
        %dma_start3A_1356 = arith.constant 0 : i32
        %dma_start3A_1357 = tpu.memref_slice %arg12[%dma_start3A_1348, %dma_start3A_1355, %dma_start3A_1356] : memref<16x32x128xf32, #tpu.memory_space<vmem>> -> memref<1x32x128xf32, #tpu.memory_space<vmem>>
        %dma_start3A_1358 = tpu.memref_squeeze %dma_start3A_1357 : memref<1x32x128xf32, #tpu.memory_space<vmem>> -> memref<32x128xf32, #tpu.memory_space<vmem>>
        %dma_start3A_1359 = arith.constant 0 : i32
        %dma_start3A_1360 = tpu.memref_slice %arg4[%dma_start3A_1359, %multiple_of3A_1347] : memref<32x1000000xf32, #tpu.memory_space<hbm>> -> memref<32x128xf32, #tpu.memory_space<hbm>>
        tpu.enqueue_dma source(%dma_start3A_1360 : memref<32x128xf32, #tpu.memory_space<hbm>>) target(%dma_start3A_1358 : memref<32x128xf32, #tpu.memory_space<vmem>>) target_semaphore(%arg14 : memref<!tpu.dma_semaphore, #tpu.memory_space<semaphore_mem>>)
        %slice3A_1361 = vector.extract_strided_slice %get3A_667 {offsets = [13], sizes = [1], strides = [1]} : vector<16xi32> to vector<1xi32>
        %squeeze3A_1362 = vector.extract %slice3A_1361[0] : i32 from vector<1xi32>
        %shift_right_arithmetic3A_1363 = arith.constant 7 : i32
        %shift_right_arithmetic3A_1364 = arith.shrsi %squeeze3A_1362, %shift_right_arithmetic3A_1363 : i32
        %mul3A_1365 = arith.constant 128 : i32
        %mul3A_1366 = arith.muli %shift_right_arithmetic3A_1364, %mul3A_1365 : i32
        %multiple_of3A_1367 = tpu.assume_multiple %mul3A_1366, 128 : i32
        %dma_start3A_1368 = arith.constant 13 : i32
        %dma_start3A_1369 = arith.constant 0 : i32
        %dma_start3A_1370 = arith.constant 0 : i32
        %dma_start3A_1371 = tpu.memref_slice %arg12[%dma_start3A_1368, %dma_start3A_1369, %dma_start3A_1370] : memref<16x32x128xf32, #tpu.memory_space<vmem>> -> memref<1x32x128xf32, #tpu.memory_space<vmem>>
        %dma_start3A_1372 = tpu.memref_squeeze %dma_start3A_1371 : memref<1x32x128xf32, #tpu.memory_space<vmem>> -> memref<32x128xf32, #tpu.memory_space<vmem>>
        %dma_start3A_1373 = arith.constant 0 : i32
        %dma_start3A_1374 = tpu.memref_slice %arg4[%dma_start3A_1373, %multiple_of3A_1367] : memref<32x1000000xf32, #tpu.memory_space<hbm>> -> memref<32x128xf32, #tpu.memory_space<hbm>>
        %dma_start3A_1375 = arith.constant 0 : i32
        %dma_start3A_1376 = arith.constant 0 : i32
        %dma_start3A_1377 = tpu.memref_slice %arg12[%dma_start3A_1368, %dma_start3A_1375, %dma_start3A_1376] : memref<16x32x128xf32, #tpu.memory_space<vmem>> -> memref<1x32x128xf32, #tpu.memory_space<vmem>>
        %dma_start3A_1378 = tpu.memref_squeeze %dma_start3A_1377 : memref<1x32x128xf32, #tpu.memory_space<vmem>> -> memref<32x128xf32, #tpu.memory_space<vmem>>
        %dma_start3A_1379 = arith.constant 0 : i32
        %dma_start3A_1380 = tpu.memref_slice %arg4[%dma_start3A_1379, %multiple_of3A_1367] : memref<32x1000000xf32, #tpu.memory_space<hbm>> -> memref<32x128xf32, #tpu.memory_space<hbm>>
        tpu.enqueue_dma source(%dma_start3A_1380 : memref<32x128xf32, #tpu.memory_space<hbm>>) target(%dma_start3A_1378 : memref<32x128xf32, #tpu.memory_space<vmem>>) target_semaphore(%arg14 : memref<!tpu.dma_semaphore, #tpu.memory_space<semaphore_mem>>)
        %slice3A_1381 = vector.extract_strided_slice %get3A_667 {offsets = [14], sizes = [1], strides = [1]} : vector<16xi32> to vector<1xi32>
        %squeeze3A_1382 = vector.extract %slice3A_1381[0] : i32 from vector<1xi32>
        %shift_right_arithmetic3A_1383 = arith.constant 7 : i32
        %shift_right_arithmetic3A_1384 = arith.shrsi %squeeze3A_1382, %shift_right_arithmetic3A_1383 : i32
        %mul3A_1385 = arith.constant 128 : i32
        %mul3A_1386 = arith.muli %shift_right_arithmetic3A_1384, %mul3A_1385 : i32
        %multiple_of3A_1387 = tpu.assume_multiple %mul3A_1386, 128 : i32
        %dma_start3A_1388 = arith.constant 14 : i32
        %dma_start3A_1389 = arith.constant 0 : i32
        %dma_start3A_1390 = arith.constant 0 : i32
        %dma_start3A_1391 = tpu.memref_slice %arg12[%dma_start3A_1388, %dma_start3A_1389, %dma_start3A_1390] : memref<16x32x128xf32, #tpu.memory_space<vmem>> -> memref<1x32x128xf32, #tpu.memory_space<vmem>>
        %dma_start3A_1392 = tpu.memref_squeeze %dma_start3A_1391 : memref<1x32x128xf32, #tpu.memory_space<vmem>> -> memref<32x128xf32, #tpu.memory_space<vmem>>
        %dma_start3A_1393 = arith.constant 0 : i32
        %dma_start3A_1394 = tpu.memref_slice %arg4[%dma_start3A_1393, %multiple_of3A_1387] : memref<32x1000000xf32, #tpu.memory_space<hbm>> -> memref<32x128xf32, #tpu.memory_space<hbm>>
        %dma_start3A_1395 = arith.constant 0 : i32
        %dma_start3A_1396 = arith.constant 0 : i32
        %dma_start3A_1397 = tpu.memref_slice %arg12[%dma_start3A_1388, %dma_start3A_1395, %dma_start3A_1396] : memref<16x32x128xf32, #tpu.memory_space<vmem>> -> memref<1x32x128xf32, #tpu.memory_space<vmem>>
        %dma_start3A_1398 = tpu.memref_squeeze %dma_start3A_1397 : memref<1x32x128xf32, #tpu.memory_space<vmem>> -> memref<32x128xf32, #tpu.memory_space<vmem>>
        %dma_start3A_1399 = arith.constant 0 : i32
        %dma_start3A_1400 = tpu.memref_slice %arg4[%dma_start3A_1399, %multiple_of3A_1387] : memref<32x1000000xf32, #tpu.memory_space<hbm>> -> memref<32x128xf32, #tpu.memory_space<hbm>>
        tpu.enqueue_dma source(%dma_start3A_1400 : memref<32x128xf32, #tpu.memory_space<hbm>>) target(%dma_start3A_1398 : memref<32x128xf32, #tpu.memory_space<vmem>>) target_semaphore(%arg14 : memref<!tpu.dma_semaphore, #tpu.memory_space<semaphore_mem>>)
        %slice3A_1401 = vector.extract_strided_slice %get3A_667 {offsets = [15], sizes = [1], strides = [1]} : vector<16xi32> to vector<1xi32>
        %squeeze3A_1402 = vector.extract %slice3A_1401[0] : i32 from vector<1xi32>
        %shift_right_arithmetic3A_1403 = arith.constant 7 : i32
        %shift_right_arithmetic3A_1404 = arith.shrsi %squeeze3A_1402, %shift_right_arithmetic3A_1403 : i32
        %mul3A_1405 = arith.constant 128 : i32
        %mul3A_1406 = arith.muli %shift_right_arithmetic3A_1404, %mul3A_1405 : i32
        %multiple_of3A_1407 = tpu.assume_multiple %mul3A_1406, 128 : i32
        %dma_start3A_1408 = arith.constant 15 : i32
        %dma_start3A_1409 = arith.constant 0 : i32
        %dma_start3A_1410 = arith.constant 0 : i32
        %dma_start3A_1411 = tpu.memref_slice %arg12[%dma_start3A_1408, %dma_start3A_1409, %dma_start3A_1410] : memref<16x32x128xf32, #tpu.memory_space<vmem>> -> memref<1x32x128xf32, #tpu.memory_space<vmem>>
        %dma_start3A_1412 = tpu.memref_squeeze %dma_start3A_1411 : memref<1x32x128xf32, #tpu.memory_space<vmem>> -> memref<32x128xf32, #tpu.memory_space<vmem>>
        %dma_start3A_1413 = arith.constant 0 : i32
        %dma_start3A_1414 = tpu.memref_slice %arg4[%dma_start3A_1413, %multiple_of3A_1407] : memref<32x1000000xf32, #tpu.memory_space<hbm>> -> memref<32x128xf32, #tpu.memory_space<hbm>>
        %dma_start3A_1415 = arith.constant 0 : i32
        %dma_start3A_1416 = arith.constant 0 : i32
        %dma_start3A_1417 = tpu.memref_slice %arg12[%dma_start3A_1408, %dma_start3A_1415, %dma_start3A_1416] : memref<16x32x128xf32, #tpu.memory_space<vmem>> -> memref<1x32x128xf32, #tpu.memory_space<vmem>>
        %dma_start3A_1418 = tpu.memref_squeeze %dma_start3A_1417 : memref<1x32x128xf32, #tpu.memory_space<vmem>> -> memref<32x128xf32, #tpu.memory_space<vmem>>
        %dma_start3A_1419 = arith.constant 0 : i32
        %dma_start3A_1420 = tpu.memref_slice %arg4[%dma_start3A_1419, %multiple_of3A_1407] : memref<32x1000000xf32, #tpu.memory_space<hbm>> -> memref<32x128xf32, #tpu.memory_space<hbm>>
        tpu.enqueue_dma source(%dma_start3A_1420 : memref<32x128xf32, #tpu.memory_space<hbm>>) target(%dma_start3A_1418 : memref<32x128xf32, #tpu.memory_space<vmem>>) target_semaphore(%arg14 : memref<!tpu.dma_semaphore, #tpu.memory_space<semaphore_mem>>)
      } else {
      }
      scf.yield %get3A_667 : vector<16xi32>
    }
    %scan3A_327 = arith.constant 8 : i32
    "tpu.region"() ({
      %run_scoped3A = tpu.sem_alloc : memref<!tpu.dma_semaphore, #tpu.memory_space<semaphore_mem>>
      %dma_start3A_659 = arith.constant 0 : i32
      %dma_start3A_660 = tpu.memref_slice %arg6[%multiple_of3A, %dma_start3A_659] : memref<4096x32xf32, #tpu.memory_space<hbm>> -> memref<128x32xf32, #tpu.memory_space<hbm>>
      %dma_start3A_661 = arith.constant 0 : i32
      %dma_start3A_662 = tpu.memref_slice %arg6[%multiple_of3A, %dma_start3A_661] : memref<4096x32xf32, #tpu.memory_space<hbm>> -> memref<128x32xf32, #tpu.memory_space<hbm>>
      tpu.enqueue_dma source(%arg10 : memref<128x32xf32, #tpu.memory_space<vmem>>) target(%dma_start3A_662 : memref<128x32xf32, #tpu.memory_space<hbm>>) target_semaphore(%run_scoped3A : memref<!tpu.dma_semaphore, #tpu.memory_space<semaphore_mem>>)
      %dma_wait3A = arith.constant 0 : i32
      %dma_wait3A_663 = tpu.memref_slice %arg6[%multiple_of3A, %dma_wait3A] : memref<4096x32xf32, #tpu.memory_space<hbm>> -> memref<128x32xf32, #tpu.memory_space<hbm>>
      %dma_wait3A_664 = arith.constant 0 : i32
      %dma_wait3A_665 = tpu.memref_slice %arg6[%multiple_of3A, %dma_wait3A_664] : memref<4096x32xf32, #tpu.memory_space<hbm>> -> memref<128x32xf32, #tpu.memory_space<hbm>>
      tpu.wait_dma2 semaphore(%run_scoped3A : memref<!tpu.dma_semaphore, #tpu.memory_space<semaphore_mem>>) src(%arg10 : memref<128x32xf32, #tpu.memory_space<vmem>>) dst(%dma_wait3A_665 : memref<128x32xf32, #tpu.memory_space<hbm>>)
      tpu.yield
    }) : () -> ()
    %mul3A_328 = arith.constant 64 : i32
    %mul3A_329 = arith.muli %add3A, %mul3A_328 : i32
    %multiple_of3A_330 = tpu.assume_multiple %mul3A_329, 16 : i32
    "tpu.region"() ({
      %run_scoped3A = tpu.sem_alloc : memref<!tpu.dma_semaphore, #tpu.memory_space<semaphore_mem>>
      %dma_start3A_659 = tpu.memref_slice %arg3[%multiple_of3A_330] : memref<2048xi32, #tpu.memory_space<hbm>> -> memref<64xi32, #tpu.memory_space<hbm>>
      %dma_start3A_660 = tpu.memref_slice %arg3[%multiple_of3A_330] : memref<2048xi32, #tpu.memory_space<hbm>> -> memref<64xi32, #tpu.memory_space<hbm>>
      tpu.enqueue_dma source(%dma_start3A_660 : memref<64xi32, #tpu.memory_space<hbm>>) target(%arg9 : memref<64xi32, #tpu.memory_space<vmem>>) target_semaphore(%run_scoped3A : memref<!tpu.dma_semaphore, #tpu.memory_space<semaphore_mem>>)
      %dma_wait3A = tpu.memref_slice %arg3[%multiple_of3A_330] : memref<2048xi32, #tpu.memory_space<hbm>> -> memref<64xi32, #tpu.memory_space<hbm>>
      %dma_wait3A_661 = tpu.memref_slice %arg3[%multiple_of3A_330] : memref<2048xi32, #tpu.memory_space<hbm>> -> memref<64xi32, #tpu.memory_space<hbm>>
      tpu.wait_dma2 semaphore(%run_scoped3A : memref<!tpu.dma_semaphore, #tpu.memory_space<semaphore_mem>>) src(%dma_wait3A_661 : memref<64xi32, #tpu.memory_space<hbm>>) dst(%arg9 : memref<64xi32, #tpu.memory_space<vmem>>)
      tpu.yield
    }) : () -> ()
    %get3A_331 = arith.constant 0 : index
    %get3A_332 = tpu.vector_load %arg9[%get3A_331] {strides = array<i32>} : memref<64xi32, #tpu.memory_space<vmem>>, vector<16xi32>,
    %slice3A_333 = vector.extract_strided_slice %get3A_332 {offsets = [0], sizes = [1], strides = [1]} : vector<16xi32> to vector<1xi32>
    %squeeze3A_334 = vector.extract %slice3A_333[0] : i32 from vector<1xi32>
    %shift_right_arithmetic3A_335 = arith.constant 7 : i32
    %shift_right_arithmetic3A_336 = arith.shrsi %squeeze3A_334, %shift_right_arithmetic3A_335 : i32
    %mul3A_337 = arith.constant 128 : i32
    %mul3A_338 = arith.muli %shift_right_arithmetic3A_336, %mul3A_337 : i32
    %multiple_of3A_339 = tpu.assume_multiple %mul3A_338, 128 : i32
    %dma_start3A_340 = arith.constant 0 : i32
    %dma_start3A_341 = arith.constant 0 : i32
    %dma_start3A_342 = arith.constant 0 : i32
    %dma_start3A_343 = tpu.memref_slice %arg12[%dma_start3A_340, %dma_start3A_341, %dma_start3A_342] : memref<16x32x128xf32, #tpu.memory_space<vmem>> -> memref<1x32x128xf32, #tpu.memory_space<vmem>>
    %dma_start3A_344 = tpu.memref_squeeze %dma_start3A_343 : memref<1x32x128xf32, #tpu.memory_space<vmem>> -> memref<32x128xf32, #tpu.memory_space<vmem>>
    %dma_start3A_345 = arith.constant 0 : i32
    %dma_start3A_346 = tpu.memref_slice %arg5[%dma_start3A_345, %multiple_of3A_339] : memref<32x1000000xf32, #tpu.memory_space<hbm>> -> memref<32x128xf32, #tpu.memory_space<hbm>>
    %dma_start3A_347 = arith.constant 0 : i32
    %dma_start3A_348 = arith.constant 0 : i32
    %dma_start3A_349 = tpu.memref_slice %arg12[%dma_start3A_340, %dma_start3A_347, %dma_start3A_348] : memref<16x32x128xf32, #tpu.memory_space<vmem>> -> memref<1x32x128xf32, #tpu.memory_space<vmem>>
    %dma_start3A_350 = tpu.memref_squeeze %dma_start3A_349 : memref<1x32x128xf32, #tpu.memory_space<vmem>> -> memref<32x128xf32, #tpu.memory_space<vmem>>
    %dma_start3A_351 = arith.constant 0 : i32
    %dma_start3A_352 = tpu.memref_slice %arg5[%dma_start3A_351, %multiple_of3A_339] : memref<32x1000000xf32, #tpu.memory_space<hbm>> -> memref<32x128xf32, #tpu.memory_space<hbm>>
    tpu.enqueue_dma source(%dma_start3A_352 : memref<32x128xf32, #tpu.memory_space<hbm>>) target(%dma_start3A_350 : memref<32x128xf32, #tpu.memory_space<vmem>>) target_semaphore(%arg13 : memref<!tpu.dma_semaphore, #tpu.memory_space<semaphore_mem>>)
    %slice3A_353 = vector.extract_strided_slice %get3A_332 {offsets = [1], sizes = [1], strides = [1]} : vector<16xi32> to vector<1xi32>
    %squeeze3A_354 = vector.extract %slice3A_353[0] : i32 from vector<1xi32>
    %shift_right_arithmetic3A_355 = arith.constant 7 : i32
    %shift_right_arithmetic3A_356 = arith.shrsi %squeeze3A_354, %shift_right_arithmetic3A_355 : i32
    %mul3A_357 = arith.constant 128 : i32
    %mul3A_358 = arith.muli %shift_right_arithmetic3A_356, %mul3A_357 : i32
    %multiple_of3A_359 = tpu.assume_multiple %mul3A_358, 128 : i32
    %dma_start3A_360 = arith.constant 1 : i32
    %dma_start3A_361 = arith.constant 0 : i32
    %dma_start3A_362 = arith.constant 0 : i32
    %dma_start3A_363 = tpu.memref_slice %arg12[%dma_start3A_360, %dma_start3A_361, %dma_start3A_362] : memref<16x32x128xf32, #tpu.memory_space<vmem>> -> memref<1x32x128xf32, #tpu.memory_space<vmem>>
    %dma_start3A_364 = tpu.memref_squeeze %dma_start3A_363 : memref<1x32x128xf32, #tpu.memory_space<vmem>> -> memref<32x128xf32, #tpu.memory_space<vmem>>
    %dma_start3A_365 = arith.constant 0 : i32
    %dma_start3A_366 = tpu.memref_slice %arg5[%dma_start3A_365, %multiple_of3A_359] : memref<32x1000000xf32, #tpu.memory_space<hbm>> -> memref<32x128xf32, #tpu.memory_space<hbm>>
    %dma_start3A_367 = arith.constant 0 : i32
    %dma_start3A_368 = arith.constant 0 : i32
    %dma_start3A_369 = tpu.memref_slice %arg12[%dma_start3A_360, %dma_start3A_367, %dma_start3A_368] : memref<16x32x128xf32, #tpu.memory_space<vmem>> -> memref<1x32x128xf32, #tpu.memory_space<vmem>>
    %dma_start3A_370 = tpu.memref_squeeze %dma_start3A_369 : memref<1x32x128xf32, #tpu.memory_space<vmem>> -> memref<32x128xf32, #tpu.memory_space<vmem>>
    %dma_start3A_371 = arith.constant 0 : i32
    %dma_start3A_372 = tpu.memref_slice %arg5[%dma_start3A_371, %multiple_of3A_359] : memref<32x1000000xf32, #tpu.memory_space<hbm>> -> memref<32x128xf32, #tpu.memory_space<hbm>>
    tpu.enqueue_dma source(%dma_start3A_372 : memref<32x128xf32, #tpu.memory_space<hbm>>) target(%dma_start3A_370 : memref<32x128xf32, #tpu.memory_space<vmem>>) target_semaphore(%arg13 : memref<!tpu.dma_semaphore, #tpu.memory_space<semaphore_mem>>)
    %slice3A_373 = vector.extract_strided_slice %get3A_332 {offsets = [2], sizes = [1], strides = [1]} : vector<16xi32> to vector<1xi32>
    %squeeze3A_374 = vector.extract %slice3A_373[0] : i32 from vector<1xi32>
    %shift_right_arithmetic3A_375 = arith.constant 7 : i32
    %shift_right_arithmetic3A_376 = arith.shrsi %squeeze3A_374, %shift_right_arithmetic3A_375 : i32
    %mul3A_377 = arith.constant 128 : i32
    %mul3A_378 = arith.muli %shift_right_arithmetic3A_376, %mul3A_377 : i32
    %multiple_of3A_379 = tpu.assume_multiple %mul3A_378, 128 : i32
    %dma_start3A_380 = arith.constant 2 : i32
    %dma_start3A_381 = arith.constant 0 : i32
    %dma_start3A_382 = arith.constant 0 : i32
    %dma_start3A_383 = tpu.memref_slice %arg12[%dma_start3A_380, %dma_start3A_381, %dma_start3A_382] : memref<16x32x128xf32, #tpu.memory_space<vmem>> -> memref<1x32x128xf32, #tpu.memory_space<vmem>>
    %dma_start3A_384 = tpu.memref_squeeze %dma_start3A_383 : memref<1x32x128xf32, #tpu.memory_space<vmem>> -> memref<32x128xf32, #tpu.memory_space<vmem>>
    %dma_start3A_385 = arith.constant 0 : i32
    %dma_start3A_386 = tpu.memref_slice %arg5[%dma_start3A_385, %multiple_of3A_379] : memref<32x1000000xf32, #tpu.memory_space<hbm>> -> memref<32x128xf32, #tpu.memory_space<hbm>>
    %dma_start3A_387 = arith.constant 0 : i32
    %dma_start3A_388 = arith.constant 0 : i32
    %dma_start3A_389 = tpu.memref_slice %arg12[%dma_start3A_380, %dma_start3A_387, %dma_start3A_388] : memref<16x32x128xf32, #tpu.memory_space<vmem>> -> memref<1x32x128xf32, #tpu.memory_space<vmem>>
    %dma_start3A_390 = tpu.memref_squeeze %dma_start3A_389 : memref<1x32x128xf32, #tpu.memory_space<vmem>> -> memref<32x128xf32, #tpu.memory_space<vmem>>
    %dma_start3A_391 = arith.constant 0 : i32
    %dma_start3A_392 = tpu.memref_slice %arg5[%dma_start3A_391, %multiple_of3A_379] : memref<32x1000000xf32, #tpu.memory_space<hbm>> -> memref<32x128xf32, #tpu.memory_space<hbm>>
    tpu.enqueue_dma source(%dma_start3A_392 : memref<32x128xf32, #tpu.memory_space<hbm>>) target(%dma_start3A_390 : memref<32x128xf32, #tpu.memory_space<vmem>>) target_semaphore(%arg13 : memref<!tpu.dma_semaphore, #tpu.memory_space<semaphore_mem>>)
    %slice3A_393 = vector.extract_strided_slice %get3A_332 {offsets = [3], sizes = [1], strides = [1]} : vector<16xi32> to vector<1xi32>
    %squeeze3A_394 = vector.extract %slice3A_393[0] : i32 from vector<1xi32>
    %shift_right_arithmetic3A_395 = arith.constant 7 : i32
    %shift_right_arithmetic3A_396 = arith.shrsi %squeeze3A_394, %shift_right_arithmetic3A_395 : i32
    %mul3A_397 = arith.constant 128 : i32
    %mul3A_398 = arith.muli %shift_right_arithmetic3A_396, %mul3A_397 : i32
    %multiple_of3A_399 = tpu.assume_multiple %mul3A_398, 128 : i32
    %dma_start3A_400 = arith.constant 3 : i32
    %dma_start3A_401 = arith.constant 0 : i32
    %dma_start3A_402 = arith.constant 0 : i32
    %dma_start3A_403 = tpu.memref_slice %arg12[%dma_start3A_400, %dma_start3A_401, %dma_start3A_402] : memref<16x32x128xf32, #tpu.memory_space<vmem>> -> memref<1x32x128xf32, #tpu.memory_space<vmem>>
    %dma_start3A_404 = tpu.memref_squeeze %dma_start3A_403 : memref<1x32x128xf32, #tpu.memory_space<vmem>> -> memref<32x128xf32, #tpu.memory_space<vmem>>
    %dma_start3A_405 = arith.constant 0 : i32
    %dma_start3A_406 = tpu.memref_slice %arg5[%dma_start3A_405, %multiple_of3A_399] : memref<32x1000000xf32, #tpu.memory_space<hbm>> -> memref<32x128xf32, #tpu.memory_space<hbm>>
    %dma_start3A_407 = arith.constant 0 : i32
    %dma_start3A_408 = arith.constant 0 : i32
    %dma_start3A_409 = tpu.memref_slice %arg12[%dma_start3A_400, %dma_start3A_407, %dma_start3A_408] : memref<16x32x128xf32, #tpu.memory_space<vmem>> -> memref<1x32x128xf32, #tpu.memory_space<vmem>>
    %dma_start3A_410 = tpu.memref_squeeze %dma_start3A_409 : memref<1x32x128xf32, #tpu.memory_space<vmem>> -> memref<32x128xf32, #tpu.memory_space<vmem>>
    %dma_start3A_411 = arith.constant 0 : i32
    %dma_start3A_412 = tpu.memref_slice %arg5[%dma_start3A_411, %multiple_of3A_399] : memref<32x1000000xf32, #tpu.memory_space<hbm>> -> memref<32x128xf32, #tpu.memory_space<hbm>>
    tpu.enqueue_dma source(%dma_start3A_412 : memref<32x128xf32, #tpu.memory_space<hbm>>) target(%dma_start3A_410 : memref<32x128xf32, #tpu.memory_space<vmem>>) target_semaphore(%arg13 : memref<!tpu.dma_semaphore, #tpu.memory_space<semaphore_mem>>)
    %slice3A_413 = vector.extract_strided_slice %get3A_332 {offsets = [4], sizes = [1], strides = [1]} : vector<16xi32> to vector<1xi32>
    %squeeze3A_414 = vector.extract %slice3A_413[0] : i32 from vector<1xi32>
    %shift_right_arithmetic3A_415 = arith.constant 7 : i32
    %shift_right_arithmetic3A_416 = arith.shrsi %squeeze3A_414, %shift_right_arithmetic3A_415 : i32
    %mul3A_417 = arith.constant 128 : i32
    %mul3A_418 = arith.muli %shift_right_arithmetic3A_416, %mul3A_417 : i32
    %multiple_of3A_419 = tpu.assume_multiple %mul3A_418, 128 : i32
    %dma_start3A_420 = arith.constant 4 : i32
    %dma_start3A_421 = arith.constant 0 : i32
    %dma_start3A_422 = arith.constant 0 : i32
    %dma_start3A_423 = tpu.memref_slice %arg12[%dma_start3A_420, %dma_start3A_421, %dma_start3A_422] : memref<16x32x128xf32, #tpu.memory_space<vmem>> -> memref<1x32x128xf32, #tpu.memory_space<vmem>>
    %dma_start3A_424 = tpu.memref_squeeze %dma_start3A_423 : memref<1x32x128xf32, #tpu.memory_space<vmem>> -> memref<32x128xf32, #tpu.memory_space<vmem>>
    %dma_start3A_425 = arith.constant 0 : i32
    %dma_start3A_426 = tpu.memref_slice %arg5[%dma_start3A_425, %multiple_of3A_419] : memref<32x1000000xf32, #tpu.memory_space<hbm>> -> memref<32x128xf32, #tpu.memory_space<hbm>>
    %dma_start3A_427 = arith.constant 0 : i32
    %dma_start3A_428 = arith.constant 0 : i32
    %dma_start3A_429 = tpu.memref_slice %arg12[%dma_start3A_420, %dma_start3A_427, %dma_start3A_428] : memref<16x32x128xf32, #tpu.memory_space<vmem>> -> memref<1x32x128xf32, #tpu.memory_space<vmem>>
    %dma_start3A_430 = tpu.memref_squeeze %dma_start3A_429 : memref<1x32x128xf32, #tpu.memory_space<vmem>> -> memref<32x128xf32, #tpu.memory_space<vmem>>
    %dma_start3A_431 = arith.constant 0 : i32
    %dma_start3A_432 = tpu.memref_slice %arg5[%dma_start3A_431, %multiple_of3A_419] : memref<32x1000000xf32, #tpu.memory_space<hbm>> -> memref<32x128xf32, #tpu.memory_space<hbm>>
    tpu.enqueue_dma source(%dma_start3A_432 : memref<32x128xf32, #tpu.memory_space<hbm>>) target(%dma_start3A_430 : memref<32x128xf32, #tpu.memory_space<vmem>>) target_semaphore(%arg13 : memref<!tpu.dma_semaphore, #tpu.memory_space<semaphore_mem>>)
    %slice3A_433 = vector.extract_strided_slice %get3A_332 {offsets = [5], sizes = [1], strides = [1]} : vector<16xi32> to vector<1xi32>
    %squeeze3A_434 = vector.extract %slice3A_433[0] : i32 from vector<1xi32>
    %shift_right_arithmetic3A_435 = arith.constant 7 : i32
    %shift_right_arithmetic3A_436 = arith.shrsi %squeeze3A_434, %shift_right_arithmetic3A_435 : i32
    %mul3A_437 = arith.constant 128 : i32
    %mul3A_438 = arith.muli %shift_right_arithmetic3A_436, %mul3A_437 : i32
    %multiple_of3A_439 = tpu.assume_multiple %mul3A_438, 128 : i32
    %dma_start3A_440 = arith.constant 5 : i32
    %dma_start3A_441 = arith.constant 0 : i32
    %dma_start3A_442 = arith.constant 0 : i32
    %dma_start3A_443 = tpu.memref_slice %arg12[%dma_start3A_440, %dma_start3A_441, %dma_start3A_442] : memref<16x32x128xf32, #tpu.memory_space<vmem>> -> memref<1x32x128xf32, #tpu.memory_space<vmem>>
    %dma_start3A_444 = tpu.memref_squeeze %dma_start3A_443 : memref<1x32x128xf32, #tpu.memory_space<vmem>> -> memref<32x128xf32, #tpu.memory_space<vmem>>
    %dma_start3A_445 = arith.constant 0 : i32
    %dma_start3A_446 = tpu.memref_slice %arg5[%dma_start3A_445, %multiple_of3A_439] : memref<32x1000000xf32, #tpu.memory_space<hbm>> -> memref<32x128xf32, #tpu.memory_space<hbm>>
    %dma_start3A_447 = arith.constant 0 : i32
    %dma_start3A_448 = arith.constant 0 : i32
    %dma_start3A_449 = tpu.memref_slice %arg12[%dma_start3A_440, %dma_start3A_447, %dma_start3A_448] : memref<16x32x128xf32, #tpu.memory_space<vmem>> -> memref<1x32x128xf32, #tpu.memory_space<vmem>>
    %dma_start3A_450 = tpu.memref_squeeze %dma_start3A_449 : memref<1x32x128xf32, #tpu.memory_space<vmem>> -> memref<32x128xf32, #tpu.memory_space<vmem>>
    %dma_start3A_451 = arith.constant 0 : i32
    %dma_start3A_452 = tpu.memref_slice %arg5[%dma_start3A_451, %multiple_of3A_439] : memref<32x1000000xf32, #tpu.memory_space<hbm>> -> memref<32x128xf32, #tpu.memory_space<hbm>>
    tpu.enqueue_dma source(%dma_start3A_452 : memref<32x128xf32, #tpu.memory_space<hbm>>) target(%dma_start3A_450 : memref<32x128xf32, #tpu.memory_space<vmem>>) target_semaphore(%arg13 : memref<!tpu.dma_semaphore, #tpu.memory_space<semaphore_mem>>)
    %slice3A_453 = vector.extract_strided_slice %get3A_332 {offsets = [6], sizes = [1], strides = [1]} : vector<16xi32> to vector<1xi32>
    %squeeze3A_454 = vector.extract %slice3A_453[0] : i32 from vector<1xi32>
    %shift_right_arithmetic3A_455 = arith.constant 7 : i32
    %shift_right_arithmetic3A_456 = arith.shrsi %squeeze3A_454, %shift_right_arithmetic3A_455 : i32
    %mul3A_457 = arith.constant 128 : i32
    %mul3A_458 = arith.muli %shift_right_arithmetic3A_456, %mul3A_457 : i32
    %multiple_of3A_459 = tpu.assume_multiple %mul3A_458, 128 : i32
    %dma_start3A_460 = arith.constant 6 : i32
    %dma_start3A_461 = arith.constant 0 : i32
    %dma_start3A_462 = arith.constant 0 : i32
    %dma_start3A_463 = tpu.memref_slice %arg12[%dma_start3A_460, %dma_start3A_461, %dma_start3A_462] : memref<16x32x128xf32, #tpu.memory_space<vmem>> -> memref<1x32x128xf32, #tpu.memory_space<vmem>>
    %dma_start3A_464 = tpu.memref_squeeze %dma_start3A_463 : memref<1x32x128xf32, #tpu.memory_space<vmem>> -> memref<32x128xf32, #tpu.memory_space<vmem>>
    %dma_start3A_465 = arith.constant 0 : i32
    %dma_start3A_466 = tpu.memref_slice %arg5[%dma_start3A_465, %multiple_of3A_459] : memref<32x1000000xf32, #tpu.memory_space<hbm>> -> memref<32x128xf32, #tpu.memory_space<hbm>>
    %dma_start3A_467 = arith.constant 0 : i32
    %dma_start3A_468 = arith.constant 0 : i32
    %dma_start3A_469 = tpu.memref_slice %arg12[%dma_start3A_460, %dma_start3A_467, %dma_start3A_468] : memref<16x32x128xf32, #tpu.memory_space<vmem>> -> memref<1x32x128xf32, #tpu.memory_space<vmem>>
    %dma_start3A_470 = tpu.memref_squeeze %dma_start3A_469 : memref<1x32x128xf32, #tpu.memory_space<vmem>> -> memref<32x128xf32, #tpu.memory_space<vmem>>
    %dma_start3A_471 = arith.constant 0 : i32
    %dma_start3A_472 = tpu.memref_slice %arg5[%dma_start3A_471, %multiple_of3A_459] : memref<32x1000000xf32, #tpu.memory_space<hbm>> -> memref<32x128xf32, #tpu.memory_space<hbm>>
    tpu.enqueue_dma source(%dma_start3A_472 : memref<32x128xf32, #tpu.memory_space<hbm>>) target(%dma_start3A_470 : memref<32x128xf32, #tpu.memory_space<vmem>>) target_semaphore(%arg13 : memref<!tpu.dma_semaphore, #tpu.memory_space<semaphore_mem>>)
    %slice3A_473 = vector.extract_strided_slice %get3A_332 {offsets = [7], sizes = [1], strides = [1]} : vector<16xi32> to vector<1xi32>
    %squeeze3A_474 = vector.extract %slice3A_473[0] : i32 from vector<1xi32>
    %shift_right_arithmetic3A_475 = arith.constant 7 : i32
    %shift_right_arithmetic3A_476 = arith.shrsi %squeeze3A_474, %shift_right_arithmetic3A_475 : i32
    %mul3A_477 = arith.constant 128 : i32
    %mul3A_478 = arith.muli %shift_right_arithmetic3A_476, %mul3A_477 : i32
    %multiple_of3A_479 = tpu.assume_multiple %mul3A_478, 128 : i32
    %dma_start3A_480 = arith.constant 7 : i32
    %dma_start3A_481 = arith.constant 0 : i32
    %dma_start3A_482 = arith.constant 0 : i32
    %dma_start3A_483 = tpu.memref_slice %arg12[%dma_start3A_480, %dma_start3A_481, %dma_start3A_482] : memref<16x32x128xf32, #tpu.memory_space<vmem>> -> memref<1x32x128xf32, #tpu.memory_space<vmem>>
    %dma_start3A_484 = tpu.memref_squeeze %dma_start3A_483 : memref<1x32x128xf32, #tpu.memory_space<vmem>> -> memref<32x128xf32, #tpu.memory_space<vmem>>
    %dma_start3A_485 = arith.constant 0 : i32
    %dma_start3A_486 = tpu.memref_slice %arg5[%dma_start3A_485, %multiple_of3A_479] : memref<32x1000000xf32, #tpu.memory_space<hbm>> -> memref<32x128xf32, #tpu.memory_space<hbm>>
    %dma_start3A_487 = arith.constant 0 : i32
    %dma_start3A_488 = arith.constant 0 : i32
    %dma_start3A_489 = tpu.memref_slice %arg12[%dma_start3A_480, %dma_start3A_487, %dma_start3A_488] : memref<16x32x128xf32, #tpu.memory_space<vmem>> -> memref<1x32x128xf32, #tpu.memory_space<vmem>>
    %dma_start3A_490 = tpu.memref_squeeze %dma_start3A_489 : memref<1x32x128xf32, #tpu.memory_space<vmem>> -> memref<32x128xf32, #tpu.memory_space<vmem>>
    %dma_start3A_491 = arith.constant 0 : i32
    %dma_start3A_492 = tpu.memref_slice %arg5[%dma_start3A_491, %multiple_of3A_479] : memref<32x1000000xf32, #tpu.memory_space<hbm>> -> memref<32x128xf32, #tpu.memory_space<hbm>>
    tpu.enqueue_dma source(%dma_start3A_492 : memref<32x128xf32, #tpu.memory_space<hbm>>) target(%dma_start3A_490 : memref<32x128xf32, #tpu.memory_space<vmem>>) target_semaphore(%arg13 : memref<!tpu.dma_semaphore, #tpu.memory_space<semaphore_mem>>)
    %slice3A_493 = vector.extract_strided_slice %get3A_332 {offsets = [8], sizes = [1], strides = [1]} : vector<16xi32> to vector<1xi32>
    %squeeze3A_494 = vector.extract %slice3A_493[0] : i32 from vector<1xi32>
    %shift_right_arithmetic3A_495 = arith.constant 7 : i32
    %shift_right_arithmetic3A_496 = arith.shrsi %squeeze3A_494, %shift_right_arithmetic3A_495 : i32
    %mul3A_497 = arith.constant 128 : i32
    %mul3A_498 = arith.muli %shift_right_arithmetic3A_496, %mul3A_497 : i32
    %multiple_of3A_499 = tpu.assume_multiple %mul3A_498, 128 : i32
    %dma_start3A_500 = arith.constant 8 : i32
    %dma_start3A_501 = arith.constant 0 : i32
    %dma_start3A_502 = arith.constant 0 : i32
    %dma_start3A_503 = tpu.memref_slice %arg12[%dma_start3A_500, %dma_start3A_501, %dma_start3A_502] : memref<16x32x128xf32, #tpu.memory_space<vmem>> -> memref<1x32x128xf32, #tpu.memory_space<vmem>>
    %dma_start3A_504 = tpu.memref_squeeze %dma_start3A_503 : memref<1x32x128xf32, #tpu.memory_space<vmem>> -> memref<32x128xf32, #tpu.memory_space<vmem>>
    %dma_start3A_505 = arith.constant 0 : i32
    %dma_start3A_506 = tpu.memref_slice %arg5[%dma_start3A_505, %multiple_of3A_499] : memref<32x1000000xf32, #tpu.memory_space<hbm>> -> memref<32x128xf32, #tpu.memory_space<hbm>>
    %dma_start3A_507 = arith.constant 0 : i32
    %dma_start3A_508 = arith.constant 0 : i32
    %dma_start3A_509 = tpu.memref_slice %arg12[%dma_start3A_500, %dma_start3A_507, %dma_start3A_508] : memref<16x32x128xf32, #tpu.memory_space<vmem>> -> memref<1x32x128xf32, #tpu.memory_space<vmem>>
    %dma_start3A_510 = tpu.memref_squeeze %dma_start3A_509 : memref<1x32x128xf32, #tpu.memory_space<vmem>> -> memref<32x128xf32, #tpu.memory_space<vmem>>
    %dma_start3A_511 = arith.constant 0 : i32
    %dma_start3A_512 = tpu.memref_slice %arg5[%dma_start3A_511, %multiple_of3A_499] : memref<32x1000000xf32, #tpu.memory_space<hbm>> -> memref<32x128xf32, #tpu.memory_space<hbm>>
    tpu.enqueue_dma source(%dma_start3A_512 : memref<32x128xf32, #tpu.memory_space<hbm>>) target(%dma_start3A_510 : memref<32x128xf32, #tpu.memory_space<vmem>>) target_semaphore(%arg14 : memref<!tpu.dma_semaphore, #tpu.memory_space<semaphore_mem>>)
    %slice3A_513 = vector.extract_strided_slice %get3A_332 {offsets = [9], sizes = [1], strides = [1]} : vector<16xi32> to vector<1xi32>
    %squeeze3A_514 = vector.extract %slice3A_513[0] : i32 from vector<1xi32>
    %shift_right_arithmetic3A_515 = arith.constant 7 : i32
    %shift_right_arithmetic3A_516 = arith.shrsi %squeeze3A_514, %shift_right_arithmetic3A_515 : i32
    %mul3A_517 = arith.constant 128 : i32
    %mul3A_518 = arith.muli %shift_right_arithmetic3A_516, %mul3A_517 : i32
    %multiple_of3A_519 = tpu.assume_multiple %mul3A_518, 128 : i32
    %dma_start3A_520 = arith.constant 9 : i32
    %dma_start3A_521 = arith.constant 0 : i32
    %dma_start3A_522 = arith.constant 0 : i32
    %dma_start3A_523 = tpu.memref_slice %arg12[%dma_start3A_520, %dma_start3A_521, %dma_start3A_522] : memref<16x32x128xf32, #tpu.memory_space<vmem>> -> memref<1x32x128xf32, #tpu.memory_space<vmem>>
    %dma_start3A_524 = tpu.memref_squeeze %dma_start3A_523 : memref<1x32x128xf32, #tpu.memory_space<vmem>> -> memref<32x128xf32, #tpu.memory_space<vmem>>
    %dma_start3A_525 = arith.constant 0 : i32
    %dma_start3A_526 = tpu.memref_slice %arg5[%dma_start3A_525, %multiple_of3A_519] : memref<32x1000000xf32, #tpu.memory_space<hbm>> -> memref<32x128xf32, #tpu.memory_space<hbm>>
    %dma_start3A_527 = arith.constant 0 : i32
    %dma_start3A_528 = arith.constant 0 : i32
    %dma_start3A_529 = tpu.memref_slice %arg12[%dma_start3A_520, %dma_start3A_527, %dma_start3A_528] : memref<16x32x128xf32, #tpu.memory_space<vmem>> -> memref<1x32x128xf32, #tpu.memory_space<vmem>>
    %dma_start3A_530 = tpu.memref_squeeze %dma_start3A_529 : memref<1x32x128xf32, #tpu.memory_space<vmem>> -> memref<32x128xf32, #tpu.memory_space<vmem>>
    %dma_start3A_531 = arith.constant 0 : i32
    %dma_start3A_532 = tpu.memref_slice %arg5[%dma_start3A_531, %multiple_of3A_519] : memref<32x1000000xf32, #tpu.memory_space<hbm>> -> memref<32x128xf32, #tpu.memory_space<hbm>>
    tpu.enqueue_dma source(%dma_start3A_532 : memref<32x128xf32, #tpu.memory_space<hbm>>) target(%dma_start3A_530 : memref<32x128xf32, #tpu.memory_space<vmem>>) target_semaphore(%arg14 : memref<!tpu.dma_semaphore, #tpu.memory_space<semaphore_mem>>)
    %slice3A_533 = vector.extract_strided_slice %get3A_332 {offsets = [10], sizes = [1], strides = [1]} : vector<16xi32> to vector<1xi32>
    %squeeze3A_534 = vector.extract %slice3A_533[0] : i32 from vector<1xi32>
    %shift_right_arithmetic3A_535 = arith.constant 7 : i32
    %shift_right_arithmetic3A_536 = arith.shrsi %squeeze3A_534, %shift_right_arithmetic3A_535 : i32
    %mul3A_537 = arith.constant 128 : i32
    %mul3A_538 = arith.muli %shift_right_arithmetic3A_536, %mul3A_537 : i32
    %multiple_of3A_539 = tpu.assume_multiple %mul3A_538, 128 : i32
    %dma_start3A_540 = arith.constant 10 : i32
    %dma_start3A_541 = arith.constant 0 : i32
    %dma_start3A_542 = arith.constant 0 : i32
    %dma_start3A_543 = tpu.memref_slice %arg12[%dma_start3A_540, %dma_start3A_541, %dma_start3A_542] : memref<16x32x128xf32, #tpu.memory_space<vmem>> -> memref<1x32x128xf32, #tpu.memory_space<vmem>>
    %dma_start3A_544 = tpu.memref_squeeze %dma_start3A_543 : memref<1x32x128xf32, #tpu.memory_space<vmem>> -> memref<32x128xf32, #tpu.memory_space<vmem>>
    %dma_start3A_545 = arith.constant 0 : i32
    %dma_start3A_546 = tpu.memref_slice %arg5[%dma_start3A_545, %multiple_of3A_539] : memref<32x1000000xf32, #tpu.memory_space<hbm>> -> memref<32x128xf32, #tpu.memory_space<hbm>>
    %dma_start3A_547 = arith.constant 0 : i32
    %dma_start3A_548 = arith.constant 0 : i32
    %dma_start3A_549 = tpu.memref_slice %arg12[%dma_start3A_540, %dma_start3A_547, %dma_start3A_548] : memref<16x32x128xf32, #tpu.memory_space<vmem>> -> memref<1x32x128xf32, #tpu.memory_space<vmem>>
    %dma_start3A_550 = tpu.memref_squeeze %dma_start3A_549 : memref<1x32x128xf32, #tpu.memory_space<vmem>> -> memref<32x128xf32, #tpu.memory_space<vmem>>
    %dma_start3A_551 = arith.constant 0 : i32
    %dma_start3A_552 = tpu.memref_slice %arg5[%dma_start3A_551, %multiple_of3A_539] : memref<32x1000000xf32, #tpu.memory_space<hbm>> -> memref<32x128xf32, #tpu.memory_space<hbm>>
    tpu.enqueue_dma source(%dma_start3A_552 : memref<32x128xf32, #tpu.memory_space<hbm>>) target(%dma_start3A_550 : memref<32x128xf32, #tpu.memory_space<vmem>>) target_semaphore(%arg14 : memref<!tpu.dma_semaphore, #tpu.memory_space<semaphore_mem>>)
    %slice3A_553 = vector.extract_strided_slice %get3A_332 {offsets = [11], sizes = [1], strides = [1]} : vector<16xi32> to vector<1xi32>
    %squeeze3A_554 = vector.extract %slice3A_553[0] : i32 from vector<1xi32>
    %shift_right_arithmetic3A_555 = arith.constant 7 : i32
    %shift_right_arithmetic3A_556 = arith.shrsi %squeeze3A_554, %shift_right_arithmetic3A_555 : i32
    %mul3A_557 = arith.constant 128 : i32
    %mul3A_558 = arith.muli %shift_right_arithmetic3A_556, %mul3A_557 : i32
    %multiple_of3A_559 = tpu.assume_multiple %mul3A_558, 128 : i32
    %dma_start3A_560 = arith.constant 11 : i32
    %dma_start3A_561 = arith.constant 0 : i32
    %dma_start3A_562 = arith.constant 0 : i32
    %dma_start3A_563 = tpu.memref_slice %arg12[%dma_start3A_560, %dma_start3A_561, %dma_start3A_562] : memref<16x32x128xf32, #tpu.memory_space<vmem>> -> memref<1x32x128xf32, #tpu.memory_space<vmem>>
    %dma_start3A_564 = tpu.memref_squeeze %dma_start3A_563 : memref<1x32x128xf32, #tpu.memory_space<vmem>> -> memref<32x128xf32, #tpu.memory_space<vmem>>
    %dma_start3A_565 = arith.constant 0 : i32
    %dma_start3A_566 = tpu.memref_slice %arg5[%dma_start3A_565, %multiple_of3A_559] : memref<32x1000000xf32, #tpu.memory_space<hbm>> -> memref<32x128xf32, #tpu.memory_space<hbm>>
    %dma_start3A_567 = arith.constant 0 : i32
    %dma_start3A_568 = arith.constant 0 : i32
    %dma_start3A_569 = tpu.memref_slice %arg12[%dma_start3A_560, %dma_start3A_567, %dma_start3A_568] : memref<16x32x128xf32, #tpu.memory_space<vmem>> -> memref<1x32x128xf32, #tpu.memory_space<vmem>>
    %dma_start3A_570 = tpu.memref_squeeze %dma_start3A_569 : memref<1x32x128xf32, #tpu.memory_space<vmem>> -> memref<32x128xf32, #tpu.memory_space<vmem>>
    %dma_start3A_571 = arith.constant 0 : i32
    %dma_start3A_572 = tpu.memref_slice %arg5[%dma_start3A_571, %multiple_of3A_559] : memref<32x1000000xf32, #tpu.memory_space<hbm>> -> memref<32x128xf32, #tpu.memory_space<hbm>>
    tpu.enqueue_dma source(%dma_start3A_572 : memref<32x128xf32, #tpu.memory_space<hbm>>) target(%dma_start3A_570 : memref<32x128xf32, #tpu.memory_space<vmem>>) target_semaphore(%arg14 : memref<!tpu.dma_semaphore, #tpu.memory_space<semaphore_mem>>)
    %slice3A_573 = vector.extract_strided_slice %get3A_332 {offsets = [12], sizes = [1], strides = [1]} : vector<16xi32> to vector<1xi32>
    %squeeze3A_574 = vector.extract %slice3A_573[0] : i32 from vector<1xi32>
    %shift_right_arithmetic3A_575 = arith.constant 7 : i32
    %shift_right_arithmetic3A_576 = arith.shrsi %squeeze3A_574, %shift_right_arithmetic3A_575 : i32
    %mul3A_577 = arith.constant 128 : i32
    %mul3A_578 = arith.muli %shift_right_arithmetic3A_576, %mul3A_577 : i32
    %multiple_of3A_579 = tpu.assume_multiple %mul3A_578, 128 : i32
    %dma_start3A_580 = arith.constant 12 : i32
    %dma_start3A_581 = arith.constant 0 : i32
    %dma_start3A_582 = arith.constant 0 : i32
    %dma_start3A_583 = tpu.memref_slice %arg12[%dma_start3A_580, %dma_start3A_581, %dma_start3A_582] : memref<16x32x128xf32, #tpu.memory_space<vmem>> -> memref<1x32x128xf32, #tpu.memory_space<vmem>>
    %dma_start3A_584 = tpu.memref_squeeze %dma_start3A_583 : memref<1x32x128xf32, #tpu.memory_space<vmem>> -> memref<32x128xf32, #tpu.memory_space<vmem>>
    %dma_start3A_585 = arith.constant 0 : i32
    %dma_start3A_586 = tpu.memref_slice %arg5[%dma_start3A_585, %multiple_of3A_579] : memref<32x1000000xf32, #tpu.memory_space<hbm>> -> memref<32x128xf32, #tpu.memory_space<hbm>>
    %dma_start3A_587 = arith.constant 0 : i32
    %dma_start3A_588 = arith.constant 0 : i32
    %dma_start3A_589 = tpu.memref_slice %arg12[%dma_start3A_580, %dma_start3A_587, %dma_start3A_588] : memref<16x32x128xf32, #tpu.memory_space<vmem>> -> memref<1x32x128xf32, #tpu.memory_space<vmem>>
    %dma_start3A_590 = tpu.memref_squeeze %dma_start3A_589 : memref<1x32x128xf32, #tpu.memory_space<vmem>> -> memref<32x128xf32, #tpu.memory_space<vmem>>
    %dma_start3A_591 = arith.constant 0 : i32
    %dma_start3A_592 = tpu.memref_slice %arg5[%dma_start3A_591, %multiple_of3A_579] : memref<32x1000000xf32, #tpu.memory_space<hbm>> -> memref<32x128xf32, #tpu.memory_space<hbm>>
    tpu.enqueue_dma source(%dma_start3A_592 : memref<32x128xf32, #tpu.memory_space<hbm>>) target(%dma_start3A_590 : memref<32x128xf32, #tpu.memory_space<vmem>>) target_semaphore(%arg14 : memref<!tpu.dma_semaphore, #tpu.memory_space<semaphore_mem>>)
    %slice3A_593 = vector.extract_strided_slice %get3A_332 {offsets = [13], sizes = [1], strides = [1]} : vector<16xi32> to vector<1xi32>
    %squeeze3A_594 = vector.extract %slice3A_593[0] : i32 from vector<1xi32>
    %shift_right_arithmetic3A_595 = arith.constant 7 : i32
    %shift_right_arithmetic3A_596 = arith.shrsi %squeeze3A_594, %shift_right_arithmetic3A_595 : i32
    %mul3A_597 = arith.constant 128 : i32
    %mul3A_598 = arith.muli %shift_right_arithmetic3A_596, %mul3A_597 : i32
    %multiple_of3A_599 = tpu.assume_multiple %mul3A_598, 128 : i32
    %dma_start3A_600 = arith.constant 13 : i32
    %dma_start3A_601 = arith.constant 0 : i32
    %dma_start3A_602 = arith.constant 0 : i32
    %dma_start3A_603 = tpu.memref_slice %arg12[%dma_start3A_600, %dma_start3A_601, %dma_start3A_602] : memref<16x32x128xf32, #tpu.memory_space<vmem>> -> memref<1x32x128xf32, #tpu.memory_space<vmem>>
    %dma_start3A_604 = tpu.memref_squeeze %dma_start3A_603 : memref<1x32x128xf32, #tpu.memory_space<vmem>> -> memref<32x128xf32, #tpu.memory_space<vmem>>
    %dma_start3A_605 = arith.constant 0 : i32
    %dma_start3A_606 = tpu.memref_slice %arg5[%dma_start3A_605, %multiple_of3A_599] : memref<32x1000000xf32, #tpu.memory_space<hbm>> -> memref<32x128xf32, #tpu.memory_space<hbm>>
    %dma_start3A_607 = arith.constant 0 : i32
    %dma_start3A_608 = arith.constant 0 : i32
    %dma_start3A_609 = tpu.memref_slice %arg12[%dma_start3A_600, %dma_start3A_607, %dma_start3A_608] : memref<16x32x128xf32, #tpu.memory_space<vmem>> -> memref<1x32x128xf32, #tpu.memory_space<vmem>>
    %dma_start3A_610 = tpu.memref_squeeze %dma_start3A_609 : memref<1x32x128xf32, #tpu.memory_space<vmem>> -> memref<32x128xf32, #tpu.memory_space<vmem>>
    %dma_start3A_611 = arith.constant 0 : i32
    %dma_start3A_612 = tpu.memref_slice %arg5[%dma_start3A_611, %multiple_of3A_599] : memref<32x1000000xf32, #tpu.memory_space<hbm>> -> memref<32x128xf32, #tpu.memory_space<hbm>>
    tpu.enqueue_dma source(%dma_start3A_612 : memref<32x128xf32, #tpu.memory_space<hbm>>) target(%dma_start3A_610 : memref<32x128xf32, #tpu.memory_space<vmem>>) target_semaphore(%arg14 : memref<!tpu.dma_semaphore, #tpu.memory_space<semaphore_mem>>)
    %slice3A_613 = vector.extract_strided_slice %get3A_332 {offsets = [14], sizes = [1], strides = [1]} : vector<16xi32> to vector<1xi32>
    %squeeze3A_614 = vector.extract %slice3A_613[0] : i32 from vector<1xi32>
    %shift_right_arithmetic3A_615 = arith.constant 7 : i32
    %shift_right_arithmetic3A_616 = arith.shrsi %squeeze3A_614, %shift_right_arithmetic3A_615 : i32
    %mul3A_617 = arith.constant 128 : i32
    %mul3A_618 = arith.muli %shift_right_arithmetic3A_616, %mul3A_617 : i32
    %multiple_of3A_619 = tpu.assume_multiple %mul3A_618, 128 : i32
    %dma_start3A_620 = arith.constant 14 : i32
    %dma_start3A_621 = arith.constant 0 : i32
    %dma_start3A_622 = arith.constant 0 : i32
    %dma_start3A_623 = tpu.memref_slice %arg12[%dma_start3A_620, %dma_start3A_621, %dma_start3A_622] : memref<16x32x128xf32, #tpu.memory_space<vmem>> -> memref<1x32x128xf32, #tpu.memory_space<vmem>>
    %dma_start3A_624 = tpu.memref_squeeze %dma_start3A_623 : memref<1x32x128xf32, #tpu.memory_space<vmem>> -> memref<32x128xf32, #tpu.memory_space<vmem>>
    %dma_start3A_625 = arith.constant 0 : i32
    %dma_start3A_626 = tpu.memref_slice %arg5[%dma_start3A_625, %multiple_of3A_619] : memref<32x1000000xf32, #tpu.memory_space<hbm>> -> memref<32x128xf32, #tpu.memory_space<hbm>>
    %dma_start3A_627 = arith.constant 0 : i32
    %dma_start3A_628 = arith.constant 0 : i32
    %dma_start3A_629 = tpu.memref_slice %arg12[%dma_start3A_620, %dma_start3A_627, %dma_start3A_628] : memref<16x32x128xf32, #tpu.memory_space<vmem>> -> memref<1x32x128xf32, #tpu.memory_space<vmem>>
    %dma_start3A_630 = tpu.memref_squeeze %dma_start3A_629 : memref<1x32x128xf32, #tpu.memory_space<vmem>> -> memref<32x128xf32, #tpu.memory_space<vmem>>
    %dma_start3A_631 = arith.constant 0 : i32
    %dma_start3A_632 = tpu.memref_slice %arg5[%dma_start3A_631, %multiple_of3A_619] : memref<32x1000000xf32, #tpu.memory_space<hbm>> -> memref<32x128xf32, #tpu.memory_space<hbm>>
    tpu.enqueue_dma source(%dma_start3A_632 : memref<32x128xf32, #tpu.memory_space<hbm>>) target(%dma_start3A_630 : memref<32x128xf32, #tpu.memory_space<vmem>>) target_semaphore(%arg14 : memref<!tpu.dma_semaphore, #tpu.memory_space<semaphore_mem>>)
    %slice3A_633 = vector.extract_strided_slice %get3A_332 {offsets = [15], sizes = [1], strides = [1]} : vector<16xi32> to vector<1xi32>
    %squeeze3A_634 = vector.extract %slice3A_633[0] : i32 from vector<1xi32>
    %shift_right_arithmetic3A_635 = arith.constant 7 : i32
    %shift_right_arithmetic3A_636 = arith.shrsi %squeeze3A_634, %shift_right_arithmetic3A_635 : i32
    %mul3A_637 = arith.constant 128 : i32
    %mul3A_638 = arith.muli %shift_right_arithmetic3A_636, %mul3A_637 : i32
    %multiple_of3A_639 = tpu.assume_multiple %mul3A_638, 128 : i32
    %dma_start3A_640 = arith.constant 15 : i32
    %dma_start3A_641 = arith.constant 0 : i32
    %dma_start3A_642 = arith.constant 0 : i32
    %dma_start3A_643 = tpu.memref_slice %arg12[%dma_start3A_640, %dma_start3A_641, %dma_start3A_642] : memref<16x32x128xf32, #tpu.memory_space<vmem>> -> memref<1x32x128xf32, #tpu.memory_space<vmem>>
    %dma_start3A_644 = tpu.memref_squeeze %dma_start3A_643 : memref<1x32x128xf32, #tpu.memory_space<vmem>> -> memref<32x128xf32, #tpu.memory_space<vmem>>
    %dma_start3A_645 = arith.constant 0 : i32
    %dma_start3A_646 = tpu.memref_slice %arg5[%dma_start3A_645, %multiple_of3A_639] : memref<32x1000000xf32, #tpu.memory_space<hbm>> -> memref<32x128xf32, #tpu.memory_space<hbm>>
    %dma_start3A_647 = arith.constant 0 : i32
    %dma_start3A_648 = arith.constant 0 : i32
    %dma_start3A_649 = tpu.memref_slice %arg12[%dma_start3A_640, %dma_start3A_647, %dma_start3A_648] : memref<16x32x128xf32, #tpu.memory_space<vmem>> -> memref<1x32x128xf32, #tpu.memory_space<vmem>>
    %dma_start3A_650 = tpu.memref_squeeze %dma_start3A_649 : memref<1x32x128xf32, #tpu.memory_space<vmem>> -> memref<32x128xf32, #tpu.memory_space<vmem>>
    %dma_start3A_651 = arith.constant 0 : i32
    %dma_start3A_652 = tpu.memref_slice %arg5[%dma_start3A_651, %multiple_of3A_639] : memref<32x1000000xf32, #tpu.memory_space<hbm>> -> memref<32x128xf32, #tpu.memory_space<hbm>>
    tpu.enqueue_dma source(%dma_start3A_652 : memref<32x128xf32, #tpu.memory_space<hbm>>) target(%dma_start3A_650 : memref<32x128xf32, #tpu.memory_space<vmem>>) target_semaphore(%arg14 : memref<!tpu.dma_semaphore, #tpu.memory_space<semaphore_mem>>)
    %scan3A_653 = arith.constant 0 : i32
    %scan3A_654 = arith.constant 4 : i32
    %scan3A_655 = arith.addi %scan3A_653, %scan3A_654 : i32
    %scan3A_656 = arith.constant 1 : i32
    %scan3A_657 = scf.for %scan3A_659 = %scan3A_653 to %scan3A_655 step %scan3A_656 iter_args(%scan3A_660 = %get3A_332) -> (vector<16xi32>)  : i32 {
      %add3A_661 = arith.constant 1 : i32
      %add3A_662 = arith.addi %scan3A_659, %add3A_661 : i32
      %mul3A_663 = arith.constant 16 : i32
      %mul3A_664 = arith.muli %add3A_662, %mul3A_663 : i32
      %min3A = arith.constant 48 : i32
      %min3A_665 = arith.minsi %mul3A_664, %min3A : i32
      %get3A_666 = arith.index_cast %min3A_665 : i32 to index
      %get3A_667 = tpu.vector_load %arg9[%get3A_666] {strides = array<i32>} : memref<64xi32, #tpu.memory_space<vmem>>, vector<16xi32>,
      %lt3A = arith.constant 3 : i32
      %lt3A_668 = arith.cmpi slt, %scan3A_659, %lt3A : i32
      %dma_wait3A = arith.constant 0 : i32
      %dma_wait3A_669 = arith.constant 0 : i32
      %dma_wait3A_670 = arith.constant 0 : i32
      %dma_wait3A_671 = tpu.memref_slice %arg12[%dma_wait3A, %dma_wait3A_669, %dma_wait3A_670] : memref<16x32x128xf32, #tpu.memory_space<vmem>> -> memref<1x32x128xf32, #tpu.memory_space<vmem>>
      %dma_wait3A_672 = tpu.memref_squeeze %dma_wait3A_671 : memref<1x32x128xf32, #tpu.memory_space<vmem>> -> memref<32x128xf32, #tpu.memory_space<vmem>>
      %dma_wait3A_673 = arith.constant 0 : i32
      %dma_wait3A_674 = arith.constant 0 : i32
      %dma_wait3A_675 = tpu.memref_slice %arg5[%dma_wait3A_673, %dma_wait3A_674] : memref<32x1000000xf32, #tpu.memory_space<hbm>> -> memref<32x128xf32, #tpu.memory_space<hbm>>
      %dma_wait3A_676 = arith.constant 0 : i32
      %dma_wait3A_677 = arith.constant 0 : i32
      %dma_wait3A_678 = tpu.memref_slice %arg12[%dma_wait3A, %dma_wait3A_676, %dma_wait3A_677] : memref<16x32x128xf32, #tpu.memory_space<vmem>> -> memref<1x32x128xf32, #tpu.memory_space<vmem>>
      %dma_wait3A_679 = tpu.memref_squeeze %dma_wait3A_678 : memref<1x32x128xf32, #tpu.memory_space<vmem>> -> memref<32x128xf32, #tpu.memory_space<vmem>>
      %dma_wait3A_680 = arith.constant 0 : i32
      %dma_wait3A_681 = arith.constant 0 : i32
      %dma_wait3A_682 = tpu.memref_slice %arg5[%dma_wait3A_680, %dma_wait3A_681] : memref<32x1000000xf32, #tpu.memory_space<hbm>> -> memref<32x128xf32, #tpu.memory_space<hbm>>
      tpu.wait_dma2 semaphore(%arg13 : memref<!tpu.dma_semaphore, #tpu.memory_space<semaphore_mem>>) src(%dma_wait3A_682 : memref<32x128xf32, #tpu.memory_space<hbm>>) dst(%dma_wait3A_679 : memref<32x128xf32, #tpu.memory_space<vmem>>)
      %dma_wait3A_683 = arith.constant 1 : i32
      %dma_wait3A_684 = arith.constant 0 : i32
      %dma_wait3A_685 = arith.constant 0 : i32
      %dma_wait3A_686 = tpu.memref_slice %arg12[%dma_wait3A_683, %dma_wait3A_684, %dma_wait3A_685] : memref<16x32x128xf32, #tpu.memory_space<vmem>> -> memref<1x32x128xf32, #tpu.memory_space<vmem>>
      %dma_wait3A_687 = tpu.memref_squeeze %dma_wait3A_686 : memref<1x32x128xf32, #tpu.memory_space<vmem>> -> memref<32x128xf32, #tpu.memory_space<vmem>>
      %dma_wait3A_688 = arith.constant 0 : i32
      %dma_wait3A_689 = arith.constant 0 : i32
      %dma_wait3A_690 = tpu.memref_slice %arg5[%dma_wait3A_688, %dma_wait3A_689] : memref<32x1000000xf32, #tpu.memory_space<hbm>> -> memref<32x128xf32, #tpu.memory_space<hbm>>
      %dma_wait3A_691 = arith.constant 0 : i32
      %dma_wait3A_692 = arith.constant 0 : i32
      %dma_wait3A_693 = tpu.memref_slice %arg12[%dma_wait3A_683, %dma_wait3A_691, %dma_wait3A_692] : memref<16x32x128xf32, #tpu.memory_space<vmem>> -> memref<1x32x128xf32, #tpu.memory_space<vmem>>
      %dma_wait3A_694 = tpu.memref_squeeze %dma_wait3A_693 : memref<1x32x128xf32, #tpu.memory_space<vmem>> -> memref<32x128xf32, #tpu.memory_space<vmem>>
      %dma_wait3A_695 = arith.constant 0 : i32
      %dma_wait3A_696 = arith.constant 0 : i32
      %dma_wait3A_697 = tpu.memref_slice %arg5[%dma_wait3A_695, %dma_wait3A_696] : memref<32x1000000xf32, #tpu.memory_space<hbm>> -> memref<32x128xf32, #tpu.memory_space<hbm>>
      tpu.wait_dma2 semaphore(%arg13 : memref<!tpu.dma_semaphore, #tpu.memory_space<semaphore_mem>>) src(%dma_wait3A_697 : memref<32x128xf32, #tpu.memory_space<hbm>>) dst(%dma_wait3A_694 : memref<32x128xf32, #tpu.memory_space<vmem>>)
      %dma_wait3A_698 = arith.constant 2 : i32
      %dma_wait3A_699 = arith.constant 0 : i32
      %dma_wait3A_700 = arith.constant 0 : i32
      %dma_wait3A_701 = tpu.memref_slice %arg12[%dma_wait3A_698, %dma_wait3A_699, %dma_wait3A_700] : memref<16x32x128xf32, #tpu.memory_space<vmem>> -> memref<1x32x128xf32, #tpu.memory_space<vmem>>
      %dma_wait3A_702 = tpu.memref_squeeze %dma_wait3A_701 : memref<1x32x128xf32, #tpu.memory_space<vmem>> -> memref<32x128xf32, #tpu.memory_space<vmem>>
      %dma_wait3A_703 = arith.constant 0 : i32
      %dma_wait3A_704 = arith.constant 0 : i32
      %dma_wait3A_705 = tpu.memref_slice %arg5[%dma_wait3A_703, %dma_wait3A_704] : memref<32x1000000xf32, #tpu.memory_space<hbm>> -> memref<32x128xf32, #tpu.memory_space<hbm>>
      %dma_wait3A_706 = arith.constant 0 : i32
      %dma_wait3A_707 = arith.constant 0 : i32
      %dma_wait3A_708 = tpu.memref_slice %arg12[%dma_wait3A_698, %dma_wait3A_706, %dma_wait3A_707] : memref<16x32x128xf32, #tpu.memory_space<vmem>> -> memref<1x32x128xf32, #tpu.memory_space<vmem>>
      %dma_wait3A_709 = tpu.memref_squeeze %dma_wait3A_708 : memref<1x32x128xf32, #tpu.memory_space<vmem>> -> memref<32x128xf32, #tpu.memory_space<vmem>>
      %dma_wait3A_710 = arith.constant 0 : i32
      %dma_wait3A_711 = arith.constant 0 : i32
      %dma_wait3A_712 = tpu.memref_slice %arg5[%dma_wait3A_710, %dma_wait3A_711] : memref<32x1000000xf32, #tpu.memory_space<hbm>> -> memref<32x128xf32, #tpu.memory_space<hbm>>
      tpu.wait_dma2 semaphore(%arg13 : memref<!tpu.dma_semaphore, #tpu.memory_space<semaphore_mem>>) src(%dma_wait3A_712 : memref<32x128xf32, #tpu.memory_space<hbm>>) dst(%dma_wait3A_709 : memref<32x128xf32, #tpu.memory_space<vmem>>)
      %dma_wait3A_713 = arith.constant 3 : i32
      %dma_wait3A_714 = arith.constant 0 : i32
      %dma_wait3A_715 = arith.constant 0 : i32
      %dma_wait3A_716 = tpu.memref_slice %arg12[%dma_wait3A_713, %dma_wait3A_714, %dma_wait3A_715] : memref<16x32x128xf32, #tpu.memory_space<vmem>> -> memref<1x32x128xf32, #tpu.memory_space<vmem>>
      %dma_wait3A_717 = tpu.memref_squeeze %dma_wait3A_716 : memref<1x32x128xf32, #tpu.memory_space<vmem>> -> memref<32x128xf32, #tpu.memory_space<vmem>>
      %dma_wait3A_718 = arith.constant 0 : i32
      %dma_wait3A_719 = arith.constant 0 : i32
      %dma_wait3A_720 = tpu.memref_slice %arg5[%dma_wait3A_718, %dma_wait3A_719] : memref<32x1000000xf32, #tpu.memory_space<hbm>> -> memref<32x128xf32, #tpu.memory_space<hbm>>
      %dma_wait3A_721 = arith.constant 0 : i32
      %dma_wait3A_722 = arith.constant 0 : i32
      %dma_wait3A_723 = tpu.memref_slice %arg12[%dma_wait3A_713, %dma_wait3A_721, %dma_wait3A_722] : memref<16x32x128xf32, #tpu.memory_space<vmem>> -> memref<1x32x128xf32, #tpu.memory_space<vmem>>
      %dma_wait3A_724 = tpu.memref_squeeze %dma_wait3A_723 : memref<1x32x128xf32, #tpu.memory_space<vmem>> -> memref<32x128xf32, #tpu.memory_space<vmem>>
      %dma_wait3A_725 = arith.constant 0 : i32
      %dma_wait3A_726 = arith.constant 0 : i32
      %dma_wait3A_727 = tpu.memref_slice %arg5[%dma_wait3A_725, %dma_wait3A_726] : memref<32x1000000xf32, #tpu.memory_space<hbm>> -> memref<32x128xf32, #tpu.memory_space<hbm>>
      tpu.wait_dma2 semaphore(%arg13 : memref<!tpu.dma_semaphore, #tpu.memory_space<semaphore_mem>>) src(%dma_wait3A_727 : memref<32x128xf32, #tpu.memory_space<hbm>>) dst(%dma_wait3A_724 : memref<32x128xf32, #tpu.memory_space<vmem>>)
      %dma_wait3A_728 = arith.constant 4 : i32
      %dma_wait3A_729 = arith.constant 0 : i32
      %dma_wait3A_730 = arith.constant 0 : i32
      %dma_wait3A_731 = tpu.memref_slice %arg12[%dma_wait3A_728, %dma_wait3A_729, %dma_wait3A_730] : memref<16x32x128xf32, #tpu.memory_space<vmem>> -> memref<1x32x128xf32, #tpu.memory_space<vmem>>
      %dma_wait3A_732 = tpu.memref_squeeze %dma_wait3A_731 : memref<1x32x128xf32, #tpu.memory_space<vmem>> -> memref<32x128xf32, #tpu.memory_space<vmem>>
      %dma_wait3A_733 = arith.constant 0 : i32
      %dma_wait3A_734 = arith.constant 0 : i32
      %dma_wait3A_735 = tpu.memref_slice %arg5[%dma_wait3A_733, %dma_wait3A_734] : memref<32x1000000xf32, #tpu.memory_space<hbm>> -> memref<32x128xf32, #tpu.memory_space<hbm>>
      %dma_wait3A_736 = arith.constant 0 : i32
      %dma_wait3A_737 = arith.constant 0 : i32
      %dma_wait3A_738 = tpu.memref_slice %arg12[%dma_wait3A_728, %dma_wait3A_736, %dma_wait3A_737] : memref<16x32x128xf32, #tpu.memory_space<vmem>> -> memref<1x32x128xf32, #tpu.memory_space<vmem>>
      %dma_wait3A_739 = tpu.memref_squeeze %dma_wait3A_738 : memref<1x32x128xf32, #tpu.memory_space<vmem>> -> memref<32x128xf32, #tpu.memory_space<vmem>>
      %dma_wait3A_740 = arith.constant 0 : i32
      %dma_wait3A_741 = arith.constant 0 : i32
      %dma_wait3A_742 = tpu.memref_slice %arg5[%dma_wait3A_740, %dma_wait3A_741] : memref<32x1000000xf32, #tpu.memory_space<hbm>> -> memref<32x128xf32, #tpu.memory_space<hbm>>
      tpu.wait_dma2 semaphore(%arg13 : memref<!tpu.dma_semaphore, #tpu.memory_space<semaphore_mem>>) src(%dma_wait3A_742 : memref<32x128xf32, #tpu.memory_space<hbm>>) dst(%dma_wait3A_739 : memref<32x128xf32, #tpu.memory_space<vmem>>)
      %dma_wait3A_743 = arith.constant 5 : i32
      %dma_wait3A_744 = arith.constant 0 : i32
      %dma_wait3A_745 = arith.constant 0 : i32
      %dma_wait3A_746 = tpu.memref_slice %arg12[%dma_wait3A_743, %dma_wait3A_744, %dma_wait3A_745] : memref<16x32x128xf32, #tpu.memory_space<vmem>> -> memref<1x32x128xf32, #tpu.memory_space<vmem>>
      %dma_wait3A_747 = tpu.memref_squeeze %dma_wait3A_746 : memref<1x32x128xf32, #tpu.memory_space<vmem>> -> memref<32x128xf32, #tpu.memory_space<vmem>>
      %dma_wait3A_748 = arith.constant 0 : i32
      %dma_wait3A_749 = arith.constant 0 : i32
      %dma_wait3A_750 = tpu.memref_slice %arg5[%dma_wait3A_748, %dma_wait3A_749] : memref<32x1000000xf32, #tpu.memory_space<hbm>> -> memref<32x128xf32, #tpu.memory_space<hbm>>
      %dma_wait3A_751 = arith.constant 0 : i32
      %dma_wait3A_752 = arith.constant 0 : i32
      %dma_wait3A_753 = tpu.memref_slice %arg12[%dma_wait3A_743, %dma_wait3A_751, %dma_wait3A_752] : memref<16x32x128xf32, #tpu.memory_space<vmem>> -> memref<1x32x128xf32, #tpu.memory_space<vmem>>
      %dma_wait3A_754 = tpu.memref_squeeze %dma_wait3A_753 : memref<1x32x128xf32, #tpu.memory_space<vmem>> -> memref<32x128xf32, #tpu.memory_space<vmem>>
      %dma_wait3A_755 = arith.constant 0 : i32
      %dma_wait3A_756 = arith.constant 0 : i32
      %dma_wait3A_757 = tpu.memref_slice %arg5[%dma_wait3A_755, %dma_wait3A_756] : memref<32x1000000xf32, #tpu.memory_space<hbm>> -> memref<32x128xf32, #tpu.memory_space<hbm>>
      tpu.wait_dma2 semaphore(%arg13 : memref<!tpu.dma_semaphore, #tpu.memory_space<semaphore_mem>>) src(%dma_wait3A_757 : memref<32x128xf32, #tpu.memory_space<hbm>>) dst(%dma_wait3A_754 : memref<32x128xf32, #tpu.memory_space<vmem>>)
      %dma_wait3A_758 = arith.constant 6 : i32
      %dma_wait3A_759 = arith.constant 0 : i32
      %dma_wait3A_760 = arith.constant 0 : i32
      %dma_wait3A_761 = tpu.memref_slice %arg12[%dma_wait3A_758, %dma_wait3A_759, %dma_wait3A_760] : memref<16x32x128xf32, #tpu.memory_space<vmem>> -> memref<1x32x128xf32, #tpu.memory_space<vmem>>
      %dma_wait3A_762 = tpu.memref_squeeze %dma_wait3A_761 : memref<1x32x128xf32, #tpu.memory_space<vmem>> -> memref<32x128xf32, #tpu.memory_space<vmem>>
      %dma_wait3A_763 = arith.constant 0 : i32
      %dma_wait3A_764 = arith.constant 0 : i32
      %dma_wait3A_765 = tpu.memref_slice %arg5[%dma_wait3A_763, %dma_wait3A_764] : memref<32x1000000xf32, #tpu.memory_space<hbm>> -> memref<32x128xf32, #tpu.memory_space<hbm>>
      %dma_wait3A_766 = arith.constant 0 : i32
      %dma_wait3A_767 = arith.constant 0 : i32
      %dma_wait3A_768 = tpu.memref_slice %arg12[%dma_wait3A_758, %dma_wait3A_766, %dma_wait3A_767] : memref<16x32x128xf32, #tpu.memory_space<vmem>> -> memref<1x32x128xf32, #tpu.memory_space<vmem>>
      %dma_wait3A_769 = tpu.memref_squeeze %dma_wait3A_768 : memref<1x32x128xf32, #tpu.memory_space<vmem>> -> memref<32x128xf32, #tpu.memory_space<vmem>>
      %dma_wait3A_770 = arith.constant 0 : i32
      %dma_wait3A_771 = arith.constant 0 : i32
      %dma_wait3A_772 = tpu.memref_slice %arg5[%dma_wait3A_770, %dma_wait3A_771] : memref<32x1000000xf32, #tpu.memory_space<hbm>> -> memref<32x128xf32, #tpu.memory_space<hbm>>
      tpu.wait_dma2 semaphore(%arg13 : memref<!tpu.dma_semaphore, #tpu.memory_space<semaphore_mem>>) src(%dma_wait3A_772 : memref<32x128xf32, #tpu.memory_space<hbm>>) dst(%dma_wait3A_769 : memref<32x128xf32, #tpu.memory_space<vmem>>)
      %dma_wait3A_773 = arith.constant 7 : i32
      %dma_wait3A_774 = arith.constant 0 : i32
      %dma_wait3A_775 = arith.constant 0 : i32
      %dma_wait3A_776 = tpu.memref_slice %arg12[%dma_wait3A_773, %dma_wait3A_774, %dma_wait3A_775] : memref<16x32x128xf32, #tpu.memory_space<vmem>> -> memref<1x32x128xf32, #tpu.memory_space<vmem>>
      %dma_wait3A_777 = tpu.memref_squeeze %dma_wait3A_776 : memref<1x32x128xf32, #tpu.memory_space<vmem>> -> memref<32x128xf32, #tpu.memory_space<vmem>>
      %dma_wait3A_778 = arith.constant 0 : i32
      %dma_wait3A_779 = arith.constant 0 : i32
      %dma_wait3A_780 = tpu.memref_slice %arg5[%dma_wait3A_778, %dma_wait3A_779] : memref<32x1000000xf32, #tpu.memory_space<hbm>> -> memref<32x128xf32, #tpu.memory_space<hbm>>
      %dma_wait3A_781 = arith.constant 0 : i32
      %dma_wait3A_782 = arith.constant 0 : i32
      %dma_wait3A_783 = tpu.memref_slice %arg12[%dma_wait3A_773, %dma_wait3A_781, %dma_wait3A_782] : memref<16x32x128xf32, #tpu.memory_space<vmem>> -> memref<1x32x128xf32, #tpu.memory_space<vmem>>
      %dma_wait3A_784 = tpu.memref_squeeze %dma_wait3A_783 : memref<1x32x128xf32, #tpu.memory_space<vmem>> -> memref<32x128xf32, #tpu.memory_space<vmem>>
      %dma_wait3A_785 = arith.constant 0 : i32
      %dma_wait3A_786 = arith.constant 0 : i32
      %dma_wait3A_787 = tpu.memref_slice %arg5[%dma_wait3A_785, %dma_wait3A_786] : memref<32x1000000xf32, #tpu.memory_space<hbm>> -> memref<32x128xf32, #tpu.memory_space<hbm>>
      tpu.wait_dma2 semaphore(%arg13 : memref<!tpu.dma_semaphore, #tpu.memory_space<semaphore_mem>>) src(%dma_wait3A_787 : memref<32x128xf32, #tpu.memory_space<hbm>>) dst(%dma_wait3A_784 : memref<32x128xf32, #tpu.memory_space<vmem>>)
      %slice3A_788 = vector.extract_strided_slice %scan3A_660 {offsets = [0], sizes = [1], strides = [1]} : vector<16xi32> to vector<1xi32>
      %squeeze3A_789 = vector.extract %slice3A_788[0] : i32 from vector<1xi32>
      %mul3A_790 = arith.constant 16 : i32
      %mul3A_791 = arith.muli %scan3A_659, %mul3A_790 : i32
      %add3A_792 = arith.constant 0 : i32
      %add3A_793 = arith.addi %mul3A_791, %add3A_792 : i32
      %and3A = arith.constant 127 : i32
      %and3A_794 = arith.andi %squeeze3A_789, %and3A : i32
      %broadcast_in_dim3A = vector.broadcast %and3A_794 : i32 to vector<16xi32>
      %broadcast_in_dim3A_795 = vector.broadcast %add3A_793 : i32 to vector<16xi32>
      %gather3A = arith.constant 0 : i32
      %gather3A_796 = arith.constant 0 : i32
      %gather3A_797 = arith.constant 0 : i32
      %gather3A_798 = tpu.memref_slice %arg12[%gather3A, %gather3A_796, %gather3A_797] : memref<16x32x128xf32, #tpu.memory_space<vmem>> -> memref<1x32x128xf32, #tpu.memory_space<vmem>>
      %gather3A_799 = tpu.memref_squeeze %gather3A_798 : memref<1x32x128xf32, #tpu.memory_space<vmem>> -> memref<32x128xf32, #tpu.memory_space<vmem>>
      %gather3A_800 = tpu.vector_load_idx %gather3A_799[%iota3A, %broadcast_in_dim3A] : memref<32x128xf32, #tpu.memory_space<vmem>>[vector<16xi32>, vector<16xi32>], vector<16xf32>,
      %gather3A_801 = arith.constant 0 : i32
      %gather3A_802 = arith.constant 0 : i32
      %gather3A_803 = arith.constant 0 : i32
      %gather3A_804 = tpu.memref_slice %arg12[%gather3A_801, %gather3A_802, %gather3A_803] : memref<16x32x128xf32, #tpu.memory_space<vmem>> -> memref<1x32x128xf32, #tpu.memory_space<vmem>>
      %gather3A_805 = tpu.memref_squeeze %gather3A_804 : memref<1x32x128xf32, #tpu.memory_space<vmem>> -> memref<32x128xf32, #tpu.memory_space<vmem>>
      %gather3A_806 = tpu.vector_load_idx %gather3A_805[%add3A_3, %broadcast_in_dim3A] : memref<32x128xf32, #tpu.memory_space<vmem>>[vector<16xi32>, vector<16xi32>], vector<16xf32>,
      tpu.vector_store_idx %arg11[%broadcast_in_dim3A_795, %iota3A], %gather3A_800 : memref<64x32xf32, #tpu.memory_space<vmem>>[vector<16xi32>, vector<16xi32>], vector<16xf32>,
      tpu.vector_store_idx %arg11[%broadcast_in_dim3A_795, %add3A_3], %gather3A_806 : memref<64x32xf32, #tpu.memory_space<vmem>>[vector<16xi32>, vector<16xi32>], vector<16xf32>,
      %slice3A_807 = vector.extract_strided_slice %scan3A_660 {offsets = [1], sizes = [1], strides = [1]} : vector<16xi32> to vector<1xi32>
      %squeeze3A_808 = vector.extract %slice3A_807[0] : i32 from vector<1xi32>
      %mul3A_809 = arith.constant 16 : i32
      %mul3A_810 = arith.muli %scan3A_659, %mul3A_809 : i32
      %add3A_811 = arith.constant 1 : i32
      %add3A_812 = arith.addi %mul3A_810, %add3A_811 : i32
      %and3A_813 = arith.constant 127 : i32
      %and3A_814 = arith.andi %squeeze3A_808, %and3A_813 : i32
      %broadcast_in_dim3A_815 = vector.broadcast %and3A_814 : i32 to vector<16xi32>
      %broadcast_in_dim3A_816 = vector.broadcast %add3A_812 : i32 to vector<16xi32>
      %gather3A_817 = arith.constant 1 : i32
      %gather3A_818 = arith.constant 0 : i32
      %gather3A_819 = arith.constant 0 : i32
      %gather3A_820 = tpu.memref_slice %arg12[%gather3A_817, %gather3A_818, %gather3A_819] : memref<16x32x128xf32, #tpu.memory_space<vmem>> -> memref<1x32x128xf32, #tpu.memory_space<vmem>>
      %gather3A_821 = tpu.memref_squeeze %gather3A_820 : memref<1x32x128xf32, #tpu.memory_space<vmem>> -> memref<32x128xf32, #tpu.memory_space<vmem>>
      %gather3A_822 = tpu.vector_load_idx %gather3A_821[%iota3A, %broadcast_in_dim3A_815] : memref<32x128xf32, #tpu.memory_space<vmem>>[vector<16xi32>, vector<16xi32>], vector<16xf32>,
      %gather3A_823 = arith.constant 1 : i32
      %gather3A_824 = arith.constant 0 : i32
      %gather3A_825 = arith.constant 0 : i32
      %gather3A_826 = tpu.memref_slice %arg12[%gather3A_823, %gather3A_824, %gather3A_825] : memref<16x32x128xf32, #tpu.memory_space<vmem>> -> memref<1x32x128xf32, #tpu.memory_space<vmem>>
      %gather3A_827 = tpu.memref_squeeze %gather3A_826 : memref<1x32x128xf32, #tpu.memory_space<vmem>> -> memref<32x128xf32, #tpu.memory_space<vmem>>
      %gather3A_828 = tpu.vector_load_idx %gather3A_827[%add3A_3, %broadcast_in_dim3A_815] : memref<32x128xf32, #tpu.memory_space<vmem>>[vector<16xi32>, vector<16xi32>], vector<16xf32>,
      tpu.vector_store_idx %arg11[%broadcast_in_dim3A_816, %iota3A], %gather3A_822 : memref<64x32xf32, #tpu.memory_space<vmem>>[vector<16xi32>, vector<16xi32>], vector<16xf32>,
      tpu.vector_store_idx %arg11[%broadcast_in_dim3A_816, %add3A_3], %gather3A_828 : memref<64x32xf32, #tpu.memory_space<vmem>>[vector<16xi32>, vector<16xi32>], vector<16xf32>,
      %slice3A_829 = vector.extract_strided_slice %scan3A_660 {offsets = [2], sizes = [1], strides = [1]} : vector<16xi32> to vector<1xi32>
      %squeeze3A_830 = vector.extract %slice3A_829[0] : i32 from vector<1xi32>
      %mul3A_831 = arith.constant 16 : i32
      %mul3A_832 = arith.muli %scan3A_659, %mul3A_831 : i32
      %add3A_833 = arith.constant 2 : i32
      %add3A_834 = arith.addi %mul3A_832, %add3A_833 : i32
      %and3A_835 = arith.constant 127 : i32
      %and3A_836 = arith.andi %squeeze3A_830, %and3A_835 : i32
      %broadcast_in_dim3A_837 = vector.broadcast %and3A_836 : i32 to vector<16xi32>
      %broadcast_in_dim3A_838 = vector.broadcast %add3A_834 : i32 to vector<16xi32>
      %gather3A_839 = arith.constant 2 : i32
      %gather3A_840 = arith.constant 0 : i32
      %gather3A_841 = arith.constant 0 : i32
      %gather3A_842 = tpu.memref_slice %arg12[%gather3A_839, %gather3A_840, %gather3A_841] : memref<16x32x128xf32, #tpu.memory_space<vmem>> -> memref<1x32x128xf32, #tpu.memory_space<vmem>>
      %gather3A_843 = tpu.memref_squeeze %gather3A_842 : memref<1x32x128xf32, #tpu.memory_space<vmem>> -> memref<32x128xf32, #tpu.memory_space<vmem>>
      %gather3A_844 = tpu.vector_load_idx %gather3A_843[%iota3A, %broadcast_in_dim3A_837] : memref<32x128xf32, #tpu.memory_space<vmem>>[vector<16xi32>, vector<16xi32>], vector<16xf32>,
      %gather3A_845 = arith.constant 2 : i32
      %gather3A_846 = arith.constant 0 : i32
      %gather3A_847 = arith.constant 0 : i32
      %gather3A_848 = tpu.memref_slice %arg12[%gather3A_845, %gather3A_846, %gather3A_847] : memref<16x32x128xf32, #tpu.memory_space<vmem>> -> memref<1x32x128xf32, #tpu.memory_space<vmem>>
      %gather3A_849 = tpu.memref_squeeze %gather3A_848 : memref<1x32x128xf32, #tpu.memory_space<vmem>> -> memref<32x128xf32, #tpu.memory_space<vmem>>
      %gather3A_850 = tpu.vector_load_idx %gather3A_849[%add3A_3, %broadcast_in_dim3A_837] : memref<32x128xf32, #tpu.memory_space<vmem>>[vector<16xi32>, vector<16xi32>], vector<16xf32>,
      tpu.vector_store_idx %arg11[%broadcast_in_dim3A_838, %iota3A], %gather3A_844 : memref<64x32xf32, #tpu.memory_space<vmem>>[vector<16xi32>, vector<16xi32>], vector<16xf32>,
      tpu.vector_store_idx %arg11[%broadcast_in_dim3A_838, %add3A_3], %gather3A_850 : memref<64x32xf32, #tpu.memory_space<vmem>>[vector<16xi32>, vector<16xi32>], vector<16xf32>,
      %slice3A_851 = vector.extract_strided_slice %scan3A_660 {offsets = [3], sizes = [1], strides = [1]} : vector<16xi32> to vector<1xi32>
      %squeeze3A_852 = vector.extract %slice3A_851[0] : i32 from vector<1xi32>
      %mul3A_853 = arith.constant 16 : i32
      %mul3A_854 = arith.muli %scan3A_659, %mul3A_853 : i32
      %add3A_855 = arith.constant 3 : i32
      %add3A_856 = arith.addi %mul3A_854, %add3A_855 : i32
      %and3A_857 = arith.constant 127 : i32
      %and3A_858 = arith.andi %squeeze3A_852, %and3A_857 : i32
      %broadcast_in_dim3A_859 = vector.broadcast %and3A_858 : i32 to vector<16xi32>
      %broadcast_in_dim3A_860 = vector.broadcast %add3A_856 : i32 to vector<16xi32>
      %gather3A_861 = arith.constant 3 : i32
      %gather3A_862 = arith.constant 0 : i32
      %gather3A_863 = arith.constant 0 : i32
      %gather3A_864 = tpu.memref_slice %arg12[%gather3A_861, %gather3A_862, %gather3A_863] : memref<16x32x128xf32, #tpu.memory_space<vmem>> -> memref<1x32x128xf32, #tpu.memory_space<vmem>>
      %gather3A_865 = tpu.memref_squeeze %gather3A_864 : memref<1x32x128xf32, #tpu.memory_space<vmem>> -> memref<32x128xf32, #tpu.memory_space<vmem>>
      %gather3A_866 = tpu.vector_load_idx %gather3A_865[%iota3A, %broadcast_in_dim3A_859] : memref<32x128xf32, #tpu.memory_space<vmem>>[vector<16xi32>, vector<16xi32>], vector<16xf32>,
      %gather3A_867 = arith.constant 3 : i32
      %gather3A_868 = arith.constant 0 : i32
      %gather3A_869 = arith.constant 0 : i32
      %gather3A_870 = tpu.memref_slice %arg12[%gather3A_867, %gather3A_868, %gather3A_869] : memref<16x32x128xf32, #tpu.memory_space<vmem>> -> memref<1x32x128xf32, #tpu.memory_space<vmem>>
      %gather3A_871 = tpu.memref_squeeze %gather3A_870 : memref<1x32x128xf32, #tpu.memory_space<vmem>> -> memref<32x128xf32, #tpu.memory_space<vmem>>
      %gather3A_872 = tpu.vector_load_idx %gather3A_871[%add3A_3, %broadcast_in_dim3A_859] : memref<32x128xf32, #tpu.memory_space<vmem>>[vector<16xi32>, vector<16xi32>], vector<16xf32>,
      tpu.vector_store_idx %arg11[%broadcast_in_dim3A_860, %iota3A], %gather3A_866 : memref<64x32xf32, #tpu.memory_space<vmem>>[vector<16xi32>, vector<16xi32>], vector<16xf32>,
      tpu.vector_store_idx %arg11[%broadcast_in_dim3A_860, %add3A_3], %gather3A_872 : memref<64x32xf32, #tpu.memory_space<vmem>>[vector<16xi32>, vector<16xi32>], vector<16xf32>,
      %slice3A_873 = vector.extract_strided_slice %scan3A_660 {offsets = [4], sizes = [1], strides = [1]} : vector<16xi32> to vector<1xi32>
      %squeeze3A_874 = vector.extract %slice3A_873[0] : i32 from vector<1xi32>
      %mul3A_875 = arith.constant 16 : i32
      %mul3A_876 = arith.muli %scan3A_659, %mul3A_875 : i32
      %add3A_877 = arith.constant 4 : i32
      %add3A_878 = arith.addi %mul3A_876, %add3A_877 : i32
      %and3A_879 = arith.constant 127 : i32
      %and3A_880 = arith.andi %squeeze3A_874, %and3A_879 : i32
      %broadcast_in_dim3A_881 = vector.broadcast %and3A_880 : i32 to vector<16xi32>
      %broadcast_in_dim3A_882 = vector.broadcast %add3A_878 : i32 to vector<16xi32>
      %gather3A_883 = arith.constant 4 : i32
      %gather3A_884 = arith.constant 0 : i32
      %gather3A_885 = arith.constant 0 : i32
      %gather3A_886 = tpu.memref_slice %arg12[%gather3A_883, %gather3A_884, %gather3A_885] : memref<16x32x128xf32, #tpu.memory_space<vmem>> -> memref<1x32x128xf32, #tpu.memory_space<vmem>>
      %gather3A_887 = tpu.memref_squeeze %gather3A_886 : memref<1x32x128xf32, #tpu.memory_space<vmem>> -> memref<32x128xf32, #tpu.memory_space<vmem>>
      %gather3A_888 = tpu.vector_load_idx %gather3A_887[%iota3A, %broadcast_in_dim3A_881] : memref<32x128xf32, #tpu.memory_space<vmem>>[vector<16xi32>, vector<16xi32>], vector<16xf32>,
      %gather3A_889 = arith.constant 4 : i32
      %gather3A_890 = arith.constant 0 : i32
      %gather3A_891 = arith.constant 0 : i32
      %gather3A_892 = tpu.memref_slice %arg12[%gather3A_889, %gather3A_890, %gather3A_891] : memref<16x32x128xf32, #tpu.memory_space<vmem>> -> memref<1x32x128xf32, #tpu.memory_space<vmem>>
      %gather3A_893 = tpu.memref_squeeze %gather3A_892 : memref<1x32x128xf32, #tpu.memory_space<vmem>> -> memref<32x128xf32, #tpu.memory_space<vmem>>
      %gather3A_894 = tpu.vector_load_idx %gather3A_893[%add3A_3, %broadcast_in_dim3A_881] : memref<32x128xf32, #tpu.memory_space<vmem>>[vector<16xi32>, vector<16xi32>], vector<16xf32>,
      tpu.vector_store_idx %arg11[%broadcast_in_dim3A_882, %iota3A], %gather3A_888 : memref<64x32xf32, #tpu.memory_space<vmem>>[vector<16xi32>, vector<16xi32>], vector<16xf32>,
      tpu.vector_store_idx %arg11[%broadcast_in_dim3A_882, %add3A_3], %gather3A_894 : memref<64x32xf32, #tpu.memory_space<vmem>>[vector<16xi32>, vector<16xi32>], vector<16xf32>,
      %slice3A_895 = vector.extract_strided_slice %scan3A_660 {offsets = [5], sizes = [1], strides = [1]} : vector<16xi32> to vector<1xi32>
      %squeeze3A_896 = vector.extract %slice3A_895[0] : i32 from vector<1xi32>
      %mul3A_897 = arith.constant 16 : i32
      %mul3A_898 = arith.muli %scan3A_659, %mul3A_897 : i32
      %add3A_899 = arith.constant 5 : i32
      %add3A_900 = arith.addi %mul3A_898, %add3A_899 : i32
      %and3A_901 = arith.constant 127 : i32
      %and3A_902 = arith.andi %squeeze3A_896, %and3A_901 : i32
      %broadcast_in_dim3A_903 = vector.broadcast %and3A_902 : i32 to vector<16xi32>
      %broadcast_in_dim3A_904 = vector.broadcast %add3A_900 : i32 to vector<16xi32>
      %gather3A_905 = arith.constant 5 : i32
      %gather3A_906 = arith.constant 0 : i32
      %gather3A_907 = arith.constant 0 : i32
      %gather3A_908 = tpu.memref_slice %arg12[%gather3A_905, %gather3A_906, %gather3A_907] : memref<16x32x128xf32, #tpu.memory_space<vmem>> -> memref<1x32x128xf32, #tpu.memory_space<vmem>>
      %gather3A_909 = tpu.memref_squeeze %gather3A_908 : memref<1x32x128xf32, #tpu.memory_space<vmem>> -> memref<32x128xf32, #tpu.memory_space<vmem>>
      %gather3A_910 = tpu.vector_load_idx %gather3A_909[%iota3A, %broadcast_in_dim3A_903] : memref<32x128xf32, #tpu.memory_space<vmem>>[vector<16xi32>, vector<16xi32>], vector<16xf32>,
      %gather3A_911 = arith.constant 5 : i32
      %gather3A_912 = arith.constant 0 : i32
      %gather3A_913 = arith.constant 0 : i32
      %gather3A_914 = tpu.memref_slice %arg12[%gather3A_911, %gather3A_912, %gather3A_913] : memref<16x32x128xf32, #tpu.memory_space<vmem>> -> memref<1x32x128xf32, #tpu.memory_space<vmem>>
      %gather3A_915 = tpu.memref_squeeze %gather3A_914 : memref<1x32x128xf32, #tpu.memory_space<vmem>> -> memref<32x128xf32, #tpu.memory_space<vmem>>
      %gather3A_916 = tpu.vector_load_idx %gather3A_915[%add3A_3, %broadcast_in_dim3A_903] : memref<32x128xf32, #tpu.memory_space<vmem>>[vector<16xi32>, vector<16xi32>], vector<16xf32>,
      tpu.vector_store_idx %arg11[%broadcast_in_dim3A_904, %iota3A], %gather3A_910 : memref<64x32xf32, #tpu.memory_space<vmem>>[vector<16xi32>, vector<16xi32>], vector<16xf32>,
      tpu.vector_store_idx %arg11[%broadcast_in_dim3A_904, %add3A_3], %gather3A_916 : memref<64x32xf32, #tpu.memory_space<vmem>>[vector<16xi32>, vector<16xi32>], vector<16xf32>,
      %slice3A_917 = vector.extract_strided_slice %scan3A_660 {offsets = [6], sizes = [1], strides = [1]} : vector<16xi32> to vector<1xi32>
      %squeeze3A_918 = vector.extract %slice3A_917[0] : i32 from vector<1xi32>
      %mul3A_919 = arith.constant 16 : i32
      %mul3A_920 = arith.muli %scan3A_659, %mul3A_919 : i32
      %add3A_921 = arith.constant 6 : i32
      %add3A_922 = arith.addi %mul3A_920, %add3A_921 : i32
      %and3A_923 = arith.constant 127 : i32
      %and3A_924 = arith.andi %squeeze3A_918, %and3A_923 : i32
      %broadcast_in_dim3A_925 = vector.broadcast %and3A_924 : i32 to vector<16xi32>
      %broadcast_in_dim3A_926 = vector.broadcast %add3A_922 : i32 to vector<16xi32>
      %gather3A_927 = arith.constant 6 : i32
      %gather3A_928 = arith.constant 0 : i32
      %gather3A_929 = arith.constant 0 : i32
      %gather3A_930 = tpu.memref_slice %arg12[%gather3A_927, %gather3A_928, %gather3A_929] : memref<16x32x128xf32, #tpu.memory_space<vmem>> -> memref<1x32x128xf32, #tpu.memory_space<vmem>>
      %gather3A_931 = tpu.memref_squeeze %gather3A_930 : memref<1x32x128xf32, #tpu.memory_space<vmem>> -> memref<32x128xf32, #tpu.memory_space<vmem>>
      %gather3A_932 = tpu.vector_load_idx %gather3A_931[%iota3A, %broadcast_in_dim3A_925] : memref<32x128xf32, #tpu.memory_space<vmem>>[vector<16xi32>, vector<16xi32>], vector<16xf32>,
      %gather3A_933 = arith.constant 6 : i32
      %gather3A_934 = arith.constant 0 : i32
      %gather3A_935 = arith.constant 0 : i32
      %gather3A_936 = tpu.memref_slice %arg12[%gather3A_933, %gather3A_934, %gather3A_935] : memref<16x32x128xf32, #tpu.memory_space<vmem>> -> memref<1x32x128xf32, #tpu.memory_space<vmem>>
      %gather3A_937 = tpu.memref_squeeze %gather3A_936 : memref<1x32x128xf32, #tpu.memory_space<vmem>> -> memref<32x128xf32, #tpu.memory_space<vmem>>
      %gather3A_938 = tpu.vector_load_idx %gather3A_937[%add3A_3, %broadcast_in_dim3A_925] : memref<32x128xf32, #tpu.memory_space<vmem>>[vector<16xi32>, vector<16xi32>], vector<16xf32>,
      tpu.vector_store_idx %arg11[%broadcast_in_dim3A_926, %iota3A], %gather3A_932 : memref<64x32xf32, #tpu.memory_space<vmem>>[vector<16xi32>, vector<16xi32>], vector<16xf32>,
      tpu.vector_store_idx %arg11[%broadcast_in_dim3A_926, %add3A_3], %gather3A_938 : memref<64x32xf32, #tpu.memory_space<vmem>>[vector<16xi32>, vector<16xi32>], vector<16xf32>,
      %slice3A_939 = vector.extract_strided_slice %scan3A_660 {offsets = [7], sizes = [1], strides = [1]} : vector<16xi32> to vector<1xi32>
      %squeeze3A_940 = vector.extract %slice3A_939[0] : i32 from vector<1xi32>
      %mul3A_941 = arith.constant 16 : i32
      %mul3A_942 = arith.muli %scan3A_659, %mul3A_941 : i32
      %add3A_943 = arith.constant 7 : i32
      %add3A_944 = arith.addi %mul3A_942, %add3A_943 : i32
      %and3A_945 = arith.constant 127 : i32
      %and3A_946 = arith.andi %squeeze3A_940, %and3A_945 : i32
      %broadcast_in_dim3A_947 = vector.broadcast %and3A_946 : i32 to vector<16xi32>
      %broadcast_in_dim3A_948 = vector.broadcast %add3A_944 : i32 to vector<16xi32>
      %gather3A_949 = arith.constant 7 : i32
      %gather3A_950 = arith.constant 0 : i32
      %gather3A_951 = arith.constant 0 : i32
      %gather3A_952 = tpu.memref_slice %arg12[%gather3A_949, %gather3A_950, %gather3A_951] : memref<16x32x128xf32, #tpu.memory_space<vmem>> -> memref<1x32x128xf32, #tpu.memory_space<vmem>>
      %gather3A_953 = tpu.memref_squeeze %gather3A_952 : memref<1x32x128xf32, #tpu.memory_space<vmem>> -> memref<32x128xf32, #tpu.memory_space<vmem>>
      %gather3A_954 = tpu.vector_load_idx %gather3A_953[%iota3A, %broadcast_in_dim3A_947] : memref<32x128xf32, #tpu.memory_space<vmem>>[vector<16xi32>, vector<16xi32>], vector<16xf32>,
      %gather3A_955 = arith.constant 7 : i32
      %gather3A_956 = arith.constant 0 : i32
      %gather3A_957 = arith.constant 0 : i32
      %gather3A_958 = tpu.memref_slice %arg12[%gather3A_955, %gather3A_956, %gather3A_957] : memref<16x32x128xf32, #tpu.memory_space<vmem>> -> memref<1x32x128xf32, #tpu.memory_space<vmem>>
      %gather3A_959 = tpu.memref_squeeze %gather3A_958 : memref<1x32x128xf32, #tpu.memory_space<vmem>> -> memref<32x128xf32, #tpu.memory_space<vmem>>
      %gather3A_960 = tpu.vector_load_idx %gather3A_959[%add3A_3, %broadcast_in_dim3A_947] : memref<32x128xf32, #tpu.memory_space<vmem>>[vector<16xi32>, vector<16xi32>], vector<16xf32>,
      tpu.vector_store_idx %arg11[%broadcast_in_dim3A_948, %iota3A], %gather3A_954 : memref<64x32xf32, #tpu.memory_space<vmem>>[vector<16xi32>, vector<16xi32>], vector<16xf32>,
      tpu.vector_store_idx %arg11[%broadcast_in_dim3A_948, %add3A_3], %gather3A_960 : memref<64x32xf32, #tpu.memory_space<vmem>>[vector<16xi32>, vector<16xi32>], vector<16xf32>,
      %convert_element_type3A = arith.extui %lt3A_668 : i1 to i32
      %cond3A = arith.constant 0 : i32
      %cond3A_961 = arith.cmpi ne, %convert_element_type3A, %cond3A : i32
      scf.if %cond3A_961 {
        %slice3A_1261 = vector.extract_strided_slice %get3A_667 {offsets = [0], sizes = [1], strides = [1]} : vector<16xi32> to vector<1xi32>
        %squeeze3A_1262 = vector.extract %slice3A_1261[0] : i32 from vector<1xi32>
        %shift_right_arithmetic3A_1263 = arith.constant 7 : i32
        %shift_right_arithmetic3A_1264 = arith.shrsi %squeeze3A_1262, %shift_right_arithmetic3A_1263 : i32
        %mul3A_1265 = arith.constant 128 : i32
        %mul3A_1266 = arith.muli %shift_right_arithmetic3A_1264, %mul3A_1265 : i32
        %multiple_of3A_1267 = tpu.assume_multiple %mul3A_1266, 128 : i32
        %dma_start3A_1268 = arith.constant 0 : i32
        %dma_start3A_1269 = arith.constant 0 : i32
        %dma_start3A_1270 = arith.constant 0 : i32
        %dma_start3A_1271 = tpu.memref_slice %arg12[%dma_start3A_1268, %dma_start3A_1269, %dma_start3A_1270] : memref<16x32x128xf32, #tpu.memory_space<vmem>> -> memref<1x32x128xf32, #tpu.memory_space<vmem>>
        %dma_start3A_1272 = tpu.memref_squeeze %dma_start3A_1271 : memref<1x32x128xf32, #tpu.memory_space<vmem>> -> memref<32x128xf32, #tpu.memory_space<vmem>>
        %dma_start3A_1273 = arith.constant 0 : i32
        %dma_start3A_1274 = tpu.memref_slice %arg5[%dma_start3A_1273, %multiple_of3A_1267] : memref<32x1000000xf32, #tpu.memory_space<hbm>> -> memref<32x128xf32, #tpu.memory_space<hbm>>
        %dma_start3A_1275 = arith.constant 0 : i32
        %dma_start3A_1276 = arith.constant 0 : i32
        %dma_start3A_1277 = tpu.memref_slice %arg12[%dma_start3A_1268, %dma_start3A_1275, %dma_start3A_1276] : memref<16x32x128xf32, #tpu.memory_space<vmem>> -> memref<1x32x128xf32, #tpu.memory_space<vmem>>
        %dma_start3A_1278 = tpu.memref_squeeze %dma_start3A_1277 : memref<1x32x128xf32, #tpu.memory_space<vmem>> -> memref<32x128xf32, #tpu.memory_space<vmem>>
        %dma_start3A_1279 = arith.constant 0 : i32
        %dma_start3A_1280 = tpu.memref_slice %arg5[%dma_start3A_1279, %multiple_of3A_1267] : memref<32x1000000xf32, #tpu.memory_space<hbm>> -> memref<32x128xf32, #tpu.memory_space<hbm>>
        tpu.enqueue_dma source(%dma_start3A_1280 : memref<32x128xf32, #tpu.memory_space<hbm>>) target(%dma_start3A_1278 : memref<32x128xf32, #tpu.memory_space<vmem>>) target_semaphore(%arg13 : memref<!tpu.dma_semaphore, #tpu.memory_space<semaphore_mem>>)
        %slice3A_1281 = vector.extract_strided_slice %get3A_667 {offsets = [1], sizes = [1], strides = [1]} : vector<16xi32> to vector<1xi32>
        %squeeze3A_1282 = vector.extract %slice3A_1281[0] : i32 from vector<1xi32>
        %shift_right_arithmetic3A_1283 = arith.constant 7 : i32
        %shift_right_arithmetic3A_1284 = arith.shrsi %squeeze3A_1282, %shift_right_arithmetic3A_1283 : i32
        %mul3A_1285 = arith.constant 128 : i32
        %mul3A_1286 = arith.muli %shift_right_arithmetic3A_1284, %mul3A_1285 : i32
        %multiple_of3A_1287 = tpu.assume_multiple %mul3A_1286, 128 : i32
        %dma_start3A_1288 = arith.constant 1 : i32
        %dma_start3A_1289 = arith.constant 0 : i32
        %dma_start3A_1290 = arith.constant 0 : i32
        %dma_start3A_1291 = tpu.memref_slice %arg12[%dma_start3A_1288, %dma_start3A_1289, %dma_start3A_1290] : memref<16x32x128xf32, #tpu.memory_space<vmem>> -> memref<1x32x128xf32, #tpu.memory_space<vmem>>
        %dma_start3A_1292 = tpu.memref_squeeze %dma_start3A_1291 : memref<1x32x128xf32, #tpu.memory_space<vmem>> -> memref<32x128xf32, #tpu.memory_space<vmem>>
        %dma_start3A_1293 = arith.constant 0 : i32
        %dma_start3A_1294 = tpu.memref_slice %arg5[%dma_start3A_1293, %multiple_of3A_1287] : memref<32x1000000xf32, #tpu.memory_space<hbm>> -> memref<32x128xf32, #tpu.memory_space<hbm>>
        %dma_start3A_1295 = arith.constant 0 : i32
        %dma_start3A_1296 = arith.constant 0 : i32
        %dma_start3A_1297 = tpu.memref_slice %arg12[%dma_start3A_1288, %dma_start3A_1295, %dma_start3A_1296] : memref<16x32x128xf32, #tpu.memory_space<vmem>> -> memref<1x32x128xf32, #tpu.memory_space<vmem>>
        %dma_start3A_1298 = tpu.memref_squeeze %dma_start3A_1297 : memref<1x32x128xf32, #tpu.memory_space<vmem>> -> memref<32x128xf32, #tpu.memory_space<vmem>>
        %dma_start3A_1299 = arith.constant 0 : i32
        %dma_start3A_1300 = tpu.memref_slice %arg5[%dma_start3A_1299, %multiple_of3A_1287] : memref<32x1000000xf32, #tpu.memory_space<hbm>> -> memref<32x128xf32, #tpu.memory_space<hbm>>
        tpu.enqueue_dma source(%dma_start3A_1300 : memref<32x128xf32, #tpu.memory_space<hbm>>) target(%dma_start3A_1298 : memref<32x128xf32, #tpu.memory_space<vmem>>) target_semaphore(%arg13 : memref<!tpu.dma_semaphore, #tpu.memory_space<semaphore_mem>>)
        %slice3A_1301 = vector.extract_strided_slice %get3A_667 {offsets = [2], sizes = [1], strides = [1]} : vector<16xi32> to vector<1xi32>
        %squeeze3A_1302 = vector.extract %slice3A_1301[0] : i32 from vector<1xi32>
        %shift_right_arithmetic3A_1303 = arith.constant 7 : i32
        %shift_right_arithmetic3A_1304 = arith.shrsi %squeeze3A_1302, %shift_right_arithmetic3A_1303 : i32
        %mul3A_1305 = arith.constant 128 : i32
        %mul3A_1306 = arith.muli %shift_right_arithmetic3A_1304, %mul3A_1305 : i32
        %multiple_of3A_1307 = tpu.assume_multiple %mul3A_1306, 128 : i32
        %dma_start3A_1308 = arith.constant 2 : i32
        %dma_start3A_1309 = arith.constant 0 : i32
        %dma_start3A_1310 = arith.constant 0 : i32
        %dma_start3A_1311 = tpu.memref_slice %arg12[%dma_start3A_1308, %dma_start3A_1309, %dma_start3A_1310] : memref<16x32x128xf32, #tpu.memory_space<vmem>> -> memref<1x32x128xf32, #tpu.memory_space<vmem>>
        %dma_start3A_1312 = tpu.memref_squeeze %dma_start3A_1311 : memref<1x32x128xf32, #tpu.memory_space<vmem>> -> memref<32x128xf32, #tpu.memory_space<vmem>>
        %dma_start3A_1313 = arith.constant 0 : i32
        %dma_start3A_1314 = tpu.memref_slice %arg5[%dma_start3A_1313, %multiple_of3A_1307] : memref<32x1000000xf32, #tpu.memory_space<hbm>> -> memref<32x128xf32, #tpu.memory_space<hbm>>
        %dma_start3A_1315 = arith.constant 0 : i32
        %dma_start3A_1316 = arith.constant 0 : i32
        %dma_start3A_1317 = tpu.memref_slice %arg12[%dma_start3A_1308, %dma_start3A_1315, %dma_start3A_1316] : memref<16x32x128xf32, #tpu.memory_space<vmem>> -> memref<1x32x128xf32, #tpu.memory_space<vmem>>
        %dma_start3A_1318 = tpu.memref_squeeze %dma_start3A_1317 : memref<1x32x128xf32, #tpu.memory_space<vmem>> -> memref<32x128xf32, #tpu.memory_space<vmem>>
        %dma_start3A_1319 = arith.constant 0 : i32
        %dma_start3A_1320 = tpu.memref_slice %arg5[%dma_start3A_1319, %multiple_of3A_1307] : memref<32x1000000xf32, #tpu.memory_space<hbm>> -> memref<32x128xf32, #tpu.memory_space<hbm>>
        tpu.enqueue_dma source(%dma_start3A_1320 : memref<32x128xf32, #tpu.memory_space<hbm>>) target(%dma_start3A_1318 : memref<32x128xf32, #tpu.memory_space<vmem>>) target_semaphore(%arg13 : memref<!tpu.dma_semaphore, #tpu.memory_space<semaphore_mem>>)
        %slice3A_1321 = vector.extract_strided_slice %get3A_667 {offsets = [3], sizes = [1], strides = [1]} : vector<16xi32> to vector<1xi32>
        %squeeze3A_1322 = vector.extract %slice3A_1321[0] : i32 from vector<1xi32>
        %shift_right_arithmetic3A_1323 = arith.constant 7 : i32
        %shift_right_arithmetic3A_1324 = arith.shrsi %squeeze3A_1322, %shift_right_arithmetic3A_1323 : i32
        %mul3A_1325 = arith.constant 128 : i32
        %mul3A_1326 = arith.muli %shift_right_arithmetic3A_1324, %mul3A_1325 : i32
        %multiple_of3A_1327 = tpu.assume_multiple %mul3A_1326, 128 : i32
        %dma_start3A_1328 = arith.constant 3 : i32
        %dma_start3A_1329 = arith.constant 0 : i32
        %dma_start3A_1330 = arith.constant 0 : i32
        %dma_start3A_1331 = tpu.memref_slice %arg12[%dma_start3A_1328, %dma_start3A_1329, %dma_start3A_1330] : memref<16x32x128xf32, #tpu.memory_space<vmem>> -> memref<1x32x128xf32, #tpu.memory_space<vmem>>
        %dma_start3A_1332 = tpu.memref_squeeze %dma_start3A_1331 : memref<1x32x128xf32, #tpu.memory_space<vmem>> -> memref<32x128xf32, #tpu.memory_space<vmem>>
        %dma_start3A_1333 = arith.constant 0 : i32
        %dma_start3A_1334 = tpu.memref_slice %arg5[%dma_start3A_1333, %multiple_of3A_1327] : memref<32x1000000xf32, #tpu.memory_space<hbm>> -> memref<32x128xf32, #tpu.memory_space<hbm>>
        %dma_start3A_1335 = arith.constant 0 : i32
        %dma_start3A_1336 = arith.constant 0 : i32
        %dma_start3A_1337 = tpu.memref_slice %arg12[%dma_start3A_1328, %dma_start3A_1335, %dma_start3A_1336] : memref<16x32x128xf32, #tpu.memory_space<vmem>> -> memref<1x32x128xf32, #tpu.memory_space<vmem>>
        %dma_start3A_1338 = tpu.memref_squeeze %dma_start3A_1337 : memref<1x32x128xf32, #tpu.memory_space<vmem>> -> memref<32x128xf32, #tpu.memory_space<vmem>>
        %dma_start3A_1339 = arith.constant 0 : i32
        %dma_start3A_1340 = tpu.memref_slice %arg5[%dma_start3A_1339, %multiple_of3A_1327] : memref<32x1000000xf32, #tpu.memory_space<hbm>> -> memref<32x128xf32, #tpu.memory_space<hbm>>
        tpu.enqueue_dma source(%dma_start3A_1340 : memref<32x128xf32, #tpu.memory_space<hbm>>) target(%dma_start3A_1338 : memref<32x128xf32, #tpu.memory_space<vmem>>) target_semaphore(%arg13 : memref<!tpu.dma_semaphore, #tpu.memory_space<semaphore_mem>>)
        %slice3A_1341 = vector.extract_strided_slice %get3A_667 {offsets = [4], sizes = [1], strides = [1]} : vector<16xi32> to vector<1xi32>
        %squeeze3A_1342 = vector.extract %slice3A_1341[0] : i32 from vector<1xi32>
        %shift_right_arithmetic3A_1343 = arith.constant 7 : i32
        %shift_right_arithmetic3A_1344 = arith.shrsi %squeeze3A_1342, %shift_right_arithmetic3A_1343 : i32
        %mul3A_1345 = arith.constant 128 : i32
        %mul3A_1346 = arith.muli %shift_right_arithmetic3A_1344, %mul3A_1345 : i32
        %multiple_of3A_1347 = tpu.assume_multiple %mul3A_1346, 128 : i32
        %dma_start3A_1348 = arith.constant 4 : i32
        %dma_start3A_1349 = arith.constant 0 : i32
        %dma_start3A_1350 = arith.constant 0 : i32
        %dma_start3A_1351 = tpu.memref_slice %arg12[%dma_start3A_1348, %dma_start3A_1349, %dma_start3A_1350] : memref<16x32x128xf32, #tpu.memory_space<vmem>> -> memref<1x32x128xf32, #tpu.memory_space<vmem>>
        %dma_start3A_1352 = tpu.memref_squeeze %dma_start3A_1351 : memref<1x32x128xf32, #tpu.memory_space<vmem>> -> memref<32x128xf32, #tpu.memory_space<vmem>>
        %dma_start3A_1353 = arith.constant 0 : i32
        %dma_start3A_1354 = tpu.memref_slice %arg5[%dma_start3A_1353, %multiple_of3A_1347] : memref<32x1000000xf32, #tpu.memory_space<hbm>> -> memref<32x128xf32, #tpu.memory_space<hbm>>
        %dma_start3A_1355 = arith.constant 0 : i32
        %dma_start3A_1356 = arith.constant 0 : i32
        %dma_start3A_1357 = tpu.memref_slice %arg12[%dma_start3A_1348, %dma_start3A_1355, %dma_start3A_1356] : memref<16x32x128xf32, #tpu.memory_space<vmem>> -> memref<1x32x128xf32, #tpu.memory_space<vmem>>
        %dma_start3A_1358 = tpu.memref_squeeze %dma_start3A_1357 : memref<1x32x128xf32, #tpu.memory_space<vmem>> -> memref<32x128xf32, #tpu.memory_space<vmem>>
        %dma_start3A_1359 = arith.constant 0 : i32
        %dma_start3A_1360 = tpu.memref_slice %arg5[%dma_start3A_1359, %multiple_of3A_1347] : memref<32x1000000xf32, #tpu.memory_space<hbm>> -> memref<32x128xf32, #tpu.memory_space<hbm>>
        tpu.enqueue_dma source(%dma_start3A_1360 : memref<32x128xf32, #tpu.memory_space<hbm>>) target(%dma_start3A_1358 : memref<32x128xf32, #tpu.memory_space<vmem>>) target_semaphore(%arg13 : memref<!tpu.dma_semaphore, #tpu.memory_space<semaphore_mem>>)
        %slice3A_1361 = vector.extract_strided_slice %get3A_667 {offsets = [5], sizes = [1], strides = [1]} : vector<16xi32> to vector<1xi32>
        %squeeze3A_1362 = vector.extract %slice3A_1361[0] : i32 from vector<1xi32>
        %shift_right_arithmetic3A_1363 = arith.constant 7 : i32
        %shift_right_arithmetic3A_1364 = arith.shrsi %squeeze3A_1362, %shift_right_arithmetic3A_1363 : i32
        %mul3A_1365 = arith.constant 128 : i32
        %mul3A_1366 = arith.muli %shift_right_arithmetic3A_1364, %mul3A_1365 : i32
        %multiple_of3A_1367 = tpu.assume_multiple %mul3A_1366, 128 : i32
        %dma_start3A_1368 = arith.constant 5 : i32
        %dma_start3A_1369 = arith.constant 0 : i32
        %dma_start3A_1370 = arith.constant 0 : i32
        %dma_start3A_1371 = tpu.memref_slice %arg12[%dma_start3A_1368, %dma_start3A_1369, %dma_start3A_1370] : memref<16x32x128xf32, #tpu.memory_space<vmem>> -> memref<1x32x128xf32, #tpu.memory_space<vmem>>
        %dma_start3A_1372 = tpu.memref_squeeze %dma_start3A_1371 : memref<1x32x128xf32, #tpu.memory_space<vmem>> -> memref<32x128xf32, #tpu.memory_space<vmem>>
        %dma_start3A_1373 = arith.constant 0 : i32
        %dma_start3A_1374 = tpu.memref_slice %arg5[%dma_start3A_1373, %multiple_of3A_1367] : memref<32x1000000xf32, #tpu.memory_space<hbm>> -> memref<32x128xf32, #tpu.memory_space<hbm>>
        %dma_start3A_1375 = arith.constant 0 : i32
        %dma_start3A_1376 = arith.constant 0 : i32
        %dma_start3A_1377 = tpu.memref_slice %arg12[%dma_start3A_1368, %dma_start3A_1375, %dma_start3A_1376] : memref<16x32x128xf32, #tpu.memory_space<vmem>> -> memref<1x32x128xf32, #tpu.memory_space<vmem>>
        %dma_start3A_1378 = tpu.memref_squeeze %dma_start3A_1377 : memref<1x32x128xf32, #tpu.memory_space<vmem>> -> memref<32x128xf32, #tpu.memory_space<vmem>>
        %dma_start3A_1379 = arith.constant 0 : i32
        %dma_start3A_1380 = tpu.memref_slice %arg5[%dma_start3A_1379, %multiple_of3A_1367] : memref<32x1000000xf32, #tpu.memory_space<hbm>> -> memref<32x128xf32, #tpu.memory_space<hbm>>
        tpu.enqueue_dma source(%dma_start3A_1380 : memref<32x128xf32, #tpu.memory_space<hbm>>) target(%dma_start3A_1378 : memref<32x128xf32, #tpu.memory_space<vmem>>) target_semaphore(%arg13 : memref<!tpu.dma_semaphore, #tpu.memory_space<semaphore_mem>>)
        %slice3A_1381 = vector.extract_strided_slice %get3A_667 {offsets = [6], sizes = [1], strides = [1]} : vector<16xi32> to vector<1xi32>
        %squeeze3A_1382 = vector.extract %slice3A_1381[0] : i32 from vector<1xi32>
        %shift_right_arithmetic3A_1383 = arith.constant 7 : i32
        %shift_right_arithmetic3A_1384 = arith.shrsi %squeeze3A_1382, %shift_right_arithmetic3A_1383 : i32
        %mul3A_1385 = arith.constant 128 : i32
        %mul3A_1386 = arith.muli %shift_right_arithmetic3A_1384, %mul3A_1385 : i32
        %multiple_of3A_1387 = tpu.assume_multiple %mul3A_1386, 128 : i32
        %dma_start3A_1388 = arith.constant 6 : i32
        %dma_start3A_1389 = arith.constant 0 : i32
        %dma_start3A_1390 = arith.constant 0 : i32
        %dma_start3A_1391 = tpu.memref_slice %arg12[%dma_start3A_1388, %dma_start3A_1389, %dma_start3A_1390] : memref<16x32x128xf32, #tpu.memory_space<vmem>> -> memref<1x32x128xf32, #tpu.memory_space<vmem>>
        %dma_start3A_1392 = tpu.memref_squeeze %dma_start3A_1391 : memref<1x32x128xf32, #tpu.memory_space<vmem>> -> memref<32x128xf32, #tpu.memory_space<vmem>>
        %dma_start3A_1393 = arith.constant 0 : i32
        %dma_start3A_1394 = tpu.memref_slice %arg5[%dma_start3A_1393, %multiple_of3A_1387] : memref<32x1000000xf32, #tpu.memory_space<hbm>> -> memref<32x128xf32, #tpu.memory_space<hbm>>
        %dma_start3A_1395 = arith.constant 0 : i32
        %dma_start3A_1396 = arith.constant 0 : i32
        %dma_start3A_1397 = tpu.memref_slice %arg12[%dma_start3A_1388, %dma_start3A_1395, %dma_start3A_1396] : memref<16x32x128xf32, #tpu.memory_space<vmem>> -> memref<1x32x128xf32, #tpu.memory_space<vmem>>
        %dma_start3A_1398 = tpu.memref_squeeze %dma_start3A_1397 : memref<1x32x128xf32, #tpu.memory_space<vmem>> -> memref<32x128xf32, #tpu.memory_space<vmem>>
        %dma_start3A_1399 = arith.constant 0 : i32
        %dma_start3A_1400 = tpu.memref_slice %arg5[%dma_start3A_1399, %multiple_of3A_1387] : memref<32x1000000xf32, #tpu.memory_space<hbm>> -> memref<32x128xf32, #tpu.memory_space<hbm>>
        tpu.enqueue_dma source(%dma_start3A_1400 : memref<32x128xf32, #tpu.memory_space<hbm>>) target(%dma_start3A_1398 : memref<32x128xf32, #tpu.memory_space<vmem>>) target_semaphore(%arg13 : memref<!tpu.dma_semaphore, #tpu.memory_space<semaphore_mem>>)
        %slice3A_1401 = vector.extract_strided_slice %get3A_667 {offsets = [7], sizes = [1], strides = [1]} : vector<16xi32> to vector<1xi32>
        %squeeze3A_1402 = vector.extract %slice3A_1401[0] : i32 from vector<1xi32>
        %shift_right_arithmetic3A_1403 = arith.constant 7 : i32
        %shift_right_arithmetic3A_1404 = arith.shrsi %squeeze3A_1402, %shift_right_arithmetic3A_1403 : i32
        %mul3A_1405 = arith.constant 128 : i32
        %mul3A_1406 = arith.muli %shift_right_arithmetic3A_1404, %mul3A_1405 : i32
        %multiple_of3A_1407 = tpu.assume_multiple %mul3A_1406, 128 : i32
        %dma_start3A_1408 = arith.constant 7 : i32
        %dma_start3A_1409 = arith.constant 0 : i32
        %dma_start3A_1410 = arith.constant 0 : i32
        %dma_start3A_1411 = tpu.memref_slice %arg12[%dma_start3A_1408, %dma_start3A_1409, %dma_start3A_1410] : memref<16x32x128xf32, #tpu.memory_space<vmem>> -> memref<1x32x128xf32, #tpu.memory_space<vmem>>
        %dma_start3A_1412 = tpu.memref_squeeze %dma_start3A_1411 : memref<1x32x128xf32, #tpu.memory_space<vmem>> -> memref<32x128xf32, #tpu.memory_space<vmem>>
        %dma_start3A_1413 = arith.constant 0 : i32
        %dma_start3A_1414 = tpu.memref_slice %arg5[%dma_start3A_1413, %multiple_of3A_1407] : memref<32x1000000xf32, #tpu.memory_space<hbm>> -> memref<32x128xf32, #tpu.memory_space<hbm>>
        %dma_start3A_1415 = arith.constant 0 : i32
        %dma_start3A_1416 = arith.constant 0 : i32
        %dma_start3A_1417 = tpu.memref_slice %arg12[%dma_start3A_1408, %dma_start3A_1415, %dma_start3A_1416] : memref<16x32x128xf32, #tpu.memory_space<vmem>> -> memref<1x32x128xf32, #tpu.memory_space<vmem>>
        %dma_start3A_1418 = tpu.memref_squeeze %dma_start3A_1417 : memref<1x32x128xf32, #tpu.memory_space<vmem>> -> memref<32x128xf32, #tpu.memory_space<vmem>>
        %dma_start3A_1419 = arith.constant 0 : i32
        %dma_start3A_1420 = tpu.memref_slice %arg5[%dma_start3A_1419, %multiple_of3A_1407] : memref<32x1000000xf32, #tpu.memory_space<hbm>> -> memref<32x128xf32, #tpu.memory_space<hbm>>
        tpu.enqueue_dma source(%dma_start3A_1420 : memref<32x128xf32, #tpu.memory_space<hbm>>) target(%dma_start3A_1418 : memref<32x128xf32, #tpu.memory_space<vmem>>) target_semaphore(%arg13 : memref<!tpu.dma_semaphore, #tpu.memory_space<semaphore_mem>>)
      } else {
      }
      %dma_wait3A_962 = arith.constant 8 : i32
      %dma_wait3A_963 = arith.constant 0 : i32
      %dma_wait3A_964 = arith.constant 0 : i32
      %dma_wait3A_965 = tpu.memref_slice %arg12[%dma_wait3A_962, %dma_wait3A_963, %dma_wait3A_964] : memref<16x32x128xf32, #tpu.memory_space<vmem>> -> memref<1x32x128xf32, #tpu.memory_space<vmem>>
      %dma_wait3A_966 = tpu.memref_squeeze %dma_wait3A_965 : memref<1x32x128xf32, #tpu.memory_space<vmem>> -> memref<32x128xf32, #tpu.memory_space<vmem>>
      %dma_wait3A_967 = arith.constant 0 : i32
      %dma_wait3A_968 = arith.constant 0 : i32
      %dma_wait3A_969 = tpu.memref_slice %arg5[%dma_wait3A_967, %dma_wait3A_968] : memref<32x1000000xf32, #tpu.memory_space<hbm>> -> memref<32x128xf32, #tpu.memory_space<hbm>>
      %dma_wait3A_970 = arith.constant 0 : i32
      %dma_wait3A_971 = arith.constant 0 : i32
      %dma_wait3A_972 = tpu.memref_slice %arg12[%dma_wait3A_962, %dma_wait3A_970, %dma_wait3A_971] : memref<16x32x128xf32, #tpu.memory_space<vmem>> -> memref<1x32x128xf32, #tpu.memory_space<vmem>>
      %dma_wait3A_973 = tpu.memref_squeeze %dma_wait3A_972 : memref<1x32x128xf32, #tpu.memory_space<vmem>> -> memref<32x128xf32, #tpu.memory_space<vmem>>
      %dma_wait3A_974 = arith.constant 0 : i32
      %dma_wait3A_975 = arith.constant 0 : i32
      %dma_wait3A_976 = tpu.memref_slice %arg5[%dma_wait3A_974, %dma_wait3A_975] : memref<32x1000000xf32, #tpu.memory_space<hbm>> -> memref<32x128xf32, #tpu.memory_space<hbm>>
      tpu.wait_dma2 semaphore(%arg14 : memref<!tpu.dma_semaphore, #tpu.memory_space<semaphore_mem>>) src(%dma_wait3A_976 : memref<32x128xf32, #tpu.memory_space<hbm>>) dst(%dma_wait3A_973 : memref<32x128xf32, #tpu.memory_space<vmem>>)
      %dma_wait3A_977 = arith.constant 9 : i32
      %dma_wait3A_978 = arith.constant 0 : i32
      %dma_wait3A_979 = arith.constant 0 : i32
      %dma_wait3A_980 = tpu.memref_slice %arg12[%dma_wait3A_977, %dma_wait3A_978, %dma_wait3A_979] : memref<16x32x128xf32, #tpu.memory_space<vmem>> -> memref<1x32x128xf32, #tpu.memory_space<vmem>>
      %dma_wait3A_981 = tpu.memref_squeeze %dma_wait3A_980 : memref<1x32x128xf32, #tpu.memory_space<vmem>> -> memref<32x128xf32, #tpu.memory_space<vmem>>
      %dma_wait3A_982 = arith.constant 0 : i32
      %dma_wait3A_983 = arith.constant 0 : i32
      %dma_wait3A_984 = tpu.memref_slice %arg5[%dma_wait3A_982, %dma_wait3A_983] : memref<32x1000000xf32, #tpu.memory_space<hbm>> -> memref<32x128xf32, #tpu.memory_space<hbm>>
      %dma_wait3A_985 = arith.constant 0 : i32
      %dma_wait3A_986 = arith.constant 0 : i32
      %dma_wait3A_987 = tpu.memref_slice %arg12[%dma_wait3A_977, %dma_wait3A_985, %dma_wait3A_986] : memref<16x32x128xf32, #tpu.memory_space<vmem>> -> memref<1x32x128xf32, #tpu.memory_space<vmem>>
      %dma_wait3A_988 = tpu.memref_squeeze %dma_wait3A_987 : memref<1x32x128xf32, #tpu.memory_space<vmem>> -> memref<32x128xf32, #tpu.memory_space<vmem>>
      %dma_wait3A_989 = arith.constant 0 : i32
      %dma_wait3A_990 = arith.constant 0 : i32
      %dma_wait3A_991 = tpu.memref_slice %arg5[%dma_wait3A_989, %dma_wait3A_990] : memref<32x1000000xf32, #tpu.memory_space<hbm>> -> memref<32x128xf32, #tpu.memory_space<hbm>>
      tpu.wait_dma2 semaphore(%arg14 : memref<!tpu.dma_semaphore, #tpu.memory_space<semaphore_mem>>) src(%dma_wait3A_991 : memref<32x128xf32, #tpu.memory_space<hbm>>) dst(%dma_wait3A_988 : memref<32x128xf32, #tpu.memory_space<vmem>>)
      %dma_wait3A_992 = arith.constant 10 : i32
      %dma_wait3A_993 = arith.constant 0 : i32
      %dma_wait3A_994 = arith.constant 0 : i32
      %dma_wait3A_995 = tpu.memref_slice %arg12[%dma_wait3A_992, %dma_wait3A_993, %dma_wait3A_994] : memref<16x32x128xf32, #tpu.memory_space<vmem>> -> memref<1x32x128xf32, #tpu.memory_space<vmem>>
      %dma_wait3A_996 = tpu.memref_squeeze %dma_wait3A_995 : memref<1x32x128xf32, #tpu.memory_space<vmem>> -> memref<32x128xf32, #tpu.memory_space<vmem>>
      %dma_wait3A_997 = arith.constant 0 : i32
      %dma_wait3A_998 = arith.constant 0 : i32
      %dma_wait3A_999 = tpu.memref_slice %arg5[%dma_wait3A_997, %dma_wait3A_998] : memref<32x1000000xf32, #tpu.memory_space<hbm>> -> memref<32x128xf32, #tpu.memory_space<hbm>>
      %dma_wait3A_1000 = arith.constant 0 : i32
      %dma_wait3A_1001 = arith.constant 0 : i32
      %dma_wait3A_1002 = tpu.memref_slice %arg12[%dma_wait3A_992, %dma_wait3A_1000, %dma_wait3A_1001] : memref<16x32x128xf32, #tpu.memory_space<vmem>> -> memref<1x32x128xf32, #tpu.memory_space<vmem>>
      %dma_wait3A_1003 = tpu.memref_squeeze %dma_wait3A_1002 : memref<1x32x128xf32, #tpu.memory_space<vmem>> -> memref<32x128xf32, #tpu.memory_space<vmem>>
      %dma_wait3A_1004 = arith.constant 0 : i32
      %dma_wait3A_1005 = arith.constant 0 : i32
      %dma_wait3A_1006 = tpu.memref_slice %arg5[%dma_wait3A_1004, %dma_wait3A_1005] : memref<32x1000000xf32, #tpu.memory_space<hbm>> -> memref<32x128xf32, #tpu.memory_space<hbm>>
      tpu.wait_dma2 semaphore(%arg14 : memref<!tpu.dma_semaphore, #tpu.memory_space<semaphore_mem>>) src(%dma_wait3A_1006 : memref<32x128xf32, #tpu.memory_space<hbm>>) dst(%dma_wait3A_1003 : memref<32x128xf32, #tpu.memory_space<vmem>>)
      %dma_wait3A_1007 = arith.constant 11 : i32
      %dma_wait3A_1008 = arith.constant 0 : i32
      %dma_wait3A_1009 = arith.constant 0 : i32
      %dma_wait3A_1010 = tpu.memref_slice %arg12[%dma_wait3A_1007, %dma_wait3A_1008, %dma_wait3A_1009] : memref<16x32x128xf32, #tpu.memory_space<vmem>> -> memref<1x32x128xf32, #tpu.memory_space<vmem>>
      %dma_wait3A_1011 = tpu.memref_squeeze %dma_wait3A_1010 : memref<1x32x128xf32, #tpu.memory_space<vmem>> -> memref<32x128xf32, #tpu.memory_space<vmem>>
      %dma_wait3A_1012 = arith.constant 0 : i32
      %dma_wait3A_1013 = arith.constant 0 : i32
      %dma_wait3A_1014 = tpu.memref_slice %arg5[%dma_wait3A_1012, %dma_wait3A_1013] : memref<32x1000000xf32, #tpu.memory_space<hbm>> -> memref<32x128xf32, #tpu.memory_space<hbm>>
      %dma_wait3A_1015 = arith.constant 0 : i32
      %dma_wait3A_1016 = arith.constant 0 : i32
      %dma_wait3A_1017 = tpu.memref_slice %arg12[%dma_wait3A_1007, %dma_wait3A_1015, %dma_wait3A_1016] : memref<16x32x128xf32, #tpu.memory_space<vmem>> -> memref<1x32x128xf32, #tpu.memory_space<vmem>>
      %dma_wait3A_1018 = tpu.memref_squeeze %dma_wait3A_1017 : memref<1x32x128xf32, #tpu.memory_space<vmem>> -> memref<32x128xf32, #tpu.memory_space<vmem>>
      %dma_wait3A_1019 = arith.constant 0 : i32
      %dma_wait3A_1020 = arith.constant 0 : i32
      %dma_wait3A_1021 = tpu.memref_slice %arg5[%dma_wait3A_1019, %dma_wait3A_1020] : memref<32x1000000xf32, #tpu.memory_space<hbm>> -> memref<32x128xf32, #tpu.memory_space<hbm>>
      tpu.wait_dma2 semaphore(%arg14 : memref<!tpu.dma_semaphore, #tpu.memory_space<semaphore_mem>>) src(%dma_wait3A_1021 : memref<32x128xf32, #tpu.memory_space<hbm>>) dst(%dma_wait3A_1018 : memref<32x128xf32, #tpu.memory_space<vmem>>)
      %dma_wait3A_1022 = arith.constant 12 : i32
      %dma_wait3A_1023 = arith.constant 0 : i32
      %dma_wait3A_1024 = arith.constant 0 : i32
      %dma_wait3A_1025 = tpu.memref_slice %arg12[%dma_wait3A_1022, %dma_wait3A_1023, %dma_wait3A_1024] : memref<16x32x128xf32, #tpu.memory_space<vmem>> -> memref<1x32x128xf32, #tpu.memory_space<vmem>>
      %dma_wait3A_1026 = tpu.memref_squeeze %dma_wait3A_1025 : memref<1x32x128xf32, #tpu.memory_space<vmem>> -> memref<32x128xf32, #tpu.memory_space<vmem>>
      %dma_wait3A_1027 = arith.constant 0 : i32
      %dma_wait3A_1028 = arith.constant 0 : i32
      %dma_wait3A_1029 = tpu.memref_slice %arg5[%dma_wait3A_1027, %dma_wait3A_1028] : memref<32x1000000xf32, #tpu.memory_space<hbm>> -> memref<32x128xf32, #tpu.memory_space<hbm>>
      %dma_wait3A_1030 = arith.constant 0 : i32
      %dma_wait3A_1031 = arith.constant 0 : i32
      %dma_wait3A_1032 = tpu.memref_slice %arg12[%dma_wait3A_1022, %dma_wait3A_1030, %dma_wait3A_1031] : memref<16x32x128xf32, #tpu.memory_space<vmem>> -> memref<1x32x128xf32, #tpu.memory_space<vmem>>
      %dma_wait3A_1033 = tpu.memref_squeeze %dma_wait3A_1032 : memref<1x32x128xf32, #tpu.memory_space<vmem>> -> memref<32x128xf32, #tpu.memory_space<vmem>>
      %dma_wait3A_1034 = arith.constant 0 : i32
      %dma_wait3A_1035 = arith.constant 0 : i32
      %dma_wait3A_1036 = tpu.memref_slice %arg5[%dma_wait3A_1034, %dma_wait3A_1035] : memref<32x1000000xf32, #tpu.memory_space<hbm>> -> memref<32x128xf32, #tpu.memory_space<hbm>>
      tpu.wait_dma2 semaphore(%arg14 : memref<!tpu.dma_semaphore, #tpu.memory_space<semaphore_mem>>) src(%dma_wait3A_1036 : memref<32x128xf32, #tpu.memory_space<hbm>>) dst(%dma_wait3A_1033 : memref<32x128xf32, #tpu.memory_space<vmem>>)
      %dma_wait3A_1037 = arith.constant 13 : i32
      %dma_wait3A_1038 = arith.constant 0 : i32
      %dma_wait3A_1039 = arith.constant 0 : i32
      %dma_wait3A_1040 = tpu.memref_slice %arg12[%dma_wait3A_1037, %dma_wait3A_1038, %dma_wait3A_1039] : memref<16x32x128xf32, #tpu.memory_space<vmem>> -> memref<1x32x128xf32, #tpu.memory_space<vmem>>
      %dma_wait3A_1041 = tpu.memref_squeeze %dma_wait3A_1040 : memref<1x32x128xf32, #tpu.memory_space<vmem>> -> memref<32x128xf32, #tpu.memory_space<vmem>>
      %dma_wait3A_1042 = arith.constant 0 : i32
      %dma_wait3A_1043 = arith.constant 0 : i32
      %dma_wait3A_1044 = tpu.memref_slice %arg5[%dma_wait3A_1042, %dma_wait3A_1043] : memref<32x1000000xf32, #tpu.memory_space<hbm>> -> memref<32x128xf32, #tpu.memory_space<hbm>>
      %dma_wait3A_1045 = arith.constant 0 : i32
      %dma_wait3A_1046 = arith.constant 0 : i32
      %dma_wait3A_1047 = tpu.memref_slice %arg12[%dma_wait3A_1037, %dma_wait3A_1045, %dma_wait3A_1046] : memref<16x32x128xf32, #tpu.memory_space<vmem>> -> memref<1x32x128xf32, #tpu.memory_space<vmem>>
      %dma_wait3A_1048 = tpu.memref_squeeze %dma_wait3A_1047 : memref<1x32x128xf32, #tpu.memory_space<vmem>> -> memref<32x128xf32, #tpu.memory_space<vmem>>
      %dma_wait3A_1049 = arith.constant 0 : i32
      %dma_wait3A_1050 = arith.constant 0 : i32
      %dma_wait3A_1051 = tpu.memref_slice %arg5[%dma_wait3A_1049, %dma_wait3A_1050] : memref<32x1000000xf32, #tpu.memory_space<hbm>> -> memref<32x128xf32, #tpu.memory_space<hbm>>
      tpu.wait_dma2 semaphore(%arg14 : memref<!tpu.dma_semaphore, #tpu.memory_space<semaphore_mem>>) src(%dma_wait3A_1051 : memref<32x128xf32, #tpu.memory_space<hbm>>) dst(%dma_wait3A_1048 : memref<32x128xf32, #tpu.memory_space<vmem>>)
      %dma_wait3A_1052 = arith.constant 14 : i32
      %dma_wait3A_1053 = arith.constant 0 : i32
      %dma_wait3A_1054 = arith.constant 0 : i32
      %dma_wait3A_1055 = tpu.memref_slice %arg12[%dma_wait3A_1052, %dma_wait3A_1053, %dma_wait3A_1054] : memref<16x32x128xf32, #tpu.memory_space<vmem>> -> memref<1x32x128xf32, #tpu.memory_space<vmem>>
      %dma_wait3A_1056 = tpu.memref_squeeze %dma_wait3A_1055 : memref<1x32x128xf32, #tpu.memory_space<vmem>> -> memref<32x128xf32, #tpu.memory_space<vmem>>
      %dma_wait3A_1057 = arith.constant 0 : i32
      %dma_wait3A_1058 = arith.constant 0 : i32
      %dma_wait3A_1059 = tpu.memref_slice %arg5[%dma_wait3A_1057, %dma_wait3A_1058] : memref<32x1000000xf32, #tpu.memory_space<hbm>> -> memref<32x128xf32, #tpu.memory_space<hbm>>
      %dma_wait3A_1060 = arith.constant 0 : i32
      %dma_wait3A_1061 = arith.constant 0 : i32
      %dma_wait3A_1062 = tpu.memref_slice %arg12[%dma_wait3A_1052, %dma_wait3A_1060, %dma_wait3A_1061] : memref<16x32x128xf32, #tpu.memory_space<vmem>> -> memref<1x32x128xf32, #tpu.memory_space<vmem>>
      %dma_wait3A_1063 = tpu.memref_squeeze %dma_wait3A_1062 : memref<1x32x128xf32, #tpu.memory_space<vmem>> -> memref<32x128xf32, #tpu.memory_space<vmem>>
      %dma_wait3A_1064 = arith.constant 0 : i32
      %dma_wait3A_1065 = arith.constant 0 : i32
      %dma_wait3A_1066 = tpu.memref_slice %arg5[%dma_wait3A_1064, %dma_wait3A_1065] : memref<32x1000000xf32, #tpu.memory_space<hbm>> -> memref<32x128xf32, #tpu.memory_space<hbm>>
      tpu.wait_dma2 semaphore(%arg14 : memref<!tpu.dma_semaphore, #tpu.memory_space<semaphore_mem>>) src(%dma_wait3A_1066 : memref<32x128xf32, #tpu.memory_space<hbm>>) dst(%dma_wait3A_1063 : memref<32x128xf32, #tpu.memory_space<vmem>>)
      %dma_wait3A_1067 = arith.constant 15 : i32
      %dma_wait3A_1068 = arith.constant 0 : i32
      %dma_wait3A_1069 = arith.constant 0 : i32
      %dma_wait3A_1070 = tpu.memref_slice %arg12[%dma_wait3A_1067, %dma_wait3A_1068, %dma_wait3A_1069] : memref<16x32x128xf32, #tpu.memory_space<vmem>> -> memref<1x32x128xf32, #tpu.memory_space<vmem>>
      %dma_wait3A_1071 = tpu.memref_squeeze %dma_wait3A_1070 : memref<1x32x128xf32, #tpu.memory_space<vmem>> -> memref<32x128xf32, #tpu.memory_space<vmem>>
      %dma_wait3A_1072 = arith.constant 0 : i32
      %dma_wait3A_1073 = arith.constant 0 : i32
      %dma_wait3A_1074 = tpu.memref_slice %arg5[%dma_wait3A_1072, %dma_wait3A_1073] : memref<32x1000000xf32, #tpu.memory_space<hbm>> -> memref<32x128xf32, #tpu.memory_space<hbm>>
      %dma_wait3A_1075 = arith.constant 0 : i32
      %dma_wait3A_1076 = arith.constant 0 : i32
      %dma_wait3A_1077 = tpu.memref_slice %arg12[%dma_wait3A_1067, %dma_wait3A_1075, %dma_wait3A_1076] : memref<16x32x128xf32, #tpu.memory_space<vmem>> -> memref<1x32x128xf32, #tpu.memory_space<vmem>>
      %dma_wait3A_1078 = tpu.memref_squeeze %dma_wait3A_1077 : memref<1x32x128xf32, #tpu.memory_space<vmem>> -> memref<32x128xf32, #tpu.memory_space<vmem>>
      %dma_wait3A_1079 = arith.constant 0 : i32
      %dma_wait3A_1080 = arith.constant 0 : i32
      %dma_wait3A_1081 = tpu.memref_slice %arg5[%dma_wait3A_1079, %dma_wait3A_1080] : memref<32x1000000xf32, #tpu.memory_space<hbm>> -> memref<32x128xf32, #tpu.memory_space<hbm>>
      tpu.wait_dma2 semaphore(%arg14 : memref<!tpu.dma_semaphore, #tpu.memory_space<semaphore_mem>>) src(%dma_wait3A_1081 : memref<32x128xf32, #tpu.memory_space<hbm>>) dst(%dma_wait3A_1078 : memref<32x128xf32, #tpu.memory_space<vmem>>)
      %slice3A_1082 = vector.extract_strided_slice %scan3A_660 {offsets = [8], sizes = [1], strides = [1]} : vector<16xi32> to vector<1xi32>
      %squeeze3A_1083 = vector.extract %slice3A_1082[0] : i32 from vector<1xi32>
      %mul3A_1084 = arith.constant 16 : i32
      %mul3A_1085 = arith.muli %scan3A_659, %mul3A_1084 : i32
      %add3A_1086 = arith.constant 8 : i32
      %add3A_1087 = arith.addi %mul3A_1085, %add3A_1086 : i32
      %and3A_1088 = arith.constant 127 : i32
      %and3A_1089 = arith.andi %squeeze3A_1083, %and3A_1088 : i32
      %broadcast_in_dim3A_1090 = vector.broadcast %and3A_1089 : i32 to vector<16xi32>
      %broadcast_in_dim3A_1091 = vector.broadcast %add3A_1087 : i32 to vector<16xi32>
      %gather3A_1092 = arith.constant 8 : i32
      %gather3A_1093 = arith.constant 0 : i32
      %gather3A_1094 = arith.constant 0 : i32
      %gather3A_1095 = tpu.memref_slice %arg12[%gather3A_1092, %gather3A_1093, %gather3A_1094] : memref<16x32x128xf32, #tpu.memory_space<vmem>> -> memref<1x32x128xf32, #tpu.memory_space<vmem>>
      %gather3A_1096 = tpu.memref_squeeze %gather3A_1095 : memref<1x32x128xf32, #tpu.memory_space<vmem>> -> memref<32x128xf32, #tpu.memory_space<vmem>>
      %gather3A_1097 = tpu.vector_load_idx %gather3A_1096[%iota3A, %broadcast_in_dim3A_1090] : memref<32x128xf32, #tpu.memory_space<vmem>>[vector<16xi32>, vector<16xi32>], vector<16xf32>,
      %gather3A_1098 = arith.constant 8 : i32
      %gather3A_1099 = arith.constant 0 : i32
      %gather3A_1100 = arith.constant 0 : i32
      %gather3A_1101 = tpu.memref_slice %arg12[%gather3A_1098, %gather3A_1099, %gather3A_1100] : memref<16x32x128xf32, #tpu.memory_space<vmem>> -> memref<1x32x128xf32, #tpu.memory_space<vmem>>
      %gather3A_1102 = tpu.memref_squeeze %gather3A_1101 : memref<1x32x128xf32, #tpu.memory_space<vmem>> -> memref<32x128xf32, #tpu.memory_space<vmem>>
      %gather3A_1103 = tpu.vector_load_idx %gather3A_1102[%add3A_3, %broadcast_in_dim3A_1090] : memref<32x128xf32, #tpu.memory_space<vmem>>[vector<16xi32>, vector<16xi32>], vector<16xf32>,
      tpu.vector_store_idx %arg11[%broadcast_in_dim3A_1091, %iota3A], %gather3A_1097 : memref<64x32xf32, #tpu.memory_space<vmem>>[vector<16xi32>, vector<16xi32>], vector<16xf32>,
      tpu.vector_store_idx %arg11[%broadcast_in_dim3A_1091, %add3A_3], %gather3A_1103 : memref<64x32xf32, #tpu.memory_space<vmem>>[vector<16xi32>, vector<16xi32>], vector<16xf32>,
      %slice3A_1104 = vector.extract_strided_slice %scan3A_660 {offsets = [9], sizes = [1], strides = [1]} : vector<16xi32> to vector<1xi32>
      %squeeze3A_1105 = vector.extract %slice3A_1104[0] : i32 from vector<1xi32>
      %mul3A_1106 = arith.constant 16 : i32
      %mul3A_1107 = arith.muli %scan3A_659, %mul3A_1106 : i32
      %add3A_1108 = arith.constant 9 : i32
      %add3A_1109 = arith.addi %mul3A_1107, %add3A_1108 : i32
      %and3A_1110 = arith.constant 127 : i32
      %and3A_1111 = arith.andi %squeeze3A_1105, %and3A_1110 : i32
      %broadcast_in_dim3A_1112 = vector.broadcast %and3A_1111 : i32 to vector<16xi32>
      %broadcast_in_dim3A_1113 = vector.broadcast %add3A_1109 : i32 to vector<16xi32>
      %gather3A_1114 = arith.constant 9 : i32
      %gather3A_1115 = arith.constant 0 : i32
      %gather3A_1116 = arith.constant 0 : i32
      %gather3A_1117 = tpu.memref_slice %arg12[%gather3A_1114, %gather3A_1115, %gather3A_1116] : memref<16x32x128xf32, #tpu.memory_space<vmem>> -> memref<1x32x128xf32, #tpu.memory_space<vmem>>
      %gather3A_1118 = tpu.memref_squeeze %gather3A_1117 : memref<1x32x128xf32, #tpu.memory_space<vmem>> -> memref<32x128xf32, #tpu.memory_space<vmem>>
      %gather3A_1119 = tpu.vector_load_idx %gather3A_1118[%iota3A, %broadcast_in_dim3A_1112] : memref<32x128xf32, #tpu.memory_space<vmem>>[vector<16xi32>, vector<16xi32>], vector<16xf32>,
      %gather3A_1120 = arith.constant 9 : i32
      %gather3A_1121 = arith.constant 0 : i32
      %gather3A_1122 = arith.constant 0 : i32
      %gather3A_1123 = tpu.memref_slice %arg12[%gather3A_1120, %gather3A_1121, %gather3A_1122] : memref<16x32x128xf32, #tpu.memory_space<vmem>> -> memref<1x32x128xf32, #tpu.memory_space<vmem>>
      %gather3A_1124 = tpu.memref_squeeze %gather3A_1123 : memref<1x32x128xf32, #tpu.memory_space<vmem>> -> memref<32x128xf32, #tpu.memory_space<vmem>>
      %gather3A_1125 = tpu.vector_load_idx %gather3A_1124[%add3A_3, %broadcast_in_dim3A_1112] : memref<32x128xf32, #tpu.memory_space<vmem>>[vector<16xi32>, vector<16xi32>], vector<16xf32>,
      tpu.vector_store_idx %arg11[%broadcast_in_dim3A_1113, %iota3A], %gather3A_1119 : memref<64x32xf32, #tpu.memory_space<vmem>>[vector<16xi32>, vector<16xi32>], vector<16xf32>,
      tpu.vector_store_idx %arg11[%broadcast_in_dim3A_1113, %add3A_3], %gather3A_1125 : memref<64x32xf32, #tpu.memory_space<vmem>>[vector<16xi32>, vector<16xi32>], vector<16xf32>,
      %slice3A_1126 = vector.extract_strided_slice %scan3A_660 {offsets = [10], sizes = [1], strides = [1]} : vector<16xi32> to vector<1xi32>
      %squeeze3A_1127 = vector.extract %slice3A_1126[0] : i32 from vector<1xi32>
      %mul3A_1128 = arith.constant 16 : i32
      %mul3A_1129 = arith.muli %scan3A_659, %mul3A_1128 : i32
      %add3A_1130 = arith.constant 10 : i32
      %add3A_1131 = arith.addi %mul3A_1129, %add3A_1130 : i32
      %and3A_1132 = arith.constant 127 : i32
      %and3A_1133 = arith.andi %squeeze3A_1127, %and3A_1132 : i32
      %broadcast_in_dim3A_1134 = vector.broadcast %and3A_1133 : i32 to vector<16xi32>
      %broadcast_in_dim3A_1135 = vector.broadcast %add3A_1131 : i32 to vector<16xi32>
      %gather3A_1136 = arith.constant 10 : i32
      %gather3A_1137 = arith.constant 0 : i32
      %gather3A_1138 = arith.constant 0 : i32
      %gather3A_1139 = tpu.memref_slice %arg12[%gather3A_1136, %gather3A_1137, %gather3A_1138] : memref<16x32x128xf32, #tpu.memory_space<vmem>> -> memref<1x32x128xf32, #tpu.memory_space<vmem>>
      %gather3A_1140 = tpu.memref_squeeze %gather3A_1139 : memref<1x32x128xf32, #tpu.memory_space<vmem>> -> memref<32x128xf32, #tpu.memory_space<vmem>>
      %gather3A_1141 = tpu.vector_load_idx %gather3A_1140[%iota3A, %broadcast_in_dim3A_1134] : memref<32x128xf32, #tpu.memory_space<vmem>>[vector<16xi32>, vector<16xi32>], vector<16xf32>,
      %gather3A_1142 = arith.constant 10 : i32
      %gather3A_1143 = arith.constant 0 : i32
      %gather3A_1144 = arith.constant 0 : i32
      %gather3A_1145 = tpu.memref_slice %arg12[%gather3A_1142, %gather3A_1143, %gather3A_1144] : memref<16x32x128xf32, #tpu.memory_space<vmem>> -> memref<1x32x128xf32, #tpu.memory_space<vmem>>
      %gather3A_1146 = tpu.memref_squeeze %gather3A_1145 : memref<1x32x128xf32, #tpu.memory_space<vmem>> -> memref<32x128xf32, #tpu.memory_space<vmem>>
      %gather3A_1147 = tpu.vector_load_idx %gather3A_1146[%add3A_3, %broadcast_in_dim3A_1134] : memref<32x128xf32, #tpu.memory_space<vmem>>[vector<16xi32>, vector<16xi32>], vector<16xf32>,
      tpu.vector_store_idx %arg11[%broadcast_in_dim3A_1135, %iota3A], %gather3A_1141 : memref<64x32xf32, #tpu.memory_space<vmem>>[vector<16xi32>, vector<16xi32>], vector<16xf32>,
      tpu.vector_store_idx %arg11[%broadcast_in_dim3A_1135, %add3A_3], %gather3A_1147 : memref<64x32xf32, #tpu.memory_space<vmem>>[vector<16xi32>, vector<16xi32>], vector<16xf32>,
      %slice3A_1148 = vector.extract_strided_slice %scan3A_660 {offsets = [11], sizes = [1], strides = [1]} : vector<16xi32> to vector<1xi32>
      %squeeze3A_1149 = vector.extract %slice3A_1148[0] : i32 from vector<1xi32>
      %mul3A_1150 = arith.constant 16 : i32
      %mul3A_1151 = arith.muli %scan3A_659, %mul3A_1150 : i32
      %add3A_1152 = arith.constant 11 : i32
      %add3A_1153 = arith.addi %mul3A_1151, %add3A_1152 : i32
      %and3A_1154 = arith.constant 127 : i32
      %and3A_1155 = arith.andi %squeeze3A_1149, %and3A_1154 : i32
      %broadcast_in_dim3A_1156 = vector.broadcast %and3A_1155 : i32 to vector<16xi32>
      %broadcast_in_dim3A_1157 = vector.broadcast %add3A_1153 : i32 to vector<16xi32>
      %gather3A_1158 = arith.constant 11 : i32
      %gather3A_1159 = arith.constant 0 : i32
      %gather3A_1160 = arith.constant 0 : i32
      %gather3A_1161 = tpu.memref_slice %arg12[%gather3A_1158, %gather3A_1159, %gather3A_1160] : memref<16x32x128xf32, #tpu.memory_space<vmem>> -> memref<1x32x128xf32, #tpu.memory_space<vmem>>
      %gather3A_1162 = tpu.memref_squeeze %gather3A_1161 : memref<1x32x128xf32, #tpu.memory_space<vmem>> -> memref<32x128xf32, #tpu.memory_space<vmem>>
      %gather3A_1163 = tpu.vector_load_idx %gather3A_1162[%iota3A, %broadcast_in_dim3A_1156] : memref<32x128xf32, #tpu.memory_space<vmem>>[vector<16xi32>, vector<16xi32>], vector<16xf32>,
      %gather3A_1164 = arith.constant 11 : i32
      %gather3A_1165 = arith.constant 0 : i32
      %gather3A_1166 = arith.constant 0 : i32
      %gather3A_1167 = tpu.memref_slice %arg12[%gather3A_1164, %gather3A_1165, %gather3A_1166] : memref<16x32x128xf32, #tpu.memory_space<vmem>> -> memref<1x32x128xf32, #tpu.memory_space<vmem>>
      %gather3A_1168 = tpu.memref_squeeze %gather3A_1167 : memref<1x32x128xf32, #tpu.memory_space<vmem>> -> memref<32x128xf32, #tpu.memory_space<vmem>>
      %gather3A_1169 = tpu.vector_load_idx %gather3A_1168[%add3A_3, %broadcast_in_dim3A_1156] : memref<32x128xf32, #tpu.memory_space<vmem>>[vector<16xi32>, vector<16xi32>], vector<16xf32>,
      tpu.vector_store_idx %arg11[%broadcast_in_dim3A_1157, %iota3A], %gather3A_1163 : memref<64x32xf32, #tpu.memory_space<vmem>>[vector<16xi32>, vector<16xi32>], vector<16xf32>,
      tpu.vector_store_idx %arg11[%broadcast_in_dim3A_1157, %add3A_3], %gather3A_1169 : memref<64x32xf32, #tpu.memory_space<vmem>>[vector<16xi32>, vector<16xi32>], vector<16xf32>,
      %slice3A_1170 = vector.extract_strided_slice %scan3A_660 {offsets = [12], sizes = [1], strides = [1]} : vector<16xi32> to vector<1xi32>
      %squeeze3A_1171 = vector.extract %slice3A_1170[0] : i32 from vector<1xi32>
      %mul3A_1172 = arith.constant 16 : i32
      %mul3A_1173 = arith.muli %scan3A_659, %mul3A_1172 : i32
      %add3A_1174 = arith.constant 12 : i32
      %add3A_1175 = arith.addi %mul3A_1173, %add3A_1174 : i32
      %and3A_1176 = arith.constant 127 : i32
      %and3A_1177 = arith.andi %squeeze3A_1171, %and3A_1176 : i32
      %broadcast_in_dim3A_1178 = vector.broadcast %and3A_1177 : i32 to vector<16xi32>
      %broadcast_in_dim3A_1179 = vector.broadcast %add3A_1175 : i32 to vector<16xi32>
      %gather3A_1180 = arith.constant 12 : i32
      %gather3A_1181 = arith.constant 0 : i32
      %gather3A_1182 = arith.constant 0 : i32
      %gather3A_1183 = tpu.memref_slice %arg12[%gather3A_1180, %gather3A_1181, %gather3A_1182] : memref<16x32x128xf32, #tpu.memory_space<vmem>> -> memref<1x32x128xf32, #tpu.memory_space<vmem>>
      %gather3A_1184 = tpu.memref_squeeze %gather3A_1183 : memref<1x32x128xf32, #tpu.memory_space<vmem>> -> memref<32x128xf32, #tpu.memory_space<vmem>>
      %gather3A_1185 = tpu.vector_load_idx %gather3A_1184[%iota3A, %broadcast_in_dim3A_1178] : memref<32x128xf32, #tpu.memory_space<vmem>>[vector<16xi32>, vector<16xi32>], vector<16xf32>,
      %gather3A_1186 = arith.constant 12 : i32
      %gather3A_1187 = arith.constant 0 : i32
      %gather3A_1188 = arith.constant 0 : i32
      %gather3A_1189 = tpu.memref_slice %arg12[%gather3A_1186, %gather3A_1187, %gather3A_1188] : memref<16x32x128xf32, #tpu.memory_space<vmem>> -> memref<1x32x128xf32, #tpu.memory_space<vmem>>
      %gather3A_1190 = tpu.memref_squeeze %gather3A_1189 : memref<1x32x128xf32, #tpu.memory_space<vmem>> -> memref<32x128xf32, #tpu.memory_space<vmem>>
      %gather3A_1191 = tpu.vector_load_idx %gather3A_1190[%add3A_3, %broadcast_in_dim3A_1178] : memref<32x128xf32, #tpu.memory_space<vmem>>[vector<16xi32>, vector<16xi32>], vector<16xf32>,
      tpu.vector_store_idx %arg11[%broadcast_in_dim3A_1179, %iota3A], %gather3A_1185 : memref<64x32xf32, #tpu.memory_space<vmem>>[vector<16xi32>, vector<16xi32>], vector<16xf32>,
      tpu.vector_store_idx %arg11[%broadcast_in_dim3A_1179, %add3A_3], %gather3A_1191 : memref<64x32xf32, #tpu.memory_space<vmem>>[vector<16xi32>, vector<16xi32>], vector<16xf32>,
      %slice3A_1192 = vector.extract_strided_slice %scan3A_660 {offsets = [13], sizes = [1], strides = [1]} : vector<16xi32> to vector<1xi32>
      %squeeze3A_1193 = vector.extract %slice3A_1192[0] : i32 from vector<1xi32>
      %mul3A_1194 = arith.constant 16 : i32
      %mul3A_1195 = arith.muli %scan3A_659, %mul3A_1194 : i32
      %add3A_1196 = arith.constant 13 : i32
      %add3A_1197 = arith.addi %mul3A_1195, %add3A_1196 : i32
      %and3A_1198 = arith.constant 127 : i32
      %and3A_1199 = arith.andi %squeeze3A_1193, %and3A_1198 : i32
      %broadcast_in_dim3A_1200 = vector.broadcast %and3A_1199 : i32 to vector<16xi32>
      %broadcast_in_dim3A_1201 = vector.broadcast %add3A_1197 : i32 to vector<16xi32>
      %gather3A_1202 = arith.constant 13 : i32
      %gather3A_1203 = arith.constant 0 : i32
      %gather3A_1204 = arith.constant 0 : i32
      %gather3A_1205 = tpu.memref_slice %arg12[%gather3A_1202, %gather3A_1203, %gather3A_1204] : memref<16x32x128xf32, #tpu.memory_space<vmem>> -> memref<1x32x128xf32, #tpu.memory_space<vmem>>
      %gather3A_1206 = tpu.memref_squeeze %gather3A_1205 : memref<1x32x128xf32, #tpu.memory_space<vmem>> -> memref<32x128xf32, #tpu.memory_space<vmem>>
      %gather3A_1207 = tpu.vector_load_idx %gather3A_1206[%iota3A, %broadcast_in_dim3A_1200] : memref<32x128xf32, #tpu.memory_space<vmem>>[vector<16xi32>, vector<16xi32>], vector<16xf32>,
      %gather3A_1208 = arith.constant 13 : i32
      %gather3A_1209 = arith.constant 0 : i32
      %gather3A_1210 = arith.constant 0 : i32
      %gather3A_1211 = tpu.memref_slice %arg12[%gather3A_1208, %gather3A_1209, %gather3A_1210] : memref<16x32x128xf32, #tpu.memory_space<vmem>> -> memref<1x32x128xf32, #tpu.memory_space<vmem>>
      %gather3A_1212 = tpu.memref_squeeze %gather3A_1211 : memref<1x32x128xf32, #tpu.memory_space<vmem>> -> memref<32x128xf32, #tpu.memory_space<vmem>>
      %gather3A_1213 = tpu.vector_load_idx %gather3A_1212[%add3A_3, %broadcast_in_dim3A_1200] : memref<32x128xf32, #tpu.memory_space<vmem>>[vector<16xi32>, vector<16xi32>], vector<16xf32>,
      tpu.vector_store_idx %arg11[%broadcast_in_dim3A_1201, %iota3A], %gather3A_1207 : memref<64x32xf32, #tpu.memory_space<vmem>>[vector<16xi32>, vector<16xi32>], vector<16xf32>,
      tpu.vector_store_idx %arg11[%broadcast_in_dim3A_1201, %add3A_3], %gather3A_1213 : memref<64x32xf32, #tpu.memory_space<vmem>>[vector<16xi32>, vector<16xi32>], vector<16xf32>,
      %slice3A_1214 = vector.extract_strided_slice %scan3A_660 {offsets = [14], sizes = [1], strides = [1]} : vector<16xi32> to vector<1xi32>
      %squeeze3A_1215 = vector.extract %slice3A_1214[0] : i32 from vector<1xi32>
      %mul3A_1216 = arith.constant 16 : i32
      %mul3A_1217 = arith.muli %scan3A_659, %mul3A_1216 : i32
      %add3A_1218 = arith.constant 14 : i32
      %add3A_1219 = arith.addi %mul3A_1217, %add3A_1218 : i32
      %and3A_1220 = arith.constant 127 : i32
      %and3A_1221 = arith.andi %squeeze3A_1215, %and3A_1220 : i32
      %broadcast_in_dim3A_1222 = vector.broadcast %and3A_1221 : i32 to vector<16xi32>
      %broadcast_in_dim3A_1223 = vector.broadcast %add3A_1219 : i32 to vector<16xi32>
      %gather3A_1224 = arith.constant 14 : i32
      %gather3A_1225 = arith.constant 0 : i32
      %gather3A_1226 = arith.constant 0 : i32
      %gather3A_1227 = tpu.memref_slice %arg12[%gather3A_1224, %gather3A_1225, %gather3A_1226] : memref<16x32x128xf32, #tpu.memory_space<vmem>> -> memref<1x32x128xf32, #tpu.memory_space<vmem>>
      %gather3A_1228 = tpu.memref_squeeze %gather3A_1227 : memref<1x32x128xf32, #tpu.memory_space<vmem>> -> memref<32x128xf32, #tpu.memory_space<vmem>>
      %gather3A_1229 = tpu.vector_load_idx %gather3A_1228[%iota3A, %broadcast_in_dim3A_1222] : memref<32x128xf32, #tpu.memory_space<vmem>>[vector<16xi32>, vector<16xi32>], vector<16xf32>,
      %gather3A_1230 = arith.constant 14 : i32
      %gather3A_1231 = arith.constant 0 : i32
      %gather3A_1232 = arith.constant 0 : i32
      %gather3A_1233 = tpu.memref_slice %arg12[%gather3A_1230, %gather3A_1231, %gather3A_1232] : memref<16x32x128xf32, #tpu.memory_space<vmem>> -> memref<1x32x128xf32, #tpu.memory_space<vmem>>
      %gather3A_1234 = tpu.memref_squeeze %gather3A_1233 : memref<1x32x128xf32, #tpu.memory_space<vmem>> -> memref<32x128xf32, #tpu.memory_space<vmem>>
      %gather3A_1235 = tpu.vector_load_idx %gather3A_1234[%add3A_3, %broadcast_in_dim3A_1222] : memref<32x128xf32, #tpu.memory_space<vmem>>[vector<16xi32>, vector<16xi32>], vector<16xf32>,
      tpu.vector_store_idx %arg11[%broadcast_in_dim3A_1223, %iota3A], %gather3A_1229 : memref<64x32xf32, #tpu.memory_space<vmem>>[vector<16xi32>, vector<16xi32>], vector<16xf32>,
      tpu.vector_store_idx %arg11[%broadcast_in_dim3A_1223, %add3A_3], %gather3A_1235 : memref<64x32xf32, #tpu.memory_space<vmem>>[vector<16xi32>, vector<16xi32>], vector<16xf32>,
      %slice3A_1236 = vector.extract_strided_slice %scan3A_660 {offsets = [15], sizes = [1], strides = [1]} : vector<16xi32> to vector<1xi32>
      %squeeze3A_1237 = vector.extract %slice3A_1236[0] : i32 from vector<1xi32>
      %mul3A_1238 = arith.constant 16 : i32
      %mul3A_1239 = arith.muli %scan3A_659, %mul3A_1238 : i32
      %add3A_1240 = arith.constant 15 : i32
      %add3A_1241 = arith.addi %mul3A_1239, %add3A_1240 : i32
      %and3A_1242 = arith.constant 127 : i32
      %and3A_1243 = arith.andi %squeeze3A_1237, %and3A_1242 : i32
      %broadcast_in_dim3A_1244 = vector.broadcast %and3A_1243 : i32 to vector<16xi32>
      %broadcast_in_dim3A_1245 = vector.broadcast %add3A_1241 : i32 to vector<16xi32>
      %gather3A_1246 = arith.constant 15 : i32
      %gather3A_1247 = arith.constant 0 : i32
      %gather3A_1248 = arith.constant 0 : i32
      %gather3A_1249 = tpu.memref_slice %arg12[%gather3A_1246, %gather3A_1247, %gather3A_1248] : memref<16x32x128xf32, #tpu.memory_space<vmem>> -> memref<1x32x128xf32, #tpu.memory_space<vmem>>
      %gather3A_1250 = tpu.memref_squeeze %gather3A_1249 : memref<1x32x128xf32, #tpu.memory_space<vmem>> -> memref<32x128xf32, #tpu.memory_space<vmem>>
      %gather3A_1251 = tpu.vector_load_idx %gather3A_1250[%iota3A, %broadcast_in_dim3A_1244] : memref<32x128xf32, #tpu.memory_space<vmem>>[vector<16xi32>, vector<16xi32>], vector<16xf32>,
      %gather3A_1252 = arith.constant 15 : i32
      %gather3A_1253 = arith.constant 0 : i32
      %gather3A_1254 = arith.constant 0 : i32
      %gather3A_1255 = tpu.memref_slice %arg12[%gather3A_1252, %gather3A_1253, %gather3A_1254] : memref<16x32x128xf32, #tpu.memory_space<vmem>> -> memref<1x32x128xf32, #tpu.memory_space<vmem>>
      %gather3A_1256 = tpu.memref_squeeze %gather3A_1255 : memref<1x32x128xf32, #tpu.memory_space<vmem>> -> memref<32x128xf32, #tpu.memory_space<vmem>>
      %gather3A_1257 = tpu.vector_load_idx %gather3A_1256[%add3A_3, %broadcast_in_dim3A_1244] : memref<32x128xf32, #tpu.memory_space<vmem>>[vector<16xi32>, vector<16xi32>], vector<16xf32>,
      tpu.vector_store_idx %arg11[%broadcast_in_dim3A_1245, %iota3A], %gather3A_1251 : memref<64x32xf32, #tpu.memory_space<vmem>>[vector<16xi32>, vector<16xi32>], vector<16xf32>,
      tpu.vector_store_idx %arg11[%broadcast_in_dim3A_1245, %add3A_3], %gather3A_1257 : memref<64x32xf32, #tpu.memory_space<vmem>>[vector<16xi32>, vector<16xi32>], vector<16xf32>,
      %convert_element_type3A_1258 = arith.extui %lt3A_668 : i1 to i32
      %cond3A_1259 = arith.constant 0 : i32
      %cond3A_1260 = arith.cmpi ne, %convert_element_type3A_1258, %cond3A_1259 : i32
      scf.if %cond3A_1260 {
        %slice3A_1261 = vector.extract_strided_slice %get3A_667 {offsets = [8], sizes = [1], strides = [1]} : vector<16xi32> to vector<1xi32>
        %squeeze3A_1262 = vector.extract %slice3A_1261[0] : i32 from vector<1xi32>
        %shift_right_arithmetic3A_1263 = arith.constant 7 : i32
        %shift_right_arithmetic3A_1264 = arith.shrsi %squeeze3A_1262, %shift_right_arithmetic3A_1263 : i32
        %mul3A_1265 = arith.constant 128 : i32
        %mul3A_1266 = arith.muli %shift_right_arithmetic3A_1264, %mul3A_1265 : i32
        %multiple_of3A_1267 = tpu.assume_multiple %mul3A_1266, 128 : i32
        %dma_start3A_1268 = arith.constant 8 : i32
        %dma_start3A_1269 = arith.constant 0 : i32
        %dma_start3A_1270 = arith.constant 0 : i32
        %dma_start3A_1271 = tpu.memref_slice %arg12[%dma_start3A_1268, %dma_start3A_1269, %dma_start3A_1270] : memref<16x32x128xf32, #tpu.memory_space<vmem>> -> memref<1x32x128xf32, #tpu.memory_space<vmem>>
        %dma_start3A_1272 = tpu.memref_squeeze %dma_start3A_1271 : memref<1x32x128xf32, #tpu.memory_space<vmem>> -> memref<32x128xf32, #tpu.memory_space<vmem>>
        %dma_start3A_1273 = arith.constant 0 : i32
        %dma_start3A_1274 = tpu.memref_slice %arg5[%dma_start3A_1273, %multiple_of3A_1267] : memref<32x1000000xf32, #tpu.memory_space<hbm>> -> memref<32x128xf32, #tpu.memory_space<hbm>>
        %dma_start3A_1275 = arith.constant 0 : i32
        %dma_start3A_1276 = arith.constant 0 : i32
        %dma_start3A_1277 = tpu.memref_slice %arg12[%dma_start3A_1268, %dma_start3A_1275, %dma_start3A_1276] : memref<16x32x128xf32, #tpu.memory_space<vmem>> -> memref<1x32x128xf32, #tpu.memory_space<vmem>>
        %dma_start3A_1278 = tpu.memref_squeeze %dma_start3A_1277 : memref<1x32x128xf32, #tpu.memory_space<vmem>> -> memref<32x128xf32, #tpu.memory_space<vmem>>
        %dma_start3A_1279 = arith.constant 0 : i32
        %dma_start3A_1280 = tpu.memref_slice %arg5[%dma_start3A_1279, %multiple_of3A_1267] : memref<32x1000000xf32, #tpu.memory_space<hbm>> -> memref<32x128xf32, #tpu.memory_space<hbm>>
        tpu.enqueue_dma source(%dma_start3A_1280 : memref<32x128xf32, #tpu.memory_space<hbm>>) target(%dma_start3A_1278 : memref<32x128xf32, #tpu.memory_space<vmem>>) target_semaphore(%arg14 : memref<!tpu.dma_semaphore, #tpu.memory_space<semaphore_mem>>)
        %slice3A_1281 = vector.extract_strided_slice %get3A_667 {offsets = [9], sizes = [1], strides = [1]} : vector<16xi32> to vector<1xi32>
        %squeeze3A_1282 = vector.extract %slice3A_1281[0] : i32 from vector<1xi32>
        %shift_right_arithmetic3A_1283 = arith.constant 7 : i32
        %shift_right_arithmetic3A_1284 = arith.shrsi %squeeze3A_1282, %shift_right_arithmetic3A_1283 : i32
        %mul3A_1285 = arith.constant 128 : i32
        %mul3A_1286 = arith.muli %shift_right_arithmetic3A_1284, %mul3A_1285 : i32
        %multiple_of3A_1287 = tpu.assume_multiple %mul3A_1286, 128 : i32
        %dma_start3A_1288 = arith.constant 9 : i32
        %dma_start3A_1289 = arith.constant 0 : i32
        %dma_start3A_1290 = arith.constant 0 : i32
        %dma_start3A_1291 = tpu.memref_slice %arg12[%dma_start3A_1288, %dma_start3A_1289, %dma_start3A_1290] : memref<16x32x128xf32, #tpu.memory_space<vmem>> -> memref<1x32x128xf32, #tpu.memory_space<vmem>>
        %dma_start3A_1292 = tpu.memref_squeeze %dma_start3A_1291 : memref<1x32x128xf32, #tpu.memory_space<vmem>> -> memref<32x128xf32, #tpu.memory_space<vmem>>
        %dma_start3A_1293 = arith.constant 0 : i32
        %dma_start3A_1294 = tpu.memref_slice %arg5[%dma_start3A_1293, %multiple_of3A_1287] : memref<32x1000000xf32, #tpu.memory_space<hbm>> -> memref<32x128xf32, #tpu.memory_space<hbm>>
        %dma_start3A_1295 = arith.constant 0 : i32
        %dma_start3A_1296 = arith.constant 0 : i32
        %dma_start3A_1297 = tpu.memref_slice %arg12[%dma_start3A_1288, %dma_start3A_1295, %dma_start3A_1296] : memref<16x32x128xf32, #tpu.memory_space<vmem>> -> memref<1x32x128xf32, #tpu.memory_space<vmem>>
        %dma_start3A_1298 = tpu.memref_squeeze %dma_start3A_1297 : memref<1x32x128xf32, #tpu.memory_space<vmem>> -> memref<32x128xf32, #tpu.memory_space<vmem>>
        %dma_start3A_1299 = arith.constant 0 : i32
        %dma_start3A_1300 = tpu.memref_slice %arg5[%dma_start3A_1299, %multiple_of3A_1287] : memref<32x1000000xf32, #tpu.memory_space<hbm>> -> memref<32x128xf32, #tpu.memory_space<hbm>>
        tpu.enqueue_dma source(%dma_start3A_1300 : memref<32x128xf32, #tpu.memory_space<hbm>>) target(%dma_start3A_1298 : memref<32x128xf32, #tpu.memory_space<vmem>>) target_semaphore(%arg14 : memref<!tpu.dma_semaphore, #tpu.memory_space<semaphore_mem>>)
        %slice3A_1301 = vector.extract_strided_slice %get3A_667 {offsets = [10], sizes = [1], strides = [1]} : vector<16xi32> to vector<1xi32>
        %squeeze3A_1302 = vector.extract %slice3A_1301[0] : i32 from vector<1xi32>
        %shift_right_arithmetic3A_1303 = arith.constant 7 : i32
        %shift_right_arithmetic3A_1304 = arith.shrsi %squeeze3A_1302, %shift_right_arithmetic3A_1303 : i32
        %mul3A_1305 = arith.constant 128 : i32
        %mul3A_1306 = arith.muli %shift_right_arithmetic3A_1304, %mul3A_1305 : i32
        %multiple_of3A_1307 = tpu.assume_multiple %mul3A_1306, 128 : i32
        %dma_start3A_1308 = arith.constant 10 : i32
        %dma_start3A_1309 = arith.constant 0 : i32
        %dma_start3A_1310 = arith.constant 0 : i32
        %dma_start3A_1311 = tpu.memref_slice %arg12[%dma_start3A_1308, %dma_start3A_1309, %dma_start3A_1310] : memref<16x32x128xf32, #tpu.memory_space<vmem>> -> memref<1x32x128xf32, #tpu.memory_space<vmem>>
        %dma_start3A_1312 = tpu.memref_squeeze %dma_start3A_1311 : memref<1x32x128xf32, #tpu.memory_space<vmem>> -> memref<32x128xf32, #tpu.memory_space<vmem>>
        %dma_start3A_1313 = arith.constant 0 : i32
        %dma_start3A_1314 = tpu.memref_slice %arg5[%dma_start3A_1313, %multiple_of3A_1307] : memref<32x1000000xf32, #tpu.memory_space<hbm>> -> memref<32x128xf32, #tpu.memory_space<hbm>>
        %dma_start3A_1315 = arith.constant 0 : i32
        %dma_start3A_1316 = arith.constant 0 : i32
        %dma_start3A_1317 = tpu.memref_slice %arg12[%dma_start3A_1308, %dma_start3A_1315, %dma_start3A_1316] : memref<16x32x128xf32, #tpu.memory_space<vmem>> -> memref<1x32x128xf32, #tpu.memory_space<vmem>>
        %dma_start3A_1318 = tpu.memref_squeeze %dma_start3A_1317 : memref<1x32x128xf32, #tpu.memory_space<vmem>> -> memref<32x128xf32, #tpu.memory_space<vmem>>
        %dma_start3A_1319 = arith.constant 0 : i32
        %dma_start3A_1320 = tpu.memref_slice %arg5[%dma_start3A_1319, %multiple_of3A_1307] : memref<32x1000000xf32, #tpu.memory_space<hbm>> -> memref<32x128xf32, #tpu.memory_space<hbm>>
        tpu.enqueue_dma source(%dma_start3A_1320 : memref<32x128xf32, #tpu.memory_space<hbm>>) target(%dma_start3A_1318 : memref<32x128xf32, #tpu.memory_space<vmem>>) target_semaphore(%arg14 : memref<!tpu.dma_semaphore, #tpu.memory_space<semaphore_mem>>)
        %slice3A_1321 = vector.extract_strided_slice %get3A_667 {offsets = [11], sizes = [1], strides = [1]} : vector<16xi32> to vector<1xi32>
        %squeeze3A_1322 = vector.extract %slice3A_1321[0] : i32 from vector<1xi32>
        %shift_right_arithmetic3A_1323 = arith.constant 7 : i32
        %shift_right_arithmetic3A_1324 = arith.shrsi %squeeze3A_1322, %shift_right_arithmetic3A_1323 : i32
        %mul3A_1325 = arith.constant 128 : i32
        %mul3A_1326 = arith.muli %shift_right_arithmetic3A_1324, %mul3A_1325 : i32
        %multiple_of3A_1327 = tpu.assume_multiple %mul3A_1326, 128 : i32
        %dma_start3A_1328 = arith.constant 11 : i32
        %dma_start3A_1329 = arith.constant 0 : i32
        %dma_start3A_1330 = arith.constant 0 : i32
        %dma_start3A_1331 = tpu.memref_slice %arg12[%dma_start3A_1328, %dma_start3A_1329, %dma_start3A_1330] : memref<16x32x128xf32, #tpu.memory_space<vmem>> -> memref<1x32x128xf32, #tpu.memory_space<vmem>>
        %dma_start3A_1332 = tpu.memref_squeeze %dma_start3A_1331 : memref<1x32x128xf32, #tpu.memory_space<vmem>> -> memref<32x128xf32, #tpu.memory_space<vmem>>
        %dma_start3A_1333 = arith.constant 0 : i32
        %dma_start3A_1334 = tpu.memref_slice %arg5[%dma_start3A_1333, %multiple_of3A_1327] : memref<32x1000000xf32, #tpu.memory_space<hbm>> -> memref<32x128xf32, #tpu.memory_space<hbm>>
        %dma_start3A_1335 = arith.constant 0 : i32
        %dma_start3A_1336 = arith.constant 0 : i32
        %dma_start3A_1337 = tpu.memref_slice %arg12[%dma_start3A_1328, %dma_start3A_1335, %dma_start3A_1336] : memref<16x32x128xf32, #tpu.memory_space<vmem>> -> memref<1x32x128xf32, #tpu.memory_space<vmem>>
        %dma_start3A_1338 = tpu.memref_squeeze %dma_start3A_1337 : memref<1x32x128xf32, #tpu.memory_space<vmem>> -> memref<32x128xf32, #tpu.memory_space<vmem>>
        %dma_start3A_1339 = arith.constant 0 : i32
        %dma_start3A_1340 = tpu.memref_slice %arg5[%dma_start3A_1339, %multiple_of3A_1327] : memref<32x1000000xf32, #tpu.memory_space<hbm>> -> memref<32x128xf32, #tpu.memory_space<hbm>>
        tpu.enqueue_dma source(%dma_start3A_1340 : memref<32x128xf32, #tpu.memory_space<hbm>>) target(%dma_start3A_1338 : memref<32x128xf32, #tpu.memory_space<vmem>>) target_semaphore(%arg14 : memref<!tpu.dma_semaphore, #tpu.memory_space<semaphore_mem>>)
        %slice3A_1341 = vector.extract_strided_slice %get3A_667 {offsets = [12], sizes = [1], strides = [1]} : vector<16xi32> to vector<1xi32>
        %squeeze3A_1342 = vector.extract %slice3A_1341[0] : i32 from vector<1xi32>
        %shift_right_arithmetic3A_1343 = arith.constant 7 : i32
        %shift_right_arithmetic3A_1344 = arith.shrsi %squeeze3A_1342, %shift_right_arithmetic3A_1343 : i32
        %mul3A_1345 = arith.constant 128 : i32
        %mul3A_1346 = arith.muli %shift_right_arithmetic3A_1344, %mul3A_1345 : i32
        %multiple_of3A_1347 = tpu.assume_multiple %mul3A_1346, 128 : i32
        %dma_start3A_1348 = arith.constant 12 : i32
        %dma_start3A_1349 = arith.constant 0 : i32
        %dma_start3A_1350 = arith.constant 0 : i32
        %dma_start3A_1351 = tpu.memref_slice %arg12[%dma_start3A_1348, %dma_start3A_1349, %dma_start3A_1350] : memref<16x32x128xf32, #tpu.memory_space<vmem>> -> memref<1x32x128xf32, #tpu.memory_space<vmem>>
        %dma_start3A_1352 = tpu.memref_squeeze %dma_start3A_1351 : memref<1x32x128xf32, #tpu.memory_space<vmem>> -> memref<32x128xf32, #tpu.memory_space<vmem>>
        %dma_start3A_1353 = arith.constant 0 : i32
        %dma_start3A_1354 = tpu.memref_slice %arg5[%dma_start3A_1353, %multiple_of3A_1347] : memref<32x1000000xf32, #tpu.memory_space<hbm>> -> memref<32x128xf32, #tpu.memory_space<hbm>>
        %dma_start3A_1355 = arith.constant 0 : i32
        %dma_start3A_1356 = arith.constant 0 : i32
        %dma_start3A_1357 = tpu.memref_slice %arg12[%dma_start3A_1348, %dma_start3A_1355, %dma_start3A_1356] : memref<16x32x128xf32, #tpu.memory_space<vmem>> -> memref<1x32x128xf32, #tpu.memory_space<vmem>>
        %dma_start3A_1358 = tpu.memref_squeeze %dma_start3A_1357 : memref<1x32x128xf32, #tpu.memory_space<vmem>> -> memref<32x128xf32, #tpu.memory_space<vmem>>
        %dma_start3A_1359 = arith.constant 0 : i32
        %dma_start3A_1360 = tpu.memref_slice %arg5[%dma_start3A_1359, %multiple_of3A_1347] : memref<32x1000000xf32, #tpu.memory_space<hbm>> -> memref<32x128xf32, #tpu.memory_space<hbm>>
        tpu.enqueue_dma source(%dma_start3A_1360 : memref<32x128xf32, #tpu.memory_space<hbm>>) target(%dma_start3A_1358 : memref<32x128xf32, #tpu.memory_space<vmem>>) target_semaphore(%arg14 : memref<!tpu.dma_semaphore, #tpu.memory_space<semaphore_mem>>)
        %slice3A_1361 = vector.extract_strided_slice %get3A_667 {offsets = [13], sizes = [1], strides = [1]} : vector<16xi32> to vector<1xi32>
        %squeeze3A_1362 = vector.extract %slice3A_1361[0] : i32 from vector<1xi32>
        %shift_right_arithmetic3A_1363 = arith.constant 7 : i32
        %shift_right_arithmetic3A_1364 = arith.shrsi %squeeze3A_1362, %shift_right_arithmetic3A_1363 : i32
        %mul3A_1365 = arith.constant 128 : i32
        %mul3A_1366 = arith.muli %shift_right_arithmetic3A_1364, %mul3A_1365 : i32
        %multiple_of3A_1367 = tpu.assume_multiple %mul3A_1366, 128 : i32
        %dma_start3A_1368 = arith.constant 13 : i32
        %dma_start3A_1369 = arith.constant 0 : i32
        %dma_start3A_1370 = arith.constant 0 : i32
        %dma_start3A_1371 = tpu.memref_slice %arg12[%dma_start3A_1368, %dma_start3A_1369, %dma_start3A_1370] : memref<16x32x128xf32, #tpu.memory_space<vmem>> -> memref<1x32x128xf32, #tpu.memory_space<vmem>>
        %dma_start3A_1372 = tpu.memref_squeeze %dma_start3A_1371 : memref<1x32x128xf32, #tpu.memory_space<vmem>> -> memref<32x128xf32, #tpu.memory_space<vmem>>
        %dma_start3A_1373 = arith.constant 0 : i32
        %dma_start3A_1374 = tpu.memref_slice %arg5[%dma_start3A_1373, %multiple_of3A_1367] : memref<32x1000000xf32, #tpu.memory_space<hbm>> -> memref<32x128xf32, #tpu.memory_space<hbm>>
        %dma_start3A_1375 = arith.constant 0 : i32
        %dma_start3A_1376 = arith.constant 0 : i32
        %dma_start3A_1377 = tpu.memref_slice %arg12[%dma_start3A_1368, %dma_start3A_1375, %dma_start3A_1376] : memref<16x32x128xf32, #tpu.memory_space<vmem>> -> memref<1x32x128xf32, #tpu.memory_space<vmem>>
        %dma_start3A_1378 = tpu.memref_squeeze %dma_start3A_1377 : memref<1x32x128xf32, #tpu.memory_space<vmem>> -> memref<32x128xf32, #tpu.memory_space<vmem>>
        %dma_start3A_1379 = arith.constant 0 : i32
        %dma_start3A_1380 = tpu.memref_slice %arg5[%dma_start3A_1379, %multiple_of3A_1367] : memref<32x1000000xf32, #tpu.memory_space<hbm>> -> memref<32x128xf32, #tpu.memory_space<hbm>>
        tpu.enqueue_dma source(%dma_start3A_1380 : memref<32x128xf32, #tpu.memory_space<hbm>>) target(%dma_start3A_1378 : memref<32x128xf32, #tpu.memory_space<vmem>>) target_semaphore(%arg14 : memref<!tpu.dma_semaphore, #tpu.memory_space<semaphore_mem>>)
        %slice3A_1381 = vector.extract_strided_slice %get3A_667 {offsets = [14], sizes = [1], strides = [1]} : vector<16xi32> to vector<1xi32>
        %squeeze3A_1382 = vector.extract %slice3A_1381[0] : i32 from vector<1xi32>
        %shift_right_arithmetic3A_1383 = arith.constant 7 : i32
        %shift_right_arithmetic3A_1384 = arith.shrsi %squeeze3A_1382, %shift_right_arithmetic3A_1383 : i32
        %mul3A_1385 = arith.constant 128 : i32
        %mul3A_1386 = arith.muli %shift_right_arithmetic3A_1384, %mul3A_1385 : i32
        %multiple_of3A_1387 = tpu.assume_multiple %mul3A_1386, 128 : i32
        %dma_start3A_1388 = arith.constant 14 : i32
        %dma_start3A_1389 = arith.constant 0 : i32
        %dma_start3A_1390 = arith.constant 0 : i32
        %dma_start3A_1391 = tpu.memref_slice %arg12[%dma_start3A_1388, %dma_start3A_1389, %dma_start3A_1390] : memref<16x32x128xf32, #tpu.memory_space<vmem>> -> memref<1x32x128xf32, #tpu.memory_space<vmem>>
        %dma_start3A_1392 = tpu.memref_squeeze %dma_start3A_1391 : memref<1x32x128xf32, #tpu.memory_space<vmem>> -> memref<32x128xf32, #tpu.memory_space<vmem>>
        %dma_start3A_1393 = arith.constant 0 : i32
        %dma_start3A_1394 = tpu.memref_slice %arg5[%dma_start3A_1393, %multiple_of3A_1387] : memref<32x1000000xf32, #tpu.memory_space<hbm>> -> memref<32x128xf32, #tpu.memory_space<hbm>>
        %dma_start3A_1395 = arith.constant 0 : i32
        %dma_start3A_1396 = arith.constant 0 : i32
        %dma_start3A_1397 = tpu.memref_slice %arg12[%dma_start3A_1388, %dma_start3A_1395, %dma_start3A_1396] : memref<16x32x128xf32, #tpu.memory_space<vmem>> -> memref<1x32x128xf32, #tpu.memory_space<vmem>>
        %dma_start3A_1398 = tpu.memref_squeeze %dma_start3A_1397 : memref<1x32x128xf32, #tpu.memory_space<vmem>> -> memref<32x128xf32, #tpu.memory_space<vmem>>
        %dma_start3A_1399 = arith.constant 0 : i32
        %dma_start3A_1400 = tpu.memref_slice %arg5[%dma_start3A_1399, %multiple_of3A_1387] : memref<32x1000000xf32, #tpu.memory_space<hbm>> -> memref<32x128xf32, #tpu.memory_space<hbm>>
        tpu.enqueue_dma source(%dma_start3A_1400 : memref<32x128xf32, #tpu.memory_space<hbm>>) target(%dma_start3A_1398 : memref<32x128xf32, #tpu.memory_space<vmem>>) target_semaphore(%arg14 : memref<!tpu.dma_semaphore, #tpu.memory_space<semaphore_mem>>)
        %slice3A_1401 = vector.extract_strided_slice %get3A_667 {offsets = [15], sizes = [1], strides = [1]} : vector<16xi32> to vector<1xi32>
        %squeeze3A_1402 = vector.extract %slice3A_1401[0] : i32 from vector<1xi32>
        %shift_right_arithmetic3A_1403 = arith.constant 7 : i32
        %shift_right_arithmetic3A_1404 = arith.shrsi %squeeze3A_1402, %shift_right_arithmetic3A_1403 : i32
        %mul3A_1405 = arith.constant 128 : i32
        %mul3A_1406 = arith.muli %shift_right_arithmetic3A_1404, %mul3A_1405 : i32
        %multiple_of3A_1407 = tpu.assume_multiple %mul3A_1406, 128 : i32
        %dma_start3A_1408 = arith.constant 15 : i32
        %dma_start3A_1409 = arith.constant 0 : i32
        %dma_start3A_1410 = arith.constant 0 : i32
        %dma_start3A_1411 = tpu.memref_slice %arg12[%dma_start3A_1408, %dma_start3A_1409, %dma_start3A_1410] : memref<16x32x128xf32, #tpu.memory_space<vmem>> -> memref<1x32x128xf32, #tpu.memory_space<vmem>>
        %dma_start3A_1412 = tpu.memref_squeeze %dma_start3A_1411 : memref<1x32x128xf32, #tpu.memory_space<vmem>> -> memref<32x128xf32, #tpu.memory_space<vmem>>
        %dma_start3A_1413 = arith.constant 0 : i32
        %dma_start3A_1414 = tpu.memref_slice %arg5[%dma_start3A_1413, %multiple_of3A_1407] : memref<32x1000000xf32, #tpu.memory_space<hbm>> -> memref<32x128xf32, #tpu.memory_space<hbm>>
        %dma_start3A_1415 = arith.constant 0 : i32
        %dma_start3A_1416 = arith.constant 0 : i32
        %dma_start3A_1417 = tpu.memref_slice %arg12[%dma_start3A_1408, %dma_start3A_1415, %dma_start3A_1416] : memref<16x32x128xf32, #tpu.memory_space<vmem>> -> memref<1x32x128xf32, #tpu.memory_space<vmem>>
        %dma_start3A_1418 = tpu.memref_squeeze %dma_start3A_1417 : memref<1x32x128xf32, #tpu.memory_space<vmem>> -> memref<32x128xf32, #tpu.memory_space<vmem>>
        %dma_start3A_1419 = arith.constant 0 : i32
        %dma_start3A_1420 = tpu.memref_slice %arg5[%dma_start3A_1419, %multiple_of3A_1407] : memref<32x1000000xf32, #tpu.memory_space<hbm>> -> memref<32x128xf32, #tpu.memory_space<hbm>>
        tpu.enqueue_dma source(%dma_start3A_1420 : memref<32x128xf32, #tpu.memory_space<hbm>>) target(%dma_start3A_1418 : memref<32x128xf32, #tpu.memory_space<vmem>>) target_semaphore(%arg14 : memref<!tpu.dma_semaphore, #tpu.memory_space<semaphore_mem>>)
      } else {
      }
      scf.yield %get3A_667 : vector<16xi32>
    }
    %scan3A_658 = arith.constant 4 : i32
    "tpu.region"() ({
      %run_scoped3A = tpu.sem_alloc : memref<!tpu.dma_semaphore, #tpu.memory_space<semaphore_mem>>
      %dma_start3A_659 = arith.constant 0 : i32
      %dma_start3A_660 = tpu.memref_slice %arg7[%multiple_of3A_330, %dma_start3A_659] : memref<2048x32xf32, #tpu.memory_space<hbm>> -> memref<64x32xf32, #tpu.memory_space<hbm>>
      %dma_start3A_661 = arith.constant 0 : i32
      %dma_start3A_662 = tpu.memref_slice %arg7[%multiple_of3A_330, %dma_start3A_661] : memref<2048x32xf32, #tpu.memory_space<hbm>> -> memref<64x32xf32, #tpu.memory_space<hbm>>
      tpu.enqueue_dma source(%arg11 : memref<64x32xf32, #tpu.memory_space<vmem>>) target(%dma_start3A_662 : memref<64x32xf32, #tpu.memory_space<hbm>>) target_semaphore(%run_scoped3A : memref<!tpu.dma_semaphore, #tpu.memory_space<semaphore_mem>>)
      %dma_wait3A = arith.constant 0 : i32
      %dma_wait3A_663 = tpu.memref_slice %arg7[%multiple_of3A_330, %dma_wait3A] : memref<2048x32xf32, #tpu.memory_space<hbm>> -> memref<64x32xf32, #tpu.memory_space<hbm>>
      %dma_wait3A_664 = arith.constant 0 : i32
      %dma_wait3A_665 = tpu.memref_slice %arg7[%multiple_of3A_330, %dma_wait3A_664] : memref<2048x32xf32, #tpu.memory_space<hbm>> -> memref<64x32xf32, #tpu.memory_space<hbm>>
      tpu.wait_dma2 semaphore(%run_scoped3A : memref<!tpu.dma_semaphore, #tpu.memory_space<semaphore_mem>>) src(%arg11 : memref<64x32xf32, #tpu.memory_space<vmem>>) dst(%dma_wait3A_665 : memref<64x32xf32, #tpu.memory_space<hbm>>)
      tpu.yield
    }) : () -> ()
    return
  }
}

#map = affine_map<(d0, d1) -> (0)>
#map1 = affine_map<(d0, d1) -> (0, 0)>
module attributes {stable_mosaic.version = 14 : i64} {
  func.func @gather_k(%arg0: i32, %arg1: i32, %arg2: memref<2048xi32, #tpu.memory_space<hbm>>, %arg3: memref<32x1000000xf32, #tpu.memory_space<hbm>>, %arg4: memref<2048x32xf32, #tpu.memory_space<hbm>>, %arg5: memref<64xi32, #tpu.memory_space<vmem>>, %arg6: memref<64x32xf32, #tpu.memory_space<vmem>>, %arg7: memref<16x32x128xf32, #tpu.memory_space<vmem>>, %arg8: memref<!tpu.dma_semaphore, #tpu.memory_space<semaphore_mem>>, %arg9: memref<!tpu.dma_semaphore, #tpu.memory_space<semaphore_mem>>) attributes {dimension_semantics = [#tpu.dimension_semantics<core_parallel>, #tpu.dimension_semantics<subcore_parallel>], iteration_bounds = array<i64: 2, 16>, scalar_prefetch = 0 : i64, scratch_operands = 5 : i64, tpu.core_type = #tpu.core_type<sc_vector_subcore>, window_params = [{transform_indices = #map}, {transform_indices = #map1}, {transform_indices = #map1}]} {
    %mul3A = arith.constant 2 : i32
    %mul3A_0 = arith.muli %arg1, %mul3A : i32
    %add3A = arith.addi %mul3A_0, %arg0 : i32
    %iota3A = tpu.iota {dimensions = array<i32: 0>} : vector<16xi32>
    %add3A_1 = arith.constant 16 : i32
    %add3A_2 = vector.broadcast %add3A_1 : i32 to vector<16xi32>
    %add3A_3 = arith.addi %iota3A, %add3A_2 : vector<16xi32>
    %mul3A_4 = arith.constant 64 : i32
    %mul3A_5 = arith.muli %add3A, %mul3A_4 : i32
    %multiple_of3A = tpu.assume_multiple %mul3A_5, 16 : i32
    "tpu.region"() ({
      %run_scoped3A = tpu.sem_alloc : memref<!tpu.dma_semaphore, #tpu.memory_space<semaphore_mem>>
      %dma_start3A_328 = tpu.memref_slice %arg2[%multiple_of3A] : memref<2048xi32, #tpu.memory_space<hbm>> -> memref<64xi32, #tpu.memory_space<hbm>>
      %dma_start3A_329 = tpu.memref_slice %arg2[%multiple_of3A] : memref<2048xi32, #tpu.memory_space<hbm>> -> memref<64xi32, #tpu.memory_space<hbm>>
      tpu.enqueue_dma source(%dma_start3A_329 : memref<64xi32, #tpu.memory_space<hbm>>) target(%arg5 : memref<64xi32, #tpu.memory_space<vmem>>) target_semaphore(%run_scoped3A : memref<!tpu.dma_semaphore, #tpu.memory_space<semaphore_mem>>)
      %dma_wait3A = tpu.memref_slice %arg2[%multiple_of3A] : memref<2048xi32, #tpu.memory_space<hbm>> -> memref<64xi32, #tpu.memory_space<hbm>>
      %dma_wait3A_330 = tpu.memref_slice %arg2[%multiple_of3A] : memref<2048xi32, #tpu.memory_space<hbm>> -> memref<64xi32, #tpu.memory_space<hbm>>
      tpu.wait_dma2 semaphore(%run_scoped3A : memref<!tpu.dma_semaphore, #tpu.memory_space<semaphore_mem>>) src(%dma_wait3A_330 : memref<64xi32, #tpu.memory_space<hbm>>) dst(%arg5 : memref<64xi32, #tpu.memory_space<vmem>>)
      tpu.yield
    }) : () -> ()
    %get3A = arith.constant 0 : index
    %get3A_6 = tpu.vector_load %arg5[%get3A] {strides = array<i32>} : memref<64xi32, #tpu.memory_space<vmem>>, vector<16xi32>,
    %slice3A = vector.extract_strided_slice %get3A_6 {offsets = [0], sizes = [1], strides = [1]} : vector<16xi32> to vector<1xi32>
    %squeeze3A = vector.extract %slice3A[0] : i32 from vector<1xi32>
    %shift_right_arithmetic3A = arith.constant 7 : i32
    %shift_right_arithmetic3A_7 = arith.shrsi %squeeze3A, %shift_right_arithmetic3A : i32
    %mul3A_8 = arith.constant 128 : i32
    %mul3A_9 = arith.muli %shift_right_arithmetic3A_7, %mul3A_8 : i32
    %multiple_of3A_10 = tpu.assume_multiple %mul3A_9, 128 : i32
    %dma_start3A = arith.constant 0 : i32
    %dma_start3A_11 = arith.constant 0 : i32
    %dma_start3A_12 = arith.constant 0 : i32
    %dma_start3A_13 = tpu.memref_slice %arg7[%dma_start3A, %dma_start3A_11, %dma_start3A_12] : memref<16x32x128xf32, #tpu.memory_space<vmem>> -> memref<1x32x128xf32, #tpu.memory_space<vmem>>
    %dma_start3A_14 = tpu.memref_squeeze %dma_start3A_13 : memref<1x32x128xf32, #tpu.memory_space<vmem>> -> memref<32x128xf32, #tpu.memory_space<vmem>>
    %dma_start3A_15 = arith.constant 0 : i32
    %dma_start3A_16 = tpu.memref_slice %arg3[%dma_start3A_15, %multiple_of3A_10] : memref<32x1000000xf32, #tpu.memory_space<hbm>> -> memref<32x128xf32, #tpu.memory_space<hbm>>
    %dma_start3A_17 = arith.constant 0 : i32
    %dma_start3A_18 = arith.constant 0 : i32
    %dma_start3A_19 = tpu.memref_slice %arg7[%dma_start3A, %dma_start3A_17, %dma_start3A_18] : memref<16x32x128xf32, #tpu.memory_space<vmem>> -> memref<1x32x128xf32, #tpu.memory_space<vmem>>
    %dma_start3A_20 = tpu.memref_squeeze %dma_start3A_19 : memref<1x32x128xf32, #tpu.memory_space<vmem>> -> memref<32x128xf32, #tpu.memory_space<vmem>>
    %dma_start3A_21 = arith.constant 0 : i32
    %dma_start3A_22 = tpu.memref_slice %arg3[%dma_start3A_21, %multiple_of3A_10] : memref<32x1000000xf32, #tpu.memory_space<hbm>> -> memref<32x128xf32, #tpu.memory_space<hbm>>
    tpu.enqueue_dma source(%dma_start3A_22 : memref<32x128xf32, #tpu.memory_space<hbm>>) target(%dma_start3A_20 : memref<32x128xf32, #tpu.memory_space<vmem>>) target_semaphore(%arg8 : memref<!tpu.dma_semaphore, #tpu.memory_space<semaphore_mem>>)
    %slice3A_23 = vector.extract_strided_slice %get3A_6 {offsets = [1], sizes = [1], strides = [1]} : vector<16xi32> to vector<1xi32>
    %squeeze3A_24 = vector.extract %slice3A_23[0] : i32 from vector<1xi32>
    %shift_right_arithmetic3A_25 = arith.constant 7 : i32
    %shift_right_arithmetic3A_26 = arith.shrsi %squeeze3A_24, %shift_right_arithmetic3A_25 : i32
    %mul3A_27 = arith.constant 128 : i32
    %mul3A_28 = arith.muli %shift_right_arithmetic3A_26, %mul3A_27 : i32
    %multiple_of3A_29 = tpu.assume_multiple %mul3A_28, 128 : i32
    %dma_start3A_30 = arith.constant 1 : i32
    %dma_start3A_31 = arith.constant 0 : i32
    %dma_start3A_32 = arith.constant 0 : i32
    %dma_start3A_33 = tpu.memref_slice %arg7[%dma_start3A_30, %dma_start3A_31, %dma_start3A_32] : memref<16x32x128xf32, #tpu.memory_space<vmem>> -> memref<1x32x128xf32, #tpu.memory_space<vmem>>
    %dma_start3A_34 = tpu.memref_squeeze %dma_start3A_33 : memref<1x32x128xf32, #tpu.memory_space<vmem>> -> memref<32x128xf32, #tpu.memory_space<vmem>>
    %dma_start3A_35 = arith.constant 0 : i32
    %dma_start3A_36 = tpu.memref_slice %arg3[%dma_start3A_35, %multiple_of3A_29] : memref<32x1000000xf32, #tpu.memory_space<hbm>> -> memref<32x128xf32, #tpu.memory_space<hbm>>
    %dma_start3A_37 = arith.constant 0 : i32
    %dma_start3A_38 = arith.constant 0 : i32
    %dma_start3A_39 = tpu.memref_slice %arg7[%dma_start3A_30, %dma_start3A_37, %dma_start3A_38] : memref<16x32x128xf32, #tpu.memory_space<vmem>> -> memref<1x32x128xf32, #tpu.memory_space<vmem>>
    %dma_start3A_40 = tpu.memref_squeeze %dma_start3A_39 : memref<1x32x128xf32, #tpu.memory_space<vmem>> -> memref<32x128xf32, #tpu.memory_space<vmem>>
    %dma_start3A_41 = arith.constant 0 : i32
    %dma_start3A_42 = tpu.memref_slice %arg3[%dma_start3A_41, %multiple_of3A_29] : memref<32x1000000xf32, #tpu.memory_space<hbm>> -> memref<32x128xf32, #tpu.memory_space<hbm>>
    tpu.enqueue_dma source(%dma_start3A_42 : memref<32x128xf32, #tpu.memory_space<hbm>>) target(%dma_start3A_40 : memref<32x128xf32, #tpu.memory_space<vmem>>) target_semaphore(%arg8 : memref<!tpu.dma_semaphore, #tpu.memory_space<semaphore_mem>>)
    %slice3A_43 = vector.extract_strided_slice %get3A_6 {offsets = [2], sizes = [1], strides = [1]} : vector<16xi32> to vector<1xi32>
    %squeeze3A_44 = vector.extract %slice3A_43[0] : i32 from vector<1xi32>
    %shift_right_arithmetic3A_45 = arith.constant 7 : i32
    %shift_right_arithmetic3A_46 = arith.shrsi %squeeze3A_44, %shift_right_arithmetic3A_45 : i32
    %mul3A_47 = arith.constant 128 : i32
    %mul3A_48 = arith.muli %shift_right_arithmetic3A_46, %mul3A_47 : i32
    %multiple_of3A_49 = tpu.assume_multiple %mul3A_48, 128 : i32
    %dma_start3A_50 = arith.constant 2 : i32
    %dma_start3A_51 = arith.constant 0 : i32
    %dma_start3A_52 = arith.constant 0 : i32
    %dma_start3A_53 = tpu.memref_slice %arg7[%dma_start3A_50, %dma_start3A_51, %dma_start3A_52] : memref<16x32x128xf32, #tpu.memory_space<vmem>> -> memref<1x32x128xf32, #tpu.memory_space<vmem>>
    %dma_start3A_54 = tpu.memref_squeeze %dma_start3A_53 : memref<1x32x128xf32, #tpu.memory_space<vmem>> -> memref<32x128xf32, #tpu.memory_space<vmem>>
    %dma_start3A_55 = arith.constant 0 : i32
    %dma_start3A_56 = tpu.memref_slice %arg3[%dma_start3A_55, %multiple_of3A_49] : memref<32x1000000xf32, #tpu.memory_space<hbm>> -> memref<32x128xf32, #tpu.memory_space<hbm>>
    %dma_start3A_57 = arith.constant 0 : i32
    %dma_start3A_58 = arith.constant 0 : i32
    %dma_start3A_59 = tpu.memref_slice %arg7[%dma_start3A_50, %dma_start3A_57, %dma_start3A_58] : memref<16x32x128xf32, #tpu.memory_space<vmem>> -> memref<1x32x128xf32, #tpu.memory_space<vmem>>
    %dma_start3A_60 = tpu.memref_squeeze %dma_start3A_59 : memref<1x32x128xf32, #tpu.memory_space<vmem>> -> memref<32x128xf32, #tpu.memory_space<vmem>>
    %dma_start3A_61 = arith.constant 0 : i32
    %dma_start3A_62 = tpu.memref_slice %arg3[%dma_start3A_61, %multiple_of3A_49] : memref<32x1000000xf32, #tpu.memory_space<hbm>> -> memref<32x128xf32, #tpu.memory_space<hbm>>
    tpu.enqueue_dma source(%dma_start3A_62 : memref<32x128xf32, #tpu.memory_space<hbm>>) target(%dma_start3A_60 : memref<32x128xf32, #tpu.memory_space<vmem>>) target_semaphore(%arg8 : memref<!tpu.dma_semaphore, #tpu.memory_space<semaphore_mem>>)
    %slice3A_63 = vector.extract_strided_slice %get3A_6 {offsets = [3], sizes = [1], strides = [1]} : vector<16xi32> to vector<1xi32>
    %squeeze3A_64 = vector.extract %slice3A_63[0] : i32 from vector<1xi32>
    %shift_right_arithmetic3A_65 = arith.constant 7 : i32
    %shift_right_arithmetic3A_66 = arith.shrsi %squeeze3A_64, %shift_right_arithmetic3A_65 : i32
    %mul3A_67 = arith.constant 128 : i32
    %mul3A_68 = arith.muli %shift_right_arithmetic3A_66, %mul3A_67 : i32
    %multiple_of3A_69 = tpu.assume_multiple %mul3A_68, 128 : i32
    %dma_start3A_70 = arith.constant 3 : i32
    %dma_start3A_71 = arith.constant 0 : i32
    %dma_start3A_72 = arith.constant 0 : i32
    %dma_start3A_73 = tpu.memref_slice %arg7[%dma_start3A_70, %dma_start3A_71, %dma_start3A_72] : memref<16x32x128xf32, #tpu.memory_space<vmem>> -> memref<1x32x128xf32, #tpu.memory_space<vmem>>
    %dma_start3A_74 = tpu.memref_squeeze %dma_start3A_73 : memref<1x32x128xf32, #tpu.memory_space<vmem>> -> memref<32x128xf32, #tpu.memory_space<vmem>>
    %dma_start3A_75 = arith.constant 0 : i32
    %dma_start3A_76 = tpu.memref_slice %arg3[%dma_start3A_75, %multiple_of3A_69] : memref<32x1000000xf32, #tpu.memory_space<hbm>> -> memref<32x128xf32, #tpu.memory_space<hbm>>
    %dma_start3A_77 = arith.constant 0 : i32
    %dma_start3A_78 = arith.constant 0 : i32
    %dma_start3A_79 = tpu.memref_slice %arg7[%dma_start3A_70, %dma_start3A_77, %dma_start3A_78] : memref<16x32x128xf32, #tpu.memory_space<vmem>> -> memref<1x32x128xf32, #tpu.memory_space<vmem>>
    %dma_start3A_80 = tpu.memref_squeeze %dma_start3A_79 : memref<1x32x128xf32, #tpu.memory_space<vmem>> -> memref<32x128xf32, #tpu.memory_space<vmem>>
    %dma_start3A_81 = arith.constant 0 : i32
    %dma_start3A_82 = tpu.memref_slice %arg3[%dma_start3A_81, %multiple_of3A_69] : memref<32x1000000xf32, #tpu.memory_space<hbm>> -> memref<32x128xf32, #tpu.memory_space<hbm>>
    tpu.enqueue_dma source(%dma_start3A_82 : memref<32x128xf32, #tpu.memory_space<hbm>>) target(%dma_start3A_80 : memref<32x128xf32, #tpu.memory_space<vmem>>) target_semaphore(%arg8 : memref<!tpu.dma_semaphore, #tpu.memory_space<semaphore_mem>>)
    %slice3A_83 = vector.extract_strided_slice %get3A_6 {offsets = [4], sizes = [1], strides = [1]} : vector<16xi32> to vector<1xi32>
    %squeeze3A_84 = vector.extract %slice3A_83[0] : i32 from vector<1xi32>
    %shift_right_arithmetic3A_85 = arith.constant 7 : i32
    %shift_right_arithmetic3A_86 = arith.shrsi %squeeze3A_84, %shift_right_arithmetic3A_85 : i32
    %mul3A_87 = arith.constant 128 : i32
    %mul3A_88 = arith.muli %shift_right_arithmetic3A_86, %mul3A_87 : i32
    %multiple_of3A_89 = tpu.assume_multiple %mul3A_88, 128 : i32
    %dma_start3A_90 = arith.constant 4 : i32
    %dma_start3A_91 = arith.constant 0 : i32
    %dma_start3A_92 = arith.constant 0 : i32
    %dma_start3A_93 = tpu.memref_slice %arg7[%dma_start3A_90, %dma_start3A_91, %dma_start3A_92] : memref<16x32x128xf32, #tpu.memory_space<vmem>> -> memref<1x32x128xf32, #tpu.memory_space<vmem>>
    %dma_start3A_94 = tpu.memref_squeeze %dma_start3A_93 : memref<1x32x128xf32, #tpu.memory_space<vmem>> -> memref<32x128xf32, #tpu.memory_space<vmem>>
    %dma_start3A_95 = arith.constant 0 : i32
    %dma_start3A_96 = tpu.memref_slice %arg3[%dma_start3A_95, %multiple_of3A_89] : memref<32x1000000xf32, #tpu.memory_space<hbm>> -> memref<32x128xf32, #tpu.memory_space<hbm>>
    %dma_start3A_97 = arith.constant 0 : i32
    %dma_start3A_98 = arith.constant 0 : i32
    %dma_start3A_99 = tpu.memref_slice %arg7[%dma_start3A_90, %dma_start3A_97, %dma_start3A_98] : memref<16x32x128xf32, #tpu.memory_space<vmem>> -> memref<1x32x128xf32, #tpu.memory_space<vmem>>
    %dma_start3A_100 = tpu.memref_squeeze %dma_start3A_99 : memref<1x32x128xf32, #tpu.memory_space<vmem>> -> memref<32x128xf32, #tpu.memory_space<vmem>>
    %dma_start3A_101 = arith.constant 0 : i32
    %dma_start3A_102 = tpu.memref_slice %arg3[%dma_start3A_101, %multiple_of3A_89] : memref<32x1000000xf32, #tpu.memory_space<hbm>> -> memref<32x128xf32, #tpu.memory_space<hbm>>
    tpu.enqueue_dma source(%dma_start3A_102 : memref<32x128xf32, #tpu.memory_space<hbm>>) target(%dma_start3A_100 : memref<32x128xf32, #tpu.memory_space<vmem>>) target_semaphore(%arg8 : memref<!tpu.dma_semaphore, #tpu.memory_space<semaphore_mem>>)
    %slice3A_103 = vector.extract_strided_slice %get3A_6 {offsets = [5], sizes = [1], strides = [1]} : vector<16xi32> to vector<1xi32>
    %squeeze3A_104 = vector.extract %slice3A_103[0] : i32 from vector<1xi32>
    %shift_right_arithmetic3A_105 = arith.constant 7 : i32
    %shift_right_arithmetic3A_106 = arith.shrsi %squeeze3A_104, %shift_right_arithmetic3A_105 : i32
    %mul3A_107 = arith.constant 128 : i32
    %mul3A_108 = arith.muli %shift_right_arithmetic3A_106, %mul3A_107 : i32
    %multiple_of3A_109 = tpu.assume_multiple %mul3A_108, 128 : i32
    %dma_start3A_110 = arith.constant 5 : i32
    %dma_start3A_111 = arith.constant 0 : i32
    %dma_start3A_112 = arith.constant 0 : i32
    %dma_start3A_113 = tpu.memref_slice %arg7[%dma_start3A_110, %dma_start3A_111, %dma_start3A_112] : memref<16x32x128xf32, #tpu.memory_space<vmem>> -> memref<1x32x128xf32, #tpu.memory_space<vmem>>
    %dma_start3A_114 = tpu.memref_squeeze %dma_start3A_113 : memref<1x32x128xf32, #tpu.memory_space<vmem>> -> memref<32x128xf32, #tpu.memory_space<vmem>>
    %dma_start3A_115 = arith.constant 0 : i32
    %dma_start3A_116 = tpu.memref_slice %arg3[%dma_start3A_115, %multiple_of3A_109] : memref<32x1000000xf32, #tpu.memory_space<hbm>> -> memref<32x128xf32, #tpu.memory_space<hbm>>
    %dma_start3A_117 = arith.constant 0 : i32
    %dma_start3A_118 = arith.constant 0 : i32
    %dma_start3A_119 = tpu.memref_slice %arg7[%dma_start3A_110, %dma_start3A_117, %dma_start3A_118] : memref<16x32x128xf32, #tpu.memory_space<vmem>> -> memref<1x32x128xf32, #tpu.memory_space<vmem>>
    %dma_start3A_120 = tpu.memref_squeeze %dma_start3A_119 : memref<1x32x128xf32, #tpu.memory_space<vmem>> -> memref<32x128xf32, #tpu.memory_space<vmem>>
    %dma_start3A_121 = arith.constant 0 : i32
    %dma_start3A_122 = tpu.memref_slice %arg3[%dma_start3A_121, %multiple_of3A_109] : memref<32x1000000xf32, #tpu.memory_space<hbm>> -> memref<32x128xf32, #tpu.memory_space<hbm>>
    tpu.enqueue_dma source(%dma_start3A_122 : memref<32x128xf32, #tpu.memory_space<hbm>>) target(%dma_start3A_120 : memref<32x128xf32, #tpu.memory_space<vmem>>) target_semaphore(%arg8 : memref<!tpu.dma_semaphore, #tpu.memory_space<semaphore_mem>>)
    %slice3A_123 = vector.extract_strided_slice %get3A_6 {offsets = [6], sizes = [1], strides = [1]} : vector<16xi32> to vector<1xi32>
    %squeeze3A_124 = vector.extract %slice3A_123[0] : i32 from vector<1xi32>
    %shift_right_arithmetic3A_125 = arith.constant 7 : i32
    %shift_right_arithmetic3A_126 = arith.shrsi %squeeze3A_124, %shift_right_arithmetic3A_125 : i32
    %mul3A_127 = arith.constant 128 : i32
    %mul3A_128 = arith.muli %shift_right_arithmetic3A_126, %mul3A_127 : i32
    %multiple_of3A_129 = tpu.assume_multiple %mul3A_128, 128 : i32
    %dma_start3A_130 = arith.constant 6 : i32
    %dma_start3A_131 = arith.constant 0 : i32
    %dma_start3A_132 = arith.constant 0 : i32
    %dma_start3A_133 = tpu.memref_slice %arg7[%dma_start3A_130, %dma_start3A_131, %dma_start3A_132] : memref<16x32x128xf32, #tpu.memory_space<vmem>> -> memref<1x32x128xf32, #tpu.memory_space<vmem>>
    %dma_start3A_134 = tpu.memref_squeeze %dma_start3A_133 : memref<1x32x128xf32, #tpu.memory_space<vmem>> -> memref<32x128xf32, #tpu.memory_space<vmem>>
    %dma_start3A_135 = arith.constant 0 : i32
    %dma_start3A_136 = tpu.memref_slice %arg3[%dma_start3A_135, %multiple_of3A_129] : memref<32x1000000xf32, #tpu.memory_space<hbm>> -> memref<32x128xf32, #tpu.memory_space<hbm>>
    %dma_start3A_137 = arith.constant 0 : i32
    %dma_start3A_138 = arith.constant 0 : i32
    %dma_start3A_139 = tpu.memref_slice %arg7[%dma_start3A_130, %dma_start3A_137, %dma_start3A_138] : memref<16x32x128xf32, #tpu.memory_space<vmem>> -> memref<1x32x128xf32, #tpu.memory_space<vmem>>
    %dma_start3A_140 = tpu.memref_squeeze %dma_start3A_139 : memref<1x32x128xf32, #tpu.memory_space<vmem>> -> memref<32x128xf32, #tpu.memory_space<vmem>>
    %dma_start3A_141 = arith.constant 0 : i32
    %dma_start3A_142 = tpu.memref_slice %arg3[%dma_start3A_141, %multiple_of3A_129] : memref<32x1000000xf32, #tpu.memory_space<hbm>> -> memref<32x128xf32, #tpu.memory_space<hbm>>
    tpu.enqueue_dma source(%dma_start3A_142 : memref<32x128xf32, #tpu.memory_space<hbm>>) target(%dma_start3A_140 : memref<32x128xf32, #tpu.memory_space<vmem>>) target_semaphore(%arg8 : memref<!tpu.dma_semaphore, #tpu.memory_space<semaphore_mem>>)
    %slice3A_143 = vector.extract_strided_slice %get3A_6 {offsets = [7], sizes = [1], strides = [1]} : vector<16xi32> to vector<1xi32>
    %squeeze3A_144 = vector.extract %slice3A_143[0] : i32 from vector<1xi32>
    %shift_right_arithmetic3A_145 = arith.constant 7 : i32
    %shift_right_arithmetic3A_146 = arith.shrsi %squeeze3A_144, %shift_right_arithmetic3A_145 : i32
    %mul3A_147 = arith.constant 128 : i32
    %mul3A_148 = arith.muli %shift_right_arithmetic3A_146, %mul3A_147 : i32
    %multiple_of3A_149 = tpu.assume_multiple %mul3A_148, 128 : i32
    %dma_start3A_150 = arith.constant 7 : i32
    %dma_start3A_151 = arith.constant 0 : i32
    %dma_start3A_152 = arith.constant 0 : i32
    %dma_start3A_153 = tpu.memref_slice %arg7[%dma_start3A_150, %dma_start3A_151, %dma_start3A_152] : memref<16x32x128xf32, #tpu.memory_space<vmem>> -> memref<1x32x128xf32, #tpu.memory_space<vmem>>
    %dma_start3A_154 = tpu.memref_squeeze %dma_start3A_153 : memref<1x32x128xf32, #tpu.memory_space<vmem>> -> memref<32x128xf32, #tpu.memory_space<vmem>>
    %dma_start3A_155 = arith.constant 0 : i32
    %dma_start3A_156 = tpu.memref_slice %arg3[%dma_start3A_155, %multiple_of3A_149] : memref<32x1000000xf32, #tpu.memory_space<hbm>> -> memref<32x128xf32, #tpu.memory_space<hbm>>
    %dma_start3A_157 = arith.constant 0 : i32
    %dma_start3A_158 = arith.constant 0 : i32
    %dma_start3A_159 = tpu.memref_slice %arg7[%dma_start3A_150, %dma_start3A_157, %dma_start3A_158] : memref<16x32x128xf32, #tpu.memory_space<vmem>> -> memref<1x32x128xf32, #tpu.memory_space<vmem>>
    %dma_start3A_160 = tpu.memref_squeeze %dma_start3A_159 : memref<1x32x128xf32, #tpu.memory_space<vmem>> -> memref<32x128xf32, #tpu.memory_space<vmem>>
    %dma_start3A_161 = arith.constant 0 : i32
    %dma_start3A_162 = tpu.memref_slice %arg3[%dma_start3A_161, %multiple_of3A_149] : memref<32x1000000xf32, #tpu.memory_space<hbm>> -> memref<32x128xf32, #tpu.memory_space<hbm>>
    tpu.enqueue_dma source(%dma_start3A_162 : memref<32x128xf32, #tpu.memory_space<hbm>>) target(%dma_start3A_160 : memref<32x128xf32, #tpu.memory_space<vmem>>) target_semaphore(%arg8 : memref<!tpu.dma_semaphore, #tpu.memory_space<semaphore_mem>>)
    %slice3A_163 = vector.extract_strided_slice %get3A_6 {offsets = [8], sizes = [1], strides = [1]} : vector<16xi32> to vector<1xi32>
    %squeeze3A_164 = vector.extract %slice3A_163[0] : i32 from vector<1xi32>
    %shift_right_arithmetic3A_165 = arith.constant 7 : i32
    %shift_right_arithmetic3A_166 = arith.shrsi %squeeze3A_164, %shift_right_arithmetic3A_165 : i32
    %mul3A_167 = arith.constant 128 : i32
    %mul3A_168 = arith.muli %shift_right_arithmetic3A_166, %mul3A_167 : i32
    %multiple_of3A_169 = tpu.assume_multiple %mul3A_168, 128 : i32
    %dma_start3A_170 = arith.constant 8 : i32
    %dma_start3A_171 = arith.constant 0 : i32
    %dma_start3A_172 = arith.constant 0 : i32
    %dma_start3A_173 = tpu.memref_slice %arg7[%dma_start3A_170, %dma_start3A_171, %dma_start3A_172] : memref<16x32x128xf32, #tpu.memory_space<vmem>> -> memref<1x32x128xf32, #tpu.memory_space<vmem>>
    %dma_start3A_174 = tpu.memref_squeeze %dma_start3A_173 : memref<1x32x128xf32, #tpu.memory_space<vmem>> -> memref<32x128xf32, #tpu.memory_space<vmem>>
    %dma_start3A_175 = arith.constant 0 : i32
    %dma_start3A_176 = tpu.memref_slice %arg3[%dma_start3A_175, %multiple_of3A_169] : memref<32x1000000xf32, #tpu.memory_space<hbm>> -> memref<32x128xf32, #tpu.memory_space<hbm>>
    %dma_start3A_177 = arith.constant 0 : i32
    %dma_start3A_178 = arith.constant 0 : i32
    %dma_start3A_179 = tpu.memref_slice %arg7[%dma_start3A_170, %dma_start3A_177, %dma_start3A_178] : memref<16x32x128xf32, #tpu.memory_space<vmem>> -> memref<1x32x128xf32, #tpu.memory_space<vmem>>
    %dma_start3A_180 = tpu.memref_squeeze %dma_start3A_179 : memref<1x32x128xf32, #tpu.memory_space<vmem>> -> memref<32x128xf32, #tpu.memory_space<vmem>>
    %dma_start3A_181 = arith.constant 0 : i32
    %dma_start3A_182 = tpu.memref_slice %arg3[%dma_start3A_181, %multiple_of3A_169] : memref<32x1000000xf32, #tpu.memory_space<hbm>> -> memref<32x128xf32, #tpu.memory_space<hbm>>
    tpu.enqueue_dma source(%dma_start3A_182 : memref<32x128xf32, #tpu.memory_space<hbm>>) target(%dma_start3A_180 : memref<32x128xf32, #tpu.memory_space<vmem>>) target_semaphore(%arg9 : memref<!tpu.dma_semaphore, #tpu.memory_space<semaphore_mem>>)
    %slice3A_183 = vector.extract_strided_slice %get3A_6 {offsets = [9], sizes = [1], strides = [1]} : vector<16xi32> to vector<1xi32>
    %squeeze3A_184 = vector.extract %slice3A_183[0] : i32 from vector<1xi32>
    %shift_right_arithmetic3A_185 = arith.constant 7 : i32
    %shift_right_arithmetic3A_186 = arith.shrsi %squeeze3A_184, %shift_right_arithmetic3A_185 : i32
    %mul3A_187 = arith.constant 128 : i32
    %mul3A_188 = arith.muli %shift_right_arithmetic3A_186, %mul3A_187 : i32
    %multiple_of3A_189 = tpu.assume_multiple %mul3A_188, 128 : i32
    %dma_start3A_190 = arith.constant 9 : i32
    %dma_start3A_191 = arith.constant 0 : i32
    %dma_start3A_192 = arith.constant 0 : i32
    %dma_start3A_193 = tpu.memref_slice %arg7[%dma_start3A_190, %dma_start3A_191, %dma_start3A_192] : memref<16x32x128xf32, #tpu.memory_space<vmem>> -> memref<1x32x128xf32, #tpu.memory_space<vmem>>
    %dma_start3A_194 = tpu.memref_squeeze %dma_start3A_193 : memref<1x32x128xf32, #tpu.memory_space<vmem>> -> memref<32x128xf32, #tpu.memory_space<vmem>>
    %dma_start3A_195 = arith.constant 0 : i32
    %dma_start3A_196 = tpu.memref_slice %arg3[%dma_start3A_195, %multiple_of3A_189] : memref<32x1000000xf32, #tpu.memory_space<hbm>> -> memref<32x128xf32, #tpu.memory_space<hbm>>
    %dma_start3A_197 = arith.constant 0 : i32
    %dma_start3A_198 = arith.constant 0 : i32
    %dma_start3A_199 = tpu.memref_slice %arg7[%dma_start3A_190, %dma_start3A_197, %dma_start3A_198] : memref<16x32x128xf32, #tpu.memory_space<vmem>> -> memref<1x32x128xf32, #tpu.memory_space<vmem>>
    %dma_start3A_200 = tpu.memref_squeeze %dma_start3A_199 : memref<1x32x128xf32, #tpu.memory_space<vmem>> -> memref<32x128xf32, #tpu.memory_space<vmem>>
    %dma_start3A_201 = arith.constant 0 : i32
    %dma_start3A_202 = tpu.memref_slice %arg3[%dma_start3A_201, %multiple_of3A_189] : memref<32x1000000xf32, #tpu.memory_space<hbm>> -> memref<32x128xf32, #tpu.memory_space<hbm>>
    tpu.enqueue_dma source(%dma_start3A_202 : memref<32x128xf32, #tpu.memory_space<hbm>>) target(%dma_start3A_200 : memref<32x128xf32, #tpu.memory_space<vmem>>) target_semaphore(%arg9 : memref<!tpu.dma_semaphore, #tpu.memory_space<semaphore_mem>>)
    %slice3A_203 = vector.extract_strided_slice %get3A_6 {offsets = [10], sizes = [1], strides = [1]} : vector<16xi32> to vector<1xi32>
    %squeeze3A_204 = vector.extract %slice3A_203[0] : i32 from vector<1xi32>
    %shift_right_arithmetic3A_205 = arith.constant 7 : i32
    %shift_right_arithmetic3A_206 = arith.shrsi %squeeze3A_204, %shift_right_arithmetic3A_205 : i32
    %mul3A_207 = arith.constant 128 : i32
    %mul3A_208 = arith.muli %shift_right_arithmetic3A_206, %mul3A_207 : i32
    %multiple_of3A_209 = tpu.assume_multiple %mul3A_208, 128 : i32
    %dma_start3A_210 = arith.constant 10 : i32
    %dma_start3A_211 = arith.constant 0 : i32
    %dma_start3A_212 = arith.constant 0 : i32
    %dma_start3A_213 = tpu.memref_slice %arg7[%dma_start3A_210, %dma_start3A_211, %dma_start3A_212] : memref<16x32x128xf32, #tpu.memory_space<vmem>> -> memref<1x32x128xf32, #tpu.memory_space<vmem>>
    %dma_start3A_214 = tpu.memref_squeeze %dma_start3A_213 : memref<1x32x128xf32, #tpu.memory_space<vmem>> -> memref<32x128xf32, #tpu.memory_space<vmem>>
    %dma_start3A_215 = arith.constant 0 : i32
    %dma_start3A_216 = tpu.memref_slice %arg3[%dma_start3A_215, %multiple_of3A_209] : memref<32x1000000xf32, #tpu.memory_space<hbm>> -> memref<32x128xf32, #tpu.memory_space<hbm>>
    %dma_start3A_217 = arith.constant 0 : i32
    %dma_start3A_218 = arith.constant 0 : i32
    %dma_start3A_219 = tpu.memref_slice %arg7[%dma_start3A_210, %dma_start3A_217, %dma_start3A_218] : memref<16x32x128xf32, #tpu.memory_space<vmem>> -> memref<1x32x128xf32, #tpu.memory_space<vmem>>
    %dma_start3A_220 = tpu.memref_squeeze %dma_start3A_219 : memref<1x32x128xf32, #tpu.memory_space<vmem>> -> memref<32x128xf32, #tpu.memory_space<vmem>>
    %dma_start3A_221 = arith.constant 0 : i32
    %dma_start3A_222 = tpu.memref_slice %arg3[%dma_start3A_221, %multiple_of3A_209] : memref<32x1000000xf32, #tpu.memory_space<hbm>> -> memref<32x128xf32, #tpu.memory_space<hbm>>
    tpu.enqueue_dma source(%dma_start3A_222 : memref<32x128xf32, #tpu.memory_space<hbm>>) target(%dma_start3A_220 : memref<32x128xf32, #tpu.memory_space<vmem>>) target_semaphore(%arg9 : memref<!tpu.dma_semaphore, #tpu.memory_space<semaphore_mem>>)
    %slice3A_223 = vector.extract_strided_slice %get3A_6 {offsets = [11], sizes = [1], strides = [1]} : vector<16xi32> to vector<1xi32>
    %squeeze3A_224 = vector.extract %slice3A_223[0] : i32 from vector<1xi32>
    %shift_right_arithmetic3A_225 = arith.constant 7 : i32
    %shift_right_arithmetic3A_226 = arith.shrsi %squeeze3A_224, %shift_right_arithmetic3A_225 : i32
    %mul3A_227 = arith.constant 128 : i32
    %mul3A_228 = arith.muli %shift_right_arithmetic3A_226, %mul3A_227 : i32
    %multiple_of3A_229 = tpu.assume_multiple %mul3A_228, 128 : i32
    %dma_start3A_230 = arith.constant 11 : i32
    %dma_start3A_231 = arith.constant 0 : i32
    %dma_start3A_232 = arith.constant 0 : i32
    %dma_start3A_233 = tpu.memref_slice %arg7[%dma_start3A_230, %dma_start3A_231, %dma_start3A_232] : memref<16x32x128xf32, #tpu.memory_space<vmem>> -> memref<1x32x128xf32, #tpu.memory_space<vmem>>
    %dma_start3A_234 = tpu.memref_squeeze %dma_start3A_233 : memref<1x32x128xf32, #tpu.memory_space<vmem>> -> memref<32x128xf32, #tpu.memory_space<vmem>>
    %dma_start3A_235 = arith.constant 0 : i32
    %dma_start3A_236 = tpu.memref_slice %arg3[%dma_start3A_235, %multiple_of3A_229] : memref<32x1000000xf32, #tpu.memory_space<hbm>> -> memref<32x128xf32, #tpu.memory_space<hbm>>
    %dma_start3A_237 = arith.constant 0 : i32
    %dma_start3A_238 = arith.constant 0 : i32
    %dma_start3A_239 = tpu.memref_slice %arg7[%dma_start3A_230, %dma_start3A_237, %dma_start3A_238] : memref<16x32x128xf32, #tpu.memory_space<vmem>> -> memref<1x32x128xf32, #tpu.memory_space<vmem>>
    %dma_start3A_240 = tpu.memref_squeeze %dma_start3A_239 : memref<1x32x128xf32, #tpu.memory_space<vmem>> -> memref<32x128xf32, #tpu.memory_space<vmem>>
    %dma_start3A_241 = arith.constant 0 : i32
    %dma_start3A_242 = tpu.memref_slice %arg3[%dma_start3A_241, %multiple_of3A_229] : memref<32x1000000xf32, #tpu.memory_space<hbm>> -> memref<32x128xf32, #tpu.memory_space<hbm>>
    tpu.enqueue_dma source(%dma_start3A_242 : memref<32x128xf32, #tpu.memory_space<hbm>>) target(%dma_start3A_240 : memref<32x128xf32, #tpu.memory_space<vmem>>) target_semaphore(%arg9 : memref<!tpu.dma_semaphore, #tpu.memory_space<semaphore_mem>>)
    %slice3A_243 = vector.extract_strided_slice %get3A_6 {offsets = [12], sizes = [1], strides = [1]} : vector<16xi32> to vector<1xi32>
    %squeeze3A_244 = vector.extract %slice3A_243[0] : i32 from vector<1xi32>
    %shift_right_arithmetic3A_245 = arith.constant 7 : i32
    %shift_right_arithmetic3A_246 = arith.shrsi %squeeze3A_244, %shift_right_arithmetic3A_245 : i32
    %mul3A_247 = arith.constant 128 : i32
    %mul3A_248 = arith.muli %shift_right_arithmetic3A_246, %mul3A_247 : i32
    %multiple_of3A_249 = tpu.assume_multiple %mul3A_248, 128 : i32
    %dma_start3A_250 = arith.constant 12 : i32
    %dma_start3A_251 = arith.constant 0 : i32
    %dma_start3A_252 = arith.constant 0 : i32
    %dma_start3A_253 = tpu.memref_slice %arg7[%dma_start3A_250, %dma_start3A_251, %dma_start3A_252] : memref<16x32x128xf32, #tpu.memory_space<vmem>> -> memref<1x32x128xf32, #tpu.memory_space<vmem>>
    %dma_start3A_254 = tpu.memref_squeeze %dma_start3A_253 : memref<1x32x128xf32, #tpu.memory_space<vmem>> -> memref<32x128xf32, #tpu.memory_space<vmem>>
    %dma_start3A_255 = arith.constant 0 : i32
    %dma_start3A_256 = tpu.memref_slice %arg3[%dma_start3A_255, %multiple_of3A_249] : memref<32x1000000xf32, #tpu.memory_space<hbm>> -> memref<32x128xf32, #tpu.memory_space<hbm>>
    %dma_start3A_257 = arith.constant 0 : i32
    %dma_start3A_258 = arith.constant 0 : i32
    %dma_start3A_259 = tpu.memref_slice %arg7[%dma_start3A_250, %dma_start3A_257, %dma_start3A_258] : memref<16x32x128xf32, #tpu.memory_space<vmem>> -> memref<1x32x128xf32, #tpu.memory_space<vmem>>
    %dma_start3A_260 = tpu.memref_squeeze %dma_start3A_259 : memref<1x32x128xf32, #tpu.memory_space<vmem>> -> memref<32x128xf32, #tpu.memory_space<vmem>>
    %dma_start3A_261 = arith.constant 0 : i32
    %dma_start3A_262 = tpu.memref_slice %arg3[%dma_start3A_261, %multiple_of3A_249] : memref<32x1000000xf32, #tpu.memory_space<hbm>> -> memref<32x128xf32, #tpu.memory_space<hbm>>
    tpu.enqueue_dma source(%dma_start3A_262 : memref<32x128xf32, #tpu.memory_space<hbm>>) target(%dma_start3A_260 : memref<32x128xf32, #tpu.memory_space<vmem>>) target_semaphore(%arg9 : memref<!tpu.dma_semaphore, #tpu.memory_space<semaphore_mem>>)
    %slice3A_263 = vector.extract_strided_slice %get3A_6 {offsets = [13], sizes = [1], strides = [1]} : vector<16xi32> to vector<1xi32>
    %squeeze3A_264 = vector.extract %slice3A_263[0] : i32 from vector<1xi32>
    %shift_right_arithmetic3A_265 = arith.constant 7 : i32
    %shift_right_arithmetic3A_266 = arith.shrsi %squeeze3A_264, %shift_right_arithmetic3A_265 : i32
    %mul3A_267 = arith.constant 128 : i32
    %mul3A_268 = arith.muli %shift_right_arithmetic3A_266, %mul3A_267 : i32
    %multiple_of3A_269 = tpu.assume_multiple %mul3A_268, 128 : i32
    %dma_start3A_270 = arith.constant 13 : i32
    %dma_start3A_271 = arith.constant 0 : i32
    %dma_start3A_272 = arith.constant 0 : i32
    %dma_start3A_273 = tpu.memref_slice %arg7[%dma_start3A_270, %dma_start3A_271, %dma_start3A_272] : memref<16x32x128xf32, #tpu.memory_space<vmem>> -> memref<1x32x128xf32, #tpu.memory_space<vmem>>
    %dma_start3A_274 = tpu.memref_squeeze %dma_start3A_273 : memref<1x32x128xf32, #tpu.memory_space<vmem>> -> memref<32x128xf32, #tpu.memory_space<vmem>>
    %dma_start3A_275 = arith.constant 0 : i32
    %dma_start3A_276 = tpu.memref_slice %arg3[%dma_start3A_275, %multiple_of3A_269] : memref<32x1000000xf32, #tpu.memory_space<hbm>> -> memref<32x128xf32, #tpu.memory_space<hbm>>
    %dma_start3A_277 = arith.constant 0 : i32
    %dma_start3A_278 = arith.constant 0 : i32
    %dma_start3A_279 = tpu.memref_slice %arg7[%dma_start3A_270, %dma_start3A_277, %dma_start3A_278] : memref<16x32x128xf32, #tpu.memory_space<vmem>> -> memref<1x32x128xf32, #tpu.memory_space<vmem>>
    %dma_start3A_280 = tpu.memref_squeeze %dma_start3A_279 : memref<1x32x128xf32, #tpu.memory_space<vmem>> -> memref<32x128xf32, #tpu.memory_space<vmem>>
    %dma_start3A_281 = arith.constant 0 : i32
    %dma_start3A_282 = tpu.memref_slice %arg3[%dma_start3A_281, %multiple_of3A_269] : memref<32x1000000xf32, #tpu.memory_space<hbm>> -> memref<32x128xf32, #tpu.memory_space<hbm>>
    tpu.enqueue_dma source(%dma_start3A_282 : memref<32x128xf32, #tpu.memory_space<hbm>>) target(%dma_start3A_280 : memref<32x128xf32, #tpu.memory_space<vmem>>) target_semaphore(%arg9 : memref<!tpu.dma_semaphore, #tpu.memory_space<semaphore_mem>>)
    %slice3A_283 = vector.extract_strided_slice %get3A_6 {offsets = [14], sizes = [1], strides = [1]} : vector<16xi32> to vector<1xi32>
    %squeeze3A_284 = vector.extract %slice3A_283[0] : i32 from vector<1xi32>
    %shift_right_arithmetic3A_285 = arith.constant 7 : i32
    %shift_right_arithmetic3A_286 = arith.shrsi %squeeze3A_284, %shift_right_arithmetic3A_285 : i32
    %mul3A_287 = arith.constant 128 : i32
    %mul3A_288 = arith.muli %shift_right_arithmetic3A_286, %mul3A_287 : i32
    %multiple_of3A_289 = tpu.assume_multiple %mul3A_288, 128 : i32
    %dma_start3A_290 = arith.constant 14 : i32
    %dma_start3A_291 = arith.constant 0 : i32
    %dma_start3A_292 = arith.constant 0 : i32
    %dma_start3A_293 = tpu.memref_slice %arg7[%dma_start3A_290, %dma_start3A_291, %dma_start3A_292] : memref<16x32x128xf32, #tpu.memory_space<vmem>> -> memref<1x32x128xf32, #tpu.memory_space<vmem>>
    %dma_start3A_294 = tpu.memref_squeeze %dma_start3A_293 : memref<1x32x128xf32, #tpu.memory_space<vmem>> -> memref<32x128xf32, #tpu.memory_space<vmem>>
    %dma_start3A_295 = arith.constant 0 : i32
    %dma_start3A_296 = tpu.memref_slice %arg3[%dma_start3A_295, %multiple_of3A_289] : memref<32x1000000xf32, #tpu.memory_space<hbm>> -> memref<32x128xf32, #tpu.memory_space<hbm>>
    %dma_start3A_297 = arith.constant 0 : i32
    %dma_start3A_298 = arith.constant 0 : i32
    %dma_start3A_299 = tpu.memref_slice %arg7[%dma_start3A_290, %dma_start3A_297, %dma_start3A_298] : memref<16x32x128xf32, #tpu.memory_space<vmem>> -> memref<1x32x128xf32, #tpu.memory_space<vmem>>
    %dma_start3A_300 = tpu.memref_squeeze %dma_start3A_299 : memref<1x32x128xf32, #tpu.memory_space<vmem>> -> memref<32x128xf32, #tpu.memory_space<vmem>>
    %dma_start3A_301 = arith.constant 0 : i32
    %dma_start3A_302 = tpu.memref_slice %arg3[%dma_start3A_301, %multiple_of3A_289] : memref<32x1000000xf32, #tpu.memory_space<hbm>> -> memref<32x128xf32, #tpu.memory_space<hbm>>
    tpu.enqueue_dma source(%dma_start3A_302 : memref<32x128xf32, #tpu.memory_space<hbm>>) target(%dma_start3A_300 : memref<32x128xf32, #tpu.memory_space<vmem>>) target_semaphore(%arg9 : memref<!tpu.dma_semaphore, #tpu.memory_space<semaphore_mem>>)
    %slice3A_303 = vector.extract_strided_slice %get3A_6 {offsets = [15], sizes = [1], strides = [1]} : vector<16xi32> to vector<1xi32>
    %squeeze3A_304 = vector.extract %slice3A_303[0] : i32 from vector<1xi32>
    %shift_right_arithmetic3A_305 = arith.constant 7 : i32
    %shift_right_arithmetic3A_306 = arith.shrsi %squeeze3A_304, %shift_right_arithmetic3A_305 : i32
    %mul3A_307 = arith.constant 128 : i32
    %mul3A_308 = arith.muli %shift_right_arithmetic3A_306, %mul3A_307 : i32
    %multiple_of3A_309 = tpu.assume_multiple %mul3A_308, 128 : i32
    %dma_start3A_310 = arith.constant 15 : i32
    %dma_start3A_311 = arith.constant 0 : i32
    %dma_start3A_312 = arith.constant 0 : i32
    %dma_start3A_313 = tpu.memref_slice %arg7[%dma_start3A_310, %dma_start3A_311, %dma_start3A_312] : memref<16x32x128xf32, #tpu.memory_space<vmem>> -> memref<1x32x128xf32, #tpu.memory_space<vmem>>
    %dma_start3A_314 = tpu.memref_squeeze %dma_start3A_313 : memref<1x32x128xf32, #tpu.memory_space<vmem>> -> memref<32x128xf32, #tpu.memory_space<vmem>>
    %dma_start3A_315 = arith.constant 0 : i32
    %dma_start3A_316 = tpu.memref_slice %arg3[%dma_start3A_315, %multiple_of3A_309] : memref<32x1000000xf32, #tpu.memory_space<hbm>> -> memref<32x128xf32, #tpu.memory_space<hbm>>
    %dma_start3A_317 = arith.constant 0 : i32
    %dma_start3A_318 = arith.constant 0 : i32
    %dma_start3A_319 = tpu.memref_slice %arg7[%dma_start3A_310, %dma_start3A_317, %dma_start3A_318] : memref<16x32x128xf32, #tpu.memory_space<vmem>> -> memref<1x32x128xf32, #tpu.memory_space<vmem>>
    %dma_start3A_320 = tpu.memref_squeeze %dma_start3A_319 : memref<1x32x128xf32, #tpu.memory_space<vmem>> -> memref<32x128xf32, #tpu.memory_space<vmem>>
    %dma_start3A_321 = arith.constant 0 : i32
    %dma_start3A_322 = tpu.memref_slice %arg3[%dma_start3A_321, %multiple_of3A_309] : memref<32x1000000xf32, #tpu.memory_space<hbm>> -> memref<32x128xf32, #tpu.memory_space<hbm>>
    tpu.enqueue_dma source(%dma_start3A_322 : memref<32x128xf32, #tpu.memory_space<hbm>>) target(%dma_start3A_320 : memref<32x128xf32, #tpu.memory_space<vmem>>) target_semaphore(%arg9 : memref<!tpu.dma_semaphore, #tpu.memory_space<semaphore_mem>>)
    %scan3A = arith.constant 0 : i32
    %scan3A_323 = arith.constant 4 : i32
    %scan3A_324 = arith.addi %scan3A, %scan3A_323 : i32
    %scan3A_325 = arith.constant 1 : i32
    %scan3A_326 = scf.for %scan3A_328 = %scan3A to %scan3A_324 step %scan3A_325 iter_args(%scan3A_329 = %get3A_6) -> (vector<16xi32>)  : i32 {
      %add3A_330 = arith.constant 1 : i32
      %add3A_331 = arith.addi %scan3A_328, %add3A_330 : i32
      %mul3A_332 = arith.constant 16 : i32
      %mul3A_333 = arith.muli %add3A_331, %mul3A_332 : i32
      %min3A = arith.constant 48 : i32
      %min3A_334 = arith.minsi %mul3A_333, %min3A : i32
      %get3A_335 = arith.index_cast %min3A_334 : i32 to index
      %get3A_336 = tpu.vector_load %arg5[%get3A_335] {strides = array<i32>} : memref<64xi32, #tpu.memory_space<vmem>>, vector<16xi32>,
      %lt3A = arith.constant 3 : i32
      %lt3A_337 = arith.cmpi slt, %scan3A_328, %lt3A : i32
      %dma_wait3A = arith.constant 0 : i32
      %dma_wait3A_338 = arith.constant 0 : i32
      %dma_wait3A_339 = arith.constant 0 : i32
      %dma_wait3A_340 = tpu.memref_slice %arg7[%dma_wait3A, %dma_wait3A_338, %dma_wait3A_339] : memref<16x32x128xf32, #tpu.memory_space<vmem>> -> memref<1x32x128xf32, #tpu.memory_space<vmem>>
      %dma_wait3A_341 = tpu.memref_squeeze %dma_wait3A_340 : memref<1x32x128xf32, #tpu.memory_space<vmem>> -> memref<32x128xf32, #tpu.memory_space<vmem>>
      %dma_wait3A_342 = arith.constant 0 : i32
      %dma_wait3A_343 = arith.constant 0 : i32
      %dma_wait3A_344 = tpu.memref_slice %arg3[%dma_wait3A_342, %dma_wait3A_343] : memref<32x1000000xf32, #tpu.memory_space<hbm>> -> memref<32x128xf32, #tpu.memory_space<hbm>>
      %dma_wait3A_345 = arith.constant 0 : i32
      %dma_wait3A_346 = arith.constant 0 : i32
      %dma_wait3A_347 = tpu.memref_slice %arg7[%dma_wait3A, %dma_wait3A_345, %dma_wait3A_346] : memref<16x32x128xf32, #tpu.memory_space<vmem>> -> memref<1x32x128xf32, #tpu.memory_space<vmem>>
      %dma_wait3A_348 = tpu.memref_squeeze %dma_wait3A_347 : memref<1x32x128xf32, #tpu.memory_space<vmem>> -> memref<32x128xf32, #tpu.memory_space<vmem>>
      %dma_wait3A_349 = arith.constant 0 : i32
      %dma_wait3A_350 = arith.constant 0 : i32
      %dma_wait3A_351 = tpu.memref_slice %arg3[%dma_wait3A_349, %dma_wait3A_350] : memref<32x1000000xf32, #tpu.memory_space<hbm>> -> memref<32x128xf32, #tpu.memory_space<hbm>>
      tpu.wait_dma2 semaphore(%arg8 : memref<!tpu.dma_semaphore, #tpu.memory_space<semaphore_mem>>) src(%dma_wait3A_351 : memref<32x128xf32, #tpu.memory_space<hbm>>) dst(%dma_wait3A_348 : memref<32x128xf32, #tpu.memory_space<vmem>>)
      %dma_wait3A_352 = arith.constant 1 : i32
      %dma_wait3A_353 = arith.constant 0 : i32
      %dma_wait3A_354 = arith.constant 0 : i32
      %dma_wait3A_355 = tpu.memref_slice %arg7[%dma_wait3A_352, %dma_wait3A_353, %dma_wait3A_354] : memref<16x32x128xf32, #tpu.memory_space<vmem>> -> memref<1x32x128xf32, #tpu.memory_space<vmem>>
      %dma_wait3A_356 = tpu.memref_squeeze %dma_wait3A_355 : memref<1x32x128xf32, #tpu.memory_space<vmem>> -> memref<32x128xf32, #tpu.memory_space<vmem>>
      %dma_wait3A_357 = arith.constant 0 : i32
      %dma_wait3A_358 = arith.constant 0 : i32
      %dma_wait3A_359 = tpu.memref_slice %arg3[%dma_wait3A_357, %dma_wait3A_358] : memref<32x1000000xf32, #tpu.memory_space<hbm>> -> memref<32x128xf32, #tpu.memory_space<hbm>>
      %dma_wait3A_360 = arith.constant 0 : i32
      %dma_wait3A_361 = arith.constant 0 : i32
      %dma_wait3A_362 = tpu.memref_slice %arg7[%dma_wait3A_352, %dma_wait3A_360, %dma_wait3A_361] : memref<16x32x128xf32, #tpu.memory_space<vmem>> -> memref<1x32x128xf32, #tpu.memory_space<vmem>>
      %dma_wait3A_363 = tpu.memref_squeeze %dma_wait3A_362 : memref<1x32x128xf32, #tpu.memory_space<vmem>> -> memref<32x128xf32, #tpu.memory_space<vmem>>
      %dma_wait3A_364 = arith.constant 0 : i32
      %dma_wait3A_365 = arith.constant 0 : i32
      %dma_wait3A_366 = tpu.memref_slice %arg3[%dma_wait3A_364, %dma_wait3A_365] : memref<32x1000000xf32, #tpu.memory_space<hbm>> -> memref<32x128xf32, #tpu.memory_space<hbm>>
      tpu.wait_dma2 semaphore(%arg8 : memref<!tpu.dma_semaphore, #tpu.memory_space<semaphore_mem>>) src(%dma_wait3A_366 : memref<32x128xf32, #tpu.memory_space<hbm>>) dst(%dma_wait3A_363 : memref<32x128xf32, #tpu.memory_space<vmem>>)
      %dma_wait3A_367 = arith.constant 2 : i32
      %dma_wait3A_368 = arith.constant 0 : i32
      %dma_wait3A_369 = arith.constant 0 : i32
      %dma_wait3A_370 = tpu.memref_slice %arg7[%dma_wait3A_367, %dma_wait3A_368, %dma_wait3A_369] : memref<16x32x128xf32, #tpu.memory_space<vmem>> -> memref<1x32x128xf32, #tpu.memory_space<vmem>>
      %dma_wait3A_371 = tpu.memref_squeeze %dma_wait3A_370 : memref<1x32x128xf32, #tpu.memory_space<vmem>> -> memref<32x128xf32, #tpu.memory_space<vmem>>
      %dma_wait3A_372 = arith.constant 0 : i32
      %dma_wait3A_373 = arith.constant 0 : i32
      %dma_wait3A_374 = tpu.memref_slice %arg3[%dma_wait3A_372, %dma_wait3A_373] : memref<32x1000000xf32, #tpu.memory_space<hbm>> -> memref<32x128xf32, #tpu.memory_space<hbm>>
      %dma_wait3A_375 = arith.constant 0 : i32
      %dma_wait3A_376 = arith.constant 0 : i32
      %dma_wait3A_377 = tpu.memref_slice %arg7[%dma_wait3A_367, %dma_wait3A_375, %dma_wait3A_376] : memref<16x32x128xf32, #tpu.memory_space<vmem>> -> memref<1x32x128xf32, #tpu.memory_space<vmem>>
      %dma_wait3A_378 = tpu.memref_squeeze %dma_wait3A_377 : memref<1x32x128xf32, #tpu.memory_space<vmem>> -> memref<32x128xf32, #tpu.memory_space<vmem>>
      %dma_wait3A_379 = arith.constant 0 : i32
      %dma_wait3A_380 = arith.constant 0 : i32
      %dma_wait3A_381 = tpu.memref_slice %arg3[%dma_wait3A_379, %dma_wait3A_380] : memref<32x1000000xf32, #tpu.memory_space<hbm>> -> memref<32x128xf32, #tpu.memory_space<hbm>>
      tpu.wait_dma2 semaphore(%arg8 : memref<!tpu.dma_semaphore, #tpu.memory_space<semaphore_mem>>) src(%dma_wait3A_381 : memref<32x128xf32, #tpu.memory_space<hbm>>) dst(%dma_wait3A_378 : memref<32x128xf32, #tpu.memory_space<vmem>>)
      %dma_wait3A_382 = arith.constant 3 : i32
      %dma_wait3A_383 = arith.constant 0 : i32
      %dma_wait3A_384 = arith.constant 0 : i32
      %dma_wait3A_385 = tpu.memref_slice %arg7[%dma_wait3A_382, %dma_wait3A_383, %dma_wait3A_384] : memref<16x32x128xf32, #tpu.memory_space<vmem>> -> memref<1x32x128xf32, #tpu.memory_space<vmem>>
      %dma_wait3A_386 = tpu.memref_squeeze %dma_wait3A_385 : memref<1x32x128xf32, #tpu.memory_space<vmem>> -> memref<32x128xf32, #tpu.memory_space<vmem>>
      %dma_wait3A_387 = arith.constant 0 : i32
      %dma_wait3A_388 = arith.constant 0 : i32
      %dma_wait3A_389 = tpu.memref_slice %arg3[%dma_wait3A_387, %dma_wait3A_388] : memref<32x1000000xf32, #tpu.memory_space<hbm>> -> memref<32x128xf32, #tpu.memory_space<hbm>>
      %dma_wait3A_390 = arith.constant 0 : i32
      %dma_wait3A_391 = arith.constant 0 : i32
      %dma_wait3A_392 = tpu.memref_slice %arg7[%dma_wait3A_382, %dma_wait3A_390, %dma_wait3A_391] : memref<16x32x128xf32, #tpu.memory_space<vmem>> -> memref<1x32x128xf32, #tpu.memory_space<vmem>>
      %dma_wait3A_393 = tpu.memref_squeeze %dma_wait3A_392 : memref<1x32x128xf32, #tpu.memory_space<vmem>> -> memref<32x128xf32, #tpu.memory_space<vmem>>
      %dma_wait3A_394 = arith.constant 0 : i32
      %dma_wait3A_395 = arith.constant 0 : i32
      %dma_wait3A_396 = tpu.memref_slice %arg3[%dma_wait3A_394, %dma_wait3A_395] : memref<32x1000000xf32, #tpu.memory_space<hbm>> -> memref<32x128xf32, #tpu.memory_space<hbm>>
      tpu.wait_dma2 semaphore(%arg8 : memref<!tpu.dma_semaphore, #tpu.memory_space<semaphore_mem>>) src(%dma_wait3A_396 : memref<32x128xf32, #tpu.memory_space<hbm>>) dst(%dma_wait3A_393 : memref<32x128xf32, #tpu.memory_space<vmem>>)
      %dma_wait3A_397 = arith.constant 4 : i32
      %dma_wait3A_398 = arith.constant 0 : i32
      %dma_wait3A_399 = arith.constant 0 : i32
      %dma_wait3A_400 = tpu.memref_slice %arg7[%dma_wait3A_397, %dma_wait3A_398, %dma_wait3A_399] : memref<16x32x128xf32, #tpu.memory_space<vmem>> -> memref<1x32x128xf32, #tpu.memory_space<vmem>>
      %dma_wait3A_401 = tpu.memref_squeeze %dma_wait3A_400 : memref<1x32x128xf32, #tpu.memory_space<vmem>> -> memref<32x128xf32, #tpu.memory_space<vmem>>
      %dma_wait3A_402 = arith.constant 0 : i32
      %dma_wait3A_403 = arith.constant 0 : i32
      %dma_wait3A_404 = tpu.memref_slice %arg3[%dma_wait3A_402, %dma_wait3A_403] : memref<32x1000000xf32, #tpu.memory_space<hbm>> -> memref<32x128xf32, #tpu.memory_space<hbm>>
      %dma_wait3A_405 = arith.constant 0 : i32
      %dma_wait3A_406 = arith.constant 0 : i32
      %dma_wait3A_407 = tpu.memref_slice %arg7[%dma_wait3A_397, %dma_wait3A_405, %dma_wait3A_406] : memref<16x32x128xf32, #tpu.memory_space<vmem>> -> memref<1x32x128xf32, #tpu.memory_space<vmem>>
      %dma_wait3A_408 = tpu.memref_squeeze %dma_wait3A_407 : memref<1x32x128xf32, #tpu.memory_space<vmem>> -> memref<32x128xf32, #tpu.memory_space<vmem>>
      %dma_wait3A_409 = arith.constant 0 : i32
      %dma_wait3A_410 = arith.constant 0 : i32
      %dma_wait3A_411 = tpu.memref_slice %arg3[%dma_wait3A_409, %dma_wait3A_410] : memref<32x1000000xf32, #tpu.memory_space<hbm>> -> memref<32x128xf32, #tpu.memory_space<hbm>>
      tpu.wait_dma2 semaphore(%arg8 : memref<!tpu.dma_semaphore, #tpu.memory_space<semaphore_mem>>) src(%dma_wait3A_411 : memref<32x128xf32, #tpu.memory_space<hbm>>) dst(%dma_wait3A_408 : memref<32x128xf32, #tpu.memory_space<vmem>>)
      %dma_wait3A_412 = arith.constant 5 : i32
      %dma_wait3A_413 = arith.constant 0 : i32
      %dma_wait3A_414 = arith.constant 0 : i32
      %dma_wait3A_415 = tpu.memref_slice %arg7[%dma_wait3A_412, %dma_wait3A_413, %dma_wait3A_414] : memref<16x32x128xf32, #tpu.memory_space<vmem>> -> memref<1x32x128xf32, #tpu.memory_space<vmem>>
      %dma_wait3A_416 = tpu.memref_squeeze %dma_wait3A_415 : memref<1x32x128xf32, #tpu.memory_space<vmem>> -> memref<32x128xf32, #tpu.memory_space<vmem>>
      %dma_wait3A_417 = arith.constant 0 : i32
      %dma_wait3A_418 = arith.constant 0 : i32
      %dma_wait3A_419 = tpu.memref_slice %arg3[%dma_wait3A_417, %dma_wait3A_418] : memref<32x1000000xf32, #tpu.memory_space<hbm>> -> memref<32x128xf32, #tpu.memory_space<hbm>>
      %dma_wait3A_420 = arith.constant 0 : i32
      %dma_wait3A_421 = arith.constant 0 : i32
      %dma_wait3A_422 = tpu.memref_slice %arg7[%dma_wait3A_412, %dma_wait3A_420, %dma_wait3A_421] : memref<16x32x128xf32, #tpu.memory_space<vmem>> -> memref<1x32x128xf32, #tpu.memory_space<vmem>>
      %dma_wait3A_423 = tpu.memref_squeeze %dma_wait3A_422 : memref<1x32x128xf32, #tpu.memory_space<vmem>> -> memref<32x128xf32, #tpu.memory_space<vmem>>
      %dma_wait3A_424 = arith.constant 0 : i32
      %dma_wait3A_425 = arith.constant 0 : i32
      %dma_wait3A_426 = tpu.memref_slice %arg3[%dma_wait3A_424, %dma_wait3A_425] : memref<32x1000000xf32, #tpu.memory_space<hbm>> -> memref<32x128xf32, #tpu.memory_space<hbm>>
      tpu.wait_dma2 semaphore(%arg8 : memref<!tpu.dma_semaphore, #tpu.memory_space<semaphore_mem>>) src(%dma_wait3A_426 : memref<32x128xf32, #tpu.memory_space<hbm>>) dst(%dma_wait3A_423 : memref<32x128xf32, #tpu.memory_space<vmem>>)
      %dma_wait3A_427 = arith.constant 6 : i32
      %dma_wait3A_428 = arith.constant 0 : i32
      %dma_wait3A_429 = arith.constant 0 : i32
      %dma_wait3A_430 = tpu.memref_slice %arg7[%dma_wait3A_427, %dma_wait3A_428, %dma_wait3A_429] : memref<16x32x128xf32, #tpu.memory_space<vmem>> -> memref<1x32x128xf32, #tpu.memory_space<vmem>>
      %dma_wait3A_431 = tpu.memref_squeeze %dma_wait3A_430 : memref<1x32x128xf32, #tpu.memory_space<vmem>> -> memref<32x128xf32, #tpu.memory_space<vmem>>
      %dma_wait3A_432 = arith.constant 0 : i32
      %dma_wait3A_433 = arith.constant 0 : i32
      %dma_wait3A_434 = tpu.memref_slice %arg3[%dma_wait3A_432, %dma_wait3A_433] : memref<32x1000000xf32, #tpu.memory_space<hbm>> -> memref<32x128xf32, #tpu.memory_space<hbm>>
      %dma_wait3A_435 = arith.constant 0 : i32
      %dma_wait3A_436 = arith.constant 0 : i32
      %dma_wait3A_437 = tpu.memref_slice %arg7[%dma_wait3A_427, %dma_wait3A_435, %dma_wait3A_436] : memref<16x32x128xf32, #tpu.memory_space<vmem>> -> memref<1x32x128xf32, #tpu.memory_space<vmem>>
      %dma_wait3A_438 = tpu.memref_squeeze %dma_wait3A_437 : memref<1x32x128xf32, #tpu.memory_space<vmem>> -> memref<32x128xf32, #tpu.memory_space<vmem>>
      %dma_wait3A_439 = arith.constant 0 : i32
      %dma_wait3A_440 = arith.constant 0 : i32
      %dma_wait3A_441 = tpu.memref_slice %arg3[%dma_wait3A_439, %dma_wait3A_440] : memref<32x1000000xf32, #tpu.memory_space<hbm>> -> memref<32x128xf32, #tpu.memory_space<hbm>>
      tpu.wait_dma2 semaphore(%arg8 : memref<!tpu.dma_semaphore, #tpu.memory_space<semaphore_mem>>) src(%dma_wait3A_441 : memref<32x128xf32, #tpu.memory_space<hbm>>) dst(%dma_wait3A_438 : memref<32x128xf32, #tpu.memory_space<vmem>>)
      %dma_wait3A_442 = arith.constant 7 : i32
      %dma_wait3A_443 = arith.constant 0 : i32
      %dma_wait3A_444 = arith.constant 0 : i32
      %dma_wait3A_445 = tpu.memref_slice %arg7[%dma_wait3A_442, %dma_wait3A_443, %dma_wait3A_444] : memref<16x32x128xf32, #tpu.memory_space<vmem>> -> memref<1x32x128xf32, #tpu.memory_space<vmem>>
      %dma_wait3A_446 = tpu.memref_squeeze %dma_wait3A_445 : memref<1x32x128xf32, #tpu.memory_space<vmem>> -> memref<32x128xf32, #tpu.memory_space<vmem>>
      %dma_wait3A_447 = arith.constant 0 : i32
      %dma_wait3A_448 = arith.constant 0 : i32
      %dma_wait3A_449 = tpu.memref_slice %arg3[%dma_wait3A_447, %dma_wait3A_448] : memref<32x1000000xf32, #tpu.memory_space<hbm>> -> memref<32x128xf32, #tpu.memory_space<hbm>>
      %dma_wait3A_450 = arith.constant 0 : i32
      %dma_wait3A_451 = arith.constant 0 : i32
      %dma_wait3A_452 = tpu.memref_slice %arg7[%dma_wait3A_442, %dma_wait3A_450, %dma_wait3A_451] : memref<16x32x128xf32, #tpu.memory_space<vmem>> -> memref<1x32x128xf32, #tpu.memory_space<vmem>>
      %dma_wait3A_453 = tpu.memref_squeeze %dma_wait3A_452 : memref<1x32x128xf32, #tpu.memory_space<vmem>> -> memref<32x128xf32, #tpu.memory_space<vmem>>
      %dma_wait3A_454 = arith.constant 0 : i32
      %dma_wait3A_455 = arith.constant 0 : i32
      %dma_wait3A_456 = tpu.memref_slice %arg3[%dma_wait3A_454, %dma_wait3A_455] : memref<32x1000000xf32, #tpu.memory_space<hbm>> -> memref<32x128xf32, #tpu.memory_space<hbm>>
      tpu.wait_dma2 semaphore(%arg8 : memref<!tpu.dma_semaphore, #tpu.memory_space<semaphore_mem>>) src(%dma_wait3A_456 : memref<32x128xf32, #tpu.memory_space<hbm>>) dst(%dma_wait3A_453 : memref<32x128xf32, #tpu.memory_space<vmem>>)
      %slice3A_457 = vector.extract_strided_slice %scan3A_329 {offsets = [0], sizes = [1], strides = [1]} : vector<16xi32> to vector<1xi32>
      %squeeze3A_458 = vector.extract %slice3A_457[0] : i32 from vector<1xi32>
      %mul3A_459 = arith.constant 16 : i32
      %mul3A_460 = arith.muli %scan3A_328, %mul3A_459 : i32
      %add3A_461 = arith.constant 0 : i32
      %add3A_462 = arith.addi %mul3A_460, %add3A_461 : i32
      %and3A = arith.constant 127 : i32
      %and3A_463 = arith.andi %squeeze3A_458, %and3A : i32
      %broadcast_in_dim3A = vector.broadcast %and3A_463 : i32 to vector<16xi32>
      %broadcast_in_dim3A_464 = vector.broadcast %add3A_462 : i32 to vector<16xi32>
      %gather3A = arith.constant 0 : i32
      %gather3A_465 = arith.constant 0 : i32
      %gather3A_466 = arith.constant 0 : i32
      %gather3A_467 = tpu.memref_slice %arg7[%gather3A, %gather3A_465, %gather3A_466] : memref<16x32x128xf32, #tpu.memory_space<vmem>> -> memref<1x32x128xf32, #tpu.memory_space<vmem>>
      %gather3A_468 = tpu.memref_squeeze %gather3A_467 : memref<1x32x128xf32, #tpu.memory_space<vmem>> -> memref<32x128xf32, #tpu.memory_space<vmem>>
      %gather3A_469 = tpu.vector_load_idx %gather3A_468[%iota3A, %broadcast_in_dim3A] : memref<32x128xf32, #tpu.memory_space<vmem>>[vector<16xi32>, vector<16xi32>], vector<16xf32>,
      %gather3A_470 = arith.constant 0 : i32
      %gather3A_471 = arith.constant 0 : i32
      %gather3A_472 = arith.constant 0 : i32
      %gather3A_473 = tpu.memref_slice %arg7[%gather3A_470, %gather3A_471, %gather3A_472] : memref<16x32x128xf32, #tpu.memory_space<vmem>> -> memref<1x32x128xf32, #tpu.memory_space<vmem>>
      %gather3A_474 = tpu.memref_squeeze %gather3A_473 : memref<1x32x128xf32, #tpu.memory_space<vmem>> -> memref<32x128xf32, #tpu.memory_space<vmem>>
      %gather3A_475 = tpu.vector_load_idx %gather3A_474[%add3A_3, %broadcast_in_dim3A] : memref<32x128xf32, #tpu.memory_space<vmem>>[vector<16xi32>, vector<16xi32>], vector<16xf32>,
      tpu.vector_store_idx %arg6[%broadcast_in_dim3A_464, %iota3A], %gather3A_469 : memref<64x32xf32, #tpu.memory_space<vmem>>[vector<16xi32>, vector<16xi32>], vector<16xf32>,
      tpu.vector_store_idx %arg6[%broadcast_in_dim3A_464, %add3A_3], %gather3A_475 : memref<64x32xf32, #tpu.memory_space<vmem>>[vector<16xi32>, vector<16xi32>], vector<16xf32>,
      %slice3A_476 = vector.extract_strided_slice %scan3A_329 {offsets = [1], sizes = [1], strides = [1]} : vector<16xi32> to vector<1xi32>
      %squeeze3A_477 = vector.extract %slice3A_476[0] : i32 from vector<1xi32>
      %mul3A_478 = arith.constant 16 : i32
      %mul3A_479 = arith.muli %scan3A_328, %mul3A_478 : i32
      %add3A_480 = arith.constant 1 : i32
      %add3A_481 = arith.addi %mul3A_479, %add3A_480 : i32
      %and3A_482 = arith.constant 127 : i32
      %and3A_483 = arith.andi %squeeze3A_477, %and3A_482 : i32
      %broadcast_in_dim3A_484 = vector.broadcast %and3A_483 : i32 to vector<16xi32>
      %broadcast_in_dim3A_485 = vector.broadcast %add3A_481 : i32 to vector<16xi32>
      %gather3A_486 = arith.constant 1 : i32
      %gather3A_487 = arith.constant 0 : i32
      %gather3A_488 = arith.constant 0 : i32
      %gather3A_489 = tpu.memref_slice %arg7[%gather3A_486, %gather3A_487, %gather3A_488] : memref<16x32x128xf32, #tpu.memory_space<vmem>> -> memref<1x32x128xf32, #tpu.memory_space<vmem>>
      %gather3A_490 = tpu.memref_squeeze %gather3A_489 : memref<1x32x128xf32, #tpu.memory_space<vmem>> -> memref<32x128xf32, #tpu.memory_space<vmem>>
      %gather3A_491 = tpu.vector_load_idx %gather3A_490[%iota3A, %broadcast_in_dim3A_484] : memref<32x128xf32, #tpu.memory_space<vmem>>[vector<16xi32>, vector<16xi32>], vector<16xf32>,
      %gather3A_492 = arith.constant 1 : i32
      %gather3A_493 = arith.constant 0 : i32
      %gather3A_494 = arith.constant 0 : i32
      %gather3A_495 = tpu.memref_slice %arg7[%gather3A_492, %gather3A_493, %gather3A_494] : memref<16x32x128xf32, #tpu.memory_space<vmem>> -> memref<1x32x128xf32, #tpu.memory_space<vmem>>
      %gather3A_496 = tpu.memref_squeeze %gather3A_495 : memref<1x32x128xf32, #tpu.memory_space<vmem>> -> memref<32x128xf32, #tpu.memory_space<vmem>>
      %gather3A_497 = tpu.vector_load_idx %gather3A_496[%add3A_3, %broadcast_in_dim3A_484] : memref<32x128xf32, #tpu.memory_space<vmem>>[vector<16xi32>, vector<16xi32>], vector<16xf32>,
      tpu.vector_store_idx %arg6[%broadcast_in_dim3A_485, %iota3A], %gather3A_491 : memref<64x32xf32, #tpu.memory_space<vmem>>[vector<16xi32>, vector<16xi32>], vector<16xf32>,
      tpu.vector_store_idx %arg6[%broadcast_in_dim3A_485, %add3A_3], %gather3A_497 : memref<64x32xf32, #tpu.memory_space<vmem>>[vector<16xi32>, vector<16xi32>], vector<16xf32>,
      %slice3A_498 = vector.extract_strided_slice %scan3A_329 {offsets = [2], sizes = [1], strides = [1]} : vector<16xi32> to vector<1xi32>
      %squeeze3A_499 = vector.extract %slice3A_498[0] : i32 from vector<1xi32>
      %mul3A_500 = arith.constant 16 : i32
      %mul3A_501 = arith.muli %scan3A_328, %mul3A_500 : i32
      %add3A_502 = arith.constant 2 : i32
      %add3A_503 = arith.addi %mul3A_501, %add3A_502 : i32
      %and3A_504 = arith.constant 127 : i32
      %and3A_505 = arith.andi %squeeze3A_499, %and3A_504 : i32
      %broadcast_in_dim3A_506 = vector.broadcast %and3A_505 : i32 to vector<16xi32>
      %broadcast_in_dim3A_507 = vector.broadcast %add3A_503 : i32 to vector<16xi32>
      %gather3A_508 = arith.constant 2 : i32
      %gather3A_509 = arith.constant 0 : i32
      %gather3A_510 = arith.constant 0 : i32
      %gather3A_511 = tpu.memref_slice %arg7[%gather3A_508, %gather3A_509, %gather3A_510] : memref<16x32x128xf32, #tpu.memory_space<vmem>> -> memref<1x32x128xf32, #tpu.memory_space<vmem>>
      %gather3A_512 = tpu.memref_squeeze %gather3A_511 : memref<1x32x128xf32, #tpu.memory_space<vmem>> -> memref<32x128xf32, #tpu.memory_space<vmem>>
      %gather3A_513 = tpu.vector_load_idx %gather3A_512[%iota3A, %broadcast_in_dim3A_506] : memref<32x128xf32, #tpu.memory_space<vmem>>[vector<16xi32>, vector<16xi32>], vector<16xf32>,
      %gather3A_514 = arith.constant 2 : i32
      %gather3A_515 = arith.constant 0 : i32
      %gather3A_516 = arith.constant 0 : i32
      %gather3A_517 = tpu.memref_slice %arg7[%gather3A_514, %gather3A_515, %gather3A_516] : memref<16x32x128xf32, #tpu.memory_space<vmem>> -> memref<1x32x128xf32, #tpu.memory_space<vmem>>
      %gather3A_518 = tpu.memref_squeeze %gather3A_517 : memref<1x32x128xf32, #tpu.memory_space<vmem>> -> memref<32x128xf32, #tpu.memory_space<vmem>>
      %gather3A_519 = tpu.vector_load_idx %gather3A_518[%add3A_3, %broadcast_in_dim3A_506] : memref<32x128xf32, #tpu.memory_space<vmem>>[vector<16xi32>, vector<16xi32>], vector<16xf32>,
      tpu.vector_store_idx %arg6[%broadcast_in_dim3A_507, %iota3A], %gather3A_513 : memref<64x32xf32, #tpu.memory_space<vmem>>[vector<16xi32>, vector<16xi32>], vector<16xf32>,
      tpu.vector_store_idx %arg6[%broadcast_in_dim3A_507, %add3A_3], %gather3A_519 : memref<64x32xf32, #tpu.memory_space<vmem>>[vector<16xi32>, vector<16xi32>], vector<16xf32>,
      %slice3A_520 = vector.extract_strided_slice %scan3A_329 {offsets = [3], sizes = [1], strides = [1]} : vector<16xi32> to vector<1xi32>
      %squeeze3A_521 = vector.extract %slice3A_520[0] : i32 from vector<1xi32>
      %mul3A_522 = arith.constant 16 : i32
      %mul3A_523 = arith.muli %scan3A_328, %mul3A_522 : i32
      %add3A_524 = arith.constant 3 : i32
      %add3A_525 = arith.addi %mul3A_523, %add3A_524 : i32
      %and3A_526 = arith.constant 127 : i32
      %and3A_527 = arith.andi %squeeze3A_521, %and3A_526 : i32
      %broadcast_in_dim3A_528 = vector.broadcast %and3A_527 : i32 to vector<16xi32>
      %broadcast_in_dim3A_529 = vector.broadcast %add3A_525 : i32 to vector<16xi32>
      %gather3A_530 = arith.constant 3 : i32
      %gather3A_531 = arith.constant 0 : i32
      %gather3A_532 = arith.constant 0 : i32
      %gather3A_533 = tpu.memref_slice %arg7[%gather3A_530, %gather3A_531, %gather3A_532] : memref<16x32x128xf32, #tpu.memory_space<vmem>> -> memref<1x32x128xf32, #tpu.memory_space<vmem>>
      %gather3A_534 = tpu.memref_squeeze %gather3A_533 : memref<1x32x128xf32, #tpu.memory_space<vmem>> -> memref<32x128xf32, #tpu.memory_space<vmem>>
      %gather3A_535 = tpu.vector_load_idx %gather3A_534[%iota3A, %broadcast_in_dim3A_528] : memref<32x128xf32, #tpu.memory_space<vmem>>[vector<16xi32>, vector<16xi32>], vector<16xf32>,
      %gather3A_536 = arith.constant 3 : i32
      %gather3A_537 = arith.constant 0 : i32
      %gather3A_538 = arith.constant 0 : i32
      %gather3A_539 = tpu.memref_slice %arg7[%gather3A_536, %gather3A_537, %gather3A_538] : memref<16x32x128xf32, #tpu.memory_space<vmem>> -> memref<1x32x128xf32, #tpu.memory_space<vmem>>
      %gather3A_540 = tpu.memref_squeeze %gather3A_539 : memref<1x32x128xf32, #tpu.memory_space<vmem>> -> memref<32x128xf32, #tpu.memory_space<vmem>>
      %gather3A_541 = tpu.vector_load_idx %gather3A_540[%add3A_3, %broadcast_in_dim3A_528] : memref<32x128xf32, #tpu.memory_space<vmem>>[vector<16xi32>, vector<16xi32>], vector<16xf32>,
      tpu.vector_store_idx %arg6[%broadcast_in_dim3A_529, %iota3A], %gather3A_535 : memref<64x32xf32, #tpu.memory_space<vmem>>[vector<16xi32>, vector<16xi32>], vector<16xf32>,
      tpu.vector_store_idx %arg6[%broadcast_in_dim3A_529, %add3A_3], %gather3A_541 : memref<64x32xf32, #tpu.memory_space<vmem>>[vector<16xi32>, vector<16xi32>], vector<16xf32>,
      %slice3A_542 = vector.extract_strided_slice %scan3A_329 {offsets = [4], sizes = [1], strides = [1]} : vector<16xi32> to vector<1xi32>
      %squeeze3A_543 = vector.extract %slice3A_542[0] : i32 from vector<1xi32>
      %mul3A_544 = arith.constant 16 : i32
      %mul3A_545 = arith.muli %scan3A_328, %mul3A_544 : i32
      %add3A_546 = arith.constant 4 : i32
      %add3A_547 = arith.addi %mul3A_545, %add3A_546 : i32
      %and3A_548 = arith.constant 127 : i32
      %and3A_549 = arith.andi %squeeze3A_543, %and3A_548 : i32
      %broadcast_in_dim3A_550 = vector.broadcast %and3A_549 : i32 to vector<16xi32>
      %broadcast_in_dim3A_551 = vector.broadcast %add3A_547 : i32 to vector<16xi32>
      %gather3A_552 = arith.constant 4 : i32
      %gather3A_553 = arith.constant 0 : i32
      %gather3A_554 = arith.constant 0 : i32
      %gather3A_555 = tpu.memref_slice %arg7[%gather3A_552, %gather3A_553, %gather3A_554] : memref<16x32x128xf32, #tpu.memory_space<vmem>> -> memref<1x32x128xf32, #tpu.memory_space<vmem>>
      %gather3A_556 = tpu.memref_squeeze %gather3A_555 : memref<1x32x128xf32, #tpu.memory_space<vmem>> -> memref<32x128xf32, #tpu.memory_space<vmem>>
      %gather3A_557 = tpu.vector_load_idx %gather3A_556[%iota3A, %broadcast_in_dim3A_550] : memref<32x128xf32, #tpu.memory_space<vmem>>[vector<16xi32>, vector<16xi32>], vector<16xf32>,
      %gather3A_558 = arith.constant 4 : i32
      %gather3A_559 = arith.constant 0 : i32
      %gather3A_560 = arith.constant 0 : i32
      %gather3A_561 = tpu.memref_slice %arg7[%gather3A_558, %gather3A_559, %gather3A_560] : memref<16x32x128xf32, #tpu.memory_space<vmem>> -> memref<1x32x128xf32, #tpu.memory_space<vmem>>
      %gather3A_562 = tpu.memref_squeeze %gather3A_561 : memref<1x32x128xf32, #tpu.memory_space<vmem>> -> memref<32x128xf32, #tpu.memory_space<vmem>>
      %gather3A_563 = tpu.vector_load_idx %gather3A_562[%add3A_3, %broadcast_in_dim3A_550] : memref<32x128xf32, #tpu.memory_space<vmem>>[vector<16xi32>, vector<16xi32>], vector<16xf32>,
      tpu.vector_store_idx %arg6[%broadcast_in_dim3A_551, %iota3A], %gather3A_557 : memref<64x32xf32, #tpu.memory_space<vmem>>[vector<16xi32>, vector<16xi32>], vector<16xf32>,
      tpu.vector_store_idx %arg6[%broadcast_in_dim3A_551, %add3A_3], %gather3A_563 : memref<64x32xf32, #tpu.memory_space<vmem>>[vector<16xi32>, vector<16xi32>], vector<16xf32>,
      %slice3A_564 = vector.extract_strided_slice %scan3A_329 {offsets = [5], sizes = [1], strides = [1]} : vector<16xi32> to vector<1xi32>
      %squeeze3A_565 = vector.extract %slice3A_564[0] : i32 from vector<1xi32>
      %mul3A_566 = arith.constant 16 : i32
      %mul3A_567 = arith.muli %scan3A_328, %mul3A_566 : i32
      %add3A_568 = arith.constant 5 : i32
      %add3A_569 = arith.addi %mul3A_567, %add3A_568 : i32
      %and3A_570 = arith.constant 127 : i32
      %and3A_571 = arith.andi %squeeze3A_565, %and3A_570 : i32
      %broadcast_in_dim3A_572 = vector.broadcast %and3A_571 : i32 to vector<16xi32>
      %broadcast_in_dim3A_573 = vector.broadcast %add3A_569 : i32 to vector<16xi32>
      %gather3A_574 = arith.constant 5 : i32
      %gather3A_575 = arith.constant 0 : i32
      %gather3A_576 = arith.constant 0 : i32
      %gather3A_577 = tpu.memref_slice %arg7[%gather3A_574, %gather3A_575, %gather3A_576] : memref<16x32x128xf32, #tpu.memory_space<vmem>> -> memref<1x32x128xf32, #tpu.memory_space<vmem>>
      %gather3A_578 = tpu.memref_squeeze %gather3A_577 : memref<1x32x128xf32, #tpu.memory_space<vmem>> -> memref<32x128xf32, #tpu.memory_space<vmem>>
      %gather3A_579 = tpu.vector_load_idx %gather3A_578[%iota3A, %broadcast_in_dim3A_572] : memref<32x128xf32, #tpu.memory_space<vmem>>[vector<16xi32>, vector<16xi32>], vector<16xf32>,
      %gather3A_580 = arith.constant 5 : i32
      %gather3A_581 = arith.constant 0 : i32
      %gather3A_582 = arith.constant 0 : i32
      %gather3A_583 = tpu.memref_slice %arg7[%gather3A_580, %gather3A_581, %gather3A_582] : memref<16x32x128xf32, #tpu.memory_space<vmem>> -> memref<1x32x128xf32, #tpu.memory_space<vmem>>
      %gather3A_584 = tpu.memref_squeeze %gather3A_583 : memref<1x32x128xf32, #tpu.memory_space<vmem>> -> memref<32x128xf32, #tpu.memory_space<vmem>>
      %gather3A_585 = tpu.vector_load_idx %gather3A_584[%add3A_3, %broadcast_in_dim3A_572] : memref<32x128xf32, #tpu.memory_space<vmem>>[vector<16xi32>, vector<16xi32>], vector<16xf32>,
      tpu.vector_store_idx %arg6[%broadcast_in_dim3A_573, %iota3A], %gather3A_579 : memref<64x32xf32, #tpu.memory_space<vmem>>[vector<16xi32>, vector<16xi32>], vector<16xf32>,
      tpu.vector_store_idx %arg6[%broadcast_in_dim3A_573, %add3A_3], %gather3A_585 : memref<64x32xf32, #tpu.memory_space<vmem>>[vector<16xi32>, vector<16xi32>], vector<16xf32>,
      %slice3A_586 = vector.extract_strided_slice %scan3A_329 {offsets = [6], sizes = [1], strides = [1]} : vector<16xi32> to vector<1xi32>
      %squeeze3A_587 = vector.extract %slice3A_586[0] : i32 from vector<1xi32>
      %mul3A_588 = arith.constant 16 : i32
      %mul3A_589 = arith.muli %scan3A_328, %mul3A_588 : i32
      %add3A_590 = arith.constant 6 : i32
      %add3A_591 = arith.addi %mul3A_589, %add3A_590 : i32
      %and3A_592 = arith.constant 127 : i32
      %and3A_593 = arith.andi %squeeze3A_587, %and3A_592 : i32
      %broadcast_in_dim3A_594 = vector.broadcast %and3A_593 : i32 to vector<16xi32>
      %broadcast_in_dim3A_595 = vector.broadcast %add3A_591 : i32 to vector<16xi32>
      %gather3A_596 = arith.constant 6 : i32
      %gather3A_597 = arith.constant 0 : i32
      %gather3A_598 = arith.constant 0 : i32
      %gather3A_599 = tpu.memref_slice %arg7[%gather3A_596, %gather3A_597, %gather3A_598] : memref<16x32x128xf32, #tpu.memory_space<vmem>> -> memref<1x32x128xf32, #tpu.memory_space<vmem>>
      %gather3A_600 = tpu.memref_squeeze %gather3A_599 : memref<1x32x128xf32, #tpu.memory_space<vmem>> -> memref<32x128xf32, #tpu.memory_space<vmem>>
      %gather3A_601 = tpu.vector_load_idx %gather3A_600[%iota3A, %broadcast_in_dim3A_594] : memref<32x128xf32, #tpu.memory_space<vmem>>[vector<16xi32>, vector<16xi32>], vector<16xf32>,
      %gather3A_602 = arith.constant 6 : i32
      %gather3A_603 = arith.constant 0 : i32
      %gather3A_604 = arith.constant 0 : i32
      %gather3A_605 = tpu.memref_slice %arg7[%gather3A_602, %gather3A_603, %gather3A_604] : memref<16x32x128xf32, #tpu.memory_space<vmem>> -> memref<1x32x128xf32, #tpu.memory_space<vmem>>
      %gather3A_606 = tpu.memref_squeeze %gather3A_605 : memref<1x32x128xf32, #tpu.memory_space<vmem>> -> memref<32x128xf32, #tpu.memory_space<vmem>>
      %gather3A_607 = tpu.vector_load_idx %gather3A_606[%add3A_3, %broadcast_in_dim3A_594] : memref<32x128xf32, #tpu.memory_space<vmem>>[vector<16xi32>, vector<16xi32>], vector<16xf32>,
      tpu.vector_store_idx %arg6[%broadcast_in_dim3A_595, %iota3A], %gather3A_601 : memref<64x32xf32, #tpu.memory_space<vmem>>[vector<16xi32>, vector<16xi32>], vector<16xf32>,
      tpu.vector_store_idx %arg6[%broadcast_in_dim3A_595, %add3A_3], %gather3A_607 : memref<64x32xf32, #tpu.memory_space<vmem>>[vector<16xi32>, vector<16xi32>], vector<16xf32>,
      %slice3A_608 = vector.extract_strided_slice %scan3A_329 {offsets = [7], sizes = [1], strides = [1]} : vector<16xi32> to vector<1xi32>
      %squeeze3A_609 = vector.extract %slice3A_608[0] : i32 from vector<1xi32>
      %mul3A_610 = arith.constant 16 : i32
      %mul3A_611 = arith.muli %scan3A_328, %mul3A_610 : i32
      %add3A_612 = arith.constant 7 : i32
      %add3A_613 = arith.addi %mul3A_611, %add3A_612 : i32
      %and3A_614 = arith.constant 127 : i32
      %and3A_615 = arith.andi %squeeze3A_609, %and3A_614 : i32
      %broadcast_in_dim3A_616 = vector.broadcast %and3A_615 : i32 to vector<16xi32>
      %broadcast_in_dim3A_617 = vector.broadcast %add3A_613 : i32 to vector<16xi32>
      %gather3A_618 = arith.constant 7 : i32
      %gather3A_619 = arith.constant 0 : i32
      %gather3A_620 = arith.constant 0 : i32
      %gather3A_621 = tpu.memref_slice %arg7[%gather3A_618, %gather3A_619, %gather3A_620] : memref<16x32x128xf32, #tpu.memory_space<vmem>> -> memref<1x32x128xf32, #tpu.memory_space<vmem>>
      %gather3A_622 = tpu.memref_squeeze %gather3A_621 : memref<1x32x128xf32, #tpu.memory_space<vmem>> -> memref<32x128xf32, #tpu.memory_space<vmem>>
      %gather3A_623 = tpu.vector_load_idx %gather3A_622[%iota3A, %broadcast_in_dim3A_616] : memref<32x128xf32, #tpu.memory_space<vmem>>[vector<16xi32>, vector<16xi32>], vector<16xf32>,
      %gather3A_624 = arith.constant 7 : i32
      %gather3A_625 = arith.constant 0 : i32
      %gather3A_626 = arith.constant 0 : i32
      %gather3A_627 = tpu.memref_slice %arg7[%gather3A_624, %gather3A_625, %gather3A_626] : memref<16x32x128xf32, #tpu.memory_space<vmem>> -> memref<1x32x128xf32, #tpu.memory_space<vmem>>
      %gather3A_628 = tpu.memref_squeeze %gather3A_627 : memref<1x32x128xf32, #tpu.memory_space<vmem>> -> memref<32x128xf32, #tpu.memory_space<vmem>>
      %gather3A_629 = tpu.vector_load_idx %gather3A_628[%add3A_3, %broadcast_in_dim3A_616] : memref<32x128xf32, #tpu.memory_space<vmem>>[vector<16xi32>, vector<16xi32>], vector<16xf32>,
      tpu.vector_store_idx %arg6[%broadcast_in_dim3A_617, %iota3A], %gather3A_623 : memref<64x32xf32, #tpu.memory_space<vmem>>[vector<16xi32>, vector<16xi32>], vector<16xf32>,
      tpu.vector_store_idx %arg6[%broadcast_in_dim3A_617, %add3A_3], %gather3A_629 : memref<64x32xf32, #tpu.memory_space<vmem>>[vector<16xi32>, vector<16xi32>], vector<16xf32>,
      %convert_element_type3A = arith.extui %lt3A_337 : i1 to i32
      %cond3A = arith.constant 0 : i32
      %cond3A_630 = arith.cmpi ne, %convert_element_type3A, %cond3A : i32
      scf.if %cond3A_630 {
        %slice3A_930 = vector.extract_strided_slice %get3A_336 {offsets = [0], sizes = [1], strides = [1]} : vector<16xi32> to vector<1xi32>
        %squeeze3A_931 = vector.extract %slice3A_930[0] : i32 from vector<1xi32>
        %shift_right_arithmetic3A_932 = arith.constant 7 : i32
        %shift_right_arithmetic3A_933 = arith.shrsi %squeeze3A_931, %shift_right_arithmetic3A_932 : i32
        %mul3A_934 = arith.constant 128 : i32
        %mul3A_935 = arith.muli %shift_right_arithmetic3A_933, %mul3A_934 : i32
        %multiple_of3A_936 = tpu.assume_multiple %mul3A_935, 128 : i32
        %dma_start3A_937 = arith.constant 0 : i32
        %dma_start3A_938 = arith.constant 0 : i32
        %dma_start3A_939 = arith.constant 0 : i32
        %dma_start3A_940 = tpu.memref_slice %arg7[%dma_start3A_937, %dma_start3A_938, %dma_start3A_939] : memref<16x32x128xf32, #tpu.memory_space<vmem>> -> memref<1x32x128xf32, #tpu.memory_space<vmem>>
        %dma_start3A_941 = tpu.memref_squeeze %dma_start3A_940 : memref<1x32x128xf32, #tpu.memory_space<vmem>> -> memref<32x128xf32, #tpu.memory_space<vmem>>
        %dma_start3A_942 = arith.constant 0 : i32
        %dma_start3A_943 = tpu.memref_slice %arg3[%dma_start3A_942, %multiple_of3A_936] : memref<32x1000000xf32, #tpu.memory_space<hbm>> -> memref<32x128xf32, #tpu.memory_space<hbm>>
        %dma_start3A_944 = arith.constant 0 : i32
        %dma_start3A_945 = arith.constant 0 : i32
        %dma_start3A_946 = tpu.memref_slice %arg7[%dma_start3A_937, %dma_start3A_944, %dma_start3A_945] : memref<16x32x128xf32, #tpu.memory_space<vmem>> -> memref<1x32x128xf32, #tpu.memory_space<vmem>>
        %dma_start3A_947 = tpu.memref_squeeze %dma_start3A_946 : memref<1x32x128xf32, #tpu.memory_space<vmem>> -> memref<32x128xf32, #tpu.memory_space<vmem>>
        %dma_start3A_948 = arith.constant 0 : i32
        %dma_start3A_949 = tpu.memref_slice %arg3[%dma_start3A_948, %multiple_of3A_936] : memref<32x1000000xf32, #tpu.memory_space<hbm>> -> memref<32x128xf32, #tpu.memory_space<hbm>>
        tpu.enqueue_dma source(%dma_start3A_949 : memref<32x128xf32, #tpu.memory_space<hbm>>) target(%dma_start3A_947 : memref<32x128xf32, #tpu.memory_space<vmem>>) target_semaphore(%arg8 : memref<!tpu.dma_semaphore, #tpu.memory_space<semaphore_mem>>)
        %slice3A_950 = vector.extract_strided_slice %get3A_336 {offsets = [1], sizes = [1], strides = [1]} : vector<16xi32> to vector<1xi32>
        %squeeze3A_951 = vector.extract %slice3A_950[0] : i32 from vector<1xi32>
        %shift_right_arithmetic3A_952 = arith.constant 7 : i32
        %shift_right_arithmetic3A_953 = arith.shrsi %squeeze3A_951, %shift_right_arithmetic3A_952 : i32
        %mul3A_954 = arith.constant 128 : i32
        %mul3A_955 = arith.muli %shift_right_arithmetic3A_953, %mul3A_954 : i32
        %multiple_of3A_956 = tpu.assume_multiple %mul3A_955, 128 : i32
        %dma_start3A_957 = arith.constant 1 : i32
        %dma_start3A_958 = arith.constant 0 : i32
        %dma_start3A_959 = arith.constant 0 : i32
        %dma_start3A_960 = tpu.memref_slice %arg7[%dma_start3A_957, %dma_start3A_958, %dma_start3A_959] : memref<16x32x128xf32, #tpu.memory_space<vmem>> -> memref<1x32x128xf32, #tpu.memory_space<vmem>>
        %dma_start3A_961 = tpu.memref_squeeze %dma_start3A_960 : memref<1x32x128xf32, #tpu.memory_space<vmem>> -> memref<32x128xf32, #tpu.memory_space<vmem>>
        %dma_start3A_962 = arith.constant 0 : i32
        %dma_start3A_963 = tpu.memref_slice %arg3[%dma_start3A_962, %multiple_of3A_956] : memref<32x1000000xf32, #tpu.memory_space<hbm>> -> memref<32x128xf32, #tpu.memory_space<hbm>>
        %dma_start3A_964 = arith.constant 0 : i32
        %dma_start3A_965 = arith.constant 0 : i32
        %dma_start3A_966 = tpu.memref_slice %arg7[%dma_start3A_957, %dma_start3A_964, %dma_start3A_965] : memref<16x32x128xf32, #tpu.memory_space<vmem>> -> memref<1x32x128xf32, #tpu.memory_space<vmem>>
        %dma_start3A_967 = tpu.memref_squeeze %dma_start3A_966 : memref<1x32x128xf32, #tpu.memory_space<vmem>> -> memref<32x128xf32, #tpu.memory_space<vmem>>
        %dma_start3A_968 = arith.constant 0 : i32
        %dma_start3A_969 = tpu.memref_slice %arg3[%dma_start3A_968, %multiple_of3A_956] : memref<32x1000000xf32, #tpu.memory_space<hbm>> -> memref<32x128xf32, #tpu.memory_space<hbm>>
        tpu.enqueue_dma source(%dma_start3A_969 : memref<32x128xf32, #tpu.memory_space<hbm>>) target(%dma_start3A_967 : memref<32x128xf32, #tpu.memory_space<vmem>>) target_semaphore(%arg8 : memref<!tpu.dma_semaphore, #tpu.memory_space<semaphore_mem>>)
        %slice3A_970 = vector.extract_strided_slice %get3A_336 {offsets = [2], sizes = [1], strides = [1]} : vector<16xi32> to vector<1xi32>
        %squeeze3A_971 = vector.extract %slice3A_970[0] : i32 from vector<1xi32>
        %shift_right_arithmetic3A_972 = arith.constant 7 : i32
        %shift_right_arithmetic3A_973 = arith.shrsi %squeeze3A_971, %shift_right_arithmetic3A_972 : i32
        %mul3A_974 = arith.constant 128 : i32
        %mul3A_975 = arith.muli %shift_right_arithmetic3A_973, %mul3A_974 : i32
        %multiple_of3A_976 = tpu.assume_multiple %mul3A_975, 128 : i32
        %dma_start3A_977 = arith.constant 2 : i32
        %dma_start3A_978 = arith.constant 0 : i32
        %dma_start3A_979 = arith.constant 0 : i32
        %dma_start3A_980 = tpu.memref_slice %arg7[%dma_start3A_977, %dma_start3A_978, %dma_start3A_979] : memref<16x32x128xf32, #tpu.memory_space<vmem>> -> memref<1x32x128xf32, #tpu.memory_space<vmem>>
        %dma_start3A_981 = tpu.memref_squeeze %dma_start3A_980 : memref<1x32x128xf32, #tpu.memory_space<vmem>> -> memref<32x128xf32, #tpu.memory_space<vmem>>
        %dma_start3A_982 = arith.constant 0 : i32
        %dma_start3A_983 = tpu.memref_slice %arg3[%dma_start3A_982, %multiple_of3A_976] : memref<32x1000000xf32, #tpu.memory_space<hbm>> -> memref<32x128xf32, #tpu.memory_space<hbm>>
        %dma_start3A_984 = arith.constant 0 : i32
        %dma_start3A_985 = arith.constant 0 : i32
        %dma_start3A_986 = tpu.memref_slice %arg7[%dma_start3A_977, %dma_start3A_984, %dma_start3A_985] : memref<16x32x128xf32, #tpu.memory_space<vmem>> -> memref<1x32x128xf32, #tpu.memory_space<vmem>>
        %dma_start3A_987 = tpu.memref_squeeze %dma_start3A_986 : memref<1x32x128xf32, #tpu.memory_space<vmem>> -> memref<32x128xf32, #tpu.memory_space<vmem>>
        %dma_start3A_988 = arith.constant 0 : i32
        %dma_start3A_989 = tpu.memref_slice %arg3[%dma_start3A_988, %multiple_of3A_976] : memref<32x1000000xf32, #tpu.memory_space<hbm>> -> memref<32x128xf32, #tpu.memory_space<hbm>>
        tpu.enqueue_dma source(%dma_start3A_989 : memref<32x128xf32, #tpu.memory_space<hbm>>) target(%dma_start3A_987 : memref<32x128xf32, #tpu.memory_space<vmem>>) target_semaphore(%arg8 : memref<!tpu.dma_semaphore, #tpu.memory_space<semaphore_mem>>)
        %slice3A_990 = vector.extract_strided_slice %get3A_336 {offsets = [3], sizes = [1], strides = [1]} : vector<16xi32> to vector<1xi32>
        %squeeze3A_991 = vector.extract %slice3A_990[0] : i32 from vector<1xi32>
        %shift_right_arithmetic3A_992 = arith.constant 7 : i32
        %shift_right_arithmetic3A_993 = arith.shrsi %squeeze3A_991, %shift_right_arithmetic3A_992 : i32
        %mul3A_994 = arith.constant 128 : i32
        %mul3A_995 = arith.muli %shift_right_arithmetic3A_993, %mul3A_994 : i32
        %multiple_of3A_996 = tpu.assume_multiple %mul3A_995, 128 : i32
        %dma_start3A_997 = arith.constant 3 : i32
        %dma_start3A_998 = arith.constant 0 : i32
        %dma_start3A_999 = arith.constant 0 : i32
        %dma_start3A_1000 = tpu.memref_slice %arg7[%dma_start3A_997, %dma_start3A_998, %dma_start3A_999] : memref<16x32x128xf32, #tpu.memory_space<vmem>> -> memref<1x32x128xf32, #tpu.memory_space<vmem>>
        %dma_start3A_1001 = tpu.memref_squeeze %dma_start3A_1000 : memref<1x32x128xf32, #tpu.memory_space<vmem>> -> memref<32x128xf32, #tpu.memory_space<vmem>>
        %dma_start3A_1002 = arith.constant 0 : i32
        %dma_start3A_1003 = tpu.memref_slice %arg3[%dma_start3A_1002, %multiple_of3A_996] : memref<32x1000000xf32, #tpu.memory_space<hbm>> -> memref<32x128xf32, #tpu.memory_space<hbm>>
        %dma_start3A_1004 = arith.constant 0 : i32
        %dma_start3A_1005 = arith.constant 0 : i32
        %dma_start3A_1006 = tpu.memref_slice %arg7[%dma_start3A_997, %dma_start3A_1004, %dma_start3A_1005] : memref<16x32x128xf32, #tpu.memory_space<vmem>> -> memref<1x32x128xf32, #tpu.memory_space<vmem>>
        %dma_start3A_1007 = tpu.memref_squeeze %dma_start3A_1006 : memref<1x32x128xf32, #tpu.memory_space<vmem>> -> memref<32x128xf32, #tpu.memory_space<vmem>>
        %dma_start3A_1008 = arith.constant 0 : i32
        %dma_start3A_1009 = tpu.memref_slice %arg3[%dma_start3A_1008, %multiple_of3A_996] : memref<32x1000000xf32, #tpu.memory_space<hbm>> -> memref<32x128xf32, #tpu.memory_space<hbm>>
        tpu.enqueue_dma source(%dma_start3A_1009 : memref<32x128xf32, #tpu.memory_space<hbm>>) target(%dma_start3A_1007 : memref<32x128xf32, #tpu.memory_space<vmem>>) target_semaphore(%arg8 : memref<!tpu.dma_semaphore, #tpu.memory_space<semaphore_mem>>)
        %slice3A_1010 = vector.extract_strided_slice %get3A_336 {offsets = [4], sizes = [1], strides = [1]} : vector<16xi32> to vector<1xi32>
        %squeeze3A_1011 = vector.extract %slice3A_1010[0] : i32 from vector<1xi32>
        %shift_right_arithmetic3A_1012 = arith.constant 7 : i32
        %shift_right_arithmetic3A_1013 = arith.shrsi %squeeze3A_1011, %shift_right_arithmetic3A_1012 : i32
        %mul3A_1014 = arith.constant 128 : i32
        %mul3A_1015 = arith.muli %shift_right_arithmetic3A_1013, %mul3A_1014 : i32
        %multiple_of3A_1016 = tpu.assume_multiple %mul3A_1015, 128 : i32
        %dma_start3A_1017 = arith.constant 4 : i32
        %dma_start3A_1018 = arith.constant 0 : i32
        %dma_start3A_1019 = arith.constant 0 : i32
        %dma_start3A_1020 = tpu.memref_slice %arg7[%dma_start3A_1017, %dma_start3A_1018, %dma_start3A_1019] : memref<16x32x128xf32, #tpu.memory_space<vmem>> -> memref<1x32x128xf32, #tpu.memory_space<vmem>>
        %dma_start3A_1021 = tpu.memref_squeeze %dma_start3A_1020 : memref<1x32x128xf32, #tpu.memory_space<vmem>> -> memref<32x128xf32, #tpu.memory_space<vmem>>
        %dma_start3A_1022 = arith.constant 0 : i32
        %dma_start3A_1023 = tpu.memref_slice %arg3[%dma_start3A_1022, %multiple_of3A_1016] : memref<32x1000000xf32, #tpu.memory_space<hbm>> -> memref<32x128xf32, #tpu.memory_space<hbm>>
        %dma_start3A_1024 = arith.constant 0 : i32
        %dma_start3A_1025 = arith.constant 0 : i32
        %dma_start3A_1026 = tpu.memref_slice %arg7[%dma_start3A_1017, %dma_start3A_1024, %dma_start3A_1025] : memref<16x32x128xf32, #tpu.memory_space<vmem>> -> memref<1x32x128xf32, #tpu.memory_space<vmem>>
        %dma_start3A_1027 = tpu.memref_squeeze %dma_start3A_1026 : memref<1x32x128xf32, #tpu.memory_space<vmem>> -> memref<32x128xf32, #tpu.memory_space<vmem>>
        %dma_start3A_1028 = arith.constant 0 : i32
        %dma_start3A_1029 = tpu.memref_slice %arg3[%dma_start3A_1028, %multiple_of3A_1016] : memref<32x1000000xf32, #tpu.memory_space<hbm>> -> memref<32x128xf32, #tpu.memory_space<hbm>>
        tpu.enqueue_dma source(%dma_start3A_1029 : memref<32x128xf32, #tpu.memory_space<hbm>>) target(%dma_start3A_1027 : memref<32x128xf32, #tpu.memory_space<vmem>>) target_semaphore(%arg8 : memref<!tpu.dma_semaphore, #tpu.memory_space<semaphore_mem>>)
        %slice3A_1030 = vector.extract_strided_slice %get3A_336 {offsets = [5], sizes = [1], strides = [1]} : vector<16xi32> to vector<1xi32>
        %squeeze3A_1031 = vector.extract %slice3A_1030[0] : i32 from vector<1xi32>
        %shift_right_arithmetic3A_1032 = arith.constant 7 : i32
        %shift_right_arithmetic3A_1033 = arith.shrsi %squeeze3A_1031, %shift_right_arithmetic3A_1032 : i32
        %mul3A_1034 = arith.constant 128 : i32
        %mul3A_1035 = arith.muli %shift_right_arithmetic3A_1033, %mul3A_1034 : i32
        %multiple_of3A_1036 = tpu.assume_multiple %mul3A_1035, 128 : i32
        %dma_start3A_1037 = arith.constant 5 : i32
        %dma_start3A_1038 = arith.constant 0 : i32
        %dma_start3A_1039 = arith.constant 0 : i32
        %dma_start3A_1040 = tpu.memref_slice %arg7[%dma_start3A_1037, %dma_start3A_1038, %dma_start3A_1039] : memref<16x32x128xf32, #tpu.memory_space<vmem>> -> memref<1x32x128xf32, #tpu.memory_space<vmem>>
        %dma_start3A_1041 = tpu.memref_squeeze %dma_start3A_1040 : memref<1x32x128xf32, #tpu.memory_space<vmem>> -> memref<32x128xf32, #tpu.memory_space<vmem>>
        %dma_start3A_1042 = arith.constant 0 : i32
        %dma_start3A_1043 = tpu.memref_slice %arg3[%dma_start3A_1042, %multiple_of3A_1036] : memref<32x1000000xf32, #tpu.memory_space<hbm>> -> memref<32x128xf32, #tpu.memory_space<hbm>>
        %dma_start3A_1044 = arith.constant 0 : i32
        %dma_start3A_1045 = arith.constant 0 : i32
        %dma_start3A_1046 = tpu.memref_slice %arg7[%dma_start3A_1037, %dma_start3A_1044, %dma_start3A_1045] : memref<16x32x128xf32, #tpu.memory_space<vmem>> -> memref<1x32x128xf32, #tpu.memory_space<vmem>>
        %dma_start3A_1047 = tpu.memref_squeeze %dma_start3A_1046 : memref<1x32x128xf32, #tpu.memory_space<vmem>> -> memref<32x128xf32, #tpu.memory_space<vmem>>
        %dma_start3A_1048 = arith.constant 0 : i32
        %dma_start3A_1049 = tpu.memref_slice %arg3[%dma_start3A_1048, %multiple_of3A_1036] : memref<32x1000000xf32, #tpu.memory_space<hbm>> -> memref<32x128xf32, #tpu.memory_space<hbm>>
        tpu.enqueue_dma source(%dma_start3A_1049 : memref<32x128xf32, #tpu.memory_space<hbm>>) target(%dma_start3A_1047 : memref<32x128xf32, #tpu.memory_space<vmem>>) target_semaphore(%arg8 : memref<!tpu.dma_semaphore, #tpu.memory_space<semaphore_mem>>)
        %slice3A_1050 = vector.extract_strided_slice %get3A_336 {offsets = [6], sizes = [1], strides = [1]} : vector<16xi32> to vector<1xi32>
        %squeeze3A_1051 = vector.extract %slice3A_1050[0] : i32 from vector<1xi32>
        %shift_right_arithmetic3A_1052 = arith.constant 7 : i32
        %shift_right_arithmetic3A_1053 = arith.shrsi %squeeze3A_1051, %shift_right_arithmetic3A_1052 : i32
        %mul3A_1054 = arith.constant 128 : i32
        %mul3A_1055 = arith.muli %shift_right_arithmetic3A_1053, %mul3A_1054 : i32
        %multiple_of3A_1056 = tpu.assume_multiple %mul3A_1055, 128 : i32
        %dma_start3A_1057 = arith.constant 6 : i32
        %dma_start3A_1058 = arith.constant 0 : i32
        %dma_start3A_1059 = arith.constant 0 : i32
        %dma_start3A_1060 = tpu.memref_slice %arg7[%dma_start3A_1057, %dma_start3A_1058, %dma_start3A_1059] : memref<16x32x128xf32, #tpu.memory_space<vmem>> -> memref<1x32x128xf32, #tpu.memory_space<vmem>>
        %dma_start3A_1061 = tpu.memref_squeeze %dma_start3A_1060 : memref<1x32x128xf32, #tpu.memory_space<vmem>> -> memref<32x128xf32, #tpu.memory_space<vmem>>
        %dma_start3A_1062 = arith.constant 0 : i32
        %dma_start3A_1063 = tpu.memref_slice %arg3[%dma_start3A_1062, %multiple_of3A_1056] : memref<32x1000000xf32, #tpu.memory_space<hbm>> -> memref<32x128xf32, #tpu.memory_space<hbm>>
        %dma_start3A_1064 = arith.constant 0 : i32
        %dma_start3A_1065 = arith.constant 0 : i32
        %dma_start3A_1066 = tpu.memref_slice %arg7[%dma_start3A_1057, %dma_start3A_1064, %dma_start3A_1065] : memref<16x32x128xf32, #tpu.memory_space<vmem>> -> memref<1x32x128xf32, #tpu.memory_space<vmem>>
        %dma_start3A_1067 = tpu.memref_squeeze %dma_start3A_1066 : memref<1x32x128xf32, #tpu.memory_space<vmem>> -> memref<32x128xf32, #tpu.memory_space<vmem>>
        %dma_start3A_1068 = arith.constant 0 : i32
        %dma_start3A_1069 = tpu.memref_slice %arg3[%dma_start3A_1068, %multiple_of3A_1056] : memref<32x1000000xf32, #tpu.memory_space<hbm>> -> memref<32x128xf32, #tpu.memory_space<hbm>>
        tpu.enqueue_dma source(%dma_start3A_1069 : memref<32x128xf32, #tpu.memory_space<hbm>>) target(%dma_start3A_1067 : memref<32x128xf32, #tpu.memory_space<vmem>>) target_semaphore(%arg8 : memref<!tpu.dma_semaphore, #tpu.memory_space<semaphore_mem>>)
        %slice3A_1070 = vector.extract_strided_slice %get3A_336 {offsets = [7], sizes = [1], strides = [1]} : vector<16xi32> to vector<1xi32>
        %squeeze3A_1071 = vector.extract %slice3A_1070[0] : i32 from vector<1xi32>
        %shift_right_arithmetic3A_1072 = arith.constant 7 : i32
        %shift_right_arithmetic3A_1073 = arith.shrsi %squeeze3A_1071, %shift_right_arithmetic3A_1072 : i32
        %mul3A_1074 = arith.constant 128 : i32
        %mul3A_1075 = arith.muli %shift_right_arithmetic3A_1073, %mul3A_1074 : i32
        %multiple_of3A_1076 = tpu.assume_multiple %mul3A_1075, 128 : i32
        %dma_start3A_1077 = arith.constant 7 : i32
        %dma_start3A_1078 = arith.constant 0 : i32
        %dma_start3A_1079 = arith.constant 0 : i32
        %dma_start3A_1080 = tpu.memref_slice %arg7[%dma_start3A_1077, %dma_start3A_1078, %dma_start3A_1079] : memref<16x32x128xf32, #tpu.memory_space<vmem>> -> memref<1x32x128xf32, #tpu.memory_space<vmem>>
        %dma_start3A_1081 = tpu.memref_squeeze %dma_start3A_1080 : memref<1x32x128xf32, #tpu.memory_space<vmem>> -> memref<32x128xf32, #tpu.memory_space<vmem>>
        %dma_start3A_1082 = arith.constant 0 : i32
        %dma_start3A_1083 = tpu.memref_slice %arg3[%dma_start3A_1082, %multiple_of3A_1076] : memref<32x1000000xf32, #tpu.memory_space<hbm>> -> memref<32x128xf32, #tpu.memory_space<hbm>>
        %dma_start3A_1084 = arith.constant 0 : i32
        %dma_start3A_1085 = arith.constant 0 : i32
        %dma_start3A_1086 = tpu.memref_slice %arg7[%dma_start3A_1077, %dma_start3A_1084, %dma_start3A_1085] : memref<16x32x128xf32, #tpu.memory_space<vmem>> -> memref<1x32x128xf32, #tpu.memory_space<vmem>>
        %dma_start3A_1087 = tpu.memref_squeeze %dma_start3A_1086 : memref<1x32x128xf32, #tpu.memory_space<vmem>> -> memref<32x128xf32, #tpu.memory_space<vmem>>
        %dma_start3A_1088 = arith.constant 0 : i32
        %dma_start3A_1089 = tpu.memref_slice %arg3[%dma_start3A_1088, %multiple_of3A_1076] : memref<32x1000000xf32, #tpu.memory_space<hbm>> -> memref<32x128xf32, #tpu.memory_space<hbm>>
        tpu.enqueue_dma source(%dma_start3A_1089 : memref<32x128xf32, #tpu.memory_space<hbm>>) target(%dma_start3A_1087 : memref<32x128xf32, #tpu.memory_space<vmem>>) target_semaphore(%arg8 : memref<!tpu.dma_semaphore, #tpu.memory_space<semaphore_mem>>)
      } else {
      }
      %dma_wait3A_631 = arith.constant 8 : i32
      %dma_wait3A_632 = arith.constant 0 : i32
      %dma_wait3A_633 = arith.constant 0 : i32
      %dma_wait3A_634 = tpu.memref_slice %arg7[%dma_wait3A_631, %dma_wait3A_632, %dma_wait3A_633] : memref<16x32x128xf32, #tpu.memory_space<vmem>> -> memref<1x32x128xf32, #tpu.memory_space<vmem>>
      %dma_wait3A_635 = tpu.memref_squeeze %dma_wait3A_634 : memref<1x32x128xf32, #tpu.memory_space<vmem>> -> memref<32x128xf32, #tpu.memory_space<vmem>>
      %dma_wait3A_636 = arith.constant 0 : i32
      %dma_wait3A_637 = arith.constant 0 : i32
      %dma_wait3A_638 = tpu.memref_slice %arg3[%dma_wait3A_636, %dma_wait3A_637] : memref<32x1000000xf32, #tpu.memory_space<hbm>> -> memref<32x128xf32, #tpu.memory_space<hbm>>
      %dma_wait3A_639 = arith.constant 0 : i32
      %dma_wait3A_640 = arith.constant 0 : i32
      %dma_wait3A_641 = tpu.memref_slice %arg7[%dma_wait3A_631, %dma_wait3A_639, %dma_wait3A_640] : memref<16x32x128xf32, #tpu.memory_space<vmem>> -> memref<1x32x128xf32, #tpu.memory_space<vmem>>
      %dma_wait3A_642 = tpu.memref_squeeze %dma_wait3A_641 : memref<1x32x128xf32, #tpu.memory_space<vmem>> -> memref<32x128xf32, #tpu.memory_space<vmem>>
      %dma_wait3A_643 = arith.constant 0 : i32
      %dma_wait3A_644 = arith.constant 0 : i32
      %dma_wait3A_645 = tpu.memref_slice %arg3[%dma_wait3A_643, %dma_wait3A_644] : memref<32x1000000xf32, #tpu.memory_space<hbm>> -> memref<32x128xf32, #tpu.memory_space<hbm>>
      tpu.wait_dma2 semaphore(%arg9 : memref<!tpu.dma_semaphore, #tpu.memory_space<semaphore_mem>>) src(%dma_wait3A_645 : memref<32x128xf32, #tpu.memory_space<hbm>>) dst(%dma_wait3A_642 : memref<32x128xf32, #tpu.memory_space<vmem>>)
      %dma_wait3A_646 = arith.constant 9 : i32
      %dma_wait3A_647 = arith.constant 0 : i32
      %dma_wait3A_648 = arith.constant 0 : i32
      %dma_wait3A_649 = tpu.memref_slice %arg7[%dma_wait3A_646, %dma_wait3A_647, %dma_wait3A_648] : memref<16x32x128xf32, #tpu.memory_space<vmem>> -> memref<1x32x128xf32, #tpu.memory_space<vmem>>
      %dma_wait3A_650 = tpu.memref_squeeze %dma_wait3A_649 : memref<1x32x128xf32, #tpu.memory_space<vmem>> -> memref<32x128xf32, #tpu.memory_space<vmem>>
      %dma_wait3A_651 = arith.constant 0 : i32
      %dma_wait3A_652 = arith.constant 0 : i32
      %dma_wait3A_653 = tpu.memref_slice %arg3[%dma_wait3A_651, %dma_wait3A_652] : memref<32x1000000xf32, #tpu.memory_space<hbm>> -> memref<32x128xf32, #tpu.memory_space<hbm>>
      %dma_wait3A_654 = arith.constant 0 : i32
      %dma_wait3A_655 = arith.constant 0 : i32
      %dma_wait3A_656 = tpu.memref_slice %arg7[%dma_wait3A_646, %dma_wait3A_654, %dma_wait3A_655] : memref<16x32x128xf32, #tpu.memory_space<vmem>> -> memref<1x32x128xf32, #tpu.memory_space<vmem>>
      %dma_wait3A_657 = tpu.memref_squeeze %dma_wait3A_656 : memref<1x32x128xf32, #tpu.memory_space<vmem>> -> memref<32x128xf32, #tpu.memory_space<vmem>>
      %dma_wait3A_658 = arith.constant 0 : i32
      %dma_wait3A_659 = arith.constant 0 : i32
      %dma_wait3A_660 = tpu.memref_slice %arg3[%dma_wait3A_658, %dma_wait3A_659] : memref<32x1000000xf32, #tpu.memory_space<hbm>> -> memref<32x128xf32, #tpu.memory_space<hbm>>
      tpu.wait_dma2 semaphore(%arg9 : memref<!tpu.dma_semaphore, #tpu.memory_space<semaphore_mem>>) src(%dma_wait3A_660 : memref<32x128xf32, #tpu.memory_space<hbm>>) dst(%dma_wait3A_657 : memref<32x128xf32, #tpu.memory_space<vmem>>)
      %dma_wait3A_661 = arith.constant 10 : i32
      %dma_wait3A_662 = arith.constant 0 : i32
      %dma_wait3A_663 = arith.constant 0 : i32
      %dma_wait3A_664 = tpu.memref_slice %arg7[%dma_wait3A_661, %dma_wait3A_662, %dma_wait3A_663] : memref<16x32x128xf32, #tpu.memory_space<vmem>> -> memref<1x32x128xf32, #tpu.memory_space<vmem>>
      %dma_wait3A_665 = tpu.memref_squeeze %dma_wait3A_664 : memref<1x32x128xf32, #tpu.memory_space<vmem>> -> memref<32x128xf32, #tpu.memory_space<vmem>>
      %dma_wait3A_666 = arith.constant 0 : i32
      %dma_wait3A_667 = arith.constant 0 : i32
      %dma_wait3A_668 = tpu.memref_slice %arg3[%dma_wait3A_666, %dma_wait3A_667] : memref<32x1000000xf32, #tpu.memory_space<hbm>> -> memref<32x128xf32, #tpu.memory_space<hbm>>
      %dma_wait3A_669 = arith.constant 0 : i32
      %dma_wait3A_670 = arith.constant 0 : i32
      %dma_wait3A_671 = tpu.memref_slice %arg7[%dma_wait3A_661, %dma_wait3A_669, %dma_wait3A_670] : memref<16x32x128xf32, #tpu.memory_space<vmem>> -> memref<1x32x128xf32, #tpu.memory_space<vmem>>
      %dma_wait3A_672 = tpu.memref_squeeze %dma_wait3A_671 : memref<1x32x128xf32, #tpu.memory_space<vmem>> -> memref<32x128xf32, #tpu.memory_space<vmem>>
      %dma_wait3A_673 = arith.constant 0 : i32
      %dma_wait3A_674 = arith.constant 0 : i32
      %dma_wait3A_675 = tpu.memref_slice %arg3[%dma_wait3A_673, %dma_wait3A_674] : memref<32x1000000xf32, #tpu.memory_space<hbm>> -> memref<32x128xf32, #tpu.memory_space<hbm>>
      tpu.wait_dma2 semaphore(%arg9 : memref<!tpu.dma_semaphore, #tpu.memory_space<semaphore_mem>>) src(%dma_wait3A_675 : memref<32x128xf32, #tpu.memory_space<hbm>>) dst(%dma_wait3A_672 : memref<32x128xf32, #tpu.memory_space<vmem>>)
      %dma_wait3A_676 = arith.constant 11 : i32
      %dma_wait3A_677 = arith.constant 0 : i32
      %dma_wait3A_678 = arith.constant 0 : i32
      %dma_wait3A_679 = tpu.memref_slice %arg7[%dma_wait3A_676, %dma_wait3A_677, %dma_wait3A_678] : memref<16x32x128xf32, #tpu.memory_space<vmem>> -> memref<1x32x128xf32, #tpu.memory_space<vmem>>
      %dma_wait3A_680 = tpu.memref_squeeze %dma_wait3A_679 : memref<1x32x128xf32, #tpu.memory_space<vmem>> -> memref<32x128xf32, #tpu.memory_space<vmem>>
      %dma_wait3A_681 = arith.constant 0 : i32
      %dma_wait3A_682 = arith.constant 0 : i32
      %dma_wait3A_683 = tpu.memref_slice %arg3[%dma_wait3A_681, %dma_wait3A_682] : memref<32x1000000xf32, #tpu.memory_space<hbm>> -> memref<32x128xf32, #tpu.memory_space<hbm>>
      %dma_wait3A_684 = arith.constant 0 : i32
      %dma_wait3A_685 = arith.constant 0 : i32
      %dma_wait3A_686 = tpu.memref_slice %arg7[%dma_wait3A_676, %dma_wait3A_684, %dma_wait3A_685] : memref<16x32x128xf32, #tpu.memory_space<vmem>> -> memref<1x32x128xf32, #tpu.memory_space<vmem>>
      %dma_wait3A_687 = tpu.memref_squeeze %dma_wait3A_686 : memref<1x32x128xf32, #tpu.memory_space<vmem>> -> memref<32x128xf32, #tpu.memory_space<vmem>>
      %dma_wait3A_688 = arith.constant 0 : i32
      %dma_wait3A_689 = arith.constant 0 : i32
      %dma_wait3A_690 = tpu.memref_slice %arg3[%dma_wait3A_688, %dma_wait3A_689] : memref<32x1000000xf32, #tpu.memory_space<hbm>> -> memref<32x128xf32, #tpu.memory_space<hbm>>
      tpu.wait_dma2 semaphore(%arg9 : memref<!tpu.dma_semaphore, #tpu.memory_space<semaphore_mem>>) src(%dma_wait3A_690 : memref<32x128xf32, #tpu.memory_space<hbm>>) dst(%dma_wait3A_687 : memref<32x128xf32, #tpu.memory_space<vmem>>)
      %dma_wait3A_691 = arith.constant 12 : i32
      %dma_wait3A_692 = arith.constant 0 : i32
      %dma_wait3A_693 = arith.constant 0 : i32
      %dma_wait3A_694 = tpu.memref_slice %arg7[%dma_wait3A_691, %dma_wait3A_692, %dma_wait3A_693] : memref<16x32x128xf32, #tpu.memory_space<vmem>> -> memref<1x32x128xf32, #tpu.memory_space<vmem>>
      %dma_wait3A_695 = tpu.memref_squeeze %dma_wait3A_694 : memref<1x32x128xf32, #tpu.memory_space<vmem>> -> memref<32x128xf32, #tpu.memory_space<vmem>>
      %dma_wait3A_696 = arith.constant 0 : i32
      %dma_wait3A_697 = arith.constant 0 : i32
      %dma_wait3A_698 = tpu.memref_slice %arg3[%dma_wait3A_696, %dma_wait3A_697] : memref<32x1000000xf32, #tpu.memory_space<hbm>> -> memref<32x128xf32, #tpu.memory_space<hbm>>
      %dma_wait3A_699 = arith.constant 0 : i32
      %dma_wait3A_700 = arith.constant 0 : i32
      %dma_wait3A_701 = tpu.memref_slice %arg7[%dma_wait3A_691, %dma_wait3A_699, %dma_wait3A_700] : memref<16x32x128xf32, #tpu.memory_space<vmem>> -> memref<1x32x128xf32, #tpu.memory_space<vmem>>
      %dma_wait3A_702 = tpu.memref_squeeze %dma_wait3A_701 : memref<1x32x128xf32, #tpu.memory_space<vmem>> -> memref<32x128xf32, #tpu.memory_space<vmem>>
      %dma_wait3A_703 = arith.constant 0 : i32
      %dma_wait3A_704 = arith.constant 0 : i32
      %dma_wait3A_705 = tpu.memref_slice %arg3[%dma_wait3A_703, %dma_wait3A_704] : memref<32x1000000xf32, #tpu.memory_space<hbm>> -> memref<32x128xf32, #tpu.memory_space<hbm>>
      tpu.wait_dma2 semaphore(%arg9 : memref<!tpu.dma_semaphore, #tpu.memory_space<semaphore_mem>>) src(%dma_wait3A_705 : memref<32x128xf32, #tpu.memory_space<hbm>>) dst(%dma_wait3A_702 : memref<32x128xf32, #tpu.memory_space<vmem>>)
      %dma_wait3A_706 = arith.constant 13 : i32
      %dma_wait3A_707 = arith.constant 0 : i32
      %dma_wait3A_708 = arith.constant 0 : i32
      %dma_wait3A_709 = tpu.memref_slice %arg7[%dma_wait3A_706, %dma_wait3A_707, %dma_wait3A_708] : memref<16x32x128xf32, #tpu.memory_space<vmem>> -> memref<1x32x128xf32, #tpu.memory_space<vmem>>
      %dma_wait3A_710 = tpu.memref_squeeze %dma_wait3A_709 : memref<1x32x128xf32, #tpu.memory_space<vmem>> -> memref<32x128xf32, #tpu.memory_space<vmem>>
      %dma_wait3A_711 = arith.constant 0 : i32
      %dma_wait3A_712 = arith.constant 0 : i32
      %dma_wait3A_713 = tpu.memref_slice %arg3[%dma_wait3A_711, %dma_wait3A_712] : memref<32x1000000xf32, #tpu.memory_space<hbm>> -> memref<32x128xf32, #tpu.memory_space<hbm>>
      %dma_wait3A_714 = arith.constant 0 : i32
      %dma_wait3A_715 = arith.constant 0 : i32
      %dma_wait3A_716 = tpu.memref_slice %arg7[%dma_wait3A_706, %dma_wait3A_714, %dma_wait3A_715] : memref<16x32x128xf32, #tpu.memory_space<vmem>> -> memref<1x32x128xf32, #tpu.memory_space<vmem>>
      %dma_wait3A_717 = tpu.memref_squeeze %dma_wait3A_716 : memref<1x32x128xf32, #tpu.memory_space<vmem>> -> memref<32x128xf32, #tpu.memory_space<vmem>>
      %dma_wait3A_718 = arith.constant 0 : i32
      %dma_wait3A_719 = arith.constant 0 : i32
      %dma_wait3A_720 = tpu.memref_slice %arg3[%dma_wait3A_718, %dma_wait3A_719] : memref<32x1000000xf32, #tpu.memory_space<hbm>> -> memref<32x128xf32, #tpu.memory_space<hbm>>
      tpu.wait_dma2 semaphore(%arg9 : memref<!tpu.dma_semaphore, #tpu.memory_space<semaphore_mem>>) src(%dma_wait3A_720 : memref<32x128xf32, #tpu.memory_space<hbm>>) dst(%dma_wait3A_717 : memref<32x128xf32, #tpu.memory_space<vmem>>)
      %dma_wait3A_721 = arith.constant 14 : i32
      %dma_wait3A_722 = arith.constant 0 : i32
      %dma_wait3A_723 = arith.constant 0 : i32
      %dma_wait3A_724 = tpu.memref_slice %arg7[%dma_wait3A_721, %dma_wait3A_722, %dma_wait3A_723] : memref<16x32x128xf32, #tpu.memory_space<vmem>> -> memref<1x32x128xf32, #tpu.memory_space<vmem>>
      %dma_wait3A_725 = tpu.memref_squeeze %dma_wait3A_724 : memref<1x32x128xf32, #tpu.memory_space<vmem>> -> memref<32x128xf32, #tpu.memory_space<vmem>>
      %dma_wait3A_726 = arith.constant 0 : i32
      %dma_wait3A_727 = arith.constant 0 : i32
      %dma_wait3A_728 = tpu.memref_slice %arg3[%dma_wait3A_726, %dma_wait3A_727] : memref<32x1000000xf32, #tpu.memory_space<hbm>> -> memref<32x128xf32, #tpu.memory_space<hbm>>
      %dma_wait3A_729 = arith.constant 0 : i32
      %dma_wait3A_730 = arith.constant 0 : i32
      %dma_wait3A_731 = tpu.memref_slice %arg7[%dma_wait3A_721, %dma_wait3A_729, %dma_wait3A_730] : memref<16x32x128xf32, #tpu.memory_space<vmem>> -> memref<1x32x128xf32, #tpu.memory_space<vmem>>
      %dma_wait3A_732 = tpu.memref_squeeze %dma_wait3A_731 : memref<1x32x128xf32, #tpu.memory_space<vmem>> -> memref<32x128xf32, #tpu.memory_space<vmem>>
      %dma_wait3A_733 = arith.constant 0 : i32
      %dma_wait3A_734 = arith.constant 0 : i32
      %dma_wait3A_735 = tpu.memref_slice %arg3[%dma_wait3A_733, %dma_wait3A_734] : memref<32x1000000xf32, #tpu.memory_space<hbm>> -> memref<32x128xf32, #tpu.memory_space<hbm>>
      tpu.wait_dma2 semaphore(%arg9 : memref<!tpu.dma_semaphore, #tpu.memory_space<semaphore_mem>>) src(%dma_wait3A_735 : memref<32x128xf32, #tpu.memory_space<hbm>>) dst(%dma_wait3A_732 : memref<32x128xf32, #tpu.memory_space<vmem>>)
      %dma_wait3A_736 = arith.constant 15 : i32
      %dma_wait3A_737 = arith.constant 0 : i32
      %dma_wait3A_738 = arith.constant 0 : i32
      %dma_wait3A_739 = tpu.memref_slice %arg7[%dma_wait3A_736, %dma_wait3A_737, %dma_wait3A_738] : memref<16x32x128xf32, #tpu.memory_space<vmem>> -> memref<1x32x128xf32, #tpu.memory_space<vmem>>
      %dma_wait3A_740 = tpu.memref_squeeze %dma_wait3A_739 : memref<1x32x128xf32, #tpu.memory_space<vmem>> -> memref<32x128xf32, #tpu.memory_space<vmem>>
      %dma_wait3A_741 = arith.constant 0 : i32
      %dma_wait3A_742 = arith.constant 0 : i32
      %dma_wait3A_743 = tpu.memref_slice %arg3[%dma_wait3A_741, %dma_wait3A_742] : memref<32x1000000xf32, #tpu.memory_space<hbm>> -> memref<32x128xf32, #tpu.memory_space<hbm>>
      %dma_wait3A_744 = arith.constant 0 : i32
      %dma_wait3A_745 = arith.constant 0 : i32
      %dma_wait3A_746 = tpu.memref_slice %arg7[%dma_wait3A_736, %dma_wait3A_744, %dma_wait3A_745] : memref<16x32x128xf32, #tpu.memory_space<vmem>> -> memref<1x32x128xf32, #tpu.memory_space<vmem>>
      %dma_wait3A_747 = tpu.memref_squeeze %dma_wait3A_746 : memref<1x32x128xf32, #tpu.memory_space<vmem>> -> memref<32x128xf32, #tpu.memory_space<vmem>>
      %dma_wait3A_748 = arith.constant 0 : i32
      %dma_wait3A_749 = arith.constant 0 : i32
      %dma_wait3A_750 = tpu.memref_slice %arg3[%dma_wait3A_748, %dma_wait3A_749] : memref<32x1000000xf32, #tpu.memory_space<hbm>> -> memref<32x128xf32, #tpu.memory_space<hbm>>
      tpu.wait_dma2 semaphore(%arg9 : memref<!tpu.dma_semaphore, #tpu.memory_space<semaphore_mem>>) src(%dma_wait3A_750 : memref<32x128xf32, #tpu.memory_space<hbm>>) dst(%dma_wait3A_747 : memref<32x128xf32, #tpu.memory_space<vmem>>)
      %slice3A_751 = vector.extract_strided_slice %scan3A_329 {offsets = [8], sizes = [1], strides = [1]} : vector<16xi32> to vector<1xi32>
      %squeeze3A_752 = vector.extract %slice3A_751[0] : i32 from vector<1xi32>
      %mul3A_753 = arith.constant 16 : i32
      %mul3A_754 = arith.muli %scan3A_328, %mul3A_753 : i32
      %add3A_755 = arith.constant 8 : i32
      %add3A_756 = arith.addi %mul3A_754, %add3A_755 : i32
      %and3A_757 = arith.constant 127 : i32
      %and3A_758 = arith.andi %squeeze3A_752, %and3A_757 : i32
      %broadcast_in_dim3A_759 = vector.broadcast %and3A_758 : i32 to vector<16xi32>
      %broadcast_in_dim3A_760 = vector.broadcast %add3A_756 : i32 to vector<16xi32>
      %gather3A_761 = arith.constant 8 : i32
      %gather3A_762 = arith.constant 0 : i32
      %gather3A_763 = arith.constant 0 : i32
      %gather3A_764 = tpu.memref_slice %arg7[%gather3A_761, %gather3A_762, %gather3A_763] : memref<16x32x128xf32, #tpu.memory_space<vmem>> -> memref<1x32x128xf32, #tpu.memory_space<vmem>>
      %gather3A_765 = tpu.memref_squeeze %gather3A_764 : memref<1x32x128xf32, #tpu.memory_space<vmem>> -> memref<32x128xf32, #tpu.memory_space<vmem>>
      %gather3A_766 = tpu.vector_load_idx %gather3A_765[%iota3A, %broadcast_in_dim3A_759] : memref<32x128xf32, #tpu.memory_space<vmem>>[vector<16xi32>, vector<16xi32>], vector<16xf32>,
      %gather3A_767 = arith.constant 8 : i32
      %gather3A_768 = arith.constant 0 : i32
      %gather3A_769 = arith.constant 0 : i32
      %gather3A_770 = tpu.memref_slice %arg7[%gather3A_767, %gather3A_768, %gather3A_769] : memref<16x32x128xf32, #tpu.memory_space<vmem>> -> memref<1x32x128xf32, #tpu.memory_space<vmem>>
      %gather3A_771 = tpu.memref_squeeze %gather3A_770 : memref<1x32x128xf32, #tpu.memory_space<vmem>> -> memref<32x128xf32, #tpu.memory_space<vmem>>
      %gather3A_772 = tpu.vector_load_idx %gather3A_771[%add3A_3, %broadcast_in_dim3A_759] : memref<32x128xf32, #tpu.memory_space<vmem>>[vector<16xi32>, vector<16xi32>], vector<16xf32>,
      tpu.vector_store_idx %arg6[%broadcast_in_dim3A_760, %iota3A], %gather3A_766 : memref<64x32xf32, #tpu.memory_space<vmem>>[vector<16xi32>, vector<16xi32>], vector<16xf32>,
      tpu.vector_store_idx %arg6[%broadcast_in_dim3A_760, %add3A_3], %gather3A_772 : memref<64x32xf32, #tpu.memory_space<vmem>>[vector<16xi32>, vector<16xi32>], vector<16xf32>,
      %slice3A_773 = vector.extract_strided_slice %scan3A_329 {offsets = [9], sizes = [1], strides = [1]} : vector<16xi32> to vector<1xi32>
      %squeeze3A_774 = vector.extract %slice3A_773[0] : i32 from vector<1xi32>
      %mul3A_775 = arith.constant 16 : i32
      %mul3A_776 = arith.muli %scan3A_328, %mul3A_775 : i32
      %add3A_777 = arith.constant 9 : i32
      %add3A_778 = arith.addi %mul3A_776, %add3A_777 : i32
      %and3A_779 = arith.constant 127 : i32
      %and3A_780 = arith.andi %squeeze3A_774, %and3A_779 : i32
      %broadcast_in_dim3A_781 = vector.broadcast %and3A_780 : i32 to vector<16xi32>
      %broadcast_in_dim3A_782 = vector.broadcast %add3A_778 : i32 to vector<16xi32>
      %gather3A_783 = arith.constant 9 : i32
      %gather3A_784 = arith.constant 0 : i32
      %gather3A_785 = arith.constant 0 : i32
      %gather3A_786 = tpu.memref_slice %arg7[%gather3A_783, %gather3A_784, %gather3A_785] : memref<16x32x128xf32, #tpu.memory_space<vmem>> -> memref<1x32x128xf32, #tpu.memory_space<vmem>>
      %gather3A_787 = tpu.memref_squeeze %gather3A_786 : memref<1x32x128xf32, #tpu.memory_space<vmem>> -> memref<32x128xf32, #tpu.memory_space<vmem>>
      %gather3A_788 = tpu.vector_load_idx %gather3A_787[%iota3A, %broadcast_in_dim3A_781] : memref<32x128xf32, #tpu.memory_space<vmem>>[vector<16xi32>, vector<16xi32>], vector<16xf32>,
      %gather3A_789 = arith.constant 9 : i32
      %gather3A_790 = arith.constant 0 : i32
      %gather3A_791 = arith.constant 0 : i32
      %gather3A_792 = tpu.memref_slice %arg7[%gather3A_789, %gather3A_790, %gather3A_791] : memref<16x32x128xf32, #tpu.memory_space<vmem>> -> memref<1x32x128xf32, #tpu.memory_space<vmem>>
      %gather3A_793 = tpu.memref_squeeze %gather3A_792 : memref<1x32x128xf32, #tpu.memory_space<vmem>> -> memref<32x128xf32, #tpu.memory_space<vmem>>
      %gather3A_794 = tpu.vector_load_idx %gather3A_793[%add3A_3, %broadcast_in_dim3A_781] : memref<32x128xf32, #tpu.memory_space<vmem>>[vector<16xi32>, vector<16xi32>], vector<16xf32>,
      tpu.vector_store_idx %arg6[%broadcast_in_dim3A_782, %iota3A], %gather3A_788 : memref<64x32xf32, #tpu.memory_space<vmem>>[vector<16xi32>, vector<16xi32>], vector<16xf32>,
      tpu.vector_store_idx %arg6[%broadcast_in_dim3A_782, %add3A_3], %gather3A_794 : memref<64x32xf32, #tpu.memory_space<vmem>>[vector<16xi32>, vector<16xi32>], vector<16xf32>,
      %slice3A_795 = vector.extract_strided_slice %scan3A_329 {offsets = [10], sizes = [1], strides = [1]} : vector<16xi32> to vector<1xi32>
      %squeeze3A_796 = vector.extract %slice3A_795[0] : i32 from vector<1xi32>
      %mul3A_797 = arith.constant 16 : i32
      %mul3A_798 = arith.muli %scan3A_328, %mul3A_797 : i32
      %add3A_799 = arith.constant 10 : i32
      %add3A_800 = arith.addi %mul3A_798, %add3A_799 : i32
      %and3A_801 = arith.constant 127 : i32
      %and3A_802 = arith.andi %squeeze3A_796, %and3A_801 : i32
      %broadcast_in_dim3A_803 = vector.broadcast %and3A_802 : i32 to vector<16xi32>
      %broadcast_in_dim3A_804 = vector.broadcast %add3A_800 : i32 to vector<16xi32>
      %gather3A_805 = arith.constant 10 : i32
      %gather3A_806 = arith.constant 0 : i32
      %gather3A_807 = arith.constant 0 : i32
      %gather3A_808 = tpu.memref_slice %arg7[%gather3A_805, %gather3A_806, %gather3A_807] : memref<16x32x128xf32, #tpu.memory_space<vmem>> -> memref<1x32x128xf32, #tpu.memory_space<vmem>>
      %gather3A_809 = tpu.memref_squeeze %gather3A_808 : memref<1x32x128xf32, #tpu.memory_space<vmem>> -> memref<32x128xf32, #tpu.memory_space<vmem>>
      %gather3A_810 = tpu.vector_load_idx %gather3A_809[%iota3A, %broadcast_in_dim3A_803] : memref<32x128xf32, #tpu.memory_space<vmem>>[vector<16xi32>, vector<16xi32>], vector<16xf32>,
      %gather3A_811 = arith.constant 10 : i32
      %gather3A_812 = arith.constant 0 : i32
      %gather3A_813 = arith.constant 0 : i32
      %gather3A_814 = tpu.memref_slice %arg7[%gather3A_811, %gather3A_812, %gather3A_813] : memref<16x32x128xf32, #tpu.memory_space<vmem>> -> memref<1x32x128xf32, #tpu.memory_space<vmem>>
      %gather3A_815 = tpu.memref_squeeze %gather3A_814 : memref<1x32x128xf32, #tpu.memory_space<vmem>> -> memref<32x128xf32, #tpu.memory_space<vmem>>
      %gather3A_816 = tpu.vector_load_idx %gather3A_815[%add3A_3, %broadcast_in_dim3A_803] : memref<32x128xf32, #tpu.memory_space<vmem>>[vector<16xi32>, vector<16xi32>], vector<16xf32>,
      tpu.vector_store_idx %arg6[%broadcast_in_dim3A_804, %iota3A], %gather3A_810 : memref<64x32xf32, #tpu.memory_space<vmem>>[vector<16xi32>, vector<16xi32>], vector<16xf32>,
      tpu.vector_store_idx %arg6[%broadcast_in_dim3A_804, %add3A_3], %gather3A_816 : memref<64x32xf32, #tpu.memory_space<vmem>>[vector<16xi32>, vector<16xi32>], vector<16xf32>,
      %slice3A_817 = vector.extract_strided_slice %scan3A_329 {offsets = [11], sizes = [1], strides = [1]} : vector<16xi32> to vector<1xi32>
      %squeeze3A_818 = vector.extract %slice3A_817[0] : i32 from vector<1xi32>
      %mul3A_819 = arith.constant 16 : i32
      %mul3A_820 = arith.muli %scan3A_328, %mul3A_819 : i32
      %add3A_821 = arith.constant 11 : i32
      %add3A_822 = arith.addi %mul3A_820, %add3A_821 : i32
      %and3A_823 = arith.constant 127 : i32
      %and3A_824 = arith.andi %squeeze3A_818, %and3A_823 : i32
      %broadcast_in_dim3A_825 = vector.broadcast %and3A_824 : i32 to vector<16xi32>
      %broadcast_in_dim3A_826 = vector.broadcast %add3A_822 : i32 to vector<16xi32>
      %gather3A_827 = arith.constant 11 : i32
      %gather3A_828 = arith.constant 0 : i32
      %gather3A_829 = arith.constant 0 : i32
      %gather3A_830 = tpu.memref_slice %arg7[%gather3A_827, %gather3A_828, %gather3A_829] : memref<16x32x128xf32, #tpu.memory_space<vmem>> -> memref<1x32x128xf32, #tpu.memory_space<vmem>>
      %gather3A_831 = tpu.memref_squeeze %gather3A_830 : memref<1x32x128xf32, #tpu.memory_space<vmem>> -> memref<32x128xf32, #tpu.memory_space<vmem>>
      %gather3A_832 = tpu.vector_load_idx %gather3A_831[%iota3A, %broadcast_in_dim3A_825] : memref<32x128xf32, #tpu.memory_space<vmem>>[vector<16xi32>, vector<16xi32>], vector<16xf32>,
      %gather3A_833 = arith.constant 11 : i32
      %gather3A_834 = arith.constant 0 : i32
      %gather3A_835 = arith.constant 0 : i32
      %gather3A_836 = tpu.memref_slice %arg7[%gather3A_833, %gather3A_834, %gather3A_835] : memref<16x32x128xf32, #tpu.memory_space<vmem>> -> memref<1x32x128xf32, #tpu.memory_space<vmem>>
      %gather3A_837 = tpu.memref_squeeze %gather3A_836 : memref<1x32x128xf32, #tpu.memory_space<vmem>> -> memref<32x128xf32, #tpu.memory_space<vmem>>
      %gather3A_838 = tpu.vector_load_idx %gather3A_837[%add3A_3, %broadcast_in_dim3A_825] : memref<32x128xf32, #tpu.memory_space<vmem>>[vector<16xi32>, vector<16xi32>], vector<16xf32>,
      tpu.vector_store_idx %arg6[%broadcast_in_dim3A_826, %iota3A], %gather3A_832 : memref<64x32xf32, #tpu.memory_space<vmem>>[vector<16xi32>, vector<16xi32>], vector<16xf32>,
      tpu.vector_store_idx %arg6[%broadcast_in_dim3A_826, %add3A_3], %gather3A_838 : memref<64x32xf32, #tpu.memory_space<vmem>>[vector<16xi32>, vector<16xi32>], vector<16xf32>,
      %slice3A_839 = vector.extract_strided_slice %scan3A_329 {offsets = [12], sizes = [1], strides = [1]} : vector<16xi32> to vector<1xi32>
      %squeeze3A_840 = vector.extract %slice3A_839[0] : i32 from vector<1xi32>
      %mul3A_841 = arith.constant 16 : i32
      %mul3A_842 = arith.muli %scan3A_328, %mul3A_841 : i32
      %add3A_843 = arith.constant 12 : i32
      %add3A_844 = arith.addi %mul3A_842, %add3A_843 : i32
      %and3A_845 = arith.constant 127 : i32
      %and3A_846 = arith.andi %squeeze3A_840, %and3A_845 : i32
      %broadcast_in_dim3A_847 = vector.broadcast %and3A_846 : i32 to vector<16xi32>
      %broadcast_in_dim3A_848 = vector.broadcast %add3A_844 : i32 to vector<16xi32>
      %gather3A_849 = arith.constant 12 : i32
      %gather3A_850 = arith.constant 0 : i32
      %gather3A_851 = arith.constant 0 : i32
      %gather3A_852 = tpu.memref_slice %arg7[%gather3A_849, %gather3A_850, %gather3A_851] : memref<16x32x128xf32, #tpu.memory_space<vmem>> -> memref<1x32x128xf32, #tpu.memory_space<vmem>>
      %gather3A_853 = tpu.memref_squeeze %gather3A_852 : memref<1x32x128xf32, #tpu.memory_space<vmem>> -> memref<32x128xf32, #tpu.memory_space<vmem>>
      %gather3A_854 = tpu.vector_load_idx %gather3A_853[%iota3A, %broadcast_in_dim3A_847] : memref<32x128xf32, #tpu.memory_space<vmem>>[vector<16xi32>, vector<16xi32>], vector<16xf32>,
      %gather3A_855 = arith.constant 12 : i32
      %gather3A_856 = arith.constant 0 : i32
      %gather3A_857 = arith.constant 0 : i32
      %gather3A_858 = tpu.memref_slice %arg7[%gather3A_855, %gather3A_856, %gather3A_857] : memref<16x32x128xf32, #tpu.memory_space<vmem>> -> memref<1x32x128xf32, #tpu.memory_space<vmem>>
      %gather3A_859 = tpu.memref_squeeze %gather3A_858 : memref<1x32x128xf32, #tpu.memory_space<vmem>> -> memref<32x128xf32, #tpu.memory_space<vmem>>
      %gather3A_860 = tpu.vector_load_idx %gather3A_859[%add3A_3, %broadcast_in_dim3A_847] : memref<32x128xf32, #tpu.memory_space<vmem>>[vector<16xi32>, vector<16xi32>], vector<16xf32>,
      tpu.vector_store_idx %arg6[%broadcast_in_dim3A_848, %iota3A], %gather3A_854 : memref<64x32xf32, #tpu.memory_space<vmem>>[vector<16xi32>, vector<16xi32>], vector<16xf32>,
      tpu.vector_store_idx %arg6[%broadcast_in_dim3A_848, %add3A_3], %gather3A_860 : memref<64x32xf32, #tpu.memory_space<vmem>>[vector<16xi32>, vector<16xi32>], vector<16xf32>,
      %slice3A_861 = vector.extract_strided_slice %scan3A_329 {offsets = [13], sizes = [1], strides = [1]} : vector<16xi32> to vector<1xi32>
      %squeeze3A_862 = vector.extract %slice3A_861[0] : i32 from vector<1xi32>
      %mul3A_863 = arith.constant 16 : i32
      %mul3A_864 = arith.muli %scan3A_328, %mul3A_863 : i32
      %add3A_865 = arith.constant 13 : i32
      %add3A_866 = arith.addi %mul3A_864, %add3A_865 : i32
      %and3A_867 = arith.constant 127 : i32
      %and3A_868 = arith.andi %squeeze3A_862, %and3A_867 : i32
      %broadcast_in_dim3A_869 = vector.broadcast %and3A_868 : i32 to vector<16xi32>
      %broadcast_in_dim3A_870 = vector.broadcast %add3A_866 : i32 to vector<16xi32>
      %gather3A_871 = arith.constant 13 : i32
      %gather3A_872 = arith.constant 0 : i32
      %gather3A_873 = arith.constant 0 : i32
      %gather3A_874 = tpu.memref_slice %arg7[%gather3A_871, %gather3A_872, %gather3A_873] : memref<16x32x128xf32, #tpu.memory_space<vmem>> -> memref<1x32x128xf32, #tpu.memory_space<vmem>>
      %gather3A_875 = tpu.memref_squeeze %gather3A_874 : memref<1x32x128xf32, #tpu.memory_space<vmem>> -> memref<32x128xf32, #tpu.memory_space<vmem>>
      %gather3A_876 = tpu.vector_load_idx %gather3A_875[%iota3A, %broadcast_in_dim3A_869] : memref<32x128xf32, #tpu.memory_space<vmem>>[vector<16xi32>, vector<16xi32>], vector<16xf32>,
      %gather3A_877 = arith.constant 13 : i32
      %gather3A_878 = arith.constant 0 : i32
      %gather3A_879 = arith.constant 0 : i32
      %gather3A_880 = tpu.memref_slice %arg7[%gather3A_877, %gather3A_878, %gather3A_879] : memref<16x32x128xf32, #tpu.memory_space<vmem>> -> memref<1x32x128xf32, #tpu.memory_space<vmem>>
      %gather3A_881 = tpu.memref_squeeze %gather3A_880 : memref<1x32x128xf32, #tpu.memory_space<vmem>> -> memref<32x128xf32, #tpu.memory_space<vmem>>
      %gather3A_882 = tpu.vector_load_idx %gather3A_881[%add3A_3, %broadcast_in_dim3A_869] : memref<32x128xf32, #tpu.memory_space<vmem>>[vector<16xi32>, vector<16xi32>], vector<16xf32>,
      tpu.vector_store_idx %arg6[%broadcast_in_dim3A_870, %iota3A], %gather3A_876 : memref<64x32xf32, #tpu.memory_space<vmem>>[vector<16xi32>, vector<16xi32>], vector<16xf32>,
      tpu.vector_store_idx %arg6[%broadcast_in_dim3A_870, %add3A_3], %gather3A_882 : memref<64x32xf32, #tpu.memory_space<vmem>>[vector<16xi32>, vector<16xi32>], vector<16xf32>,
      %slice3A_883 = vector.extract_strided_slice %scan3A_329 {offsets = [14], sizes = [1], strides = [1]} : vector<16xi32> to vector<1xi32>
      %squeeze3A_884 = vector.extract %slice3A_883[0] : i32 from vector<1xi32>
      %mul3A_885 = arith.constant 16 : i32
      %mul3A_886 = arith.muli %scan3A_328, %mul3A_885 : i32
      %add3A_887 = arith.constant 14 : i32
      %add3A_888 = arith.addi %mul3A_886, %add3A_887 : i32
      %and3A_889 = arith.constant 127 : i32
      %and3A_890 = arith.andi %squeeze3A_884, %and3A_889 : i32
      %broadcast_in_dim3A_891 = vector.broadcast %and3A_890 : i32 to vector<16xi32>
      %broadcast_in_dim3A_892 = vector.broadcast %add3A_888 : i32 to vector<16xi32>
      %gather3A_893 = arith.constant 14 : i32
      %gather3A_894 = arith.constant 0 : i32
      %gather3A_895 = arith.constant 0 : i32
      %gather3A_896 = tpu.memref_slice %arg7[%gather3A_893, %gather3A_894, %gather3A_895] : memref<16x32x128xf32, #tpu.memory_space<vmem>> -> memref<1x32x128xf32, #tpu.memory_space<vmem>>
      %gather3A_897 = tpu.memref_squeeze %gather3A_896 : memref<1x32x128xf32, #tpu.memory_space<vmem>> -> memref<32x128xf32, #tpu.memory_space<vmem>>
      %gather3A_898 = tpu.vector_load_idx %gather3A_897[%iota3A, %broadcast_in_dim3A_891] : memref<32x128xf32, #tpu.memory_space<vmem>>[vector<16xi32>, vector<16xi32>], vector<16xf32>,
      %gather3A_899 = arith.constant 14 : i32
      %gather3A_900 = arith.constant 0 : i32
      %gather3A_901 = arith.constant 0 : i32
      %gather3A_902 = tpu.memref_slice %arg7[%gather3A_899, %gather3A_900, %gather3A_901] : memref<16x32x128xf32, #tpu.memory_space<vmem>> -> memref<1x32x128xf32, #tpu.memory_space<vmem>>
      %gather3A_903 = tpu.memref_squeeze %gather3A_902 : memref<1x32x128xf32, #tpu.memory_space<vmem>> -> memref<32x128xf32, #tpu.memory_space<vmem>>
      %gather3A_904 = tpu.vector_load_idx %gather3A_903[%add3A_3, %broadcast_in_dim3A_891] : memref<32x128xf32, #tpu.memory_space<vmem>>[vector<16xi32>, vector<16xi32>], vector<16xf32>,
      tpu.vector_store_idx %arg6[%broadcast_in_dim3A_892, %iota3A], %gather3A_898 : memref<64x32xf32, #tpu.memory_space<vmem>>[vector<16xi32>, vector<16xi32>], vector<16xf32>,
      tpu.vector_store_idx %arg6[%broadcast_in_dim3A_892, %add3A_3], %gather3A_904 : memref<64x32xf32, #tpu.memory_space<vmem>>[vector<16xi32>, vector<16xi32>], vector<16xf32>,
      %slice3A_905 = vector.extract_strided_slice %scan3A_329 {offsets = [15], sizes = [1], strides = [1]} : vector<16xi32> to vector<1xi32>
      %squeeze3A_906 = vector.extract %slice3A_905[0] : i32 from vector<1xi32>
      %mul3A_907 = arith.constant 16 : i32
      %mul3A_908 = arith.muli %scan3A_328, %mul3A_907 : i32
      %add3A_909 = arith.constant 15 : i32
      %add3A_910 = arith.addi %mul3A_908, %add3A_909 : i32
      %and3A_911 = arith.constant 127 : i32
      %and3A_912 = arith.andi %squeeze3A_906, %and3A_911 : i32
      %broadcast_in_dim3A_913 = vector.broadcast %and3A_912 : i32 to vector<16xi32>
      %broadcast_in_dim3A_914 = vector.broadcast %add3A_910 : i32 to vector<16xi32>
      %gather3A_915 = arith.constant 15 : i32
      %gather3A_916 = arith.constant 0 : i32
      %gather3A_917 = arith.constant 0 : i32
      %gather3A_918 = tpu.memref_slice %arg7[%gather3A_915, %gather3A_916, %gather3A_917] : memref<16x32x128xf32, #tpu.memory_space<vmem>> -> memref<1x32x128xf32, #tpu.memory_space<vmem>>
      %gather3A_919 = tpu.memref_squeeze %gather3A_918 : memref<1x32x128xf32, #tpu.memory_space<vmem>> -> memref<32x128xf32, #tpu.memory_space<vmem>>
      %gather3A_920 = tpu.vector_load_idx %gather3A_919[%iota3A, %broadcast_in_dim3A_913] : memref<32x128xf32, #tpu.memory_space<vmem>>[vector<16xi32>, vector<16xi32>], vector<16xf32>,
      %gather3A_921 = arith.constant 15 : i32
      %gather3A_922 = arith.constant 0 : i32
      %gather3A_923 = arith.constant 0 : i32
      %gather3A_924 = tpu.memref_slice %arg7[%gather3A_921, %gather3A_922, %gather3A_923] : memref<16x32x128xf32, #tpu.memory_space<vmem>> -> memref<1x32x128xf32, #tpu.memory_space<vmem>>
      %gather3A_925 = tpu.memref_squeeze %gather3A_924 : memref<1x32x128xf32, #tpu.memory_space<vmem>> -> memref<32x128xf32, #tpu.memory_space<vmem>>
      %gather3A_926 = tpu.vector_load_idx %gather3A_925[%add3A_3, %broadcast_in_dim3A_913] : memref<32x128xf32, #tpu.memory_space<vmem>>[vector<16xi32>, vector<16xi32>], vector<16xf32>,
      tpu.vector_store_idx %arg6[%broadcast_in_dim3A_914, %iota3A], %gather3A_920 : memref<64x32xf32, #tpu.memory_space<vmem>>[vector<16xi32>, vector<16xi32>], vector<16xf32>,
      tpu.vector_store_idx %arg6[%broadcast_in_dim3A_914, %add3A_3], %gather3A_926 : memref<64x32xf32, #tpu.memory_space<vmem>>[vector<16xi32>, vector<16xi32>], vector<16xf32>,
      %convert_element_type3A_927 = arith.extui %lt3A_337 : i1 to i32
      %cond3A_928 = arith.constant 0 : i32
      %cond3A_929 = arith.cmpi ne, %convert_element_type3A_927, %cond3A_928 : i32
      scf.if %cond3A_929 {
        %slice3A_930 = vector.extract_strided_slice %get3A_336 {offsets = [8], sizes = [1], strides = [1]} : vector<16xi32> to vector<1xi32>
        %squeeze3A_931 = vector.extract %slice3A_930[0] : i32 from vector<1xi32>
        %shift_right_arithmetic3A_932 = arith.constant 7 : i32
        %shift_right_arithmetic3A_933 = arith.shrsi %squeeze3A_931, %shift_right_arithmetic3A_932 : i32
        %mul3A_934 = arith.constant 128 : i32
        %mul3A_935 = arith.muli %shift_right_arithmetic3A_933, %mul3A_934 : i32
        %multiple_of3A_936 = tpu.assume_multiple %mul3A_935, 128 : i32
        %dma_start3A_937 = arith.constant 8 : i32
        %dma_start3A_938 = arith.constant 0 : i32
        %dma_start3A_939 = arith.constant 0 : i32
        %dma_start3A_940 = tpu.memref_slice %arg7[%dma_start3A_937, %dma_start3A_938, %dma_start3A_939] : memref<16x32x128xf32, #tpu.memory_space<vmem>> -> memref<1x32x128xf32, #tpu.memory_space<vmem>>
        %dma_start3A_941 = tpu.memref_squeeze %dma_start3A_940 : memref<1x32x128xf32, #tpu.memory_space<vmem>> -> memref<32x128xf32, #tpu.memory_space<vmem>>
        %dma_start3A_942 = arith.constant 0 : i32
        %dma_start3A_943 = tpu.memref_slice %arg3[%dma_start3A_942, %multiple_of3A_936] : memref<32x1000000xf32, #tpu.memory_space<hbm>> -> memref<32x128xf32, #tpu.memory_space<hbm>>
        %dma_start3A_944 = arith.constant 0 : i32
        %dma_start3A_945 = arith.constant 0 : i32
        %dma_start3A_946 = tpu.memref_slice %arg7[%dma_start3A_937, %dma_start3A_944, %dma_start3A_945] : memref<16x32x128xf32, #tpu.memory_space<vmem>> -> memref<1x32x128xf32, #tpu.memory_space<vmem>>
        %dma_start3A_947 = tpu.memref_squeeze %dma_start3A_946 : memref<1x32x128xf32, #tpu.memory_space<vmem>> -> memref<32x128xf32, #tpu.memory_space<vmem>>
        %dma_start3A_948 = arith.constant 0 : i32
        %dma_start3A_949 = tpu.memref_slice %arg3[%dma_start3A_948, %multiple_of3A_936] : memref<32x1000000xf32, #tpu.memory_space<hbm>> -> memref<32x128xf32, #tpu.memory_space<hbm>>
        tpu.enqueue_dma source(%dma_start3A_949 : memref<32x128xf32, #tpu.memory_space<hbm>>) target(%dma_start3A_947 : memref<32x128xf32, #tpu.memory_space<vmem>>) target_semaphore(%arg9 : memref<!tpu.dma_semaphore, #tpu.memory_space<semaphore_mem>>)
        %slice3A_950 = vector.extract_strided_slice %get3A_336 {offsets = [9], sizes = [1], strides = [1]} : vector<16xi32> to vector<1xi32>
        %squeeze3A_951 = vector.extract %slice3A_950[0] : i32 from vector<1xi32>
        %shift_right_arithmetic3A_952 = arith.constant 7 : i32
        %shift_right_arithmetic3A_953 = arith.shrsi %squeeze3A_951, %shift_right_arithmetic3A_952 : i32
        %mul3A_954 = arith.constant 128 : i32
        %mul3A_955 = arith.muli %shift_right_arithmetic3A_953, %mul3A_954 : i32
        %multiple_of3A_956 = tpu.assume_multiple %mul3A_955, 128 : i32
        %dma_start3A_957 = arith.constant 9 : i32
        %dma_start3A_958 = arith.constant 0 : i32
        %dma_start3A_959 = arith.constant 0 : i32
        %dma_start3A_960 = tpu.memref_slice %arg7[%dma_start3A_957, %dma_start3A_958, %dma_start3A_959] : memref<16x32x128xf32, #tpu.memory_space<vmem>> -> memref<1x32x128xf32, #tpu.memory_space<vmem>>
        %dma_start3A_961 = tpu.memref_squeeze %dma_start3A_960 : memref<1x32x128xf32, #tpu.memory_space<vmem>> -> memref<32x128xf32, #tpu.memory_space<vmem>>
        %dma_start3A_962 = arith.constant 0 : i32
        %dma_start3A_963 = tpu.memref_slice %arg3[%dma_start3A_962, %multiple_of3A_956] : memref<32x1000000xf32, #tpu.memory_space<hbm>> -> memref<32x128xf32, #tpu.memory_space<hbm>>
        %dma_start3A_964 = arith.constant 0 : i32
        %dma_start3A_965 = arith.constant 0 : i32
        %dma_start3A_966 = tpu.memref_slice %arg7[%dma_start3A_957, %dma_start3A_964, %dma_start3A_965] : memref<16x32x128xf32, #tpu.memory_space<vmem>> -> memref<1x32x128xf32, #tpu.memory_space<vmem>>
        %dma_start3A_967 = tpu.memref_squeeze %dma_start3A_966 : memref<1x32x128xf32, #tpu.memory_space<vmem>> -> memref<32x128xf32, #tpu.memory_space<vmem>>
        %dma_start3A_968 = arith.constant 0 : i32
        %dma_start3A_969 = tpu.memref_slice %arg3[%dma_start3A_968, %multiple_of3A_956] : memref<32x1000000xf32, #tpu.memory_space<hbm>> -> memref<32x128xf32, #tpu.memory_space<hbm>>
        tpu.enqueue_dma source(%dma_start3A_969 : memref<32x128xf32, #tpu.memory_space<hbm>>) target(%dma_start3A_967 : memref<32x128xf32, #tpu.memory_space<vmem>>) target_semaphore(%arg9 : memref<!tpu.dma_semaphore, #tpu.memory_space<semaphore_mem>>)
        %slice3A_970 = vector.extract_strided_slice %get3A_336 {offsets = [10], sizes = [1], strides = [1]} : vector<16xi32> to vector<1xi32>
        %squeeze3A_971 = vector.extract %slice3A_970[0] : i32 from vector<1xi32>
        %shift_right_arithmetic3A_972 = arith.constant 7 : i32
        %shift_right_arithmetic3A_973 = arith.shrsi %squeeze3A_971, %shift_right_arithmetic3A_972 : i32
        %mul3A_974 = arith.constant 128 : i32
        %mul3A_975 = arith.muli %shift_right_arithmetic3A_973, %mul3A_974 : i32
        %multiple_of3A_976 = tpu.assume_multiple %mul3A_975, 128 : i32
        %dma_start3A_977 = arith.constant 10 : i32
        %dma_start3A_978 = arith.constant 0 : i32
        %dma_start3A_979 = arith.constant 0 : i32
        %dma_start3A_980 = tpu.memref_slice %arg7[%dma_start3A_977, %dma_start3A_978, %dma_start3A_979] : memref<16x32x128xf32, #tpu.memory_space<vmem>> -> memref<1x32x128xf32, #tpu.memory_space<vmem>>
        %dma_start3A_981 = tpu.memref_squeeze %dma_start3A_980 : memref<1x32x128xf32, #tpu.memory_space<vmem>> -> memref<32x128xf32, #tpu.memory_space<vmem>>
        %dma_start3A_982 = arith.constant 0 : i32
        %dma_start3A_983 = tpu.memref_slice %arg3[%dma_start3A_982, %multiple_of3A_976] : memref<32x1000000xf32, #tpu.memory_space<hbm>> -> memref<32x128xf32, #tpu.memory_space<hbm>>
        %dma_start3A_984 = arith.constant 0 : i32
        %dma_start3A_985 = arith.constant 0 : i32
        %dma_start3A_986 = tpu.memref_slice %arg7[%dma_start3A_977, %dma_start3A_984, %dma_start3A_985] : memref<16x32x128xf32, #tpu.memory_space<vmem>> -> memref<1x32x128xf32, #tpu.memory_space<vmem>>
        %dma_start3A_987 = tpu.memref_squeeze %dma_start3A_986 : memref<1x32x128xf32, #tpu.memory_space<vmem>> -> memref<32x128xf32, #tpu.memory_space<vmem>>
        %dma_start3A_988 = arith.constant 0 : i32
        %dma_start3A_989 = tpu.memref_slice %arg3[%dma_start3A_988, %multiple_of3A_976] : memref<32x1000000xf32, #tpu.memory_space<hbm>> -> memref<32x128xf32, #tpu.memory_space<hbm>>
        tpu.enqueue_dma source(%dma_start3A_989 : memref<32x128xf32, #tpu.memory_space<hbm>>) target(%dma_start3A_987 : memref<32x128xf32, #tpu.memory_space<vmem>>) target_semaphore(%arg9 : memref<!tpu.dma_semaphore, #tpu.memory_space<semaphore_mem>>)
        %slice3A_990 = vector.extract_strided_slice %get3A_336 {offsets = [11], sizes = [1], strides = [1]} : vector<16xi32> to vector<1xi32>
        %squeeze3A_991 = vector.extract %slice3A_990[0] : i32 from vector<1xi32>
        %shift_right_arithmetic3A_992 = arith.constant 7 : i32
        %shift_right_arithmetic3A_993 = arith.shrsi %squeeze3A_991, %shift_right_arithmetic3A_992 : i32
        %mul3A_994 = arith.constant 128 : i32
        %mul3A_995 = arith.muli %shift_right_arithmetic3A_993, %mul3A_994 : i32
        %multiple_of3A_996 = tpu.assume_multiple %mul3A_995, 128 : i32
        %dma_start3A_997 = arith.constant 11 : i32
        %dma_start3A_998 = arith.constant 0 : i32
        %dma_start3A_999 = arith.constant 0 : i32
        %dma_start3A_1000 = tpu.memref_slice %arg7[%dma_start3A_997, %dma_start3A_998, %dma_start3A_999] : memref<16x32x128xf32, #tpu.memory_space<vmem>> -> memref<1x32x128xf32, #tpu.memory_space<vmem>>
        %dma_start3A_1001 = tpu.memref_squeeze %dma_start3A_1000 : memref<1x32x128xf32, #tpu.memory_space<vmem>> -> memref<32x128xf32, #tpu.memory_space<vmem>>
        %dma_start3A_1002 = arith.constant 0 : i32
        %dma_start3A_1003 = tpu.memref_slice %arg3[%dma_start3A_1002, %multiple_of3A_996] : memref<32x1000000xf32, #tpu.memory_space<hbm>> -> memref<32x128xf32, #tpu.memory_space<hbm>>
        %dma_start3A_1004 = arith.constant 0 : i32
        %dma_start3A_1005 = arith.constant 0 : i32
        %dma_start3A_1006 = tpu.memref_slice %arg7[%dma_start3A_997, %dma_start3A_1004, %dma_start3A_1005] : memref<16x32x128xf32, #tpu.memory_space<vmem>> -> memref<1x32x128xf32, #tpu.memory_space<vmem>>
        %dma_start3A_1007 = tpu.memref_squeeze %dma_start3A_1006 : memref<1x32x128xf32, #tpu.memory_space<vmem>> -> memref<32x128xf32, #tpu.memory_space<vmem>>
        %dma_start3A_1008 = arith.constant 0 : i32
        %dma_start3A_1009 = tpu.memref_slice %arg3[%dma_start3A_1008, %multiple_of3A_996] : memref<32x1000000xf32, #tpu.memory_space<hbm>> -> memref<32x128xf32, #tpu.memory_space<hbm>>
        tpu.enqueue_dma source(%dma_start3A_1009 : memref<32x128xf32, #tpu.memory_space<hbm>>) target(%dma_start3A_1007 : memref<32x128xf32, #tpu.memory_space<vmem>>) target_semaphore(%arg9 : memref<!tpu.dma_semaphore, #tpu.memory_space<semaphore_mem>>)
        %slice3A_1010 = vector.extract_strided_slice %get3A_336 {offsets = [12], sizes = [1], strides = [1]} : vector<16xi32> to vector<1xi32>
        %squeeze3A_1011 = vector.extract %slice3A_1010[0] : i32 from vector<1xi32>
        %shift_right_arithmetic3A_1012 = arith.constant 7 : i32
        %shift_right_arithmetic3A_1013 = arith.shrsi %squeeze3A_1011, %shift_right_arithmetic3A_1012 : i32
        %mul3A_1014 = arith.constant 128 : i32
        %mul3A_1015 = arith.muli %shift_right_arithmetic3A_1013, %mul3A_1014 : i32
        %multiple_of3A_1016 = tpu.assume_multiple %mul3A_1015, 128 : i32
        %dma_start3A_1017 = arith.constant 12 : i32
        %dma_start3A_1018 = arith.constant 0 : i32
        %dma_start3A_1019 = arith.constant 0 : i32
        %dma_start3A_1020 = tpu.memref_slice %arg7[%dma_start3A_1017, %dma_start3A_1018, %dma_start3A_1019] : memref<16x32x128xf32, #tpu.memory_space<vmem>> -> memref<1x32x128xf32, #tpu.memory_space<vmem>>
        %dma_start3A_1021 = tpu.memref_squeeze %dma_start3A_1020 : memref<1x32x128xf32, #tpu.memory_space<vmem>> -> memref<32x128xf32, #tpu.memory_space<vmem>>
        %dma_start3A_1022 = arith.constant 0 : i32
        %dma_start3A_1023 = tpu.memref_slice %arg3[%dma_start3A_1022, %multiple_of3A_1016] : memref<32x1000000xf32, #tpu.memory_space<hbm>> -> memref<32x128xf32, #tpu.memory_space<hbm>>
        %dma_start3A_1024 = arith.constant 0 : i32
        %dma_start3A_1025 = arith.constant 0 : i32
        %dma_start3A_1026 = tpu.memref_slice %arg7[%dma_start3A_1017, %dma_start3A_1024, %dma_start3A_1025] : memref<16x32x128xf32, #tpu.memory_space<vmem>> -> memref<1x32x128xf32, #tpu.memory_space<vmem>>
        %dma_start3A_1027 = tpu.memref_squeeze %dma_start3A_1026 : memref<1x32x128xf32, #tpu.memory_space<vmem>> -> memref<32x128xf32, #tpu.memory_space<vmem>>
        %dma_start3A_1028 = arith.constant 0 : i32
        %dma_start3A_1029 = tpu.memref_slice %arg3[%dma_start3A_1028, %multiple_of3A_1016] : memref<32x1000000xf32, #tpu.memory_space<hbm>> -> memref<32x128xf32, #tpu.memory_space<hbm>>
        tpu.enqueue_dma source(%dma_start3A_1029 : memref<32x128xf32, #tpu.memory_space<hbm>>) target(%dma_start3A_1027 : memref<32x128xf32, #tpu.memory_space<vmem>>) target_semaphore(%arg9 : memref<!tpu.dma_semaphore, #tpu.memory_space<semaphore_mem>>)
        %slice3A_1030 = vector.extract_strided_slice %get3A_336 {offsets = [13], sizes = [1], strides = [1]} : vector<16xi32> to vector<1xi32>
        %squeeze3A_1031 = vector.extract %slice3A_1030[0] : i32 from vector<1xi32>
        %shift_right_arithmetic3A_1032 = arith.constant 7 : i32
        %shift_right_arithmetic3A_1033 = arith.shrsi %squeeze3A_1031, %shift_right_arithmetic3A_1032 : i32
        %mul3A_1034 = arith.constant 128 : i32
        %mul3A_1035 = arith.muli %shift_right_arithmetic3A_1033, %mul3A_1034 : i32
        %multiple_of3A_1036 = tpu.assume_multiple %mul3A_1035, 128 : i32
        %dma_start3A_1037 = arith.constant 13 : i32
        %dma_start3A_1038 = arith.constant 0 : i32
        %dma_start3A_1039 = arith.constant 0 : i32
        %dma_start3A_1040 = tpu.memref_slice %arg7[%dma_start3A_1037, %dma_start3A_1038, %dma_start3A_1039] : memref<16x32x128xf32, #tpu.memory_space<vmem>> -> memref<1x32x128xf32, #tpu.memory_space<vmem>>
        %dma_start3A_1041 = tpu.memref_squeeze %dma_start3A_1040 : memref<1x32x128xf32, #tpu.memory_space<vmem>> -> memref<32x128xf32, #tpu.memory_space<vmem>>
        %dma_start3A_1042 = arith.constant 0 : i32
        %dma_start3A_1043 = tpu.memref_slice %arg3[%dma_start3A_1042, %multiple_of3A_1036] : memref<32x1000000xf32, #tpu.memory_space<hbm>> -> memref<32x128xf32, #tpu.memory_space<hbm>>
        %dma_start3A_1044 = arith.constant 0 : i32
        %dma_start3A_1045 = arith.constant 0 : i32
        %dma_start3A_1046 = tpu.memref_slice %arg7[%dma_start3A_1037, %dma_start3A_1044, %dma_start3A_1045] : memref<16x32x128xf32, #tpu.memory_space<vmem>> -> memref<1x32x128xf32, #tpu.memory_space<vmem>>
        %dma_start3A_1047 = tpu.memref_squeeze %dma_start3A_1046 : memref<1x32x128xf32, #tpu.memory_space<vmem>> -> memref<32x128xf32, #tpu.memory_space<vmem>>
        %dma_start3A_1048 = arith.constant 0 : i32
        %dma_start3A_1049 = tpu.memref_slice %arg3[%dma_start3A_1048, %multiple_of3A_1036] : memref<32x1000000xf32, #tpu.memory_space<hbm>> -> memref<32x128xf32, #tpu.memory_space<hbm>>
        tpu.enqueue_dma source(%dma_start3A_1049 : memref<32x128xf32, #tpu.memory_space<hbm>>) target(%dma_start3A_1047 : memref<32x128xf32, #tpu.memory_space<vmem>>) target_semaphore(%arg9 : memref<!tpu.dma_semaphore, #tpu.memory_space<semaphore_mem>>)
        %slice3A_1050 = vector.extract_strided_slice %get3A_336 {offsets = [14], sizes = [1], strides = [1]} : vector<16xi32> to vector<1xi32>
        %squeeze3A_1051 = vector.extract %slice3A_1050[0] : i32 from vector<1xi32>
        %shift_right_arithmetic3A_1052 = arith.constant 7 : i32
        %shift_right_arithmetic3A_1053 = arith.shrsi %squeeze3A_1051, %shift_right_arithmetic3A_1052 : i32
        %mul3A_1054 = arith.constant 128 : i32
        %mul3A_1055 = arith.muli %shift_right_arithmetic3A_1053, %mul3A_1054 : i32
        %multiple_of3A_1056 = tpu.assume_multiple %mul3A_1055, 128 : i32
        %dma_start3A_1057 = arith.constant 14 : i32
        %dma_start3A_1058 = arith.constant 0 : i32
        %dma_start3A_1059 = arith.constant 0 : i32
        %dma_start3A_1060 = tpu.memref_slice %arg7[%dma_start3A_1057, %dma_start3A_1058, %dma_start3A_1059] : memref<16x32x128xf32, #tpu.memory_space<vmem>> -> memref<1x32x128xf32, #tpu.memory_space<vmem>>
        %dma_start3A_1061 = tpu.memref_squeeze %dma_start3A_1060 : memref<1x32x128xf32, #tpu.memory_space<vmem>> -> memref<32x128xf32, #tpu.memory_space<vmem>>
        %dma_start3A_1062 = arith.constant 0 : i32
        %dma_start3A_1063 = tpu.memref_slice %arg3[%dma_start3A_1062, %multiple_of3A_1056] : memref<32x1000000xf32, #tpu.memory_space<hbm>> -> memref<32x128xf32, #tpu.memory_space<hbm>>
        %dma_start3A_1064 = arith.constant 0 : i32
        %dma_start3A_1065 = arith.constant 0 : i32
        %dma_start3A_1066 = tpu.memref_slice %arg7[%dma_start3A_1057, %dma_start3A_1064, %dma_start3A_1065] : memref<16x32x128xf32, #tpu.memory_space<vmem>> -> memref<1x32x128xf32, #tpu.memory_space<vmem>>
        %dma_start3A_1067 = tpu.memref_squeeze %dma_start3A_1066 : memref<1x32x128xf32, #tpu.memory_space<vmem>> -> memref<32x128xf32, #tpu.memory_space<vmem>>
        %dma_start3A_1068 = arith.constant 0 : i32
        %dma_start3A_1069 = tpu.memref_slice %arg3[%dma_start3A_1068, %multiple_of3A_1056] : memref<32x1000000xf32, #tpu.memory_space<hbm>> -> memref<32x128xf32, #tpu.memory_space<hbm>>
        tpu.enqueue_dma source(%dma_start3A_1069 : memref<32x128xf32, #tpu.memory_space<hbm>>) target(%dma_start3A_1067 : memref<32x128xf32, #tpu.memory_space<vmem>>) target_semaphore(%arg9 : memref<!tpu.dma_semaphore, #tpu.memory_space<semaphore_mem>>)
        %slice3A_1070 = vector.extract_strided_slice %get3A_336 {offsets = [15], sizes = [1], strides = [1]} : vector<16xi32> to vector<1xi32>
        %squeeze3A_1071 = vector.extract %slice3A_1070[0] : i32 from vector<1xi32>
        %shift_right_arithmetic3A_1072 = arith.constant 7 : i32
        %shift_right_arithmetic3A_1073 = arith.shrsi %squeeze3A_1071, %shift_right_arithmetic3A_1072 : i32
        %mul3A_1074 = arith.constant 128 : i32
        %mul3A_1075 = arith.muli %shift_right_arithmetic3A_1073, %mul3A_1074 : i32
        %multiple_of3A_1076 = tpu.assume_multiple %mul3A_1075, 128 : i32
        %dma_start3A_1077 = arith.constant 15 : i32
        %dma_start3A_1078 = arith.constant 0 : i32
        %dma_start3A_1079 = arith.constant 0 : i32
        %dma_start3A_1080 = tpu.memref_slice %arg7[%dma_start3A_1077, %dma_start3A_1078, %dma_start3A_1079] : memref<16x32x128xf32, #tpu.memory_space<vmem>> -> memref<1x32x128xf32, #tpu.memory_space<vmem>>
        %dma_start3A_1081 = tpu.memref_squeeze %dma_start3A_1080 : memref<1x32x128xf32, #tpu.memory_space<vmem>> -> memref<32x128xf32, #tpu.memory_space<vmem>>
        %dma_start3A_1082 = arith.constant 0 : i32
        %dma_start3A_1083 = tpu.memref_slice %arg3[%dma_start3A_1082, %multiple_of3A_1076] : memref<32x1000000xf32, #tpu.memory_space<hbm>> -> memref<32x128xf32, #tpu.memory_space<hbm>>
        %dma_start3A_1084 = arith.constant 0 : i32
        %dma_start3A_1085 = arith.constant 0 : i32
        %dma_start3A_1086 = tpu.memref_slice %arg7[%dma_start3A_1077, %dma_start3A_1084, %dma_start3A_1085] : memref<16x32x128xf32, #tpu.memory_space<vmem>> -> memref<1x32x128xf32, #tpu.memory_space<vmem>>
        %dma_start3A_1087 = tpu.memref_squeeze %dma_start3A_1086 : memref<1x32x128xf32, #tpu.memory_space<vmem>> -> memref<32x128xf32, #tpu.memory_space<vmem>>
        %dma_start3A_1088 = arith.constant 0 : i32
        %dma_start3A_1089 = tpu.memref_slice %arg3[%dma_start3A_1088, %multiple_of3A_1076] : memref<32x1000000xf32, #tpu.memory_space<hbm>> -> memref<32x128xf32, #tpu.memory_space<hbm>>
        tpu.enqueue_dma source(%dma_start3A_1089 : memref<32x128xf32, #tpu.memory_space<hbm>>) target(%dma_start3A_1087 : memref<32x128xf32, #tpu.memory_space<vmem>>) target_semaphore(%arg9 : memref<!tpu.dma_semaphore, #tpu.memory_space<semaphore_mem>>)
      } else {
      }
      scf.yield %get3A_336 : vector<16xi32>
    }
    %scan3A_327 = arith.constant 4 : i32
    "tpu.region"() ({
      %run_scoped3A = tpu.sem_alloc : memref<!tpu.dma_semaphore, #tpu.memory_space<semaphore_mem>>
      %dma_start3A_328 = arith.constant 0 : i32
      %dma_start3A_329 = tpu.memref_slice %arg4[%multiple_of3A, %dma_start3A_328] : memref<2048x32xf32, #tpu.memory_space<hbm>> -> memref<64x32xf32, #tpu.memory_space<hbm>>
      %dma_start3A_330 = arith.constant 0 : i32
      %dma_start3A_331 = tpu.memref_slice %arg4[%multiple_of3A, %dma_start3A_330] : memref<2048x32xf32, #tpu.memory_space<hbm>> -> memref<64x32xf32, #tpu.memory_space<hbm>>
      tpu.enqueue_dma source(%arg6 : memref<64x32xf32, #tpu.memory_space<vmem>>) target(%dma_start3A_331 : memref<64x32xf32, #tpu.memory_space<hbm>>) target_semaphore(%run_scoped3A : memref<!tpu.dma_semaphore, #tpu.memory_space<semaphore_mem>>)
      %dma_wait3A = arith.constant 0 : i32
      %dma_wait3A_332 = tpu.memref_slice %arg4[%multiple_of3A, %dma_wait3A] : memref<2048x32xf32, #tpu.memory_space<hbm>> -> memref<64x32xf32, #tpu.memory_space<hbm>>
      %dma_wait3A_333 = arith.constant 0 : i32
      %dma_wait3A_334 = tpu.memref_slice %arg4[%multiple_of3A, %dma_wait3A_333] : memref<2048x32xf32, #tpu.memory_space<hbm>> -> memref<64x32xf32, #tpu.memory_space<hbm>>
      tpu.wait_dma2 semaphore(%run_scoped3A : memref<!tpu.dma_semaphore, #tpu.memory_space<semaphore_mem>>) src(%arg6 : memref<64x32xf32, #tpu.memory_space<vmem>>) dst(%dma_wait3A_334 : memref<64x32xf32, #tpu.memory_space<hbm>>)
      tpu.yield
    }) : () -> ()
    return
  }
}

module attributes {stable_mosaic.version = 14 : i64} {
  func.func @_mm(%arg0: i32, %arg1: memref<512x32xf32, #tpu.memory_space<vmem>>, %arg2: memref<4096x32xf32, #tpu.memory_space<vmem>>, %arg3: memref<512x4096xf32, #tpu.memory_space<vmem>>) attributes {dimension_semantics = [#tpu.dimension_semantics<arbitrary>], iteration_bounds = array<i64: 4>, scalar_prefetch = 0 : i64, scratch_operands = 0 : i64, tpu.core_type = #tpu.core_type<tc>, window_params = [{transform_indices = @transform_0, window_bounds = array<i64: 512, 32>}, {pipeline_mode = #tpu.pipeline_mode<synchronous>, transform_indices = @transform_1, window_bounds = array<i64: 4096, 32>}, {transform_indices = @transform_2, window_bounds = array<i64: 512, 4096>}]} {
    %get3A = arith.constant 0 : index
    %get3A_0 = arith.constant 0 : index
    %get3A_1 = vector.load %arg1[%get3A, %get3A_0] : memref<512x32xf32, #tpu.memory_space<vmem>>, vector<512x32xf32>
    %get3A_2 = arith.constant 0 : index
    %get3A_3 = arith.constant 0 : index
    %get3A_4 = vector.load %arg2[%get3A_2, %get3A_3] : memref<4096x32xf32, #tpu.memory_space<vmem>>, vector<4096x32xf32>
    %dot_general3A = arith.constant dense<0.000000e+00> : vector<512x4096xf32>
    %dot_general3A_5 = tpu.matmul %get3A_1, %get3A_4, %dot_general3A {dimension_numbers = #tpu.dot_dimension_numbers<[1], [1], [0], [0], [0, 0, 1, 0], [], []>, transpose_lhs_hint = false} : vector<512x32xf32>, vector<4096x32xf32>, vector<512x4096xf32> -> vector<512x4096xf32>
    %swap3A = arith.constant 0 : index
    %swap3A_6 = arith.constant 0 : index
    %swap3A_7 = vector.load %arg3[%swap3A, %swap3A_6] : memref<512x4096xf32, #tpu.memory_space<vmem>>, vector<512x4096xf32>
    tpu.vector_store %arg3[%swap3A, %swap3A_6], %dot_general3A_5 {strides = array<i32>} : memref<512x4096xf32, #tpu.memory_space<vmem>>, vector<512x4096xf32>,
    return
  }
  func.func @transform_0(%arg0: i32) -> (i32, i32) {
    %c0_i32 = arith.constant 0 : i32
    %c0_i32_0 = arith.constant 0 : i32
    return %arg0, %c0_i32 : i32, i32
  }
  func.func @transform_1(%arg0: i32) -> (i32, i32) {
    %c0_i32 = arith.constant 0 : i32
    %c0_i32_0 = arith.constant 0 : i32
    %c0_i32_1 = arith.constant 0 : i32
    return %c0_i32, %c0_i32_0 : i32, i32
  }
  func.func @transform_2(%arg0: i32) -> (i32, i32) {
    %add3A = arith.constant 0 : i32
    %add3A_0 = arith.addi %add3A, %arg0 : i32
    %c0_i32 = arith.constant 0 : i32
    %c0_i32_1 = arith.constant 0 : i32
    return %add3A_0, %c0_i32 : i32, i32
  }
}

module attributes {stable_mosaic.version = 14 : i64} {
  func.func @_mm_prev(%arg0: i32, %arg1: memref<4096x4096xf32, #tpu.memory_space<any>>, %arg2: memref<512x32xf32, #tpu.memory_space<vmem>>, %arg3: memref<4096x32xf32, #tpu.memory_space<vmem>>, %arg4: memref<512x4096xf32, #tpu.memory_space<vmem>>) attributes {dimension_semantics = [#tpu.dimension_semantics<arbitrary>], iteration_bounds = array<i64: 4>, scalar_prefetch = 0 : i64, scratch_operands = 0 : i64, tpu.core_type = #tpu.core_type<tc>, window_params = [{}, {transform_indices = @transform_1, window_bounds = array<i64: 512, 32>}, {pipeline_mode = #tpu.pipeline_mode<synchronous>, transform_indices = @transform_2, window_bounds = array<i64: 4096, 32>}, {transform_indices = @transform_3, window_bounds = array<i64: 512, 4096>}]} {
    %get3A = arith.constant 0 : index
    %get3A_0 = arith.constant 0 : index
    %get3A_1 = vector.load %arg2[%get3A, %get3A_0] : memref<512x32xf32, #tpu.memory_space<vmem>>, vector<512x32xf32>
    %get3A_2 = arith.constant 0 : index
    %get3A_3 = arith.constant 0 : index
    %get3A_4 = vector.load %arg3[%get3A_2, %get3A_3] : memref<4096x32xf32, #tpu.memory_space<vmem>>, vector<4096x32xf32>
    %dot_general3A = arith.constant dense<0.000000e+00> : vector<512x4096xf32>
    %dot_general3A_5 = tpu.matmul %get3A_1, %get3A_4, %dot_general3A {dimension_numbers = #tpu.dot_dimension_numbers<[1], [1], [0], [0], [0, 0, 1, 0], [], []>, transpose_lhs_hint = false} : vector<512x32xf32>, vector<4096x32xf32>, vector<512x4096xf32> -> vector<512x4096xf32>
    %swap3A = arith.constant 0 : index
    %swap3A_6 = arith.constant 0 : index
    %swap3A_7 = vector.load %arg4[%swap3A, %swap3A_6] : memref<512x4096xf32, #tpu.memory_space<vmem>>, vector<512x4096xf32>
    tpu.vector_store %arg4[%swap3A, %swap3A_6], %dot_general3A_5 {strides = array<i32>} : memref<512x4096xf32, #tpu.memory_space<vmem>>, vector<512x4096xf32>,
    return
  }
  func.func @transform_1(%arg0: i32) -> (i32, i32) {
    %c0_i32 = arith.constant 0 : i32
    %c0_i32_0 = arith.constant 0 : i32
    return %arg0, %c0_i32 : i32, i32
  }
  func.func @transform_2(%arg0: i32) -> (i32, i32) {
    %c0_i32 = arith.constant 0 : i32
    %c0_i32_0 = arith.constant 0 : i32
    %c0_i32_1 = arith.constant 0 : i32
    return %c0_i32, %c0_i32_0 : i32, i32
  }
  func.func @transform_3(%arg0: i32) -> (i32, i32) {
    %add3A = arith.constant 4 : i32
    %add3A_0 = arith.addi %add3A, %arg0 : i32
    %c0_i32 = arith.constant 0 : i32
    %c0_i32_1 = arith.constant 0 : i32
    return %add3A_0, %c0_i32 : i32, i32
  }
}

</mosaic_0001>

<sc_bundles>
// kernel: kernel.6.cloned.1.call-start
scs
__scs_entry_jumppad:
0x0: {  	(pc) =	sbr.rel $0x88, $3  }
0x1: {  	(tag) =	ssettag $0x0;
	lr =	simm.s32 $0x1  }
0x2: {  	[smem:$0x3F9D] =	sst lr;
	_ =	strace $0xD0000000  }
0x3: {  	_ = 	snop  }
0x4: {  	_ = 	snop  }
0x5: {  	_ = 	snop  }
0x6: {  	_ = 	snop  }
0x7: {  	_ = 	snop  }
__scs_overlays_trampoline_lowered:
0x8: {  	[smem:$0x3FAC] =	sst s0  }
0x9: {  	[smem:$0x3FAD] =	sst s1  }
0xa: {  	[smem:$0x3FAE] =	sst s2  }
0xb: {  	[smem:$0x3FAF] =	sst s3  }
0xc: {  	[smem:$0x3FB0] =	sst s4  }
0xd: {  	[smem:$0x3FB1] =	sst s5  }
0xe: {  	[smem:$0x3FB2] =	sst s6  }
0xf: {  	[smem:$0x3FB3] =	sst s7  }
0x10: {  	[smem:$0x3FB4] =	sst s8  }
0x11: {  	[smem:$0x3FB5] =	sst s9;
	s0 =	simm.s32 @!p0 $0x0  }
0x12: {  	s1 =	sld [smem:$0x3F9B];
	s0 =	simm.s32 @p0 $0x1  }
0x13: {  	[smem:$0x3FB6] =	sst s0;
	s0 =	simm.s32 @!p1 $0x0  }
0x14: {  	s2 =	sld [smem:$0x3F9A];
	s0 =	simm.s32 @p1 $0x1  }
0x15: {  	[smem:$0x3FB7] =	sst s0;
	s0 =	simm.s32 @!p2 $0x0  }
0x16: {  	s3 =	sld [smem:$0x3FDB];
	s0 =	simm.s32 @p2 $0x1  }
0x17: {  	s4 =	simm.s32 $0x1BF5;
	[smem:$0x3FB9] =	sst s0  }
0x18: {  	s0 =	sld [smem:$0x3F9C];
	_ =	swait.ge [sflag:s4], $0x0  }
0x19: {  	s7 =	sld [smem:$0x3F9D]  }
0x1a: {  	s8 =	sadd.s32 $0xFFFFE003, lr  }
0x1b: {  	s9 =	sadd.s32 $0xFFFFFEF7, lr;
	s5 =	simm.s32 $0xFFFFFFFF;
	p2 =	slt.u32 s8, $0xFFFFF086  }
0x1c: {  	p1 =	slt.u32 s9, $0xF7A;
	s5 =	simm.s32 @!p2 $0x0  }
0x1d: {  	s5 =	simm.s32 @p1 $0x1;
	p0 =	seq.s32 s7, s2  }
0x1e: {  	s7 =	smul.u32 @!p0 $0xF7A, s2;
	p2 =	seq.s32 @!p0 s5, $0x0  }
0x1f: {  	s9 =	smul.u32 $0xF7A, s1;
	s8 =	simm.s32 @!p0 $0x1BF5;
	p2 =	por !p2, p0  }
0x20: {  	[sflag:s8] =	ssyncset.s32 @!p0 $0xFFFFF086;
	s6 =	sadd.s32 @!p0 s3, s7;
	s7 =	simm.s32 @!p0 $0x108  }
0x21: {  	s3 =	sadd.s32 s3, s9;
	s6 =	sadd.s32 @!p0 $0x88, s6;
	s7 =	simm.s32 @p2 $0x1082  }
0x22: {  	[simem:s7], [sflag:s8] =	dma.local @!p0 [hbm:s6], $0xF7A  }
0x23: {  	s9 =	sor.u32 $0xD0000000, s2;
	s6 =	simm.s32 $0x108;
	_ =	swait.ge @!p0 [sflag:s8], $0x0  }
0x24: {  	s3 =	sadd.s32 $0x88, s3;
	s6 =	simm.s32 @!p1 $0x1082;
	[sflag:s4] =	ssyncset.s32 $0xFFFFF086  }
0x25: {  	[simem:s6], [sflag:s4] =	dma.local [hbm:s3], $0xF7A  }
0x26: {  	[smem:$0x3F9D] =	sst s1;
	(tag) =	ssettag s2;
	_ =	strace s9  }
0x27: {  	s1 =	sld [smem:$0x3FAD]  }
0x28: {  	s2 =	sld [smem:$0x3FAE]  }
0x29: {  	s4 =	sld [smem:$0x3FB0]  }
0x2a: {  	p0 =	seq.s32 s5, $0x0;
	s5 =	sld [smem:$0x3FB1]  }
0x2b: {  	s6 =	sld [smem:$0x3FB2]  }
0x2c: {  	s7 =	sld [smem:$0x3FB3]  }
0x2d: {  	s3 =	simm.s32 $0x108;
	s8 =	sld [smem:$0x3FB4]  }
0x2e: {  	s3 =	simm.s32 @!p0 $0x1082;
	s9 =	sld [smem:$0x3FB5]  }
0x2f: {  	lr =	sadd.s32 s0, s3;
	s0 =	sld [smem:$0x3FAC]  }
0x30: {  	s3 =	sld [smem:$0x3FAF]  }
0x31: {  	[smem:$0x3FB8] =	sst s10  }
0x32: {  	s10 =	sld [smem:$0x3FB6];
	_ =	sdelay $0x3  }
0x33: {  	p0 =	seq.s32 s10, $0x1;
	s10 =	sld [smem:$0x3FB8];
	_ =	sdelay $0x3  }
0x34: {  	[smem:$0x3FB8] =	sst s10  }
0x35: {  	s10 =	sld [smem:$0x3FB7];
	_ =	sdelay $0x3  }
0x36: {  	p1 =	seq.s32 s10, $0x1;
	s10 =	sld [smem:$0x3FB8];
	_ =	sdelay $0x3  }
0x37: {  	[smem:$0x3FB8] =	sst s10  }
0x38: {  	s10 =	sld [smem:$0x3FB9]  }
0x39: {  	_ = 	snop;
	(pc) =	sbr.ind lr, $3  }
0x3a: {  	_ = 	snop  }
0x3b: {  	_ = 	snop  }
0x3c: {  	p2 =	seq.s32 s10, $0x1;
	s10 =	sld [smem:$0x3FB8]  }
0x3d: {  	_ =	shalt  }
0x3e: {  	_ =	shalt  }
0x3f: {  	_ =	shalt  }
0x40: {  	_ =	shalt  }
0x41: {  	_ =	shalt  }
0x42: {  	_ =	shalt  }
0x43: {  	_ =	shalt  }
0x44: {  	_ =	shalt  }
0x45: {  	_ =	shalt  }
0x46: {  	_ =	shalt  }
0x47: {  	_ =	shalt  }
0x48: {  	_ =	shalt  }
0x49: {  	_ =	shalt  }
0x4a: {  	_ =	shalt  }
0x4b: {  	_ =	shalt  }
0x4c: {  	_ =	shalt  }
0x4d: {  	_ =	shalt  }
0x4e: {  	_ =	shalt  }
0x4f: {  	_ =	shalt  }
0x50: {  	_ =	shalt  }
0x51: {  	_ =	shalt  }
0x52: {  	_ =	shalt  }
0x53: {  	_ =	shalt  }
0x54: {  	_ =	shalt  }
0x55: {  	_ =	shalt  }
0x56: {  	_ =	shalt  }
0x57: {  	_ =	shalt  }
0x58: {  	_ =	shalt  }
0x59: {  	_ =	shalt  }
0x5a: {  	_ =	shalt  }
0x5b: {  	_ =	shalt  }
0x5c: {  	_ =	shalt  }
0x5d: {  	_ =	shalt  }
0x5e: {  	_ =	shalt  }
0x5f: {  	_ =	shalt  }
0x60: {  	_ =	shalt  }
0x61: {  	_ =	shalt  }
0x62: {  	_ =	shalt  }
0x63: {  	_ =	shalt  }
0x64: {  	_ =	shalt  }
0x65: {  	_ =	shalt  }
0x66: {  	_ =	shalt  }
0x67: {  	_ =	shalt  }
0x68: {  	_ =	shalt  }
0x69: {  	_ =	shalt  }
0x6a: {  	_ =	shalt  }
0x6b: {  	_ =	shalt  }
0x6c: {  	_ =	shalt  }
0x6d: {  	_ =	shalt  }
0x6e: {  	_ =	shalt  }
0x6f: {  	_ =	shalt  }
0x70: {  	_ =	shalt  }
0x71: {  	_ =	shalt  }
0x72: {  	_ =	shalt  }
0x73: {  	_ =	shalt  }
0x74: {  	_ =	shalt  }
0x75: {  	_ =	shalt  }
0x76: {  	_ =	shalt  }
0x77: {  	_ =	shalt  }
0x78: {  	_ =	shalt  }
0x79: {  	_ =	shalt  }
0x7a: {  	_ =	shalt  }
0x7b: {  	_ =	shalt  }
0x7c: {  	_ =	shalt  }
0x7d: {  	_ =	shalt  }
0x7e: {  	_ =	shalt  }
0x7f: {  	_ =	shalt  }
0x80: {  	_ =	shalt  }
0x81: {  	_ =	shalt  }
0x82: {  	_ =	shalt  }
0x83: {  	_ =	shalt  }
0x84: {  	_ =	shalt  }
0x85: {  	_ =	shalt  }
0x86: {  	_ =	shalt  }
0x87: {  	_ =	shalt  }
.Lfunc_end0:
.L_simem_size_0:
called_computation_lowered:
.L_overlay_start_0:
0x88: {  	s2 =	sld [smem:$0x3FD9]  }
0x89: {  	s3 =	sld [smem:$0x3FFE];
	_ =	sdelay $0x1  }
0x8a: {  	s1 =	srdreg.scid  }
0x8b: {  	s0 =	sand.u32 $0x1, s1  }
0x8c: {  	s17 =	sshll.u32 s0, $0xA;
	s2 =	sadd.s32 s3, s2  }
0x8d: {  	s2 =	sadd.s32 s2, s17  }
0x8e: {  	[smem:$0x3FC4] =	sst s2  }
0x8f: {  	_ = 	snop  }
0x90: {  	s2 =	sld [smem:$0x3FC8]  }
0x91: {  	s18 =	sld [smem:$0x3FC7]  }
0x92: {  	s4 =	sld [smem:$0x3FC6]  }
0x93: {  	s5 =	sld [smem:$0x3FD0];
	(tm) =	ssettm $0x1  }
0x94: {  	s6 =	sld [smem:$0x3FFB];
	_ =	sdelay $0x3  }
0x95: {  	_ =	strace s6  }
0x96: {  	s6 =	sld [smem:$0x3FFC];
	_ =	sdelay $0x3  }
0x97: {  	_ =	strace s6  }
0x98: {  	s6 =	sld [smem:$0x3FFD];
	_ =	sdelay $0x3  }
0x99: {  	_ =	strace s6  }
0x9a: {  	_ =	strace $0x8FFFFFFF  }
0x9b: {  	s19 =	sld [smem:$0x3FDB];
	_ =	sdelay $0x1  }
0x9c: {  	s7 =	simm.s32 $_scs_section_size  }
0x9d: {  	s8 =	simm.s32 $_size__tile_overlayer_lowered;
	s9 =	simm.s32 $_tile_overlayer_lowered  }
0x9e: {  	s22 =	simm.s32 $0x1BFF;
	s21 =	sshll.u32 s9, $0x1;
	s6 =	sadd.s32 s7, s19  }
0x9f: {  	s10 =	simm.s32 $0x0;
	s20 =	sshll.u32 s8, $0x1;
	s8 =	sadd.s32 s21, s6  }
0xa0: {  	[timem:s10], [sflag:s22] =	dma.local [hbm:s8], s20  }
0xa1: {  	_ =	swait.ge [sflag:s22], s20  }
0xa2: {  	s7 =	ssub.s32 $0x0, s20;
	[sflag:s22] =	ssyncset.done $0x0  }
0xa3: {  	[sflag:s22] =	ssyncadd.s32 s7;
	_ =	sdelay $0x1  }
0xa4: {  	s23 =	simm.s32 $0x1B8B  }
0xa5: {  	_ =	swait.ge [sflag:s23], $0x1  }
0xa6: {  	[sflag:s23] =	ssyncset.done $0x0  }
0xa7: {  	s25 =	simm.s32 $0x1B8E;
	s24 =	sld [smem:$0x3FFE];
	[sflag:s23] =	ssyncadd.s32 $0xFFFFFFFF  }
0xa8: {  	s26 =	simm.s32 $execute0_lowered;
	[smem:$0x3FD2] =	sst s25  }
0xa9: {  	s8 =	sshll.u32 s26, $0x1;
	_ =	strace $0x80000046;
	[dreg:$0x1] =	wrdreg $0xFFFFFFFF  }
0xaa: {  	s28 =	simm.s32 $_size_execute0_lowered;
	s6 =	sadd.s32 s6, s8;
	[dreg:$0x0] =	wrdreg $0x0  }
0xab: {  	s8 =	sshll.u32 s28, $0x1;
	[dreg:$0x2] =	wrdreg s6  }
0xac: {  	[dreg:$0x3] =	wrdreg s8  }
0xad: {  	[dreg:$0x4] =	wrdreg $0xC0  }
0xae: {  	_ =	task [dreg:s10], $0x5FFFF  }
0xaf: {  	[dreg:$0x1] =	wrdreg $0xFFFFFFFF  }
0xb0: {  	[dreg:$0x0] =	wrdreg $0x60  }
0xb1: {  	[dreg:$0x2] =	wrdreg s2  }
0xb2: {  	[dreg:$0x3] =	wrdreg s24  }
0xb3: {  	[dreg:$0x4] =	wrdreg s4  }
0xb4: {  	[dreg:$0x5] =	wrdreg s18  }
0xb5: {  	[dreg:$0x6] =	wrdreg s5  }
0xb6: {  	[dreg:$0x7] =	wrdreg $0x9  }
0xb7: {  	_ =	task.clear_ibuf [dreg:s10], $0x8FFFF;
	_ =	strace $0x90000046  }
0xb8: {  	s29 =	simm.s32 $0x9;
	_ =	strace $0x80000048  }
0xb9: {  	_ =	swait.ge [sflag:s29], $0x1  }
0xba: {  	[sflag:s29] =	ssyncadd.s32 $0xFFFFFFFF  }
0xbb: {  	_ =	strace $0x90000048  }
0xbc: {  	_ =	sfence  }
0xbd: {  	s30 =	sld [smem:$0x0];
	_ =	sdelay $0x2  }
0xbe: {  	s31 =	sshll.u32 s1, $0xD;
	s1 =	sshrl.u32 s1, $0x2  }
0xbf: {  	s3 =	sand.u32 $0x4000, s31;
	s1 =	sadd.s32 s1, s30  }
0xc0: {  	s0 =	sor.u32 s3, s0;
	s1 =	sshll.u32 s1, $0x11  }
0xc1: {  	s0 =	sor.u32 s1, s0  }
0xc2: {  	s0 =	sadd.s32 $0x8F2B, s0  }
0xc3: {  	[sflag:s0] =	ssyncadd.remote.s32 $0x1  }
0xc4: {  	_ =	sfence.sel $0xFFFF  }
0xc5: {  	[dreg:$0x0] =	wrdreg $0xFFFFFFFF;
	(pc) =	sbr.abs _section_cstart, $3  }
0xc6: {  	[dreg:$0x1] =	wrdreg $0xFFFFFFFF  }
0xc7: {  	_ =	task.clear_ibuf [dreg:s10], $0x2FFFF;
	_ =	strace $0x9FFFFFFF  }
0xc8: {  	(tm) =	ssettm $0x7FFFFFFF  }
0xc9: {  	_ =	shalt  }
tec
execute0_lowered:
.L_overlay_start_1:
0x0: {  	(tag) =	ssettag $0x1  }
0x1: {  	s0 =	rddreg [dreg:$0x0]  }
0x2: {  	s3 =	rddreg [dreg:$0x1]  }
0x3: {  	s1 =	rddreg [dreg:$0x2]  }
0x4: {  	s2 =	rddreg [dreg:$0x3]  }
0x5: {  	s4 =	rddreg [dreg:$0x4]  }
0x6: {  	s9 =	simm.s32 $0x0;
	s5 =	srdreg.scid;
	s6 =	stileid.u32  }
0x7: {  	s11 =	simm.s32 $0x400;
	s12 =	simm.s32 $0x7A1400;
	s13 =	simm.s32 $0x6100  }
0x8: {  	s14 =	simm.s32 $0x7100;
	s15 =	simm.s32 $0x8100;
	s16 =	simm.s32 $0x9100  }
0x9: {  	s17 =	simm.s32 $0xA100;
	s18 =	simm.s32 $0xB100;
	s19 =	simm.s32 $0xC100  }
0xa: {  	s20 =	simm.s32 $0xD100;
	s28 =	simm.s32 $0x14100;
	s29 =	simm.s32 $0x15100  }
0xb: {  	s30 =	simm.s32 $0x1;
	s5 =	sand.u32 $0x1, s5;
	s6 =	sshll.u32 s6, $0x1  }
0xc: {  	s31 =	simm.s32 $0x100;
	[smem:$0x7FF] =	sst s9;
	s6 =	sor.u32 s5, s6  }
0xd: {  	_ =	strace $0x80000047;
	s5 =	ssub.s32 $0x2, s5;
	s7 =	sshll.u32 s6, $0x3  }
0xe: {  	s8 =	sshll.u32 s6, $0xA;
	s21 =	sshrl.u32 s5, $0x1;
	s22 =	sshll.u32 s6, $0x4  }
0xf: {  	s6 =	sshll.u32 s6, $0xB;
	s7 =	sadd.s32 s7, s3;
	s3 =	sadd.s32 s8, s3  }
0x10: {  	s5 =	ssub.s32 s5, s21;
	s0 =	sadd.s32 s0, s22;
	s23 =	sadd.s32 s4, s6  }
0x11: {  	s6 =	simm.s32 $0x3;
	s21 =	simm.s32 $0xE100;
	[dreg:$0x6] =	wrdreg s0  }
0x12: {  	s22 =	simm.s32 $0xF100;
	[dreg:$0x7] =	wrdreg s23;
	s24 =	sadd.s32 $0x1400, s7  }
0x13: {  	v0 =	vlaneseq.u32;
	s4 =	simm.s32 $0x0;
	s25 =	sadd.s32 $0x1800, s3;
	[dreg:$0x8] =	wrdreg s24  }
0x14: {  	v1 =	vmul.u32 $0x80, v0;
	s26 =	smax.u32 s5, $0x1;
	s23 =	simm.s32 $0x10100;
	[dreg:$0x9] =	wrdreg s25  }
0x15: {  	s0 =	simm.s32 $0x2;
	s3 =	simm.s32 $0x4100;
	[dreg:$0xa] =	wrdreg s26  }
0x16: {  	v3 =	vor.u32 $0x10, v0;
	v2 =	vor.u32 $0x800, v1;
	s24 =	simm.s32 $0x11100;
	s25 =	simm.s32 $0x12100;
	s26 =	simm.s32 $0x13100  }
.LBB2_1:
0x17: {  	s5 =	rddreg [dreg:$0x6]  }
0x18: {  	[tilespmem:s9], [sflag:$0x3] =	stream.linear.gather [hbm4b:s5+s9], $0x80, $0x38;
	[tilespmem:$0x16100] =	vst v63  }
0x19: {  	_ =	swait.ge [sflag:s6], $0x80  }
0x1a: {  	[sflag:s6] =	ssyncset.done $0x0  }
0x1b: {  	[sflag:s6] =	ssyncadd.s32 $0xFFFFFF80  }
0x1c: {  	v5 =	vld [tilespmem:$0x0];
	_ =	sdelay $0x4  }
0x1d: {  	(v2sf) =	vpush v5, $0x0;
	_ =	sdelay $0x1  }
0x1e: {  	(v2sf) =	vpush v5, $0x1;
	_ =	sdelay $0x1  }
0x1f: {  	(v2sf) =	vpush v5, $0x2;
	_ =	sdelay $0x2  }
0x20: {  	(v2sf) =	vpush v5, $0x3;
	_ =	sdelay $0x7  }
0x21: {  	s10 =	spop (v2sf);
	(v2sf) =	vpush v5, $0x4;
	_ =	sdelay $0x1  }
0x22: {  	s6 =	spop (v2sf);
	(v2sf) =	vpush v5, $0x5;
	_ =	sdelay $0x1  }
0x23: {  	s7 =	spop (v2sf);
	(v2sf) =	vpush v5, $0x6;
	_ =	sdelay $0x1  }
0x24: {  	s5 =	sand.u32 $0xFFFFF80, s10  }
0x25: {  	s5 =	sadd.s32 s1, s5;
	s8 =	spop (v2sf);
	(v2sf) =	vpush v5, $0x7  }
0x26: {  	[tilespmem:s13], [sflag:$0x1] =	stream.strided.gather [hbm4b:s5+s11], $0x1000, s12, s11, $0x38;
	[tilespmem:$0x16100] =	vst v63  }
0x27: {  	s5 =	sand.u32 $0xFFFFF80, s6  }
0x28: {  	s5 =	sadd.s32 s1, s5  }
0x29: {  	[tilespmem:s14], [sflag:$0x1] =	stream.strided.gather [hbm4b:s5+s11], $0x1000, s12, s11, $0x38;
	[tilespmem:$0x16100] =	vst v63  }
0x2a: {  	s5 =	sand.u32 $0xFFFFF80, s7  }
0x2b: {  	s5 =	sadd.s32 s1, s5  }
0x2c: {  	[tilespmem:s15], [sflag:$0x1] =	stream.strided.gather [hbm4b:s5+s11], $0x1000, s12, s11, $0x38;
	[tilespmem:$0x16100] =	vst v63  }
0x2d: {  	s9 =	spop (v2sf);
	(v2sf) =	vpush v5, $0x8  }
0x2e: {  	s5 =	sand.u32 $0xFFFFF80, s8  }
0x2f: {  	s5 =	sadd.s32 s1, s5;
	s10 =	spop (v2sf);
	(v2sf) =	vpush v5, $0x9  }
0x30: {  	[tilespmem:s16], [sflag:$0x1] =	stream.strided.gather [hbm4b:s5+s11], $0x1000, s12, s11, $0x38;
	[tilespmem:$0x16100] =	vst v63  }
0x31: {  	s5 =	sand.u32 $0xFFFFF80, s9;
	s6 =	spop (v2sf);
	(v2sf) =	vpush v5, $0xA  }
0x32: {  	s5 =	sadd.s32 s1, s5  }
0x33: {  	[tilespmem:s17], [sflag:$0x1] =	stream.strided.gather [hbm4b:s5+s11], $0x1000, s12, s11, $0x38;
	[tilespmem:$0x16100] =	vst v63  }
0x34: {  	s7 =	spop (v2sf);
	(v2sf) =	vpush v5, $0xB  }
0x35: {  	s5 =	sand.u32 $0xFFFFF80, s10  }
0x36: {  	s5 =	sadd.s32 s1, s5  }
0x37: {  	[tilespmem:s18], [sflag:$0x1] =	stream.strided.gather [hbm4b:s5+s11], $0x1000, s12, s11, $0x38;
	[tilespmem:$0x16100] =	vst v63  }
0x38: {  	s5 =	sand.u32 $0xFFFFF80, s6  }
0x39: {  	s5 =	sadd.s32 s1, s5  }
0x3a: {  	[tilespmem:s19], [sflag:$0x1] =	stream.strided.gather [hbm4b:s5+s11], $0x1000, s12, s11, $0x38;
	[tilespmem:$0x16100] =	vst v63  }
0x3b: {  	s5 =	sand.u32 $0xFFFFF80, s7  }
0x3c: {  	s5 =	sadd.s32 s1, s5;
	s8 =	spop (v2sf);
	(v2sf) =	vpush v5, $0xC  }
0x3d: {  	[tilespmem:s20], [sflag:$0x1] =	stream.strided.gather [hbm4b:s5+s11], $0x1000, s12, s11, $0x38;
	[tilespmem:$0x16100] =	vst v63  }
0x3e: {  	s9 =	spop (v2sf);
	(v2sf) =	vpush v5, $0xD  }
0x3f: {  	s5 =	sand.u32 $0xFFFFF80, s8  }
0x40: {  	s5 =	sadd.s32 s1, s5;
	s10 =	spop (v2sf)  }
0x41: {  	(v2sf) =	vpush v5, $0xE;
	[tilespmem:s21], [sflag:$0x2] =	stream.strided.gather [hbm4b:s5+s11], $0x1000, s12, s11, $0x38;
	[tilespmem:$0x16100] =	vst v63  }
0x42: {  	s5 =	sand.u32 $0xFFFFF80, s9  }
0x43: {  	s6 =	spop (v2sf);
	s5 =	sadd.s32 s1, s5  }
0x44: {  	(v2sf) =	vpush v5, $0xF;
	[tilespmem:s22], [sflag:$0x2] =	stream.strided.gather [hbm4b:s5+s11], $0x1000, s12, s11, $0x38;
	[tilespmem:$0x16100] =	vst v63  }
0x45: {  	s5 =	sand.u32 $0xFFFFF80, s10  }
0x46: {  	s5 =	sadd.s32 s1, s5  }
0x47: {  	[tilespmem:s23], [sflag:$0x2] =	stream.strided.gather [hbm4b:s5+s11], $0x1000, s12, s11, $0x38;
	[tilespmem:$0x16100] =	vst v63  }
0x48: {  	s5 =	sand.u32 $0xFFFFF80, s6  }
0x49: {  	s5 =	sadd.s32 s1, s5  }
0x4a: {  	[tilespmem:s24], [sflag:$0x2] =	stream.strided.gather [hbm4b:s5+s11], $0x1000, s12, s11, $0x38;
	[tilespmem:$0x16100] =	vst v63  }
0x4b: {  	s7 =	spop (v2sf)  }
0x4c: {  	s5 =	sand.u32 $0xFFFFF80, s7  }
0x4d: {  	s8 =	spop (v2sf);
	s5 =	sadd.s32 s1, s5  }
0x4e: {  	[tilespmem:s25], [sflag:$0x2] =	stream.strided.gather [hbm4b:s5+s11], $0x1000, s12, s11, $0x38;
	[tilespmem:$0x16100] =	vst v63  }
0x4f: {  	s5 =	sand.u32 $0xFFFFF80, s8  }
0x50: {  	s9 =	spop (v2sf);
	s5 =	sadd.s32 s1, s5  }
0x51: {  	[tilespmem:s26], [sflag:$0x2] =	stream.strided.gather [hbm4b:s5+s11], $0x1000, s12, s11, $0x38;
	[tilespmem:$0x16100] =	vst v63  }
0x52: {  	s5 =	sand.u32 $0xFFFFF80, s9  }
0x53: {  	s10 =	spop (v2sf);
	s5 =	sadd.s32 s1, s5  }
0x54: {  	[tilespmem:s28], [sflag:$0x2] =	stream.strided.gather [hbm4b:s5+s11], $0x1000, s12, s11, $0x38;
	[tilespmem:$0x16100] =	vst v63  }
0x55: {  	s5 =	sand.u32 $0xFFFFF80, s10  }
0x56: {  	s5 =	sadd.s32 s1, s5  }
0x57: {  	[tilespmem:s29], [sflag:$0x2] =	stream.strided.gather [hbm4b:s5+s11], $0x1000, s12, s11, $0x38;
	[tilespmem:$0x16100] =	vst v63  }
0x58: {  	s5 =	simm.s32 $0x0  }
.LBB2_2:
0x59: {  	s6 =	sadd.s32 $0x10, s5  }
0x5a: {  	s6 =	smin.u32 s6, $0x70  }
0x5b: {  	v4 =	vld [tilespmem:s6+$0x0];
	_ =	swait.ge [sflag:s30], $0x1000  }
0x5c: {  	[sflag:s30] =	ssyncset.done $0x0  }
0x5d: {  	[sflag:s30] =	ssyncadd.s32 $0xFFFFF000  }
0x5e: {  	_ =	swait.ge [sflag:s30], $0x1000  }
0x5f: {  	[sflag:s30] =	ssyncset.done $0x0  }
0x60: {  	[sflag:s30] =	ssyncadd.s32 $0xFFFFF000  }
0x61: {  	_ =	swait.ge [sflag:s30], $0x1000  }
0x62: {  	[sflag:s30] =	ssyncset.done $0x0  }
0x63: {  	[sflag:s30] =	ssyncadd.s32 $0xFFFFF000  }
0x64: {  	_ =	swait.ge [sflag:s30], $0x1000  }
0x65: {  	[sflag:s30] =	ssyncset.done $0x0  }
0x66: {  	[sflag:s30] =	ssyncadd.s32 $0xFFFFF000  }
0x67: {  	_ =	swait.ge [sflag:s30], $0x1000  }
0x68: {  	[sflag:s30] =	ssyncset.done $0x0  }
0x69: {  	[sflag:s30] =	ssyncadd.s32 $0xFFFFF000  }
0x6a: {  	_ =	swait.ge [sflag:s30], $0x1000  }
0x6b: {  	[sflag:s30] =	ssyncset.done $0x0  }
0x6c: {  	[sflag:s30] =	ssyncadd.s32 $0xFFFFF000  }
0x6d: {  	_ =	swait.ge [sflag:s30], $0x1000  }
0x6e: {  	[sflag:s30] =	ssyncset.done $0x0  }
0x6f: {  	[sflag:s30] =	ssyncadd.s32 $0xFFFFF000  }
0x70: {  	_ =	swait.ge [sflag:s30], $0x1000  }
0x71: {  	(v2sf) =	vpush v5, $0x0;
	_ =	sdelay $0x6  }
0x72: {  	(v2sf) =	vpush v5, $0x1;
	_ =	sdelay $0x6  }
0x73: {  	(v2sf) =	vpush v5, $0x2  }
0x74: {  	s9 =	spop (v2sf)  }
0x75: {  	s6 =	sand.u32 $0x7F, s9  }
0x76: {  	v6 =	vor.u32 s6, v1  }
0x77: {  	v7 =	vor.u32 s6, v2;
	_ =	sdelay $0x1  }
0x78: {  	[sflag:s30] =	ssyncset.done $0x0  }
0x79: {  	[sflag:s30] =	ssyncadd.s32 $0xFFFFF000;
	(v2sf) =	vpush v5, $0x3;
	s6 =	sshll.u32 s5, $0x7  }
0x7a: {  	s7 =	spop (v2sf);
	v8 =	vor.u32 s6, v0;
	v6 =	vld.idx.msk [tilespmem:v6+s13+$0x0], $0xffff  }
0x7b: {  	s7 =	sand.u32 $0x7F, s7;
	v9 =	vor.u32 s6, v3;
	v7 =	vld.idx.msk [tilespmem:v7+s13+$0x0], $0xffff  }
0x7c: {  	v10 =	vor.u32 s7, v1  }
0x7d: {  	v11 =	vor.u32 s7, v2;
	_ =	sdelay $0x1  }
0x7e: {  	[tilespmem:v8+s31+$0x0] =	vst.idx.msk $0xffff, v6  }
0x7f: {  	(v2sf) =	vpush v5, $0x4;
	s10 =	sadd.s32 $0x80, s6;
	[tilespmem:v9+s31+$0x0] =	vst.idx.msk $0xffff, v7  }
0x80: {  	s8 =	spop (v2sf);
	v7 =	vor.u32 s10, v0;
	v6 =	vld.idx.msk [tilespmem:v10+s14+$0x0], $0xffff  }
0x81: {  	s8 =	sand.u32 $0x7F, s8;
	v22 =	vor.u32 s10, v3;
	v8 =	vld.idx.msk [tilespmem:v11+s14+$0x0], $0xffff  }
0x82: {  	v23 =	vor.u32 s8, v1  }
0x83: {  	v24 =	vor.u32 s8, v2;
	_ =	sdelay $0x1  }
0x84: {  	[tilespmem:v7+s31+$0x0] =	vst.idx.msk $0xffff, v6  }
0x85: {  	(v2sf) =	vpush v5, $0x5;
	s9 =	sadd.s32 $0x100, s6;
	[tilespmem:v22+s31+$0x0] =	vst.idx.msk $0xffff, v8  }
0x86: {  	s10 =	spop (v2sf);
	v7 =	vor.u32 s9, v0;
	v6 =	vld.idx.msk [tilespmem:v23+s15+$0x0], $0xffff  }
0x87: {  	v25 =	vor.u32 s9, v3;
	s8 =	sand.u32 $0x7F, s10;
	v8 =	vld.idx.msk [tilespmem:v24+s15+$0x0], $0xffff  }
0x88: {  	v26 =	vor.u32 s8, v1  }
0x89: {  	v27 =	vor.u32 s8, v2;
	_ =	sdelay $0x1  }
0x8a: {  	[tilespmem:v7+s31+$0x0] =	vst.idx.msk $0xffff, v6  }
0x8b: {  	(v2sf) =	vpush v5, $0x6;
	s9 =	sadd.s32 $0x180, s6;
	[tilespmem:v25+s31+$0x0] =	vst.idx.msk $0xffff, v8  }
0x8c: {  	s10 =	spop (v2sf);
	v7 =	vor.u32 s9, v0;
	v6 =	vld.idx.msk [tilespmem:v26+s16+$0x0], $0xffff  }
0x8d: {  	s8 =	sand.u32 $0x7F, s10;
	v28 =	vor.u32 s9, v3;
	v8 =	vld.idx.msk [tilespmem:v27+s16+$0x0], $0xffff  }
0x8e: {  	v29 =	vor.u32 s8, v1  }
0x8f: {  	v30 =	vor.u32 s8, v2;
	_ =	sdelay $0x1  }
0x90: {  	[tilespmem:v7+s31+$0x0] =	vst.idx.msk $0xffff, v6  }
0x91: {  	(v2sf) =	vpush v5, $0x7;
	s9 =	sadd.s32 $0x200, s6;
	[tilespmem:v28+s31+$0x0] =	vst.idx.msk $0xffff, v8  }
0x92: {  	s10 =	spop (v2sf);
	v7 =	vor.u32 s9, v0;
	v6 =	vld.idx.msk [tilespmem:v29+s17+$0x0], $0xffff  }
0x93: {  	s8 =	sand.u32 $0x7F, s10;
	v31 =	vor.u32 s9, v3;
	v8 =	vld.idx.msk [tilespmem:v30+s17+$0x0], $0xffff  }
0x94: {  	v32 =	vor.u32 s8, v1  }
0x95: {  	v33 =	vor.u32 s8, v2;
	_ =	sdelay $0x1  }
0x96: {  	[tilespmem:v7+s31+$0x0] =	vst.idx.msk $0xffff, v6  }
0x97: {  	s9 =	sadd.s32 $0x280, s6;
	[tilespmem:v31+s31+$0x0] =	vst.idx.msk $0xffff, v8  }
0x98: {  	s10 =	spop (v2sf);
	v7 =	vor.u32 s9, v0;
	v6 =	vld.idx.msk [tilespmem:v32+s18+$0x0], $0xffff  }
0x99: {  	s8 =	sand.u32 $0x7F, s10;
	v34 =	vor.u32 s9, v3;
	v8 =	vld.idx.msk [tilespmem:v33+s18+$0x0], $0xffff  }
0x9a: {  	p0 =	seq.s32 s5, $0x70;
	v35 =	vor.u32 s8, v1  }
0x9b: {  	(v2sf) =	vpush @!p0 v4, $0x0;
	v36 =	vor.u32 s8, v2;
	_ =	sdelay $0x1  }
0x9c: {  	[tilespmem:v7+s31+$0x0] =	vst.idx.msk $0xffff, v6  }
0x9d: {  	s9 =	sadd.s32 $0x300, s6;
	[tilespmem:v34+s31+$0x0] =	vst.idx.msk $0xffff, v8  }
0x9e: {  	(v2sf) =	vpush @!p0 v4, $0x1;
	s10 =	spop (v2sf);
	v7 =	vor.u32 s9, v0;
	v6 =	vld.idx.msk [tilespmem:v35+s19+$0x0], $0xffff  }
0x9f: {  	s8 =	sand.u32 $0x7F, s10;
	v37 =	vor.u32 s9, v3;
	v8 =	vld.idx.msk [tilespmem:v36+s19+$0x0], $0xffff  }
0xa0: {  	v38 =	vor.u32 s8, v1  }
0xa1: {  	v39 =	vor.u32 s8, v2  }
0xa2: {  	(v2sf) =	vpush @!p0 v4, $0x2  }
0xa3: {  	[tilespmem:v7+s31+$0x0] =	vst.idx.msk $0xffff, v6  }
0xa4: {  	s9 =	sadd.s32 $0x380, s6;
	[tilespmem:v37+s31+$0x0] =	vst.idx.msk $0xffff, v8  }
0xa5: {  	v7 =	vor.u32 s9, v0;
	v6 =	vld.idx.msk [tilespmem:v38+s20+$0x0], $0xffff  }
0xa6: {  	(v2sf) =	vpush @!p0 v4, $0x3;
	v40 =	vor.u32 s9, v3;
	v8 =	vld.idx.msk [tilespmem:v39+s20+$0x0], $0xffff;
	_ =	sdelay $0x2  }
0xa7: {  	s7 =	spop @!p0 (v2sf)  }
0xa8: {  	(v2sf) =	vpush @!p0 v4, $0x4;
	s10 =	simm.s32 @!p0 $0x6100;
	s7 =	sand.u32 @!p0 $0xFFFFF80, s7;
	[tilespmem:v7+s31+$0x0] =	vst.idx.msk $0xffff, v6  }
0xa9: {  	s8 =	simm.s32 @!p0 $0x7A1400;
	s9 =	sadd.s32 @!p0 s1, s7;
	s7 =	simm.s32 @!p0 $0x400;
	[tilespmem:v40+s31+$0x0] =	vst.idx.msk $0xffff, v8  }
0xaa: {  	[tilespmem:s10], [sflag:$0x1] =	stream.strided.gather @!p0 [hbm4b:s9+s7], $0x1000, s8, s7, $0x38;
	[tilespmem:$0x16100] =	vst v63  }
0xab: {  	s9 =	spop @!p0 (v2sf)  }
0xac: {  	(v2sf) =	vpush @!p0 v4, $0x5;
	s9 =	sand.u32 @!p0 $0xFFFFF80, s9  }
0xad: {  	s10 =	simm.s32 @!p0 $0x7100;
	s9 =	sadd.s32 @!p0 s1, s9  }
0xae: {  	[tilespmem:s10], [sflag:$0x1] =	stream.strided.gather @!p0 [hbm4b:s9+s7], $0x1000, s8, s7, $0x38;
	[tilespmem:$0x16100] =	vst v63  }
0xaf: {  	s9 =	spop @!p0 (v2sf)  }
0xb0: {  	(v2sf) =	vpush @!p0 v4, $0x6;
	s9 =	sand.u32 @!p0 $0xFFFFF80, s9  }
0xb1: {  	s10 =	simm.s32 @!p0 $0x8100;
	s9 =	sadd.s32 @!p0 s1, s9  }
0xb2: {  	[tilespmem:s10], [sflag:$0x1] =	stream.strided.gather @!p0 [hbm4b:s9+s7], $0x1000, s8, s7, $0x38;
	[tilespmem:$0x16100] =	vst v63  }
0xb3: {  	s9 =	spop @!p0 (v2sf)  }
0xb4: {  	(v2sf) =	vpush @!p0 v4, $0x7;
	s9 =	sand.u32 @!p0 $0xFFFFF80, s9  }
0xb5: {  	s10 =	simm.s32 @!p0 $0x9100;
	s9 =	sadd.s32 @!p0 s1, s9  }
0xb6: {  	[tilespmem:s10], [sflag:$0x1] =	stream.strided.gather @!p0 [hbm4b:s9+s7], $0x1000, s8, s7, $0x38;
	[tilespmem:$0x16100] =	vst v63  }
0xb7: {  	s9 =	spop @!p0 (v2sf)  }
0xb8: {  	s9 =	sand.u32 @!p0 $0xFFFFF80, s9  }
0xb9: {  	s10 =	simm.s32 @!p0 $0xA100;
	s9 =	sadd.s32 @!p0 s1, s9  }
0xba: {  	[tilespmem:s10], [sflag:$0x1] =	stream.strided.gather @!p0 [hbm4b:s9+s7], $0x1000, s8, s7, $0x38;
	[tilespmem:$0x16100] =	vst v63  }
0xbb: {  	s9 =	spop @!p0 (v2sf)  }
0xbc: {  	s9 =	sand.u32 @!p0 $0xFFFFF80, s9  }
0xbd: {  	s10 =	simm.s32 @!p0 $0xB100;
	s9 =	sadd.s32 @!p0 s1, s9  }
0xbe: {  	[tilespmem:s10], [sflag:$0x1] =	stream.strided.gather @!p0 [hbm4b:s9+s7], $0x1000, s8, s7, $0x38;
	[tilespmem:$0x16100] =	vst v63  }
0xbf: {  	s9 =	spop @!p0 (v2sf)  }
0xc0: {  	s9 =	sand.u32 @!p0 $0xFFFFF80, s9  }
0xc1: {  	s10 =	simm.s32 @!p0 $0xC100;
	s9 =	sadd.s32 @!p0 s1, s9  }
0xc2: {  	[tilespmem:s10], [sflag:$0x1] =	stream.strided.gather @!p0 [hbm4b:s9+s7], $0x1000, s8, s7, $0x38;
	[tilespmem:$0x16100] =	vst v63  }
0xc3: {  	s9 =	spop @!p0 (v2sf)  }
0xc4: {  	s9 =	sand.u32 @!p0 $0xFFFFF80, s9  }
0xc5: {  	s10 =	simm.s32 @!p0 $0xD100;
	s9 =	sadd.s32 @!p0 s1, s9  }
0xc6: {  	[tilespmem:s10], [sflag:$0x1] =	stream.strided.gather @!p0 [hbm4b:s9+s7], $0x1000, s8, s7, $0x38;
	[tilespmem:$0x16100] =	vst v63  }
0xc7: {  	_ =	swait.ge [sflag:s0], $0x1000  }
0xc8: {  	[sflag:s0] =	ssyncset.done $0x0  }
0xc9: {  	[sflag:s0] =	ssyncadd.s32 $0xFFFFF000  }
0xca: {  	_ =	swait.ge [sflag:s0], $0x1000  }
0xcb: {  	[sflag:s0] =	ssyncset.done $0x0  }
0xcc: {  	[sflag:s0] =	ssyncadd.s32 $0xFFFFF000  }
0xcd: {  	_ =	swait.ge [sflag:s0], $0x1000  }
0xce: {  	[sflag:s0] =	ssyncset.done $0x0  }
0xcf: {  	[sflag:s0] =	ssyncadd.s32 $0xFFFFF000  }
0xd0: {  	_ =	swait.ge [sflag:s0], $0x1000  }
0xd1: {  	[sflag:s0] =	ssyncset.done $0x0  }
0xd2: {  	[sflag:s0] =	ssyncadd.s32 $0xFFFFF000  }
0xd3: {  	_ =	swait.ge [sflag:s0], $0x1000  }
0xd4: {  	[sflag:s0] =	ssyncset.done $0x0  }
0xd5: {  	[sflag:s0] =	ssyncadd.s32 $0xFFFFF000  }
0xd6: {  	_ =	swait.ge [sflag:s0], $0x1000  }
0xd7: {  	[sflag:s0] =	ssyncset.done $0x0  }
0xd8: {  	[sflag:s0] =	ssyncadd.s32 $0xFFFFF000  }
0xd9: {  	_ =	swait.ge [sflag:s0], $0x1000  }
0xda: {  	[sflag:s0] =	ssyncset.done $0x0  }
0xdb: {  	[sflag:s0] =	ssyncadd.s32 $0xFFFFF000  }
0xdc: {  	_ =	swait.ge [sflag:s0], $0x1000  }
0xdd: {  	(v2sf) =	vpush v5, $0x8;
	_ =	sdelay $0x6  }
0xde: {  	(v2sf) =	vpush v5, $0x9;
	_ =	sdelay $0x6  }
0xdf: {  	(v2sf) =	vpush v5, $0xA  }
0xe0: {  	s10 =	spop (v2sf)  }
0xe1: {  	s9 =	sand.u32 $0x7F, s10  }
0xe2: {  	v6 =	vor.u32 s9, v1  }
0xe3: {  	v7 =	vor.u32 s9, v2;
	_ =	sdelay $0x1  }
0xe4: {  	[sflag:s0] =	ssyncset.done $0x0  }
0xe5: {  	[sflag:s0] =	ssyncadd.s32 $0xFFFFF000;
	(v2sf) =	vpush v5, $0xB;
	s9 =	sadd.s32 $0x400, s6  }
0xe6: {  	s10 =	spop (v2sf);
	v41 =	vor.u32 s9, v0;
	v6 =	vld.idx.msk [tilespmem:v6+s21+$0x0], $0xffff  }
0xe7: {  	s10 =	sand.u32 $0x7F, s10;
	v42 =	vor.u32 s9, v3;
	v7 =	vld.idx.msk [tilespmem:v7+s21+$0x0], $0xffff  }
0xe8: {  	v43 =	vor.u32 s10, v1  }
0xe9: {  	v44 =	vor.u32 s10, v2;
	_ =	sdelay $0x1  }
0xea: {  	[tilespmem:v41+s31+$0x0] =	vst.idx.msk $0xffff, v6  }
0xeb: {  	(v2sf) =	vpush v5, $0xC;
	s9 =	sadd.s32 $0x480, s6;
	[tilespmem:v42+s31+$0x0] =	vst.idx.msk $0xffff, v7  }
0xec: {  	s10 =	spop (v2sf);
	v7 =	vor.u32 s9, v0;
	v6 =	vld.idx.msk [tilespmem:v43+s22+$0x0], $0xffff  }
0xed: {  	v45 =	vor.u32 s9, v3;
	s10 =	sand.u32 $0x7F, s10;
	v8 =	vld.idx.msk [tilespmem:v44+s22+$0x0], $0xffff  }
0xee: {  	v46 =	vor.u32 s10, v1  }
0xef: {  	v47 =	vor.u32 s10, v2;
	_ =	sdelay $0x1  }
0xf0: {  	[tilespmem:v7+s31+$0x0] =	vst.idx.msk $0xffff, v6  }
0xf1: {  	(v2sf) =	vpush v5, $0xD;
	s9 =	sadd.s32 $0x500, s6;
	[tilespmem:v45+s31+$0x0] =	vst.idx.msk $0xffff, v8  }
0xf2: {  	s10 =	spop (v2sf);
	v7 =	vor.u32 s9, v0;
	v6 =	vld.idx.msk [tilespmem:v46+s23+$0x0], $0xffff  }
0xf3: {  	v48 =	vor.u32 s9, v3;
	s10 =	sand.u32 $0x7F, s10;
	v8 =	vld.idx.msk [tilespmem:v47+s23+$0x0], $0xffff  }
0xf4: {  	v49 =	vor.u32 s10, v1  }
0xf5: {  	v50 =	vor.u32 s10, v2;
	_ =	sdelay $0x1  }
0xf6: {  	[tilespmem:v7+s31+$0x0] =	vst.idx.msk $0xffff, v6  }
0xf7: {  	(v2sf) =	vpush v5, $0xE;
	s9 =	sadd.s32 $0x580, s6;
	[tilespmem:v48+s31+$0x0] =	vst.idx.msk $0xffff, v8  }
0xf8: {  	s10 =	spop (v2sf);
	v7 =	vor.u32 s9, v0;
	v6 =	vld.idx.msk [tilespmem:v49+s24+$0x0], $0xffff  }
0xf9: {  	s10 =	sand.u32 $0x7F, s10;
	v51 =	vor.u32 s9, v3;
	v8 =	vld.idx.msk [tilespmem:v50+s24+$0x0], $0xffff  }
0xfa: {  	v52 =	vor.u32 s10, v1  }
0xfb: {  	v53 =	vor.u32 s10, v2;
	_ =	sdelay $0x1  }
0xfc: {  	[tilespmem:v7+s31+$0x0] =	vst.idx.msk $0xffff, v6  }
0xfd: {  	(v2sf) =	vpush v5, $0xF;
	s9 =	sadd.s32 $0x600, s6;
	[tilespmem:v51+s31+$0x0] =	vst.idx.msk $0xffff, v8  }
0xfe: {  	s10 =	spop (v2sf);
	v6 =	vor.u32 s9, v0;
	v5 =	vld.idx.msk [tilespmem:v52+s25+$0x0], $0xffff  }
0xff: {  	s10 =	sand.u32 $0x7F, s10;
	v54 =	vor.u32 s9, v3;
	v7 =	vld.idx.msk [tilespmem:v53+s25+$0x0], $0xffff  }
0x100: {  	v55 =	vor.u32 s10, v1  }
0x101: {  	v56 =	vor.u32 s10, v2;
	_ =	sdelay $0x1  }
0x102: {  	[tilespmem:v6+s31+$0x0] =	vst.idx.msk $0xffff, v5  }
0x103: {  	s9 =	sadd.s32 $0x680, s6;
	[tilespmem:v54+s31+$0x0] =	vst.idx.msk $0xffff, v7  }
0x104: {  	s10 =	spop (v2sf);
	v6 =	vor.u32 s9, v0;
	v5 =	vld.idx.msk [tilespmem:v55+s26+$0x0], $0xffff  }
0x105: {  	s10 =	sand.u32 $0x7F, s10;
	v57 =	vor.u32 s9, v3;
	v7 =	vld.idx.msk [tilespmem:v56+s26+$0x0], $0xffff  }
0x106: {  	v58 =	vor.u32 s10, v1  }
0x107: {  	(v2sf) =	vpush @!p0 v4, $0x8;
	v59 =	vor.u32 s10, v2;
	_ =	sdelay $0x1  }
0x108: {  	[tilespmem:v6+s31+$0x0] =	vst.idx.msk $0xffff, v5  }
0x109: {  	s9 =	sadd.s32 $0x700, s6;
	[tilespmem:v57+s31+$0x0] =	vst.idx.msk $0xffff, v7  }
0x10a: {  	(v2sf) =	vpush @!p0 v4, $0x9;
	s10 =	spop (v2sf);
	v6 =	vor.u32 s9, v0;
	v5 =	vld.idx.msk [tilespmem:v58+s28+$0x0], $0xffff  }
0x10b: {  	s10 =	sand.u32 $0x7F, s10;
	v60 =	vor.u32 s9, v3;
	v7 =	vld.idx.msk [tilespmem:v59+s28+$0x0], $0xffff  }
0x10c: {  	v61 =	vor.u32 s10, v1  }
0x10d: {  	v62 =	vor.u32 s10, v2  }
0x10e: {  	(v2sf) =	vpush @!p0 v4, $0xA  }
0x10f: {  	[tilespmem:v6+s31+$0x0] =	vst.idx.msk $0xffff, v5  }
0x110: {  	(v2sf) =	vpush @!p0 v4, $0xB;
	s6 =	sadd.s32 $0x780, s6;
	[tilespmem:v60+s31+$0x0] =	vst.idx.msk $0xffff, v7  }
0x111: {  	v6 =	vor.u32 s6, v0;
	v5 =	vld.idx.msk [tilespmem:v61+s29+$0x0], $0xffff  }
0x112: {  	v63 =	vor.u32 s6, v3;
	v7 =	vld.idx.msk [tilespmem:v62+s29+$0x0], $0xffff  }
0x113: {  	(v2sf) =	vpush @!p0 v4, $0xC;
	_ =	sdelay $0x1  }
0x114: {  	s6 =	spop @!p0 (v2sf)  }
0x115: {  	(v2sf) =	vpush @!p0 v4, $0xD;
	s6 =	sand.u32 @!p0 $0xFFFFF80, s6;
	[tilespmem:v6+s31+$0x0] =	vst.idx.msk $0xffff, v5  }
0x116: {  	s9 =	simm.s32 @!p0 $0xE100;
	s6 =	sadd.s32 @!p0 s1, s6;
	[tilespmem:v63+s31+$0x0] =	vst.idx.msk $0xffff, v7  }
0x117: {  	[tilespmem:s9], [sflag:$0x2] =	stream.strided.gather @!p0 [hbm4b:s6+s7], $0x1000, s8, s7, $0x38;
	[tilespmem:$0x16100] =	vst v63  }
0x118: {  	s6 =	spop @!p0 (v2sf)  }
0x119: {  	s6 =	sand.u32 @!p0 $0xFFFFF80, s6  }
0x11a: {  	(v2sf) =	vpush @!p0 v4, $0xE;
	s9 =	simm.s32 @!p0 $0xF100;
	s6 =	sadd.s32 @!p0 s1, s6  }
0x11b: {  	[tilespmem:s9], [sflag:$0x2] =	stream.strided.gather @!p0 [hbm4b:s6+s7], $0x1000, s8, s7, $0x38;
	[tilespmem:$0x16100] =	vst v63  }
0x11c: {  	s6 =	spop @!p0 (v2sf)  }
0x11d: {  	s6 =	sand.u32 @!p0 $0xFFFFF80, s6  }
0x11e: {  	s10 =	simm.s32 @!p0 $0x10100;
	(v2sf) =	vpush @!p0 v4, $0xF;
	s9 =	spop @!p0 (v2sf);
	s6 =	sadd.s32 @!p0 s1, s6  }
0x11f: {  	[tilespmem:s10], [sflag:$0x2] =	stream.strided.gather @!p0 [hbm4b:s6+s7], $0x1000, s8, s7, $0x38;
	[tilespmem:$0x16100] =	vst v63  }
0x120: {  	s6 =	sand.u32 @!p0 $0xFFFFF80, s9  }
0x121: {  	s9 =	spop @!p0 (v2sf);
	s10 =	simm.s32 @!p0 $0x11100;
	s6 =	sadd.s32 @!p0 s1, s6  }
0x122: {  	[tilespmem:s10], [sflag:$0x2] =	stream.strided.gather @!p0 [hbm4b:s6+s7], $0x1000, s8, s7, $0x38;
	[tilespmem:$0x16100] =	vst v63  }
0x123: {  	s6 =	sand.u32 @!p0 $0xFFFFF80, s9  }
0x124: {  	s9 =	spop @!p0 (v2sf);
	s10 =	simm.s32 @!p0 $0x12100;
	s6 =	sadd.s32 @!p0 s1, s6  }
0x125: {  	[tilespmem:s10], [sflag:$0x2] =	stream.strided.gather @!p0 [hbm4b:s6+s7], $0x1000, s8, s7, $0x38;
	[tilespmem:$0x16100] =	vst v63  }
0x126: {  	s6 =	sand.u32 @!p0 $0xFFFFF80, s9  }
0x127: {  	s10 =	simm.s32 @!p0 $0x13100;
	s6 =	sadd.s32 @!p0 s1, s6  }
0x128: {  	[tilespmem:s10], [sflag:$0x2] =	stream.strided.gather @!p0 [hbm4b:s6+s7], $0x1000, s8, s7, $0x38;
	[tilespmem:$0x16100] =	vst v63  }
0x129: {  	s9 =	spop @!p0 (v2sf)  }
0x12a: {  	s6 =	sand.u32 @!p0 $0xFFFFF80, s9  }
0x12b: {  	s9 =	simm.s32 @!p0 $0x14100;
	s6 =	sadd.s32 @!p0 s1, s6  }
0x12c: {  	[tilespmem:s9], [sflag:$0x2] =	stream.strided.gather @!p0 [hbm4b:s6+s7], $0x1000, s8, s7, $0x38;
	[tilespmem:$0x16100] =	vst v63  }
0x12d: {  	s6 =	spop @!p0 (v2sf)  }
0x12e: {  	s5 =	sadd.s32 @!p0 $0x10, s5;
	s6 =	sand.u32 @!p0 $0xFFFFF80, s6  }
0x12f: {  	p1 =	sne.s32 @!p0 s5, $0x80;
	s9 =	simm.s32 @!p0 $0x15100;
	s6 =	sadd.s32 @!p0 s1, s6  }
0x130: {  	[tilespmem:s9], [sflag:$0x2] =	stream.strided.gather @!p0 [hbm4b:s6+s7], $0x1000, s8, s7, $0x38;
	[tilespmem:$0x16100] =	vst v63  }
0x131: {  	p0 =	por p0, !p1  }
.Ltmp0:
0x132: {  	_ = 	snop;
	(pc) =	sbr.rel @!p0 .LBB2_2-.Ltmp0, $2  }
0x133: {  	_ =	sdelay $0x2  }
0x134: {  	v5 =	vmov v4  }
0x135: {  	s5 =	simm.s32 $0x0;
	s6 =	rddreg [dreg:$0x7];
	s7 =	simm.s32 $0x3  }
0x136: {  	[hbm4b:s6+s5] =	stream.linear.scatter [tilespmem:s31], [sflag:$0x3], $0x4000, $0x38;
	[tilespmem:$0x16100] =	vst v63  }
0x137: {  	_ =	swait.ge [sflag:s7], $0x4000  }
0x138: {  	[sflag:s7] =	ssyncset.done $0x0  }
0x139: {  	s8 =	simm.s32 $0x80;
	s10 =	rddreg [dreg:$0x8];
	[sflag:s7] =	ssyncadd.s32 $0xFFFFC000  }
0x13a: {  	[tilespmem:s8], [sflag:$0x3] =	stream.linear.gather [hbm4b:s10+s5], $0x40, $0x38;
	[tilespmem:$0x16100] =	vst v63  }
0x13b: {  	_ =	swait.ge [sflag:s7], $0x40  }
0x13c: {  	[sflag:s7] =	ssyncset.done $0x0  }
0x13d: {  	[sflag:s7] =	ssyncadd.s32 $0xFFFFFFC0  }
0x13e: {  	v5 =	vld [tilespmem:$0x80];
	_ =	sdelay $0x4  }
0x13f: {  	(v2sf) =	vpush v5, $0x0;
	_ =	sdelay $0x1  }
0x140: {  	(v2sf) =	vpush v5, $0x1;
	_ =	sdelay $0x1  }
0x141: {  	(v2sf) =	vpush v5, $0x2;
	_ =	sdelay $0x2  }
0x142: {  	(v2sf) =	vpush v5, $0x3;
	_ =	sdelay $0x7  }
0x143: {  	s7 =	spop (v2sf);
	(v2sf) =	vpush v5, $0x4;
	_ =	sdelay $0x1  }
0x144: {  	s8 =	spop (v2sf);
	(v2sf) =	vpush v5, $0x5;
	_ =	sdelay $0x1  }
0x145: {  	s9 =	spop (v2sf);
	(v2sf) =	vpush v5, $0x6;
	_ =	sdelay $0x1  }
0x146: {  	s6 =	sand.u32 $0xFFFFF80, s7  }
0x147: {  	s6 =	sadd.s32 s2, s6;
	s10 =	spop (v2sf);
	(v2sf) =	vpush v5, $0x7  }
0x148: {  	[tilespmem:s13], [sflag:$0x1] =	stream.strided.gather [hbm4b:s6+s11], $0x1000, s12, s11, $0x38;
	[tilespmem:$0x16100] =	vst v63  }
0x149: {  	s6 =	sand.u32 $0xFFFFF80, s8  }
0x14a: {  	s6 =	sadd.s32 s2, s6  }
0x14b: {  	[tilespmem:s14], [sflag:$0x1] =	stream.strided.gather [hbm4b:s6+s11], $0x1000, s12, s11, $0x38;
	[tilespmem:$0x16100] =	vst v63  }
0x14c: {  	s6 =	sand.u32 $0xFFFFF80, s9  }
0x14d: {  	s6 =	sadd.s32 s2, s6  }
0x14e: {  	[tilespmem:s15], [sflag:$0x1] =	stream.strided.gather [hbm4b:s6+s11], $0x1000, s12, s11, $0x38;
	[tilespmem:$0x16100] =	vst v63  }
0x14f: {  	s7 =	spop (v2sf);
	(v2sf) =	vpush v5, $0x8  }
0x150: {  	s6 =	sand.u32 $0xFFFFF80, s10  }
0x151: {  	s6 =	sadd.s32 s2, s6;
	s8 =	spop (v2sf);
	(v2sf) =	vpush v5, $0x9  }
0x152: {  	[tilespmem:s16], [sflag:$0x1] =	stream.strided.gather [hbm4b:s6+s11], $0x1000, s12, s11, $0x38;
	[tilespmem:$0x16100] =	vst v63  }
0x153: {  	s6 =	sand.u32 $0xFFFFF80, s7;
	s9 =	spop (v2sf);
	(v2sf) =	vpush v5, $0xA  }
0x154: {  	s6 =	sadd.s32 s2, s6  }
0x155: {  	[tilespmem:s17], [sflag:$0x1] =	stream.strided.gather [hbm4b:s6+s11], $0x1000, s12, s11, $0x38;
	[tilespmem:$0x16100] =	vst v63  }
0x156: {  	s10 =	spop (v2sf);
	(v2sf) =	vpush v5, $0xB  }
0x157: {  	s6 =	sand.u32 $0xFFFFF80, s8  }
0x158: {  	s6 =	sadd.s32 s2, s6  }
0x159: {  	[tilespmem:s18], [sflag:$0x1] =	stream.strided.gather [hbm4b:s6+s11], $0x1000, s12, s11, $0x38;
	[tilespmem:$0x16100] =	vst v63  }
0x15a: {  	s6 =	sand.u32 $0xFFFFF80, s9  }
0x15b: {  	s6 =	sadd.s32 s2, s6  }
0x15c: {  	[tilespmem:s19], [sflag:$0x1] =	stream.strided.gather [hbm4b:s6+s11], $0x1000, s12, s11, $0x38;
	[tilespmem:$0x16100] =	vst v63  }
0x15d: {  	s6 =	sand.u32 $0xFFFFF80, s10  }
0x15e: {  	s6 =	sadd.s32 s2, s6;
	s7 =	spop (v2sf);
	(v2sf) =	vpush v5, $0xC  }
0x15f: {  	[tilespmem:s20], [sflag:$0x1] =	stream.strided.gather [hbm4b:s6+s11], $0x1000, s12, s11, $0x38;
	[tilespmem:$0x16100] =	vst v63  }
0x160: {  	s8 =	spop (v2sf);
	(v2sf) =	vpush v5, $0xD  }
0x161: {  	s6 =	sand.u32 $0xFFFFF80, s7  }
0x162: {  	s6 =	sadd.s32 s2, s6;
	s9 =	spop (v2sf)  }
0x163: {  	(v2sf) =	vpush v5, $0xE;
	[tilespmem:s21], [sflag:$0x2] =	stream.strided.gather [hbm4b:s6+s11], $0x1000, s12, s11, $0x38;
	[tilespmem:$0x16100] =	vst v63  }
0x164: {  	s6 =	sand.u32 $0xFFFFF80, s8  }
0x165: {  	s10 =	spop (v2sf);
	s6 =	sadd.s32 s2, s6  }
0x166: {  	(v2sf) =	vpush v5, $0xF;
	[tilespmem:s22], [sflag:$0x2] =	stream.strided.gather [hbm4b:s6+s11], $0x1000, s12, s11, $0x38;
	[tilespmem:$0x16100] =	vst v63  }
0x167: {  	s6 =	sand.u32 $0xFFFFF80, s9  }
0x168: {  	s6 =	sadd.s32 s2, s6  }
0x169: {  	[tilespmem:s23], [sflag:$0x2] =	stream.strided.gather [hbm4b:s6+s11], $0x1000, s12, s11, $0x38;
	[tilespmem:$0x16100] =	vst v63  }
0x16a: {  	s6 =	sand.u32 $0xFFFFF80, s10  }
0x16b: {  	s6 =	sadd.s32 s2, s6  }
0x16c: {  	[tilespmem:s24], [sflag:$0x2] =	stream.strided.gather [hbm4b:s6+s11], $0x1000, s12, s11, $0x38;
	[tilespmem:$0x16100] =	vst v63  }
0x16d: {  	s7 =	spop (v2sf)  }
0x16e: {  	s6 =	sand.u32 $0xFFFFF80, s7  }
0x16f: {  	s8 =	spop (v2sf);
	s6 =	sadd.s32 s2, s6  }
0x170: {  	[tilespmem:s25], [sflag:$0x2] =	stream.strided.gather [hbm4b:s6+s11], $0x1000, s12, s11, $0x38;
	[tilespmem:$0x16100] =	vst v63  }
0x171: {  	s6 =	sand.u32 $0xFFFFF80, s8  }
0x172: {  	s9 =	spop (v2sf);
	s6 =	sadd.s32 s2, s6  }
0x173: {  	[tilespmem:s26], [sflag:$0x2] =	stream.strided.gather [hbm4b:s6+s11], $0x1000, s12, s11, $0x38;
	[tilespmem:$0x16100] =	vst v63  }
0x174: {  	s6 =	sand.u32 $0xFFFFF80, s9  }
0x175: {  	s10 =	spop (v2sf);
	s6 =	sadd.s32 s2, s6  }
0x176: {  	[tilespmem:s28], [sflag:$0x2] =	stream.strided.gather [hbm4b:s6+s11], $0x1000, s12, s11, $0x38;
	[tilespmem:$0x16100] =	vst v63  }
0x177: {  	s6 =	sand.u32 $0xFFFFF80, s10  }
0x178: {  	s6 =	sadd.s32 s2, s6  }
0x179: {  	[tilespmem:s29], [sflag:$0x2] =	stream.strided.gather [hbm4b:s6+s11], $0x1000, s12, s11, $0x38;
	[tilespmem:$0x16100] =	vst v63  }
.LBB2_4:
0x17a: {  	s6 =	sadd.s32 $0x10, s5  }
0x17b: {  	s6 =	smin.u32 s6, $0x30  }
0x17c: {  	v4 =	vld [tilespmem:s6+$0x80];
	_ =	swait.ge [sflag:s30], $0x1000  }
0x17d: {  	[sflag:s30] =	ssyncset.done $0x0  }
0x17e: {  	[sflag:s30] =	ssyncadd.s32 $0xFFFFF000  }
0x17f: {  	_ =	swait.ge [sflag:s30], $0x1000  }
0x180: {  	[sflag:s30] =	ssyncset.done $0x0  }
0x181: {  	[sflag:s30] =	ssyncadd.s32 $0xFFFFF000  }
0x182: {  	_ =	swait.ge [sflag:s30], $0x1000  }
0x183: {  	[sflag:s30] =	ssyncset.done $0x0  }
0x184: {  	[sflag:s30] =	ssyncadd.s32 $0xFFFFF000  }
0x185: {  	_ =	swait.ge [sflag:s30], $0x1000  }
0x186: {  	[sflag:s30] =	ssyncset.done $0x0  }
0x187: {  	[sflag:s30] =	ssyncadd.s32 $0xFFFFF000  }
0x188: {  	_ =	swait.ge [sflag:s30], $0x1000  }
0x189: {  	[sflag:s30] =	ssyncset.done $0x0  }
0x18a: {  	[sflag:s30] =	ssyncadd.s32 $0xFFFFF000  }
0x18b: {  	_ =	swait.ge [sflag:s30], $0x1000  }
0x18c: {  	[sflag:s30] =	ssyncset.done $0x0  }
0x18d: {  	[sflag:s30] =	ssyncadd.s32 $0xFFFFF000  }
0x18e: {  	_ =	swait.ge [sflag:s30], $0x1000  }
0x18f: {  	[sflag:s30] =	ssyncset.done $0x0  }
0x190: {  	[sflag:s30] =	ssyncadd.s32 $0xFFFFF000  }
0x191: {  	_ =	swait.ge [sflag:s30], $0x1000  }
0x192: {  	(v2sf) =	vpush v5, $0x0;
	_ =	sdelay $0x6  }
0x193: {  	(v2sf) =	vpush v5, $0x1;
	_ =	sdelay $0x6  }
0x194: {  	(v2sf) =	vpush v5, $0x2  }
0x195: {  	s9 =	spop (v2sf)  }
0x196: {  	s6 =	sand.u32 $0x7F, s9  }
0x197: {  	v6 =	vor.u32 s6, v1  }
0x198: {  	v7 =	vor.u32 s6, v2;
	_ =	sdelay $0x1  }
0x199: {  	[sflag:s30] =	ssyncset.done $0x0  }
0x19a: {  	[sflag:s30] =	ssyncadd.s32 $0xFFFFF000;
	(v2sf) =	vpush v5, $0x3;
	s6 =	sshll.u32 s5, $0x7  }
0x19b: {  	s7 =	spop (v2sf);
	v8 =	vor.u32 s6, v0;
	v6 =	vld.idx.msk [tilespmem:v6+s13+$0x0], $0xffff  }
0x19c: {  	s7 =	sand.u32 $0x7F, s7;
	v9 =	vor.u32 s6, v3;
	v7 =	vld.idx.msk [tilespmem:v7+s13+$0x0], $0xffff  }
0x19d: {  	v10 =	vor.u32 s7, v1  }
0x19e: {  	v11 =	vor.u32 s7, v2;
	_ =	sdelay $0x1  }
0x19f: {  	[tilespmem:v8+s3+$0x0] =	vst.idx.msk $0xffff, v6  }
0x1a0: {  	(v2sf) =	vpush v5, $0x4;
	s10 =	sadd.s32 $0x80, s6;
	[tilespmem:v9+s3+$0x0] =	vst.idx.msk $0xffff, v7  }
0x1a1: {  	s8 =	spop (v2sf);
	v7 =	vor.u32 s10, v0;
	v6 =	vld.idx.msk [tilespmem:v10+s14+$0x0], $0xffff  }
0x1a2: {  	s8 =	sand.u32 $0x7F, s8;
	v22 =	vor.u32 s10, v3;
	v8 =	vld.idx.msk [tilespmem:v11+s14+$0x0], $0xffff  }
0x1a3: {  	v23 =	vor.u32 s8, v1  }
0x1a4: {  	v24 =	vor.u32 s8, v2;
	_ =	sdelay $0x1  }
0x1a5: {  	[tilespmem:v7+s3+$0x0] =	vst.idx.msk $0xffff, v6  }
0x1a6: {  	(v2sf) =	vpush v5, $0x5;
	s9 =	sadd.s32 $0x100, s6;
	[tilespmem:v22+s3+$0x0] =	vst.idx.msk $0xffff, v8  }
0x1a7: {  	s10 =	spop (v2sf);
	v7 =	vor.u32 s9, v0;
	v6 =	vld.idx.msk [tilespmem:v23+s15+$0x0], $0xffff  }
0x1a8: {  	v25 =	vor.u32 s9, v3;
	s8 =	sand.u32 $0x7F, s10;
	v8 =	vld.idx.msk [tilespmem:v24+s15+$0x0], $0xffff  }
0x1a9: {  	v26 =	vor.u32 s8, v1  }
0x1aa: {  	v27 =	vor.u32 s8, v2;
	_ =	sdelay $0x1  }
0x1ab: {  	[tilespmem:v7+s3+$0x0] =	vst.idx.msk $0xffff, v6  }
0x1ac: {  	(v2sf) =	vpush v5, $0x6;
	s9 =	sadd.s32 $0x180, s6;
	[tilespmem:v25+s3+$0x0] =	vst.idx.msk $0xffff, v8  }
0x1ad: {  	s10 =	spop (v2sf);
	v7 =	vor.u32 s9, v0;
	v6 =	vld.idx.msk [tilespmem:v26+s16+$0x0], $0xffff  }
0x1ae: {  	s8 =	sand.u32 $0x7F, s10;
	v28 =	vor.u32 s9, v3;
	v8 =	vld.idx.msk [tilespmem:v27+s16+$0x0], $0xffff  }
0x1af: {  	v29 =	vor.u32 s8, v1  }
0x1b0: {  	v30 =	vor.u32 s8, v2;
	_ =	sdelay $0x1  }
0x1b1: {  	[tilespmem:v7+s3+$0x0] =	vst.idx.msk $0xffff, v6  }
0x1b2: {  	(v2sf) =	vpush v5, $0x7;
	s9 =	sadd.s32 $0x200, s6;
	[tilespmem:v28+s3+$0x0] =	vst.idx.msk $0xffff, v8  }
0x1b3: {  	s10 =	spop (v2sf);
	v7 =	vor.u32 s9, v0;
	v6 =	vld.idx.msk [tilespmem:v29+s17+$0x0], $0xffff  }
0x1b4: {  	s8 =	sand.u32 $0x7F, s10;
	v31 =	vor.u32 s9, v3;
	v8 =	vld.idx.msk [tilespmem:v30+s17+$0x0], $0xffff  }
0x1b5: {  	v32 =	vor.u32 s8, v1  }
0x1b6: {  	v33 =	vor.u32 s8, v2;
	_ =	sdelay $0x1  }
0x1b7: {  	[tilespmem:v7+s3+$0x0] =	vst.idx.msk $0xffff, v6  }
0x1b8: {  	s9 =	sadd.s32 $0x280, s6;
	[tilespmem:v31+s3+$0x0] =	vst.idx.msk $0xffff, v8  }
0x1b9: {  	s10 =	spop (v2sf);
	v7 =	vor.u32 s9, v0;
	v6 =	vld.idx.msk [tilespmem:v32+s18+$0x0], $0xffff  }
0x1ba: {  	s8 =	sand.u32 $0x7F, s10;
	v34 =	vor.u32 s9, v3;
	v8 =	vld.idx.msk [tilespmem:v33+s18+$0x0], $0xffff  }
0x1bb: {  	p0 =	seq.s32 s5, $0x30;
	v35 =	vor.u32 s8, v1  }
0x1bc: {  	(v2sf) =	vpush @!p0 v4, $0x0;
	v36 =	vor.u32 s8, v2;
	_ =	sdelay $0x1  }
0x1bd: {  	[tilespmem:v7+s3+$0x0] =	vst.idx.msk $0xffff, v6  }
0x1be: {  	s9 =	sadd.s32 $0x300, s6;
	[tilespmem:v34+s3+$0x0] =	vst.idx.msk $0xffff, v8  }
0x1bf: {  	(v2sf) =	vpush @!p0 v4, $0x1;
	s10 =	spop (v2sf);
	v7 =	vor.u32 s9, v0;
	v6 =	vld.idx.msk [tilespmem:v35+s19+$0x0], $0xffff  }
0x1c0: {  	s8 =	sand.u32 $0x7F, s10;
	v37 =	vor.u32 s9, v3;
	v8 =	vld.idx.msk [tilespmem:v36+s19+$0x0], $0xffff  }
0x1c1: {  	v38 =	vor.u32 s8, v1  }
0x1c2: {  	v39 =	vor.u32 s8, v2  }
0x1c3: {  	(v2sf) =	vpush @!p0 v4, $0x2  }
0x1c4: {  	[tilespmem:v7+s3+$0x0] =	vst.idx.msk $0xffff, v6  }
0x1c5: {  	s9 =	sadd.s32 $0x380, s6;
	[tilespmem:v37+s3+$0x0] =	vst.idx.msk $0xffff, v8  }
0x1c6: {  	v7 =	vor.u32 s9, v0;
	v6 =	vld.idx.msk [tilespmem:v38+s20+$0x0], $0xffff  }
0x1c7: {  	(v2sf) =	vpush @!p0 v4, $0x3;
	v40 =	vor.u32 s9, v3;
	v8 =	vld.idx.msk [tilespmem:v39+s20+$0x0], $0xffff;
	_ =	sdelay $0x2  }
0x1c8: {  	s7 =	spop @!p0 (v2sf)  }
0x1c9: {  	(v2sf) =	vpush @!p0 v4, $0x4;
	s10 =	simm.s32 @!p0 $0x6100;
	s7 =	sand.u32 @!p0 $0xFFFFF80, s7;
	[tilespmem:v7+s3+$0x0] =	vst.idx.msk $0xffff, v6  }
0x1ca: {  	s8 =	simm.s32 @!p0 $0x7A1400;
	s9 =	sadd.s32 @!p0 s2, s7;
	s7 =	simm.s32 @!p0 $0x400;
	[tilespmem:v40+s3+$0x0] =	vst.idx.msk $0xffff, v8  }
0x1cb: {  	[tilespmem:s10], [sflag:$0x1] =	stream.strided.gather @!p0 [hbm4b:s9+s7], $0x1000, s8, s7, $0x38;
	[tilespmem:$0x16100] =	vst v63  }
0x1cc: {  	s9 =	spop @!p0 (v2sf)  }
0x1cd: {  	(v2sf) =	vpush @!p0 v4, $0x5;
	s9 =	sand.u32 @!p0 $0xFFFFF80, s9  }
0x1ce: {  	s10 =	simm.s32 @!p0 $0x7100;
	s9 =	sadd.s32 @!p0 s2, s9  }
0x1cf: {  	[tilespmem:s10], [sflag:$0x1] =	stream.strided.gather @!p0 [hbm4b:s9+s7], $0x1000, s8, s7, $0x38;
	[tilespmem:$0x16100] =	vst v63  }
0x1d0: {  	s9 =	spop @!p0 (v2sf)  }
0x1d1: {  	(v2sf) =	vpush @!p0 v4, $0x6;
	s9 =	sand.u32 @!p0 $0xFFFFF80, s9  }
0x1d2: {  	s10 =	simm.s32 @!p0 $0x8100;
	s9 =	sadd.s32 @!p0 s2, s9  }
0x1d3: {  	[tilespmem:s10], [sflag:$0x1] =	stream.strided.gather @!p0 [hbm4b:s9+s7], $0x1000, s8, s7, $0x38;
	[tilespmem:$0x16100] =	vst v63  }
0x1d4: {  	s9 =	spop @!p0 (v2sf)  }
0x1d5: {  	(v2sf) =	vpush @!p0 v4, $0x7;
	s9 =	sand.u32 @!p0 $0xFFFFF80, s9  }
0x1d6: {  	s10 =	simm.s32 @!p0 $0x9100;
	s9 =	sadd.s32 @!p0 s2, s9  }
0x1d7: {  	[tilespmem:s10], [sflag:$0x1] =	stream.strided.gather @!p0 [hbm4b:s9+s7], $0x1000, s8, s7, $0x38;
	[tilespmem:$0x16100] =	vst v63  }
0x1d8: {  	s9 =	spop @!p0 (v2sf)  }
0x1d9: {  	s9 =	sand.u32 @!p0 $0xFFFFF80, s9  }
0x1da: {  	s10 =	simm.s32 @!p0 $0xA100;
	s9 =	sadd.s32 @!p0 s2, s9  }
0x1db: {  	[tilespmem:s10], [sflag:$0x1] =	stream.strided.gather @!p0 [hbm4b:s9+s7], $0x1000, s8, s7, $0x38;
	[tilespmem:$0x16100] =	vst v63  }
0x1dc: {  	s9 =	spop @!p0 (v2sf)  }
0x1dd: {  	s9 =	sand.u32 @!p0 $0xFFFFF80, s9  }
0x1de: {  	s10 =	simm.s32 @!p0 $0xB100;
	s9 =	sadd.s32 @!p0 s2, s9  }
0x1df: {  	[tilespmem:s10], [sflag:$0x1] =	stream.strided.gather @!p0 [hbm4b:s9+s7], $0x1000, s8, s7, $0x38;
	[tilespmem:$0x16100] =	vst v63  }
0x1e0: {  	s9 =	spop @!p0 (v2sf)  }
0x1e1: {  	s9 =	sand.u32 @!p0 $0xFFFFF80, s9  }
0x1e2: {  	s10 =	simm.s32 @!p0 $0xC100;
	s9 =	sadd.s32 @!p0 s2, s9  }
0x1e3: {  	[tilespmem:s10], [sflag:$0x1] =	stream.strided.gather @!p0 [hbm4b:s9+s7], $0x1000, s8, s7, $0x38;
	[tilespmem:$0x16100] =	vst v63  }
0x1e4: {  	s9 =	spop @!p0 (v2sf)  }
0x1e5: {  	s9 =	sand.u32 @!p0 $0xFFFFF80, s9  }
0x1e6: {  	s10 =	simm.s32 @!p0 $0xD100;
	s9 =	sadd.s32 @!p0 s2, s9  }
0x1e7: {  	[tilespmem:s10], [sflag:$0x1] =	stream.strided.gather @!p0 [hbm4b:s9+s7], $0x1000, s8, s7, $0x38;
	[tilespmem:$0x16100] =	vst v63  }
0x1e8: {  	_ =	swait.ge [sflag:s0], $0x1000  }
0x1e9: {  	[sflag:s0] =	ssyncset.done $0x0  }
0x1ea: {  	[sflag:s0] =	ssyncadd.s32 $0xFFFFF000  }
0x1eb: {  	_ =	swait.ge [sflag:s0], $0x1000  }
0x1ec: {  	[sflag:s0] =	ssyncset.done $0x0  }
0x1ed: {  	[sflag:s0] =	ssyncadd.s32 $0xFFFFF000  }
0x1ee: {  	_ =	swait.ge [sflag:s0], $0x1000  }
0x1ef: {  	[sflag:s0] =	ssyncset.done $0x0  }
0x1f0: {  	[sflag:s0] =	ssyncadd.s32 $0xFFFFF000  }
0x1f1: {  	_ =	swait.ge [sflag:s0], $0x1000  }
0x1f2: {  	[sflag:s0] =	ssyncset.done $0x0  }
0x1f3: {  	[sflag:s0] =	ssyncadd.s32 $0xFFFFF000  }
0x1f4: {  	_ =	swait.ge [sflag:s0], $0x1000  }
0x1f5: {  	[sflag:s0] =	ssyncset.done $0x0  }
0x1f6: {  	[sflag:s0] =	ssyncadd.s32 $0xFFFFF000  }
0x1f7: {  	_ =	swait.ge [sflag:s0], $0x1000  }
0x1f8: {  	[sflag:s0] =	ssyncset.done $0x0  }
0x1f9: {  	[sflag:s0] =	ssyncadd.s32 $0xFFFFF000  }
0x1fa: {  	_ =	swait.ge [sflag:s0], $0x1000  }
0x1fb: {  	[sflag:s0] =	ssyncset.done $0x0  }
0x1fc: {  	[sflag:s0] =	ssyncadd.s32 $0xFFFFF000  }
0x1fd: {  	_ =	swait.ge [sflag:s0], $0x1000  }
0x1fe: {  	(v2sf) =	vpush v5, $0x8;
	_ =	sdelay $0x6  }
0x1ff: {  	(v2sf) =	vpush v5, $0x9;
	_ =	sdelay $0x6  }
0x200: {  	(v2sf) =	vpush v5, $0xA  }
0x201: {  	s10 =	spop (v2sf)  }
0x202: {  	s9 =	sand.u32 $0x7F, s10  }
0x203: {  	v6 =	vor.u32 s9, v1  }
0x204: {  	v7 =	vor.u32 s9, v2;
	_ =	sdelay $0x1  }
0x205: {  	[sflag:s0] =	ssyncset.done $0x0  }
0x206: {  	[sflag:s0] =	ssyncadd.s32 $0xFFFFF000;
	(v2sf) =	vpush v5, $0xB;
	s9 =	sadd.s32 $0x400, s6  }
0x207: {  	s10 =	spop (v2sf);
	v41 =	vor.u32 s9, v0;
	v6 =	vld.idx.msk [tilespmem:v6+s21+$0x0], $0xffff  }
0x208: {  	s10 =	sand.u32 $0x7F, s10;
	v42 =	vor.u32 s9, v3;
	v7 =	vld.idx.msk [tilespmem:v7+s21+$0x0], $0xffff  }
0x209: {  	v43 =	vor.u32 s10, v1  }
0x20a: {  	v44 =	vor.u32 s10, v2;
	_ =	sdelay $0x1  }
0x20b: {  	[tilespmem:v41+s3+$0x0] =	vst.idx.msk $0xffff, v6  }
0x20c: {  	(v2sf) =	vpush v5, $0xC;
	s9 =	sadd.s32 $0x480, s6;
	[tilespmem:v42+s3+$0x0] =	vst.idx.msk $0xffff, v7  }
0x20d: {  	s10 =	spop (v2sf);
	v7 =	vor.u32 s9, v0;
	v6 =	vld.idx.msk [tilespmem:v43+s22+$0x0], $0xffff  }
0x20e: {  	v45 =	vor.u32 s9, v3;
	s10 =	sand.u32 $0x7F, s10;
	v8 =	vld.idx.msk [tilespmem:v44+s22+$0x0], $0xffff  }
0x20f: {  	v46 =	vor.u32 s10, v1  }
0x210: {  	v47 =	vor.u32 s10, v2;
	_ =	sdelay $0x1  }
0x211: {  	[tilespmem:v7+s3+$0x0] =	vst.idx.msk $0xffff, v6  }
0x212: {  	(v2sf) =	vpush v5, $0xD;
	s9 =	sadd.s32 $0x500, s6;
	[tilespmem:v45+s3+$0x0] =	vst.idx.msk $0xffff, v8  }
0x213: {  	s10 =	spop (v2sf);
	v7 =	vor.u32 s9, v0;
	v6 =	vld.idx.msk [tilespmem:v46+s23+$0x0], $0xffff  }
0x214: {  	v48 =	vor.u32 s9, v3;
	s10 =	sand.u32 $0x7F, s10;
	v8 =	vld.idx.msk [tilespmem:v47+s23+$0x0], $0xffff  }
0x215: {  	v49 =	vor.u32 s10, v1  }
0x216: {  	v50 =	vor.u32 s10, v2;
	_ =	sdelay $0x1  }
0x217: {  	[tilespmem:v7+s3+$0x0] =	vst.idx.msk $0xffff, v6  }
0x218: {  	(v2sf) =	vpush v5, $0xE;
	s9 =	sadd.s32 $0x580, s6;
	[tilespmem:v48+s3+$0x0] =	vst.idx.msk $0xffff, v8  }
0x219: {  	s10 =	spop (v2sf);
	v7 =	vor.u32 s9, v0;
	v6 =	vld.idx.msk [tilespmem:v49+s24+$0x0], $0xffff  }
0x21a: {  	s10 =	sand.u32 $0x7F, s10;
	v51 =	vor.u32 s9, v3;
	v8 =	vld.idx.msk [tilespmem:v50+s24+$0x0], $0xffff  }
0x21b: {  	v52 =	vor.u32 s10, v1  }
0x21c: {  	v53 =	vor.u32 s10, v2;
	_ =	sdelay $0x1  }
0x21d: {  	[tilespmem:v7+s3+$0x0] =	vst.idx.msk $0xffff, v6  }
0x21e: {  	(v2sf) =	vpush v5, $0xF;
	s9 =	sadd.s32 $0x600, s6;
	[tilespmem:v51+s3+$0x0] =	vst.idx.msk $0xffff, v8  }
0x21f: {  	s10 =	spop (v2sf);
	v6 =	vor.u32 s9, v0;
	v5 =	vld.idx.msk [tilespmem:v52+s25+$0x0], $0xffff  }
0x220: {  	s10 =	sand.u32 $0x7F, s10;
	v54 =	vor.u32 s9, v3;
	v7 =	vld.idx.msk [tilespmem:v53+s25+$0x0], $0xffff  }
0x221: {  	v55 =	vor.u32 s10, v1  }
0x222: {  	v56 =	vor.u32 s10, v2;
	_ =	sdelay $0x1  }
0x223: {  	[tilespmem:v6+s3+$0x0] =	vst.idx.msk $0xffff, v5  }
0x224: {  	s9 =	sadd.s32 $0x680, s6;
	[tilespmem:v54+s3+$0x0] =	vst.idx.msk $0xffff, v7  }
0x225: {  	s10 =	spop (v2sf);
	v6 =	vor.u32 s9, v0;
	v5 =	vld.idx.msk [tilespmem:v55+s26+$0x0], $0xffff  }
0x226: {  	s10 =	sand.u32 $0x7F, s10;
	v57 =	vor.u32 s9, v3;
	v7 =	vld.idx.msk [tilespmem:v56+s26+$0x0], $0xffff  }
0x227: {  	v58 =	vor.u32 s10, v1  }
0x228: {  	(v2sf) =	vpush @!p0 v4, $0x8;
	v59 =	vor.u32 s10, v2;
	_ =	sdelay $0x1  }
0x229: {  	[tilespmem:v6+s3+$0x0] =	vst.idx.msk $0xffff, v5  }
0x22a: {  	s9 =	sadd.s32 $0x700, s6;
	[tilespmem:v57+s3+$0x0] =	vst.idx.msk $0xffff, v7  }
0x22b: {  	(v2sf) =	vpush @!p0 v4, $0x9;
	s10 =	spop (v2sf);
	v6 =	vor.u32 s9, v0;
	v5 =	vld.idx.msk [tilespmem:v58+s28+$0x0], $0xffff  }
0x22c: {  	s10 =	sand.u32 $0x7F, s10;
	v60 =	vor.u32 s9, v3;
	v7 =	vld.idx.msk [tilespmem:v59+s28+$0x0], $0xffff  }
0x22d: {  	v61 =	vor.u32 s10, v1  }
0x22e: {  	v62 =	vor.u32 s10, v2  }
0x22f: {  	(v2sf) =	vpush @!p0 v4, $0xA  }
0x230: {  	[tilespmem:v6+s3+$0x0] =	vst.idx.msk $0xffff, v5  }
0x231: {  	(v2sf) =	vpush @!p0 v4, $0xB;
	s6 =	sadd.s32 $0x780, s6;
	[tilespmem:v60+s3+$0x0] =	vst.idx.msk $0xffff, v7  }
0x232: {  	v6 =	vor.u32 s6, v0;
	v5 =	vld.idx.msk [tilespmem:v61+s29+$0x0], $0xffff  }
0x233: {  	v63 =	vor.u32 s6, v3;
	v7 =	vld.idx.msk [tilespmem:v62+s29+$0x0], $0xffff  }
0x234: {  	(v2sf) =	vpush @!p0 v4, $0xC;
	_ =	sdelay $0x1  }
0x235: {  	s6 =	spop @!p0 (v2sf)  }
0x236: {  	(v2sf) =	vpush @!p0 v4, $0xD;
	s6 =	sand.u32 @!p0 $0xFFFFF80, s6;
	[tilespmem:v6+s3+$0x0] =	vst.idx.msk $0xffff, v5  }
0x237: {  	s9 =	simm.s32 @!p0 $0xE100;
	s6 =	sadd.s32 @!p0 s2, s6;
	[tilespmem:v63+s3+$0x0] =	vst.idx.msk $0xffff, v7  }
0x238: {  	[tilespmem:s9], [sflag:$0x2] =	stream.strided.gather @!p0 [hbm4b:s6+s7], $0x1000, s8, s7, $0x38;
	[tilespmem:$0x16100] =	vst v63  }
0x239: {  	s6 =	spop @!p0 (v2sf)  }
0x23a: {  	s6 =	sand.u32 @!p0 $0xFFFFF80, s6  }
0x23b: {  	(v2sf) =	vpush @!p0 v4, $0xE;
	s9 =	simm.s32 @!p0 $0xF100;
	s6 =	sadd.s32 @!p0 s2, s6  }
0x23c: {  	[tilespmem:s9], [sflag:$0x2] =	stream.strided.gather @!p0 [hbm4b:s6+s7], $0x1000, s8, s7, $0x38;
	[tilespmem:$0x16100] =	vst v63  }
0x23d: {  	s6 =	spop @!p0 (v2sf)  }
0x23e: {  	s6 =	sand.u32 @!p0 $0xFFFFF80, s6  }
0x23f: {  	s10 =	simm.s32 @!p0 $0x10100;
	(v2sf) =	vpush @!p0 v4, $0xF;
	s9 =	spop @!p0 (v2sf);
	s6 =	sadd.s32 @!p0 s2, s6  }
0x240: {  	[tilespmem:s10], [sflag:$0x2] =	stream.strided.gather @!p0 [hbm4b:s6+s7], $0x1000, s8, s7, $0x38;
	[tilespmem:$0x16100] =	vst v63  }
0x241: {  	s6 =	sand.u32 @!p0 $0xFFFFF80, s9  }
0x242: {  	s9 =	spop @!p0 (v2sf);
	s10 =	simm.s32 @!p0 $0x11100;
	s6 =	sadd.s32 @!p0 s2, s6  }
0x243: {  	[tilespmem:s10], [sflag:$0x2] =	stream.strided.gather @!p0 [hbm4b:s6+s7], $0x1000, s8, s7, $0x38;
	[tilespmem:$0x16100] =	vst v63  }
0x244: {  	s6 =	sand.u32 @!p0 $0xFFFFF80, s9  }
0x245: {  	s9 =	spop @!p0 (v2sf);
	s10 =	simm.s32 @!p0 $0x12100;
	s6 =	sadd.s32 @!p0 s2, s6  }
0x246: {  	[tilespmem:s10], [sflag:$0x2] =	stream.strided.gather @!p0 [hbm4b:s6+s7], $0x1000, s8, s7, $0x38;
	[tilespmem:$0x16100] =	vst v63  }
0x247: {  	s6 =	sand.u32 @!p0 $0xFFFFF80, s9  }
0x248: {  	s10 =	simm.s32 @!p0 $0x13100;
	s6 =	sadd.s32 @!p0 s2, s6  }
0x249: {  	[tilespmem:s10], [sflag:$0x2] =	stream.strided.gather @!p0 [hbm4b:s6+s7], $0x1000, s8, s7, $0x38;
	[tilespmem:$0x16100] =	vst v63  }
0x24a: {  	s9 =	spop @!p0 (v2sf)  }
0x24b: {  	s6 =	sand.u32 @!p0 $0xFFFFF80, s9  }
0x24c: {  	s9 =	simm.s32 @!p0 $0x14100;
	s6 =	sadd.s32 @!p0 s2, s6  }
0x24d: {  	[tilespmem:s9], [sflag:$0x2] =	stream.strided.gather @!p0 [hbm4b:s6+s7], $0x1000, s8, s7, $0x38;
	[tilespmem:$0x16100] =	vst v63  }
0x24e: {  	s6 =	spop @!p0 (v2sf)  }
0x24f: {  	s5 =	sadd.s32 @!p0 $0x10, s5;
	s6 =	sand.u32 @!p0 $0xFFFFF80, s6  }
0x250: {  	p1 =	sne.s32 @!p0 s5, $0x40;
	s9 =	simm.s32 @!p0 $0x15100;
	s6 =	sadd.s32 @!p0 s2, s6  }
0x251: {  	[tilespmem:s9], [sflag:$0x2] =	stream.strided.gather @!p0 [hbm4b:s6+s7], $0x1000, s8, s7, $0x38;
	[tilespmem:$0x16100] =	vst v63  }
0x252: {  	p0 =	por p0, !p1  }
.Ltmp1:
0x253: {  	_ = 	snop;
	(pc) =	sbr.rel @!p0 .LBB2_4-.Ltmp1, $2  }
0x254: {  	_ =	sdelay $0x2  }
0x255: {  	v5 =	vmov v4  }
0x256: {  	s9 =	simm.s32 $0x0;
	s5 =	rddreg [dreg:$0x9];
	s6 =	simm.s32 $0x3  }
0x257: {  	[hbm4b:s5+s9] =	stream.linear.scatter [tilespmem:s3], [sflag:$0x3], $0x2000, $0x38;
	[tilespmem:$0x16100] =	vst v63  }
0x258: {  	_ =	swait.ge [sflag:s6], $0x2000  }
0x259: {  	s4 =	sadd.s32 $0x1, s4;
	s10 =	rddreg [dreg:$0xa]  }
0x25a: {  	p0 =	sne.s32 s4, s10  }
.Ltmp2:
0x25b: {  	_ = 	snop;
	(pc) =	sbr.rel @p0 .LBB2_1-.Ltmp2, $3  }
0x25c: {  	_ =	sdelay $0x1  }
0x25d: {  	[sflag:s6] =	ssyncset.done $0x0  }
0x25e: {  	[sflag:s6] =	ssyncadd.s32 $0xFFFFE000  }
0x25f: {  	_ =	sfence.sel $0x180000  }
0x260: {  	[bflag:$0x0] =	sbarrier.arrive $0xFFFF  }
0x261: {  	_ =	strace $0x90000047  }
0x262: {  	s0 =	stileid.u32;
	[bflag:$0x2] =	sbarrier.arrive $0xFFFF  }
0x263: {  	p0 =	sne.s32 s0, $0x0;
	s0 =	rddreg [dreg:$0x5]  }
0x264: {  	s0 =	sadd.s32 @!p0 $0x100000, s0  }
0x265: {  	[sflag:s0] =	ssyncadd.tile.s32 @!p0 $0x1;
	_ =	shalt  }
.Lfunc_end2:
_tile_overlayer_lowered:
.L_overlay_start_2:
0x266: {  	(tag) =	ssettag $0x2  }
0x267: {  	s0 =	rddreg [dreg:$0x0];
	s2 =	stileid.u32  }
0x268: {  	s1 =	rddreg [dreg:$0x1];
	p0 =	sne.s32 s2, $0x0  }
0x269: {  	s3 =	rddreg [dreg:$0x2];
	[bflag:$0x3] =	sbarrier.arrive $0xFFFF;
	s2 =	simm.s32 @!p0 $0x1C03  }
0x26a: {  	[timem:s3], [sflag:s2] =	dma.local @!p0 [hbm:s0], s1  }
0x26b: {  	s0 =	simm.s32 @!p0 $0x3  }
0x26c: {  	_ =	swait.ge @!p0 [sflag:s0], s1  }
0x26d: {  	s1 =	ssub.s32 @!p0 $0x0, s1;
	[sflag:s0] =	ssyncset.done @!p0 $0x0  }
0x26e: {  	[sflag:s0] =	ssyncadd.s32 @!p0 s1  }
0x26f: {  	[bflag:$0x3] =	sbarrier.arrive $0xFFFF  }
0x270: {  	_ =	shalt  }

// kernel: kernel.9.cloned.1.call-start
scs
__scs_entry_jumppad:
0x0: {  	(pc) =	sbr.rel $0x88, $3  }
0x1: {  	(tag) =	ssettag $0x0;
	lr =	simm.s32 $0x1  }
0x2: {  	[smem:$0x3F9D] =	sst lr;
	_ =	strace $0xD0000000  }
0x3: {  	_ = 	snop  }
0x4: {  	_ = 	snop  }
0x5: {  	_ = 	snop  }
0x6: {  	_ = 	snop  }
0x7: {  	_ = 	snop  }
__scs_overlays_trampoline_lowered:
0x8: {  	[smem:$0x3FAC] =	sst s0  }
0x9: {  	[smem:$0x3FAD] =	sst s1  }
0xa: {  	[smem:$0x3FAE] =	sst s2  }
0xb: {  	[smem:$0x3FAF] =	sst s3  }
0xc: {  	[smem:$0x3FB0] =	sst s4  }
0xd: {  	[smem:$0x3FB1] =	sst s5  }
0xe: {  	[smem:$0x3FB2] =	sst s6  }
0xf: {  	[smem:$0x3FB3] =	sst s7  }
0x10: {  	[smem:$0x3FB4] =	sst s8  }
0x11: {  	[smem:$0x3FB5] =	sst s9;
	s0 =	simm.s32 @!p0 $0x0  }
0x12: {  	s1 =	sld [smem:$0x3F9B];
	s0 =	simm.s32 @p0 $0x1  }
0x13: {  	[smem:$0x3FB6] =	sst s0;
	s0 =	simm.s32 @!p1 $0x0  }
0x14: {  	s2 =	sld [smem:$0x3F9A];
	s0 =	simm.s32 @p1 $0x1  }
0x15: {  	[smem:$0x3FB7] =	sst s0;
	s0 =	simm.s32 @!p2 $0x0  }
0x16: {  	s3 =	sld [smem:$0x3FDB];
	s0 =	simm.s32 @p2 $0x1  }
0x17: {  	s4 =	simm.s32 $0x1BF5;
	[smem:$0x3FB9] =	sst s0  }
0x18: {  	s0 =	sld [smem:$0x3F9C];
	_ =	swait.ge [sflag:s4], $0x0  }
0x19: {  	s7 =	sld [smem:$0x3F9D]  }
0x1a: {  	s8 =	sadd.s32 $0xFFFFE003, lr  }
0x1b: {  	s9 =	sadd.s32 $0xFFFFFEF7, lr;
	s5 =	simm.s32 $0xFFFFFFFF;
	p2 =	slt.u32 s8, $0xFFFFF086  }
0x1c: {  	p1 =	slt.u32 s9, $0xF7A;
	s5 =	simm.s32 @!p2 $0x0  }
0x1d: {  	s5 =	simm.s32 @p1 $0x1;
	p0 =	seq.s32 s7, s2  }
0x1e: {  	s7 =	smul.u32 @!p0 $0xF7A, s2;
	p2 =	seq.s32 @!p0 s5, $0x0  }
0x1f: {  	s9 =	smul.u32 $0xF7A, s1;
	s8 =	simm.s32 @!p0 $0x1BF5;
	p2 =	por !p2, p0  }
0x20: {  	[sflag:s8] =	ssyncset.s32 @!p0 $0xFFFFF086;
	s6 =	sadd.s32 @!p0 s3, s7;
	s7 =	simm.s32 @!p0 $0x108  }
0x21: {  	s3 =	sadd.s32 s3, s9;
	s6 =	sadd.s32 @!p0 $0x88, s6;
	s7 =	simm.s32 @p2 $0x1082  }
0x22: {  	[simem:s7], [sflag:s8] =	dma.local @!p0 [hbm:s6], $0xF7A  }
0x23: {  	s9 =	sor.u32 $0xD0000000, s2;
	s6 =	simm.s32 $0x108;
	_ =	swait.ge @!p0 [sflag:s8], $0x0  }
0x24: {  	s3 =	sadd.s32 $0x88, s3;
	s6 =	simm.s32 @!p1 $0x1082;
	[sflag:s4] =	ssyncset.s32 $0xFFFFF086  }
0x25: {  	[simem:s6], [sflag:s4] =	dma.local [hbm:s3], $0xF7A  }
0x26: {  	[smem:$0x3F9D] =	sst s1;
	(tag) =	ssettag s2;
	_ =	strace s9  }
0x27: {  	s1 =	sld [smem:$0x3FAD]  }
0x28: {  	s2 =	sld [smem:$0x3FAE]  }
0x29: {  	s4 =	sld [smem:$0x3FB0]  }
0x2a: {  	p0 =	seq.s32 s5, $0x0;
	s5 =	sld [smem:$0x3FB1]  }
0x2b: {  	s6 =	sld [smem:$0x3FB2]  }
0x2c: {  	s7 =	sld [smem:$0x3FB3]  }
0x2d: {  	s3 =	simm.s32 $0x108;
	s8 =	sld [smem:$0x3FB4]  }
0x2e: {  	s3 =	simm.s32 @!p0 $0x1082;
	s9 =	sld [smem:$0x3FB5]  }
0x2f: {  	lr =	sadd.s32 s0, s3;
	s0 =	sld [smem:$0x3FAC]  }
0x30: {  	s3 =	sld [smem:$0x3FAF]  }
0x31: {  	[smem:$0x3FB8] =	sst s10  }
0x32: {  	s10 =	sld [smem:$0x3FB6];
	_ =	sdelay $0x3  }
0x33: {  	p0 =	seq.s32 s10, $0x1;
	s10 =	sld [smem:$0x3FB8];
	_ =	sdelay $0x3  }
0x34: {  	[smem:$0x3FB8] =	sst s10  }
0x35: {  	s10 =	sld [smem:$0x3FB7];
	_ =	sdelay $0x3  }
0x36: {  	p1 =	seq.s32 s10, $0x1;
	s10 =	sld [smem:$0x3FB8];
	_ =	sdelay $0x3  }
0x37: {  	[smem:$0x3FB8] =	sst s10  }
0x38: {  	s10 =	sld [smem:$0x3FB9]  }
0x39: {  	_ = 	snop;
	(pc) =	sbr.ind lr, $3  }
0x3a: {  	_ = 	snop  }
0x3b: {  	_ = 	snop  }
0x3c: {  	p2 =	seq.s32 s10, $0x1;
	s10 =	sld [smem:$0x3FB8]  }
0x3d: {  	_ =	shalt  }
0x3e: {  	_ =	shalt  }
0x3f: {  	_ =	shalt  }
0x40: {  	_ =	shalt  }
0x41: {  	_ =	shalt  }
0x42: {  	_ =	shalt  }
0x43: {  	_ =	shalt  }
0x44: {  	_ =	shalt  }
0x45: {  	_ =	shalt  }
0x46: {  	_ =	shalt  }
0x47: {  	_ =	shalt  }
0x48: {  	_ =	shalt  }
0x49: {  	_ =	shalt  }
0x4a: {  	_ =	shalt  }
0x4b: {  	_ =	shalt  }
0x4c: {  	_ =	shalt  }
0x4d: {  	_ =	shalt  }
0x4e: {  	_ =	shalt  }
0x4f: {  	_ =	shalt  }
0x50: {  	_ =	shalt  }
0x51: {  	_ =	shalt  }
0x52: {  	_ =	shalt  }
0x53: {  	_ =	shalt  }
0x54: {  	_ =	shalt  }
0x55: {  	_ =	shalt  }
0x56: {  	_ =	shalt  }
0x57: {  	_ =	shalt  }
0x58: {  	_ =	shalt  }
0x59: {  	_ =	shalt  }
0x5a: {  	_ =	shalt  }
0x5b: {  	_ =	shalt  }
0x5c: {  	_ =	shalt  }
0x5d: {  	_ =	shalt  }
0x5e: {  	_ =	shalt  }
0x5f: {  	_ =	shalt  }
0x60: {  	_ =	shalt  }
0x61: {  	_ =	shalt  }
0x62: {  	_ =	shalt  }
0x63: {  	_ =	shalt  }
0x64: {  	_ =	shalt  }
0x65: {  	_ =	shalt  }
0x66: {  	_ =	shalt  }
0x67: {  	_ =	shalt  }
0x68: {  	_ =	shalt  }
0x69: {  	_ =	shalt  }
0x6a: {  	_ =	shalt  }
0x6b: {  	_ =	shalt  }
0x6c: {  	_ =	shalt  }
0x6d: {  	_ =	shalt  }
0x6e: {  	_ =	shalt  }
0x6f: {  	_ =	shalt  }
0x70: {  	_ =	shalt  }
0x71: {  	_ =	shalt  }
0x72: {  	_ =	shalt  }
0x73: {  	_ =	shalt  }
0x74: {  	_ =	shalt  }
0x75: {  	_ =	shalt  }
0x76: {  	_ =	shalt  }
0x77: {  	_ =	shalt  }
0x78: {  	_ =	shalt  }
0x79: {  	_ =	shalt  }
0x7a: {  	_ =	shalt  }
0x7b: {  	_ =	shalt  }
0x7c: {  	_ =	shalt  }
0x7d: {  	_ =	shalt  }
0x7e: {  	_ =	shalt  }
0x7f: {  	_ =	shalt  }
0x80: {  	_ =	shalt  }
0x81: {  	_ =	shalt  }
0x82: {  	_ =	shalt  }
0x83: {  	_ =	shalt  }
0x84: {  	_ =	shalt  }
0x85: {  	_ =	shalt  }
0x86: {  	_ =	shalt  }
0x87: {  	_ =	shalt  }
.Lfunc_end0:
.L_simem_size_0:
called_computation.1_lowered:
.L_overlay_start_0:
0x88: {  	s2 =	sld [smem:$0x3FD9]  }
0x89: {  	s3 =	sld [smem:$0x3FFE];
	_ =	sdelay $0x1  }
0x8a: {  	s1 =	srdreg.scid  }
0x8b: {  	s0 =	sand.u32 $0x1, s1  }
0x8c: {  	s17 =	sshll.u32 s0, $0xA;
	s2 =	sadd.s32 s3, s2  }
0x8d: {  	s2 =	sadd.s32 s2, s17  }
0x8e: {  	[smem:$0x3FC4] =	sst s2  }
0x8f: {  	_ = 	snop  }
0x90: {  	s18 =	sld [smem:$0x3FC7];
	(tm) =	ssettm $0x1  }
0x91: {  	s19 =	sld [smem:$0x3FFB];
	_ =	sdelay $0x3  }
0x92: {  	_ =	strace s19  }
0x93: {  	s2 =	sld [smem:$0x3FFC];
	_ =	sdelay $0x3  }
0x94: {  	_ =	strace s2  }
0x95: {  	s2 =	sld [smem:$0x3FFD];
	_ =	sdelay $0x3  }
0x96: {  	_ =	strace s2  }
0x97: {  	_ =	strace $0x8FFFFFFF  }
0x98: {  	s20 =	sld [smem:$0x3FDB];
	_ =	sdelay $0x1  }
0x99: {  	s4 =	simm.s32 $_scs_section_size  }
0x9a: {  	s5 =	simm.s32 $_size__tile_overlayer_lowered;
	s6 =	simm.s32 $_tile_overlayer_lowered  }
0x9b: {  	s7 =	simm.s32 $0x1BFF;
	s21 =	sshll.u32 s6, $0x1;
	s4 =	sadd.s32 s4, s20  }
0x9c: {  	s22 =	simm.s32 $0x0;
	s5 =	sshll.u32 s5, $0x1;
	s6 =	sadd.s32 s21, s4  }
0x9d: {  	[timem:s22], [sflag:s7] =	dma.local [hbm:s6], s5  }
0x9e: {  	_ =	swait.ge [sflag:s7], s5  }
0x9f: {  	s5 =	ssub.s32 $0x0, s5;
	[sflag:s7] =	ssyncset.done $0x0  }
0xa0: {  	[sflag:s7] =	ssyncadd.s32 s5;
	_ =	sdelay $0x1  }
0xa1: {  	s23 =	simm.s32 $0x1B8B  }
0xa2: {  	_ =	swait.ge [sflag:s23], $0x1  }
0xa3: {  	[sflag:s23] =	ssyncset.done $0x0  }
0xa4: {  	[sflag:s23] =	ssyncadd.s32 $0xFFFFFFFF  }
0xa5: {  	s5 =	sld [smem:$0x0]  }
0xa6: {  	s6 =	sand.u32 $0xFFFFFFFE, s1  }
0xa7: {  	p0 =	sne.s32 s1, s6  }
0xa8: {  	s6 =	sshll.u32 @p0 s6, $0xE  }
0xa9: {  	s6 =	sadd.s32 @p0 $0x11B8D, s6;
	s7 =	sshll.u32 @p0 s5, $0x11  }
0xaa: {  	s6 =	sor.u32 @p0 s7, s6  }
0xab: {  	[sflag:s6] =	ssyncadd.remote.s32 @p0 $0x1;
	_ =	sdelay $0x1  }
0xac: {  	s6 =	simm.s32 @p0 $0x1B8D  }
0xad: {  	_ =	swait.eq @p0 [sflag:s6], $0x1  }
0xae: {  	[sflag:s6] =	ssyncadd.s32 @p0 $0xFFFFFFFF  }
0xaf: {  	s7 =	sshll.u32 @!p0 s1, $0xE  }
0xb0: {  	s7 =	sor.u32 @!p0 $0x4000, s7;
	s6 =	simm.s32 @!p0 $0x1B8D  }
0xb1: {  	s5 =	sshll.u32 @!p0 s5, $0x11;
	s7 =	sadd.s32 @!p0 $0x11B8D, s7;
	_ =	swait.eq @!p0 [sflag:s6], $0x1  }
0xb2: {  	s5 =	sor.u32 @!p0 s5, s7;
	[sflag:s6] =	ssyncadd.s32 @!p0 $0xFFFFFFFF  }
0xb3: {  	s25 =	simm.s32 $0x1B8E;
	s24 =	sld [smem:$0x3FFE];
	[sflag:s5] =	ssyncadd.remote.s32 @!p0 $0x1  }
0xb4: {  	s26 =	simm.s32 $execute0_lowered;
	[smem:$0x3FD2] =	sst s25  }
0xb5: {  	s6 =	sshll.u32 s26, $0x1;
	_ =	strace $0x80000049;
	[dreg:$0x1] =	wrdreg $0xFFFFFFFF  }
0xb6: {  	s28 =	simm.s32 $_size_execute0_lowered;
	s4 =	sadd.s32 s4, s6;
	[dreg:$0x0] =	wrdreg $0x0  }
0xb7: {  	s6 =	sshll.u32 s28, $0x1;
	[dreg:$0x2] =	wrdreg s4  }
0xb8: {  	[dreg:$0x3] =	wrdreg s6  }
0xb9: {  	[dreg:$0x4] =	wrdreg $0xC0  }
0xba: {  	_ =	task [dreg:s22], $0x5FFFF  }
0xbb: {  	[dreg:$0x1] =	wrdreg $0xFFFFFFFF  }
0xbc: {  	[dreg:$0x0] =	wrdreg $0x60  }
0xbd: {  	[dreg:$0x2] =	wrdreg s24  }
0xbe: {  	[dreg:$0x3] =	wrdreg s18  }
0xbf: {  	[dreg:$0x4] =	wrdreg $0xA  }
0xc0: {  	_ =	task.clear_ibuf [dreg:s22], $0x5FFFF;
	_ =	strace $0x90000049  }
0xc1: {  	s29 =	simm.s32 $0xA;
	_ =	strace $0x8000004B  }
0xc2: {  	_ =	swait.ge [sflag:s29], $0x1  }
0xc3: {  	[sflag:s29] =	ssyncadd.s32 $0xFFFFFFFF  }
0xc4: {  	_ =	strace $0x9000004B  }
0xc5: {  	_ =	sfence  }
0xc6: {  	s30 =	sld [smem:$0x0];
	_ =	sdelay $0x2  }
0xc7: {  	s31 =	sshll.u32 s1, $0xD;
	s1 =	sshrl.u32 s1, $0x2  }
0xc8: {  	s4 =	sand.u32 $0x4000, s31;
	s1 =	sadd.s32 s1, s30  }
0xc9: {  	s0 =	sor.u32 s4, s0;
	s1 =	sshll.u32 s1, $0x11  }
0xca: {  	s0 =	sor.u32 s1, s0  }
0xcb: {  	s0 =	sadd.s32 $0x8F2B, s0  }
0xcc: {  	[sflag:s0] =	ssyncadd.remote.s32 $0x1  }
0xcd: {  	_ =	sfence.sel $0xFFFF  }
0xce: {  	[dreg:$0x0] =	wrdreg $0xFFFFFFFF;
	(pc) =	sbr.abs _section_cstart, $3  }
0xcf: {  	[dreg:$0x1] =	wrdreg $0xFFFFFFFF  }
0xd0: {  	_ =	task.clear_ibuf [dreg:s22], $0x2FFFF;
	_ =	strace $0x9FFFFFFF  }
0xd1: {  	(tm) =	ssettm $0x7FFFFFFF  }
tec
execute0_lowered:
.L_overlay_start_1:
0x0: {  	(tag) =	ssettag $0x1  }
0x1: {  	s0 =	rddreg [dreg:$0x0]  }
0x2: {  	s2 =	rddreg [dreg:$0x1];
	s1 =	srdreg.scid;
	s5 =	simm.s32 $0x0  }
0x3: {  	s3 =	stileid.u32;
	s7 =	simm.s32 $0x3;
	s8 =	simm.s32 $0x400  }
0x4: {  	s9 =	simm.s32 $0x7A1400;
	s10 =	simm.s32 $0x2080;
	s11 =	simm.s32 $0x3080  }
0x5: {  	s12 =	simm.s32 $0x4080;
	s13 =	simm.s32 $0x5080;
	s14 =	simm.s32 $0x6080  }
0x6: {  	s15 =	simm.s32 $0x7080;
	s16 =	simm.s32 $0x8080;
	s17 =	simm.s32 $0x9080  }
0x7: {  	s18 =	simm.s32 $0xA080;
	s19 =	simm.s32 $0xB080;
	s20 =	simm.s32 $0xC080  }
0x8: {  	s21 =	simm.s32 $0xD080;
	s22 =	simm.s32 $0xE080;
	s23 =	simm.s32 $0xF080  }
0x9: {  	s24 =	simm.s32 $0x10080;
	s25 =	simm.s32 $0x11080;
	s1 =	sand.u32 $0x1, s1  }
0xa: {  	s28 =	simm.s32 $0x80;
	s3 =	sshll.u32 s3, $0x7;
	s4 =	sshll.u32 s1, $0x6  }
0xb: {  	s29 =	simm.s32 $0x2;
	[smem:$0x7FF] =	sst s5;
	s3 =	sor.u32 s4, s3  }
0xc: {  	s30 =	simm.s32 $0x0;
	_ =	strace $0x8000004A;
	s4 =	sshrl.u32 s3, $0x3  }
0xd: {  	v0 =	vlaneseq.u32;
	s1 =	ssub.s32 $0x2, s1;
	s3 =	sshll.u32 s3, $0x4;
	s4 =	sadd.s32 s4, s0  }
0xe: {  	v1 =	vmul.u32 $0x80, v0;
	s26 =	sshrl.u32 s1, $0x1;
	s0 =	sadd.s32 s3, s0;
	s31 =	sadd.s32 $0x1600, s4  }
0xf: {  	s1 =	ssub.s32 s1, s26;
	s0 =	sadd.s32 $0x9800, s0;
	[dreg:$0x3] =	wrdreg s31  }
0x10: {  	v3 =	vor.u32 $0x10, v0;
	v2 =	vor.u32 $0x800, v1;
	s26 =	simm.s32 $0x1;
	s6 =	smax.u32 s1, $0x1;
	[dreg:$0x4] =	wrdreg s0  }
.LBB2_1:
0x11: {  	s0 =	rddreg [dreg:$0x3]  }
0x12: {  	[tilespmem:s5], [sflag:$0x3] =	stream.linear.gather [hbm4b:s0+s5], $0x40, $0x38;
	[tilespmem:$0x12080] =	vst v63  }
0x13: {  	_ =	swait.ge [sflag:s7], $0x40  }
0x14: {  	[sflag:s7] =	ssyncset.done $0x0  }
0x15: {  	[sflag:s7] =	ssyncadd.s32 $0xFFFFFFC0  }
0x16: {  	v5 =	vld [tilespmem:$0x0];
	_ =	sdelay $0x4  }
0x17: {  	(v2sf) =	vpush v5, $0x0;
	_ =	sdelay $0x1  }
0x18: {  	(v2sf) =	vpush v5, $0x1;
	_ =	sdelay $0x1  }
0x19: {  	(v2sf) =	vpush v5, $0x2;
	_ =	sdelay $0x2  }
0x1a: {  	(v2sf) =	vpush v5, $0x3;
	_ =	sdelay $0x7  }
0x1b: {  	s1 =	spop (v2sf);
	(v2sf) =	vpush v5, $0x4;
	_ =	sdelay $0x1  }
0x1c: {  	s3 =	spop (v2sf);
	(v2sf) =	vpush v5, $0x5;
	_ =	sdelay $0x1  }
0x1d: {  	s4 =	spop (v2sf);
	(v2sf) =	vpush v5, $0x6;
	_ =	sdelay $0x1  }
0x1e: {  	s0 =	sand.u32 $0xFFFFF80, s1  }
0x1f: {  	s0 =	sadd.s32 s2, s0;
	s5 =	spop (v2sf);
	(v2sf) =	vpush v5, $0x7  }
0x20: {  	[tilespmem:s10], [sflag:$0x1] =	stream.strided.gather [hbm4b:s0+s8], $0x1000, s9, s8, $0x38;
	[tilespmem:$0x12080] =	vst v63  }
0x21: {  	s0 =	sand.u32 $0xFFFFF80, s3  }
0x22: {  	s0 =	sadd.s32 s2, s0  }
0x23: {  	[tilespmem:s11], [sflag:$0x1] =	stream.strided.gather [hbm4b:s0+s8], $0x1000, s9, s8, $0x38;
	[tilespmem:$0x12080] =	vst v63  }
0x24: {  	s0 =	sand.u32 $0xFFFFF80, s4  }
0x25: {  	s0 =	sadd.s32 s2, s0  }
0x26: {  	[tilespmem:s12], [sflag:$0x1] =	stream.strided.gather [hbm4b:s0+s8], $0x1000, s9, s8, $0x38;
	[tilespmem:$0x12080] =	vst v63  }
0x27: {  	s1 =	spop (v2sf);
	(v2sf) =	vpush v5, $0x8  }
0x28: {  	s0 =	sand.u32 $0xFFFFF80, s5  }
0x29: {  	s0 =	sadd.s32 s2, s0;
	s3 =	spop (v2sf);
	(v2sf) =	vpush v5, $0x9  }
0x2a: {  	[tilespmem:s13], [sflag:$0x1] =	stream.strided.gather [hbm4b:s0+s8], $0x1000, s9, s8, $0x38;
	[tilespmem:$0x12080] =	vst v63  }
0x2b: {  	s0 =	sand.u32 $0xFFFFF80, s1;
	s4 =	spop (v2sf);
	(v2sf) =	vpush v5, $0xA  }
0x2c: {  	s0 =	sadd.s32 s2, s0  }
0x2d: {  	[tilespmem:s14], [sflag:$0x1] =	stream.strided.gather [hbm4b:s0+s8], $0x1000, s9, s8, $0x38;
	[tilespmem:$0x12080] =	vst v63  }
0x2e: {  	s5 =	spop (v2sf);
	(v2sf) =	vpush v5, $0xB  }
0x2f: {  	s0 =	sand.u32 $0xFFFFF80, s3  }
0x30: {  	s0 =	sadd.s32 s2, s0  }
0x31: {  	[tilespmem:s15], [sflag:$0x1] =	stream.strided.gather [hbm4b:s0+s8], $0x1000, s9, s8, $0x38;
	[tilespmem:$0x12080] =	vst v63  }
0x32: {  	s0 =	sand.u32 $0xFFFFF80, s4  }
0x33: {  	s0 =	sadd.s32 s2, s0  }
0x34: {  	[tilespmem:s16], [sflag:$0x1] =	stream.strided.gather [hbm4b:s0+s8], $0x1000, s9, s8, $0x38;
	[tilespmem:$0x12080] =	vst v63  }
0x35: {  	s0 =	sand.u32 $0xFFFFF80, s5  }
0x36: {  	s0 =	sadd.s32 s2, s0;
	s1 =	spop (v2sf);
	(v2sf) =	vpush v5, $0xC  }
0x37: {  	[tilespmem:s17], [sflag:$0x1] =	stream.strided.gather [hbm4b:s0+s8], $0x1000, s9, s8, $0x38;
	[tilespmem:$0x12080] =	vst v63  }
0x38: {  	s3 =	spop (v2sf);
	(v2sf) =	vpush v5, $0xD  }
0x39: {  	s0 =	sand.u32 $0xFFFFF80, s1  }
0x3a: {  	s0 =	sadd.s32 s2, s0;
	s4 =	spop (v2sf)  }
0x3b: {  	(v2sf) =	vpush v5, $0xE;
	[tilespmem:s18], [sflag:$0x2] =	stream.strided.gather [hbm4b:s0+s8], $0x1000, s9, s8, $0x38;
	[tilespmem:$0x12080] =	vst v63  }
0x3c: {  	s0 =	sand.u32 $0xFFFFF80, s3  }
0x3d: {  	s5 =	spop (v2sf);
	s0 =	sadd.s32 s2, s0  }
0x3e: {  	(v2sf) =	vpush v5, $0xF;
	[tilespmem:s19], [sflag:$0x2] =	stream.strided.gather [hbm4b:s0+s8], $0x1000, s9, s8, $0x38;
	[tilespmem:$0x12080] =	vst v63  }
0x3f: {  	s0 =	sand.u32 $0xFFFFF80, s4  }
0x40: {  	s0 =	sadd.s32 s2, s0  }
0x41: {  	[tilespmem:s20], [sflag:$0x2] =	stream.strided.gather [hbm4b:s0+s8], $0x1000, s9, s8, $0x38;
	[tilespmem:$0x12080] =	vst v63  }
0x42: {  	s0 =	sand.u32 $0xFFFFF80, s5  }
0x43: {  	s0 =	sadd.s32 s2, s0  }
0x44: {  	[tilespmem:s21], [sflag:$0x2] =	stream.strided.gather [hbm4b:s0+s8], $0x1000, s9, s8, $0x38;
	[tilespmem:$0x12080] =	vst v63  }
0x45: {  	s1 =	spop (v2sf)  }
0x46: {  	s0 =	sand.u32 $0xFFFFF80, s1  }
0x47: {  	s3 =	spop (v2sf);
	s0 =	sadd.s32 s2, s0  }
0x48: {  	[tilespmem:s22], [sflag:$0x2] =	stream.strided.gather [hbm4b:s0+s8], $0x1000, s9, s8, $0x38;
	[tilespmem:$0x12080] =	vst v63  }
0x49: {  	s0 =	sand.u32 $0xFFFFF80, s3  }
0x4a: {  	s4 =	spop (v2sf);
	s0 =	sadd.s32 s2, s0  }
0x4b: {  	[tilespmem:s23], [sflag:$0x2] =	stream.strided.gather [hbm4b:s0+s8], $0x1000, s9, s8, $0x38;
	[tilespmem:$0x12080] =	vst v63  }
0x4c: {  	s0 =	sand.u32 $0xFFFFF80, s4  }
0x4d: {  	s5 =	spop (v2sf);
	s0 =	sadd.s32 s2, s0  }
0x4e: {  	[tilespmem:s24], [sflag:$0x2] =	stream.strided.gather [hbm4b:s0+s8], $0x1000, s9, s8, $0x38;
	[tilespmem:$0x12080] =	vst v63  }
0x4f: {  	s0 =	sand.u32 $0xFFFFF80, s5  }
0x50: {  	s31 =	simm.s32 $0x0;
	s0 =	sadd.s32 s2, s0  }
0x51: {  	[tilespmem:s25], [sflag:$0x2] =	stream.strided.gather [hbm4b:s0+s8], $0x1000, s9, s8, $0x38;
	[tilespmem:$0x12080] =	vst v63  }
.LBB2_2:
0x52: {  	s0 =	sadd.s32 $0x10, s31  }
0x53: {  	s0 =	smin.u32 s0, $0x30  }
0x54: {  	v4 =	vld [tilespmem:s0+$0x0];
	_ =	swait.ge [sflag:s26], $0x1000  }
0x55: {  	[sflag:s26] =	ssyncset.done $0x0  }
0x56: {  	[sflag:s26] =	ssyncadd.s32 $0xFFFFF000  }
0x57: {  	_ =	swait.ge [sflag:s26], $0x1000  }
0x58: {  	[sflag:s26] =	ssyncset.done $0x0  }
0x59: {  	[sflag:s26] =	ssyncadd.s32 $0xFFFFF000  }
0x5a: {  	_ =	swait.ge [sflag:s26], $0x1000  }
0x5b: {  	[sflag:s26] =	ssyncset.done $0x0  }
0x5c: {  	[sflag:s26] =	ssyncadd.s32 $0xFFFFF000  }
0x5d: {  	_ =	swait.ge [sflag:s26], $0x1000  }
0x5e: {  	[sflag:s26] =	ssyncset.done $0x0  }
0x5f: {  	[sflag:s26] =	ssyncadd.s32 $0xFFFFF000  }
0x60: {  	_ =	swait.ge [sflag:s26], $0x1000  }
0x61: {  	[sflag:s26] =	ssyncset.done $0x0  }
0x62: {  	[sflag:s26] =	ssyncadd.s32 $0xFFFFF000  }
0x63: {  	_ =	swait.ge [sflag:s26], $0x1000  }
0x64: {  	[sflag:s26] =	ssyncset.done $0x0  }
0x65: {  	[sflag:s26] =	ssyncadd.s32 $0xFFFFF000  }
0x66: {  	_ =	swait.ge [sflag:s26], $0x1000  }
0x67: {  	[sflag:s26] =	ssyncset.done $0x0  }
0x68: {  	[sflag:s26] =	ssyncadd.s32 $0xFFFFF000  }
0x69: {  	_ =	swait.ge [sflag:s26], $0x1000  }
0x6a: {  	(v2sf) =	vpush v5, $0x0;
	_ =	sdelay $0x6  }
0x6b: {  	(v2sf) =	vpush v5, $0x1;
	_ =	sdelay $0x6  }
0x6c: {  	(v2sf) =	vpush v5, $0x2  }
0x6d: {  	s4 =	spop (v2sf)  }
0x6e: {  	s0 =	sand.u32 $0x7F, s4  }
0x6f: {  	v6 =	vor.u32 s0, v1  }
0x70: {  	v7 =	vor.u32 s0, v2;
	_ =	sdelay $0x1  }
0x71: {  	[sflag:s26] =	ssyncset.done $0x0  }
0x72: {  	[sflag:s26] =	ssyncadd.s32 $0xFFFFF000;
	(v2sf) =	vpush v5, $0x3;
	s0 =	sshll.u32 s31, $0x7  }
0x73: {  	s1 =	spop (v2sf);
	v8 =	vor.u32 s0, v0;
	v6 =	vld.idx.msk [tilespmem:v6+s10+$0x0], $0xffff  }
0x74: {  	s1 =	sand.u32 $0x7F, s1;
	v9 =	vor.u32 s0, v3;
	v7 =	vld.idx.msk [tilespmem:v7+s10+$0x0], $0xffff  }
0x75: {  	v10 =	vor.u32 s1, v1  }
0x76: {  	v11 =	vor.u32 s1, v2;
	_ =	sdelay $0x1  }
0x77: {  	[tilespmem:v8+s28+$0x0] =	vst.idx.msk $0xffff, v6  }
0x78: {  	(v2sf) =	vpush v5, $0x4;
	s5 =	sadd.s32 $0x80, s0;
	[tilespmem:v9+s28+$0x0] =	vst.idx.msk $0xffff, v7  }
0x79: {  	s3 =	spop (v2sf);
	v7 =	vor.u32 s5, v0;
	v6 =	vld.idx.msk [tilespmem:v10+s11+$0x0], $0xffff  }
0x7a: {  	s3 =	sand.u32 $0x7F, s3;
	v22 =	vor.u32 s5, v3;
	v8 =	vld.idx.msk [tilespmem:v11+s11+$0x0], $0xffff  }
0x7b: {  	v23 =	vor.u32 s3, v1  }
0x7c: {  	v24 =	vor.u32 s3, v2;
	_ =	sdelay $0x1  }
0x7d: {  	[tilespmem:v7+s28+$0x0] =	vst.idx.msk $0xffff, v6  }
0x7e: {  	(v2sf) =	vpush v5, $0x5;
	s4 =	sadd.s32 $0x100, s0;
	[tilespmem:v22+s28+$0x0] =	vst.idx.msk $0xffff, v8  }
0x7f: {  	s5 =	spop (v2sf);
	v7 =	vor.u32 s4, v0;
	v6 =	vld.idx.msk [tilespmem:v23+s12+$0x0], $0xffff  }
0x80: {  	v25 =	vor.u32 s4, v3;
	s3 =	sand.u32 $0x7F, s5;
	v8 =	vld.idx.msk [tilespmem:v24+s12+$0x0], $0xffff  }
0x81: {  	v26 =	vor.u32 s3, v1  }
0x82: {  	v27 =	vor.u32 s3, v2;
	_ =	sdelay $0x1  }
0x83: {  	[tilespmem:v7+s28+$0x0] =	vst.idx.msk $0xffff, v6  }
0x84: {  	(v2sf) =	vpush v5, $0x6;
	s4 =	sadd.s32 $0x180, s0;
	[tilespmem:v25+s28+$0x0] =	vst.idx.msk $0xffff, v8  }
0x85: {  	s5 =	spop (v2sf);
	v7 =	vor.u32 s4, v0;
	v6 =	vld.idx.msk [tilespmem:v26+s13+$0x0], $0xffff  }
0x86: {  	s3 =	sand.u32 $0x7F, s5;
	v28 =	vor.u32 s4, v3;
	v8 =	vld.idx.msk [tilespmem:v27+s13+$0x0], $0xffff  }
0x87: {  	v29 =	vor.u32 s3, v1  }
0x88: {  	v30 =	vor.u32 s3, v2;
	_ =	sdelay $0x1  }
0x89: {  	[tilespmem:v7+s28+$0x0] =	vst.idx.msk $0xffff, v6  }
0x8a: {  	(v2sf) =	vpush v5, $0x7;
	s4 =	sadd.s32 $0x200, s0;
	[tilespmem:v28+s28+$0x0] =	vst.idx.msk $0xffff, v8  }
0x8b: {  	s5 =	spop (v2sf);
	v7 =	vor.u32 s4, v0;
	v6 =	vld.idx.msk [tilespmem:v29+s14+$0x0], $0xffff  }
0x8c: {  	s3 =	sand.u32 $0x7F, s5;
	v31 =	vor.u32 s4, v3;
	v8 =	vld.idx.msk [tilespmem:v30+s14+$0x0], $0xffff  }
0x8d: {  	v32 =	vor.u32 s3, v1  }
0x8e: {  	v33 =	vor.u32 s3, v2;
	_ =	sdelay $0x1  }
0x8f: {  	[tilespmem:v7+s28+$0x0] =	vst.idx.msk $0xffff, v6  }
0x90: {  	s4 =	sadd.s32 $0x280, s0;
	[tilespmem:v31+s28+$0x0] =	vst.idx.msk $0xffff, v8  }
0x91: {  	s5 =	spop (v2sf);
	v7 =	vor.u32 s4, v0;
	v6 =	vld.idx.msk [tilespmem:v32+s15+$0x0], $0xffff  }
0x92: {  	s3 =	sand.u32 $0x7F, s5;
	v34 =	vor.u32 s4, v3;
	v8 =	vld.idx.msk [tilespmem:v33+s15+$0x0], $0xffff  }
0x93: {  	p0 =	seq.s32 s31, $0x30;
	v35 =	vor.u32 s3, v1  }
0x94: {  	(v2sf) =	vpush @!p0 v4, $0x0;
	v36 =	vor.u32 s3, v2;
	_ =	sdelay $0x1  }
0x95: {  	[tilespmem:v7+s28+$0x0] =	vst.idx.msk $0xffff, v6  }
0x96: {  	s4 =	sadd.s32 $0x300, s0;
	[tilespmem:v34+s28+$0x0] =	vst.idx.msk $0xffff, v8  }
0x97: {  	(v2sf) =	vpush @!p0 v4, $0x1;
	s5 =	spop (v2sf);
	v7 =	vor.u32 s4, v0;
	v6 =	vld.idx.msk [tilespmem:v35+s16+$0x0], $0xffff  }
0x98: {  	s3 =	sand.u32 $0x7F, s5;
	v37 =	vor.u32 s4, v3;
	v8 =	vld.idx.msk [tilespmem:v36+s16+$0x0], $0xffff  }
0x99: {  	v38 =	vor.u32 s3, v1  }
0x9a: {  	v39 =	vor.u32 s3, v2  }
0x9b: {  	(v2sf) =	vpush @!p0 v4, $0x2  }
0x9c: {  	[tilespmem:v7+s28+$0x0] =	vst.idx.msk $0xffff, v6  }
0x9d: {  	s4 =	sadd.s32 $0x380, s0;
	[tilespmem:v37+s28+$0x0] =	vst.idx.msk $0xffff, v8  }
0x9e: {  	v7 =	vor.u32 s4, v0;
	v6 =	vld.idx.msk [tilespmem:v38+s17+$0x0], $0xffff  }
0x9f: {  	(v2sf) =	vpush @!p0 v4, $0x3;
	v40 =	vor.u32 s4, v3;
	v8 =	vld.idx.msk [tilespmem:v39+s17+$0x0], $0xffff;
	_ =	sdelay $0x2  }
0xa0: {  	s1 =	spop @!p0 (v2sf)  }
0xa1: {  	(v2sf) =	vpush @!p0 v4, $0x4;
	s5 =	simm.s32 @!p0 $0x2080;
	s1 =	sand.u32 @!p0 $0xFFFFF80, s1;
	[tilespmem:v7+s28+$0x0] =	vst.idx.msk $0xffff, v6  }
0xa2: {  	s3 =	simm.s32 @!p0 $0x7A1400;
	s4 =	sadd.s32 @!p0 s2, s1;
	s1 =	simm.s32 @!p0 $0x400;
	[tilespmem:v40+s28+$0x0] =	vst.idx.msk $0xffff, v8  }
0xa3: {  	[tilespmem:s5], [sflag:$0x1] =	stream.strided.gather @!p0 [hbm4b:s4+s1], $0x1000, s3, s1, $0x38;
	[tilespmem:$0x12080] =	vst v63  }
0xa4: {  	s4 =	spop @!p0 (v2sf)  }
0xa5: {  	(v2sf) =	vpush @!p0 v4, $0x5;
	s4 =	sand.u32 @!p0 $0xFFFFF80, s4  }
0xa6: {  	s5 =	simm.s32 @!p0 $0x3080;
	s4 =	sadd.s32 @!p0 s2, s4  }
0xa7: {  	[tilespmem:s5], [sflag:$0x1] =	stream.strided.gather @!p0 [hbm4b:s4+s1], $0x1000, s3, s1, $0x38;
	[tilespmem:$0x12080] =	vst v63  }
0xa8: {  	s4 =	spop @!p0 (v2sf)  }
0xa9: {  	(v2sf) =	vpush @!p0 v4, $0x6;
	s4 =	sand.u32 @!p0 $0xFFFFF80, s4  }
0xaa: {  	s5 =	simm.s32 @!p0 $0x4080;
	s4 =	sadd.s32 @!p0 s2, s4  }
0xab: {  	[tilespmem:s5], [sflag:$0x1] =	stream.strided.gather @!p0 [hbm4b:s4+s1], $0x1000, s3, s1, $0x38;
	[tilespmem:$0x12080] =	vst v63  }
0xac: {  	s4 =	spop @!p0 (v2sf)  }
0xad: {  	(v2sf) =	vpush @!p0 v4, $0x7;
	s4 =	sand.u32 @!p0 $0xFFFFF80, s4  }
0xae: {  	s5 =	simm.s32 @!p0 $0x5080;
	s4 =	sadd.s32 @!p0 s2, s4  }
0xaf: {  	[tilespmem:s5], [sflag:$0x1] =	stream.strided.gather @!p0 [hbm4b:s4+s1], $0x1000, s3, s1, $0x38;
	[tilespmem:$0x12080] =	vst v63  }
0xb0: {  	s4 =	spop @!p0 (v2sf)  }
0xb1: {  	s4 =	sand.u32 @!p0 $0xFFFFF80, s4  }
0xb2: {  	s5 =	simm.s32 @!p0 $0x6080;
	s4 =	sadd.s32 @!p0 s2, s4  }
0xb3: {  	[tilespmem:s5], [sflag:$0x1] =	stream.strided.gather @!p0 [hbm4b:s4+s1], $0x1000, s3, s1, $0x38;
	[tilespmem:$0x12080] =	vst v63  }
0xb4: {  	s4 =	spop @!p0 (v2sf)  }
0xb5: {  	s4 =	sand.u32 @!p0 $0xFFFFF80, s4  }
0xb6: {  	s5 =	simm.s32 @!p0 $0x7080;
	s4 =	sadd.s32 @!p0 s2, s4  }
0xb7: {  	[tilespmem:s5], [sflag:$0x1] =	stream.strided.gather @!p0 [hbm4b:s4+s1], $0x1000, s3, s1, $0x38;
	[tilespmem:$0x12080] =	vst v63  }
0xb8: {  	s4 =	spop @!p0 (v2sf)  }
0xb9: {  	s4 =	sand.u32 @!p0 $0xFFFFF80, s4  }
0xba: {  	s5 =	simm.s32 @!p0 $0x8080;
	s4 =	sadd.s32 @!p0 s2, s4  }
0xbb: {  	[tilespmem:s5], [sflag:$0x1] =	stream.strided.gather @!p0 [hbm4b:s4+s1], $0x1000, s3, s1, $0x38;
	[tilespmem:$0x12080] =	vst v63  }
0xbc: {  	s4 =	spop @!p0 (v2sf)  }
0xbd: {  	s4 =	sand.u32 @!p0 $0xFFFFF80, s4  }
0xbe: {  	s5 =	simm.s32 @!p0 $0x9080;
	s4 =	sadd.s32 @!p0 s2, s4  }
0xbf: {  	[tilespmem:s5], [sflag:$0x1] =	stream.strided.gather @!p0 [hbm4b:s4+s1], $0x1000, s3, s1, $0x38;
	[tilespmem:$0x12080] =	vst v63  }
0xc0: {  	_ =	swait.ge [sflag:s29], $0x1000  }
0xc1: {  	[sflag:s29] =	ssyncset.done $0x0  }
0xc2: {  	[sflag:s29] =	ssyncadd.s32 $0xFFFFF000  }
0xc3: {  	_ =	swait.ge [sflag:s29], $0x1000  }
0xc4: {  	[sflag:s29] =	ssyncset.done $0x0  }
0xc5: {  	[sflag:s29] =	ssyncadd.s32 $0xFFFFF000  }
0xc6: {  	_ =	swait.ge [sflag:s29], $0x1000  }
0xc7: {  	[sflag:s29] =	ssyncset.done $0x0  }
0xc8: {  	[sflag:s29] =	ssyncadd.s32 $0xFFFFF000  }
0xc9: {  	_ =	swait.ge [sflag:s29], $0x1000  }
0xca: {  	[sflag:s29] =	ssyncset.done $0x0  }
0xcb: {  	[sflag:s29] =	ssyncadd.s32 $0xFFFFF000  }
0xcc: {  	_ =	swait.ge [sflag:s29], $0x1000  }
0xcd: {  	[sflag:s29] =	ssyncset.done $0x0  }
0xce: {  	[sflag:s29] =	ssyncadd.s32 $0xFFFFF000  }
0xcf: {  	_ =	swait.ge [sflag:s29], $0x1000  }
0xd0: {  	[sflag:s29] =	ssyncset.done $0x0  }
0xd1: {  	[sflag:s29] =	ssyncadd.s32 $0xFFFFF000  }
0xd2: {  	_ =	swait.ge [sflag:s29], $0x1000  }
0xd3: {  	[sflag:s29] =	ssyncset.done $0x0  }
0xd4: {  	[sflag:s29] =	ssyncadd.s32 $0xFFFFF000  }
0xd5: {  	_ =	swait.ge [sflag:s29], $0x1000  }
0xd6: {  	(v2sf) =	vpush v5, $0x8;
	_ =	sdelay $0x6  }
0xd7: {  	(v2sf) =	vpush v5, $0x9;
	_ =	sdelay $0x6  }
0xd8: {  	(v2sf) =	vpush v5, $0xA  }
0xd9: {  	s5 =	spop (v2sf)  }
0xda: {  	s4 =	sand.u32 $0x7F, s5  }
0xdb: {  	v6 =	vor.u32 s4, v1  }
0xdc: {  	v7 =	vor.u32 s4, v2;
	_ =	sdelay $0x1  }
0xdd: {  	[sflag:s29] =	ssyncset.done $0x0  }
0xde: {  	[sflag:s29] =	ssyncadd.s32 $0xFFFFF000;
	(v2sf) =	vpush v5, $0xB;
	s4 =	sadd.s32 $0x400, s0  }
0xdf: {  	s5 =	spop (v2sf);
	v41 =	vor.u32 s4, v0;
	v6 =	vld.idx.msk [tilespmem:v6+s18+$0x0], $0xffff  }
0xe0: {  	s5 =	sand.u32 $0x7F, s5;
	v42 =	vor.u32 s4, v3;
	v7 =	vld.idx.msk [tilespmem:v7+s18+$0x0], $0xffff  }
0xe1: {  	v43 =	vor.u32 s5, v1  }
0xe2: {  	v44 =	vor.u32 s5, v2;
	_ =	sdelay $0x1  }
0xe3: {  	[tilespmem:v41+s28+$0x0] =	vst.idx.msk $0xffff, v6  }
0xe4: {  	(v2sf) =	vpush v5, $0xC;
	s4 =	sadd.s32 $0x480, s0;
	[tilespmem:v42+s28+$0x0] =	vst.idx.msk $0xffff, v7  }
0xe5: {  	s5 =	spop (v2sf);
	v7 =	vor.u32 s4, v0;
	v6 =	vld.idx.msk [tilespmem:v43+s19+$0x0], $0xffff  }
0xe6: {  	v45 =	vor.u32 s4, v3;
	s5 =	sand.u32 $0x7F, s5;
	v8 =	vld.idx.msk [tilespmem:v44+s19+$0x0], $0xffff  }
0xe7: {  	v46 =	vor.u32 s5, v1  }
0xe8: {  	v47 =	vor.u32 s5, v2;
	_ =	sdelay $0x1  }
0xe9: {  	[tilespmem:v7+s28+$0x0] =	vst.idx.msk $0xffff, v6  }
0xea: {  	(v2sf) =	vpush v5, $0xD;
	s4 =	sadd.s32 $0x500, s0;
	[tilespmem:v45+s28+$0x0] =	vst.idx.msk $0xffff, v8  }
0xeb: {  	s5 =	spop (v2sf);
	v7 =	vor.u32 s4, v0;
	v6 =	vld.idx.msk [tilespmem:v46+s20+$0x0], $0xffff  }
0xec: {  	v48 =	vor.u32 s4, v3;
	s5 =	sand.u32 $0x7F, s5;
	v8 =	vld.idx.msk [tilespmem:v47+s20+$0x0], $0xffff  }
0xed: {  	v49 =	vor.u32 s5, v1  }
0xee: {  	v50 =	vor.u32 s5, v2;
	_ =	sdelay $0x1  }
0xef: {  	[tilespmem:v7+s28+$0x0] =	vst.idx.msk $0xffff, v6  }
0xf0: {  	(v2sf) =	vpush v5, $0xE;
	s4 =	sadd.s32 $0x580, s0;
	[tilespmem:v48+s28+$0x0] =	vst.idx.msk $0xffff, v8  }
0xf1: {  	s5 =	spop (v2sf);
	v7 =	vor.u32 s4, v0;
	v6 =	vld.idx.msk [tilespmem:v49+s21+$0x0], $0xffff  }
0xf2: {  	s5 =	sand.u32 $0x7F, s5;
	v51 =	vor.u32 s4, v3;
	v8 =	vld.idx.msk [tilespmem:v50+s21+$0x0], $0xffff  }
0xf3: {  	v52 =	vor.u32 s5, v1  }
0xf4: {  	v53 =	vor.u32 s5, v2;
	_ =	sdelay $0x1  }
0xf5: {  	[tilespmem:v7+s28+$0x0] =	vst.idx.msk $0xffff, v6  }
0xf6: {  	(v2sf) =	vpush v5, $0xF;
	s4 =	sadd.s32 $0x600, s0;
	[tilespmem:v51+s28+$0x0] =	vst.idx.msk $0xffff, v8  }
0xf7: {  	s5 =	spop (v2sf);
	v6 =	vor.u32 s4, v0;
	v5 =	vld.idx.msk [tilespmem:v52+s22+$0x0], $0xffff  }
0xf8: {  	s5 =	sand.u32 $0x7F, s5;
	v54 =	vor.u32 s4, v3;
	v7 =	vld.idx.msk [tilespmem:v53+s22+$0x0], $0xffff  }
0xf9: {  	v55 =	vor.u32 s5, v1  }
0xfa: {  	v56 =	vor.u32 s5, v2;
	_ =	sdelay $0x1  }
0xfb: {  	[tilespmem:v6+s28+$0x0] =	vst.idx.msk $0xffff, v5  }
0xfc: {  	s4 =	sadd.s32 $0x680, s0;
	[tilespmem:v54+s28+$0x0] =	vst.idx.msk $0xffff, v7  }
0xfd: {  	s5 =	spop (v2sf);
	v6 =	vor.u32 s4, v0;
	v5 =	vld.idx.msk [tilespmem:v55+s23+$0x0], $0xffff  }
0xfe: {  	s5 =	sand.u32 $0x7F, s5;
	v57 =	vor.u32 s4, v3;
	v7 =	vld.idx.msk [tilespmem:v56+s23+$0x0], $0xffff  }
0xff: {  	v58 =	vor.u32 s5, v1  }
0x100: {  	(v2sf) =	vpush @!p0 v4, $0x8;
	v59 =	vor.u32 s5, v2;
	_ =	sdelay $0x1  }
0x101: {  	[tilespmem:v6+s28+$0x0] =	vst.idx.msk $0xffff, v5  }
0x102: {  	s4 =	sadd.s32 $0x700, s0;
	[tilespmem:v57+s28+$0x0] =	vst.idx.msk $0xffff, v7  }
0x103: {  	(v2sf) =	vpush @!p0 v4, $0x9;
	s5 =	spop (v2sf);
	v6 =	vor.u32 s4, v0;
	v5 =	vld.idx.msk [tilespmem:v58+s24+$0x0], $0xffff  }
0x104: {  	s5 =	sand.u32 $0x7F, s5;
	v60 =	vor.u32 s4, v3;
	v7 =	vld.idx.msk [tilespmem:v59+s24+$0x0], $0xffff  }
0x105: {  	v61 =	vor.u32 s5, v1  }
0x106: {  	v62 =	vor.u32 s5, v2  }
0x107: {  	(v2sf) =	vpush @!p0 v4, $0xA  }
0x108: {  	[tilespmem:v6+s28+$0x0] =	vst.idx.msk $0xffff, v5  }
0x109: {  	(v2sf) =	vpush @!p0 v4, $0xB;
	s0 =	sadd.s32 $0x780, s0;
	[tilespmem:v60+s28+$0x0] =	vst.idx.msk $0xffff, v7  }
0x10a: {  	v6 =	vor.u32 s0, v0;
	v5 =	vld.idx.msk [tilespmem:v61+s25+$0x0], $0xffff  }
0x10b: {  	v63 =	vor.u32 s0, v3;
	v7 =	vld.idx.msk [tilespmem:v62+s25+$0x0], $0xffff  }
0x10c: {  	(v2sf) =	vpush @!p0 v4, $0xC;
	_ =	sdelay $0x1  }
0x10d: {  	s0 =	spop @!p0 (v2sf)  }
0x10e: {  	(v2sf) =	vpush @!p0 v4, $0xD;
	s0 =	sand.u32 @!p0 $0xFFFFF80, s0;
	[tilespmem:v6+s28+$0x0] =	vst.idx.msk $0xffff, v5  }
0x10f: {  	s4 =	simm.s32 @!p0 $0xA080;
	s0 =	sadd.s32 @!p0 s2, s0;
	[tilespmem:v63+s28+$0x0] =	vst.idx.msk $0xffff, v7  }
0x110: {  	[tilespmem:s4], [sflag:$0x2] =	stream.strided.gather @!p0 [hbm4b:s0+s1], $0x1000, s3, s1, $0x38;
	[tilespmem:$0x12080] =	vst v63  }
0x111: {  	s0 =	spop @!p0 (v2sf)  }
0x112: {  	s0 =	sand.u32 @!p0 $0xFFFFF80, s0  }
0x113: {  	(v2sf) =	vpush @!p0 v4, $0xE;
	s4 =	simm.s32 @!p0 $0xB080;
	s0 =	sadd.s32 @!p0 s2, s0  }
0x114: {  	[tilespmem:s4], [sflag:$0x2] =	stream.strided.gather @!p0 [hbm4b:s0+s1], $0x1000, s3, s1, $0x38;
	[tilespmem:$0x12080] =	vst v63  }
0x115: {  	s0 =	spop @!p0 (v2sf)  }
0x116: {  	s0 =	sand.u32 @!p0 $0xFFFFF80, s0  }
0x117: {  	s5 =	simm.s32 @!p0 $0xC080;
	(v2sf) =	vpush @!p0 v4, $0xF;
	s4 =	spop @!p0 (v2sf);
	s0 =	sadd.s32 @!p0 s2, s0  }
0x118: {  	[tilespmem:s5], [sflag:$0x2] =	stream.strided.gather @!p0 [hbm4b:s0+s1], $0x1000, s3, s1, $0x38;
	[tilespmem:$0x12080] =	vst v63  }
0x119: {  	s0 =	sand.u32 @!p0 $0xFFFFF80, s4  }
0x11a: {  	s4 =	spop @!p0 (v2sf);
	s5 =	simm.s32 @!p0 $0xD080;
	s0 =	sadd.s32 @!p0 s2, s0  }
0x11b: {  	[tilespmem:s5], [sflag:$0x2] =	stream.strided.gather @!p0 [hbm4b:s0+s1], $0x1000, s3, s1, $0x38;
	[tilespmem:$0x12080] =	vst v63  }
0x11c: {  	s0 =	sand.u32 @!p0 $0xFFFFF80, s4  }
0x11d: {  	s4 =	spop @!p0 (v2sf);
	s5 =	simm.s32 @!p0 $0xE080;
	s0 =	sadd.s32 @!p0 s2, s0  }
0x11e: {  	[tilespmem:s5], [sflag:$0x2] =	stream.strided.gather @!p0 [hbm4b:s0+s1], $0x1000, s3, s1, $0x38;
	[tilespmem:$0x12080] =	vst v63  }
0x11f: {  	s0 =	sand.u32 @!p0 $0xFFFFF80, s4  }
0x120: {  	s5 =	simm.s32 @!p0 $0xF080;
	s0 =	sadd.s32 @!p0 s2, s0  }
0x121: {  	[tilespmem:s5], [sflag:$0x2] =	stream.strided.gather @!p0 [hbm4b:s0+s1], $0x1000, s3, s1, $0x38;
	[tilespmem:$0x12080] =	vst v63  }
0x122: {  	s4 =	spop @!p0 (v2sf)  }
0x123: {  	s0 =	sand.u32 @!p0 $0xFFFFF80, s4  }
0x124: {  	s4 =	simm.s32 @!p0 $0x10080;
	s0 =	sadd.s32 @!p0 s2, s0  }
0x125: {  	[tilespmem:s4], [sflag:$0x2] =	stream.strided.gather @!p0 [hbm4b:s0+s1], $0x1000, s3, s1, $0x38;
	[tilespmem:$0x12080] =	vst v63  }
0x126: {  	s0 =	spop @!p0 (v2sf)  }
0x127: {  	s31 =	sadd.s32 @!p0 $0x10, s31;
	s0 =	sand.u32 @!p0 $0xFFFFF80, s0  }
0x128: {  	p1 =	sne.s32 @!p0 s31, $0x40;
	s4 =	simm.s32 @!p0 $0x11080;
	s0 =	sadd.s32 @!p0 s2, s0  }
0x129: {  	[tilespmem:s4], [sflag:$0x2] =	stream.strided.gather @!p0 [hbm4b:s0+s1], $0x1000, s3, s1, $0x38;
	[tilespmem:$0x12080] =	vst v63  }
0x12a: {  	p0 =	por p0, !p1  }
.Ltmp0:
0x12b: {  	_ = 	snop;
	(pc) =	sbr.rel @!p0 .LBB2_2-.Ltmp0, $2  }
0x12c: {  	_ =	sdelay $0x2  }
0x12d: {  	v5 =	vmov v4  }
0x12e: {  	s30 =	sadd.s32 $0x1, s30  }
0x12f: {  	p0 =	sne.s32 s30, s6  }
.Ltmp1:
0x130: {  	s5 =	simm.s32 $0x0;
	s0 =	rddreg [dreg:$0x4];
	(pc) =	sbr.rel @p0 .LBB2_1-.Ltmp1, $4  }
0x131: {  	[hbm4b:s0+s5] =	stream.linear.scatter [tilespmem:s28], [sflag:$0x3], $0x2000, $0x38;
	[tilespmem:$0x12080] =	vst v63  }
0x132: {  	_ =	swait.ge [sflag:s7], $0x2000  }
0x133: {  	[sflag:s7] =	ssyncset.done $0x0  }
0x134: {  	[sflag:s7] =	ssyncadd.s32 $0xFFFFE000  }
0x135: {  	_ =	sfence.sel $0x180000  }
0x136: {  	[bflag:$0x0] =	sbarrier.arrive $0xFFFF  }
0x137: {  	_ =	strace $0x9000004A  }
0x138: {  	s0 =	stileid.u32;
	[bflag:$0x2] =	sbarrier.arrive $0xFFFF  }
0x139: {  	p0 =	sne.s32 s0, $0x0;
	s0 =	rddreg [dreg:$0x2]  }
0x13a: {  	s0 =	sadd.s32 @!p0 $0x100000, s0  }
0x13b: {  	[sflag:s0] =	ssyncadd.tile.s32 @!p0 $0x1;
	_ =	shalt  }
.Lfunc_end2:
_tile_overlayer_lowered:
.L_overlay_start_2:
0x13c: {  	(tag) =	ssettag $0x2  }
0x13d: {  	s0 =	rddreg [dreg:$0x0];
	s2 =	stileid.u32  }
0x13e: {  	s1 =	rddreg [dreg:$0x1];
	p0 =	sne.s32 s2, $0x0  }
0x13f: {  	s3 =	rddreg [dreg:$0x2];
	[bflag:$0x3] =	sbarrier.arrive $0xFFFF;
	s2 =	simm.s32 @!p0 $0x1C03  }
0x140: {  	[timem:s3], [sflag:s2] =	dma.local @!p0 [hbm:s0], s1  }
0x141: {  	s0 =	simm.s32 @!p0 $0x3  }
0x142: {  	_ =	swait.ge @!p0 [sflag:s0], s1  }
0x143: {  	s1 =	ssub.s32 @!p0 $0x0, s1;
	[sflag:s0] =	ssyncset.done @!p0 $0x0  }
0x144: {  	[sflag:s0] =	ssyncadd.s32 @!p0 s1  }
0x145: {  	[bflag:$0x3] =	sbarrier.arrive $0xFFFF  }
0x146: {  	_ =	shalt  }

</sc_bundles>
